<compile_context>
chip_gen: v7x
topology: tpu7x:2x2x1
jax: 0.10.2.dev20260603
libtpu: 0.0.44.dev20260713+nightly
codegen_flags: <defaults>
</compile_context>

<pallas_src>
import functools

import jax
import jax.numpy as jnp
from jax import lax
from jax.experimental import pallas as pl
from jax.experimental.pallas import tpu as pltpu
from jax.experimental.pallas import tpu_sc as plsc

N_NODES = 10000
N_EDGES = 320000
D = 128
K = 32000



def _precompute_body(x_ref, w1a_ref, w1b_ref, pa_ref, pb_ref):
    x = x_ref[...]
    pa_ref[...] = jnp.dot(x, w1a_ref[...], preferred_element_type=jnp.float32)
    pb_ref[...] = jnp.dot(x, w1b_ref[...], preferred_element_type=jnp.float32)


def _precompute(node_rep, w1a, w1b):
    return pl.pallas_call(
        _precompute_body,
        out_shape=[
            jax.ShapeDtypeStruct((N_NODES, D), jnp.float32),
            jax.ShapeDtypeStruct((N_NODES, D), jnp.float32),
        ],
    )(node_rep, w1a, w1b)


NC = 2
NS = 16
NW = NC * NS
CB = 128
SPLITS = (112000, 112000, 64000, 32000)

_sc_mesh = plsc.VectorSubcoreMesh(core_axis_name="c", subcore_axis_name="s")


@functools.lru_cache(maxsize=None)
def _make_sc_gather_add(n_edges):
    nch = n_edges // CB
    q, r = divmod(nch, NW)
    maxc = q + (1 if r else 0)

    @functools.partial(
        pl.kernel,
        mesh=_sc_mesh,
        out_type=jax.ShapeDtypeStruct((n_edges, D), jnp.float32),
        scratch_types=[
            pltpu.VMEM((maxc, 2, CB), jnp.int32),
            pltpu.VMEM((CB, D), jnp.float32),
            pltpu.VMEM((CB, D), jnp.float32),
            pltpu.VMEM((CB, D), jnp.float32),
            pltpu.VMEM((CB, D), jnp.float32),
            pltpu.SemaphoreType.DMA,
            pltpu.SemaphoreType.DMA,
            pltpu.SemaphoreType.DMA,
            pltpu.SemaphoreType.DMA,
            pltpu.SemaphoreType.DMA,
            pltpu.SemaphoreType.DMA,
        ],
    )
    def sc_gather_add(pa, pb, idx3, out,
                      idx_all, rows_s0, rows_d0, rows_s1, rows_d1,
                      sem_s0, sem_d0, sem_s1, sem_d1, wsem0, wsem1):
        wid = lax.axis_index("s") * NC + lax.axis_index("c")
        base = wid * q + jnp.minimum(wid, r)
        cnt = jnp.where(wid < r, q + 1, q)
        bufs = ((rows_s0, rows_d0, sem_s0, sem_d0, wsem0),
                (rows_s1, rows_d1, sem_s1, sem_d1, wsem1))

        pltpu.sync_copy(idx3.at[pl.ds(base, q)], idx_all.at[pl.ds(0, q)])
        if r:
            @pl.when(wid < r)
            def _():
                pltpu.sync_copy(idx3.at[pl.ds(base + q, 1)],
                                idx_all.at[pl.ds(q, 1)])

        def fetch(t, p, wait_write):
            rows_s, rows_d, sem_s, sem_d, wsem = bufs[p]

            @pl.when(t < cnt)
            def _():
                if wait_write:
                    pltpu.make_async_copy(
                        rows_s, out.at[pl.ds((base + t - 2) * CB, CB)],
                        wsem).wait()
                pltpu.async_copy(pa.at[idx_all.at[t, 0]], rows_s, sem_s)
                pltpu.async_copy(pb.at[idx_all.at[t, 1]], rows_d, sem_d)

        def drain(t, p):
            rows_s, rows_d, sem_s, sem_d, wsem = bufs[p]

            @pl.when(t < cnt)
            def _():
                pltpu.make_async_copy(pa.at[idx_all.at[t, 0]], rows_s,
                                      sem_s).wait()
                pltpu.make_async_copy(pb.at[idx_all.at[t, 1]], rows_d,
                                      sem_d).wait()

                def row_body(i, c):
                    i2 = i * 2
                    for rr in range(2):
                        for u in range(D // 16):
                            sl = (i2 + rr, pl.ds(u * 16, 16))
                            rows_s[sl] = rows_s[sl] + rows_d[sl]
                    return c

                lax.fori_loop(0, CB // 2, row_body, 0)
                pltpu.async_copy(rows_s, out.at[pl.ds((base + t) * CB, CB)],
                                 wsem)

        fetch(0, 0, False)
        fetch(1, 1, False)

        def body(tt, carry):
            t0 = tt * 2
            drain(t0, 0)
            drain(t0 + 1, 1)
            fetch(t0 + 2, 0, True)
            fetch(t0 + 3, 1, True)
            return carry

        lax.fori_loop(0, (maxc + 1) // 2, body, 0)

        pltpu.make_async_copy(rows_s0, out.at[pl.ds(0, CB)], wsem0).wait()
        pltpu.make_async_copy(rows_s1, out.at[pl.ds(0, CB)], wsem1).wait()

    return sc_gather_add


BE = 8000


@functools.lru_cache(maxsize=None)
def _make_mlp(n_edges):
    def mlp_body(g_ref, b1_ref, w2_ref, b2_ref, w3_ref, b3_ref, out_ref):
        h = jnp.maximum(g_ref[...] + b1_ref[...], 0.0)
        h = jnp.dot(h, w2_ref[...], preferred_element_type=jnp.float32)
        h = jnp.maximum(h + b2_ref[...], 0.0)
        s = lax.dot_general(w3_ref[...], h, (((1,), (1,)), ((), ())),
                            preferred_element_type=jnp.float32)
        out_ref[...] = jax.nn.sigmoid(s + b3_ref[...]).reshape(1, 1, BE)

    return pl.pallas_call(
        mlp_body,
        grid=(n_edges // BE,),
        in_specs=[
            pl.BlockSpec((BE, D), lambda i: (i, 0)),
            pl.BlockSpec((1, D), lambda i: (0, 0)),
            pl.BlockSpec((D, D), lambda i: (0, 0)),
            pl.BlockSpec((1, D), lambda i: (0, 0)),
            pl.BlockSpec((1, D), lambda i: (0, 0)),
            pl.BlockSpec((1, 1), lambda i: (0, 0)),
        ],
        out_specs=pl.BlockSpec((1, 1, BE), lambda i: (i, 0, 0)),
        out_shape=jax.ShapeDtypeStruct((n_edges // BE, 1, BE), jnp.float32),
    )




def _topk_body(s_ref, out_ref):
    s = s_ref[...]
    bits = jax.lax.bitcast_convert_type(s, jnp.int32)

    def body(i, t):
        cand = t | lax.shift_left(jnp.int32(1), jnp.int32(30) - i)
        cnt = jnp.sum((bits >= cand).astype(jnp.int32))
        return jnp.where(cnt >= K, cand, t)

    t = lax.fori_loop(0, 31, body, jnp.int32(0))

    rows, cols = s.shape
    eq = bits == t
    c_gt = jnp.sum((bits > t).astype(jnp.int32))
    need = K - c_gt
    idx = (lax.broadcasted_iota(jnp.int32, (rows, cols), 0) * cols
           + lax.broadcasted_iota(jnp.int32, (rows, cols), 1))

    def tie_body(i, w):
        cand = w | lax.shift_left(jnp.int32(1), jnp.int32(18) - i)
        cnt = jnp.sum((eq & (idx < cand)).astype(jnp.int32))
        return jnp.where(cnt <= need - 1, cand, w)

    w = lax.fori_loop(0, 19, tie_body, jnp.int32(0))
    thr = jax.lax.bitcast_convert_type(t, jnp.float32)
    keep = (s > thr) | (eq & (idx <= w))
    out_ref[...] = jnp.where(keep, s, 0.0)


def _topk_mask(scores3d):
    return pl.pallas_call(
        _topk_body,
        out_shape=jax.ShapeDtypeStruct(scores3d.shape, jnp.float32),
    )(scores3d)


def kernel(node_rep, edge_index, W1, b1, W2, b2, W3, b3):
    idx3 = edge_index.astype(jnp.int32).reshape(2, N_EDGES // CB, CB)
    idx3 = idx3.transpose(1, 0, 2)
    pa, pb = _precompute(node_rep, W1[:, :D].T, W1[:, D:].T)
    b1r, b2r = b1.reshape(1, D), b2.reshape(1, D)
    w2t, w3r, b3r = W2.T, W3.reshape(1, D), b3.reshape(1, 1)
    parts = []
    c0 = 0
    for ec in SPLITS:
        ncc = ec // CB
        g = _make_sc_gather_add(ec)(pa, pb, idx3[c0:c0 + ncc])
        parts.append(_make_mlp(ec)(g, b1r, w2t, b2r, w3r, b3r))
        c0 += ncc
    scores = jnp.concatenate(parts, axis=0)
    masked = _topk_mask(scores.reshape(N_EDGES // D, D))
    return masked.reshape(N_EDGES)

# --- scband reference (transcript-rebuilt; emitter-appended) ---
"""Pipeline reference for scband-graphormer-explainer-25812753449667 (READ-ONLY COPY).

The authoritative reference and input builder live on the scoring server;
editing this copy changes nothing except your own understanding.
"""

import jax, jax.numpy as jnp
import numpy as np

N_NODES = 10000
N_EDGES = 320000
D = 128
HID = 128
TOPK_RATIO = 0.1
K = max(1, int(N_EDGES * TOPK_RATIO))


def setup_inputs(seed: int = 0) -> dict:
    key = jax.random.key(seed)
    k1, k2, k3, k4, k5, k6 = jax.random.split(key, 6)
    node_rep = jax.random.normal(k1, (N_NODES, D), dtype=jnp.float32)
    edge_index = jax.random.randint(k2, (2, N_EDGES), 0, N_NODES, dtype=jnp.int64)
    std = 0.02
    W1 = jax.random.normal(k3, (HID, 2 * D), dtype=jnp.float32) * std
    b1 = jnp.zeros((HID,), dtype=jnp.float32)
    W2 = jax.random.normal(k4, (HID, HID), dtype=jnp.float32) * std
    b2 = jnp.zeros((HID,), dtype=jnp.float32)
    W3 = jax.random.normal(k5, (1, HID), dtype=jnp.float32) * std
    b3 = jnp.zeros((1,), dtype=jnp.float32)
    return {"node_rep": node_rep, "edge_index": edge_index,
            "W1": W1, "b1": b1, "W2": W2, "b2": b2, "W3": W3, "b3": b3}


def reference(node_rep, edge_index, W1, b1, W2, b2, W3, b3):
    # EdgeScorePredictor: gather src/dst node reps, MLP -> sigmoid edge scores
    src_rep = jnp.take(node_rep, edge_index[0], axis=0)
    dst_rep = jnp.take(node_rep, edge_index[1], axis=0)
    edge_feat = jnp.concatenate([src_rep, dst_rep], axis=-1)
    h = jax.nn.relu(edge_feat @ W1.T + b1)
    h = jax.nn.relu(h @ W2.T + b2)
    edge_scores = jax.nn.sigmoid(h @ W3.T + b3).squeeze(-1)
    # top-k masking of edge importance scores (explainer subgraph selection)
    top_k_values, top_k_indices = jax.lax.top_k(edge_scores, K)
    mask = jnp.zeros_like(edge_scores).at[top_k_indices].set(1.0)
    masked_scores = edge_scores * mask
    return masked_scores

if __name__ == "__main__":
    import jax
    _d = setup_inputs()
    print(jax.jit(kernel)(*tuple(_d.values())))

</pallas_src>

<mosaic_0001>
#map = affine_map<(d0, d1) -> (0, 0)>
#map1 = affine_map<(d0, d1) -> (0, 0, 0)>
module attributes {stable_mosaic.version = 14 : i64} {
  func.func @sc_gather_add(%arg0: i32, %arg1: i32, %arg2: memref<10000x128xf32, #tpu.memory_space<hbm>>, %arg3: memref<10000x128xf32, #tpu.memory_space<hbm>>, %arg4: memref<875x2x128xi32, #tpu.memory_space<hbm>>, %arg5: memref<112000x128xf32, #tpu.memory_space<hbm>>, %arg6: memref<28x2x128xi32, #tpu.memory_space<vmem>>, %arg7: memref<128x128xf32, #tpu.memory_space<vmem>>, %arg8: memref<128x128xf32, #tpu.memory_space<vmem>>, %arg9: memref<128x128xf32, #tpu.memory_space<vmem>>, %arg10: memref<128x128xf32, #tpu.memory_space<vmem>>, %arg11: memref<!tpu.dma_semaphore, #tpu.memory_space<semaphore_mem>>, %arg12: memref<!tpu.dma_semaphore, #tpu.memory_space<semaphore_mem>>, %arg13: memref<!tpu.dma_semaphore, #tpu.memory_space<semaphore_mem>>, %arg14: memref<!tpu.dma_semaphore, #tpu.memory_space<semaphore_mem>>, %arg15: memref<!tpu.dma_semaphore, #tpu.memory_space<semaphore_mem>>, %arg16: memref<!tpu.dma_semaphore, #tpu.memory_space<semaphore_mem>>) attributes {dimension_semantics = [#tpu.dimension_semantics<core_parallel>, #tpu.dimension_semantics<subcore_parallel>], iteration_bounds = array<i64: 2, 16>, scalar_prefetch = 0 : i64, scratch_operands = 11 : i64, tpu.core_type = #tpu.core_type<sc_vector_subcore>, window_params = [{transform_indices = #map}, {transform_indices = #map}, {transform_indices = #map1}, {transform_indices = #map}]} {
    %mul3A = arith.constant 2 : i32
    %mul3A_0 = arith.muli %arg1, %mul3A : i32
    %add3A = arith.addi %mul3A_0, %arg0 : i32
    %mul3A_1 = arith.constant 27 : i32
    %mul3A_2 = arith.muli %add3A, %mul3A_1 : i32
    %min3A = arith.constant 11 : i32
    %min3A_3 = arith.minsi %add3A, %min3A : i32
    %add3A_4 = arith.addi %mul3A_2, %min3A_3 : i32
    %lt3A = arith.constant 11 : i32
    %lt3A_5 = arith.cmpi slt, %add3A, %lt3A : i32
    %jit3A = arith.constant 28 : i32
    %jit3A_6 = arith.constant 27 : i32
    %select_n3A = arith.select %lt3A_5, %jit3A, %jit3A_6 : i32
    "tpu.region"() ({
      %run_scoped3A = tpu.sem_alloc : memref<!tpu.dma_semaphore, #tpu.memory_space<semaphore_mem>>
      %dma_start3A = arith.constant 0 : i32
      %dma_start3A_35 = arith.constant 0 : i32
      %dma_start3A_36 = arith.constant 0 : i32
      %dma_start3A_37 = tpu.memref_slice %arg6[%dma_start3A, %dma_start3A_35, %dma_start3A_36] : memref<28x2x128xi32, #tpu.memory_space<vmem>> -> memref<27x2x128xi32, #tpu.memory_space<vmem>>
      %dma_start3A_38 = arith.constant 0 : i32
      %dma_start3A_39 = arith.constant 0 : i32
      %dma_start3A_40 = tpu.memref_slice %arg4[%add3A_4, %dma_start3A_38, %dma_start3A_39] : memref<875x2x128xi32, #tpu.memory_space<hbm>> -> memref<27x2x128xi32, #tpu.memory_space<hbm>>
      %dma_start3A_41 = arith.constant 0 : i32
      %dma_start3A_42 = arith.constant 0 : i32
      %dma_start3A_43 = arith.constant 0 : i32
      %dma_start3A_44 = tpu.memref_slice %arg6[%dma_start3A_41, %dma_start3A_42, %dma_start3A_43] : memref<28x2x128xi32, #tpu.memory_space<vmem>> -> memref<27x2x128xi32, #tpu.memory_space<vmem>>
      %dma_start3A_45 = arith.constant 0 : i32
      %dma_start3A_46 = arith.constant 0 : i32
      %dma_start3A_47 = tpu.memref_slice %arg4[%add3A_4, %dma_start3A_45, %dma_start3A_46] : memref<875x2x128xi32, #tpu.memory_space<hbm>> -> memref<27x2x128xi32, #tpu.memory_space<hbm>>
      tpu.enqueue_dma source(%dma_start3A_47 : memref<27x2x128xi32, #tpu.memory_space<hbm>>) target(%dma_start3A_44 : memref<27x2x128xi32, #tpu.memory_space<vmem>>) target_semaphore(%run_scoped3A : memref<!tpu.dma_semaphore, #tpu.memory_space<semaphore_mem>>)
      %dma_wait3A_48 = arith.constant 0 : i32
      %dma_wait3A_49 = arith.constant 0 : i32
      %dma_wait3A_50 = arith.constant 0 : i32
      %dma_wait3A_51 = tpu.memref_slice %arg6[%dma_wait3A_48, %dma_wait3A_49, %dma_wait3A_50] : memref<28x2x128xi32, #tpu.memory_space<vmem>> -> memref<27x2x128xi32, #tpu.memory_space<vmem>>
      %dma_wait3A_52 = arith.constant 0 : i32
      %dma_wait3A_53 = arith.constant 0 : i32
      %dma_wait3A_54 = tpu.memref_slice %arg4[%add3A_4, %dma_wait3A_52, %dma_wait3A_53] : memref<875x2x128xi32, #tpu.memory_space<hbm>> -> memref<27x2x128xi32, #tpu.memory_space<hbm>>
      %dma_wait3A_55 = arith.constant 0 : i32
      %dma_wait3A_56 = arith.constant 0 : i32
      %dma_wait3A_57 = arith.constant 0 : i32
      %dma_wait3A_58 = tpu.memref_slice %arg6[%dma_wait3A_55, %dma_wait3A_56, %dma_wait3A_57] : memref<28x2x128xi32, #tpu.memory_space<vmem>> -> memref<27x2x128xi32, #tpu.memory_space<vmem>>
      %dma_wait3A_59 = arith.constant 0 : i32
      %dma_wait3A_60 = arith.constant 0 : i32
      %dma_wait3A_61 = tpu.memref_slice %arg4[%add3A_4, %dma_wait3A_59, %dma_wait3A_60] : memref<875x2x128xi32, #tpu.memory_space<hbm>> -> memref<27x2x128xi32, #tpu.memory_space<hbm>>
      tpu.wait_dma2 semaphore(%run_scoped3A : memref<!tpu.dma_semaphore, #tpu.memory_space<semaphore_mem>>) src(%dma_wait3A_61 : memref<27x2x128xi32, #tpu.memory_space<hbm>>) dst(%dma_wait3A_58 : memref<27x2x128xi32, #tpu.memory_space<vmem>>)
      tpu.yield
    }) : () -> ()
    %lt3A_7 = arith.constant 11 : i32
    %lt3A_8 = arith.cmpi slt, %add3A, %lt3A_7 : i32
    %convert_element_type3A = arith.extui %lt3A_8 : i1 to i32
    %cond3A = arith.constant 0 : i32
    %cond3A_9 = arith.cmpi ne, %convert_element_type3A, %cond3A : i32
    scf.if %cond3A_9 {
      %add3A_35 = arith.constant 27 : i32
      %add3A_36 = arith.addi %add3A_4, %add3A_35 : i32
      "tpu.region"() ({
        %run_scoped3A = tpu.sem_alloc : memref<!tpu.dma_semaphore, #tpu.memory_space<semaphore_mem>>
        %dma_start3A = arith.constant 27 : i32
        %dma_start3A_37 = arith.constant 0 : i32
        %dma_start3A_38 = arith.constant 0 : i32
        %dma_start3A_39 = tpu.memref_slice %arg6[%dma_start3A, %dma_start3A_37, %dma_start3A_38] : memref<28x2x128xi32, #tpu.memory_space<vmem>> -> memref<1x2x128xi32, #tpu.memory_space<vmem>>
        %dma_start3A_40 = arith.constant 0 : i32
        %dma_start3A_41 = arith.constant 0 : i32
        %dma_start3A_42 = tpu.memref_slice %arg4[%add3A_36, %dma_start3A_40, %dma_start3A_41] : memref<875x2x128xi32, #tpu.memory_space<hbm>> -> memref<1x2x128xi32, #tpu.memory_space<hbm>>
        %dma_start3A_43 = arith.constant 27 : i32
        %dma_start3A_44 = arith.constant 0 : i32
        %dma_start3A_45 = arith.constant 0 : i32
        %dma_start3A_46 = tpu.memref_slice %arg6[%dma_start3A_43, %dma_start3A_44, %dma_start3A_45] : memref<28x2x128xi32, #tpu.memory_space<vmem>> -> memref<1x2x128xi32, #tpu.memory_space<vmem>>
        %dma_start3A_47 = arith.constant 0 : i32
        %dma_start3A_48 = arith.constant 0 : i32
        %dma_start3A_49 = tpu.memref_slice %arg4[%add3A_36, %dma_start3A_47, %dma_start3A_48] : memref<875x2x128xi32, #tpu.memory_space<hbm>> -> memref<1x2x128xi32, #tpu.memory_space<hbm>>
        tpu.enqueue_dma source(%dma_start3A_49 : memref<1x2x128xi32, #tpu.memory_space<hbm>>) target(%dma_start3A_46 : memref<1x2x128xi32, #tpu.memory_space<vmem>>) target_semaphore(%run_scoped3A : memref<!tpu.dma_semaphore, #tpu.memory_space<semaphore_mem>>)
        %dma_wait3A_50 = arith.constant 27 : i32
        %dma_wait3A_51 = arith.constant 0 : i32
        %dma_wait3A_52 = arith.constant 0 : i32
        %dma_wait3A_53 = tpu.memref_slice %arg6[%dma_wait3A_50, %dma_wait3A_51, %dma_wait3A_52] : memref<28x2x128xi32, #tpu.memory_space<vmem>> -> memref<1x2x128xi32, #tpu.memory_space<vmem>>
        %dma_wait3A_54 = arith.constant 0 : i32
        %dma_wait3A_55 = arith.constant 0 : i32
        %dma_wait3A_56 = tpu.memref_slice %arg4[%add3A_36, %dma_wait3A_54, %dma_wait3A_55] : memref<875x2x128xi32, #tpu.memory_space<hbm>> -> memref<1x2x128xi32, #tpu.memory_space<hbm>>
        %dma_wait3A_57 = arith.constant 27 : i32
        %dma_wait3A_58 = arith.constant 0 : i32
        %dma_wait3A_59 = arith.constant 0 : i32
        %dma_wait3A_60 = tpu.memref_slice %arg6[%dma_wait3A_57, %dma_wait3A_58, %dma_wait3A_59] : memref<28x2x128xi32, #tpu.memory_space<vmem>> -> memref<1x2x128xi32, #tpu.memory_space<vmem>>
        %dma_wait3A_61 = arith.constant 0 : i32
        %dma_wait3A_62 = arith.constant 0 : i32
        %dma_wait3A_63 = tpu.memref_slice %arg4[%add3A_36, %dma_wait3A_61, %dma_wait3A_62] : memref<875x2x128xi32, #tpu.memory_space<hbm>> -> memref<1x2x128xi32, #tpu.memory_space<hbm>>
        tpu.wait_dma2 semaphore(%run_scoped3A : memref<!tpu.dma_semaphore, #tpu.memory_space<semaphore_mem>>) src(%dma_wait3A_63 : memref<1x2x128xi32, #tpu.memory_space<hbm>>) dst(%dma_wait3A_60 : memref<1x2x128xi32, #tpu.memory_space<vmem>>)
        tpu.yield
      }) : () -> ()
    } else {
    }
    %gt3A = arith.constant 0 : i32
    %gt3A_10 = arith.cmpi sgt, %select_n3A, %gt3A : i32
    %convert_element_type3A_11 = arith.extui %gt3A_10 : i1 to i32
    %cond3A_12 = arith.constant 0 : i32
    %cond3A_13 = arith.cmpi ne, %convert_element_type3A_11, %cond3A_12 : i32
    scf.if %cond3A_13 {
      %dma_start3A = arith.constant 0 : i32
      %dma_start3A_35 = arith.constant 0 : i32
      %dma_start3A_36 = arith.constant 0 : i32
      %dma_start3A_37 = tpu.memref_slice %arg6[%dma_start3A, %dma_start3A_35, %dma_start3A_36] : memref<28x2x128xi32, #tpu.memory_space<vmem>> -> memref<1x1x128xi32, #tpu.memory_space<vmem>>
      %dma_start3A_38 = tpu.memref_squeeze %dma_start3A_37 : memref<1x1x128xi32, #tpu.memory_space<vmem>> -> memref<128xi32, #tpu.memory_space<vmem>>
      %dma_start3A_39 = arith.constant 0 : i32
      %dma_start3A_40 = arith.constant 0 : i32
      %dma_start3A_41 = tpu.memref_slice %arg2[%dma_start3A_39, %dma_start3A_40] : memref<10000x128xf32, #tpu.memory_space<hbm>> -> memref<10000x128xf32, #tpu.memory_space<hbm>>
      tpu.enqueue_indirect_dma source(%dma_start3A_41 : memref<10000x128xf32, #tpu.memory_space<hbm>>) target(%arg7 : memref<128x128xf32, #tpu.memory_space<vmem>>) offsets(%dma_start3A_38 : memref<128xi32, #tpu.memory_space<vmem>>) semaphore(%arg11 : memref<!tpu.dma_semaphore, #tpu.memory_space<semaphore_mem>>)
      %dma_start3A_42 = arith.constant 0 : i32
      %dma_start3A_43 = arith.constant 1 : i32
      %dma_start3A_44 = arith.constant 0 : i32
      %dma_start3A_45 = tpu.memref_slice %arg6[%dma_start3A_42, %dma_start3A_43, %dma_start3A_44] : memref<28x2x128xi32, #tpu.memory_space<vmem>> -> memref<1x1x128xi32, #tpu.memory_space<vmem>>
      %dma_start3A_46 = tpu.memref_squeeze %dma_start3A_45 : memref<1x1x128xi32, #tpu.memory_space<vmem>> -> memref<128xi32, #tpu.memory_space<vmem>>
      %dma_start3A_47 = arith.constant 0 : i32
      %dma_start3A_48 = arith.constant 0 : i32
      %dma_start3A_49 = tpu.memref_slice %arg3[%dma_start3A_47, %dma_start3A_48] : memref<10000x128xf32, #tpu.memory_space<hbm>> -> memref<10000x128xf32, #tpu.memory_space<hbm>>
      tpu.enqueue_indirect_dma source(%dma_start3A_49 : memref<10000x128xf32, #tpu.memory_space<hbm>>) target(%arg8 : memref<128x128xf32, #tpu.memory_space<vmem>>) offsets(%dma_start3A_46 : memref<128xi32, #tpu.memory_space<vmem>>) semaphore(%arg12 : memref<!tpu.dma_semaphore, #tpu.memory_space<semaphore_mem>>)
    } else {
    }
    %gt3A_14 = arith.constant 1 : i32
    %gt3A_15 = arith.cmpi sgt, %select_n3A, %gt3A_14 : i32
    %convert_element_type3A_16 = arith.extui %gt3A_15 : i1 to i32
    %cond3A_17 = arith.constant 0 : i32
    %cond3A_18 = arith.cmpi ne, %convert_element_type3A_16, %cond3A_17 : i32
    scf.if %cond3A_18 {
      %dma_start3A = arith.constant 1 : i32
      %dma_start3A_35 = arith.constant 0 : i32
      %dma_start3A_36 = arith.constant 0 : i32
      %dma_start3A_37 = tpu.memref_slice %arg6[%dma_start3A, %dma_start3A_35, %dma_start3A_36] : memref<28x2x128xi32, #tpu.memory_space<vmem>> -> memref<1x1x128xi32, #tpu.memory_space<vmem>>
      %dma_start3A_38 = tpu.memref_squeeze %dma_start3A_37 : memref<1x1x128xi32, #tpu.memory_space<vmem>> -> memref<128xi32, #tpu.memory_space<vmem>>
      %dma_start3A_39 = arith.constant 0 : i32
      %dma_start3A_40 = arith.constant 0 : i32
      %dma_start3A_41 = tpu.memref_slice %arg2[%dma_start3A_39, %dma_start3A_40] : memref<10000x128xf32, #tpu.memory_space<hbm>> -> memref<10000x128xf32, #tpu.memory_space<hbm>>
      tpu.enqueue_indirect_dma source(%dma_start3A_41 : memref<10000x128xf32, #tpu.memory_space<hbm>>) target(%arg9 : memref<128x128xf32, #tpu.memory_space<vmem>>) offsets(%dma_start3A_38 : memref<128xi32, #tpu.memory_space<vmem>>) semaphore(%arg13 : memref<!tpu.dma_semaphore, #tpu.memory_space<semaphore_mem>>)
      %dma_start3A_42 = arith.constant 1 : i32
      %dma_start3A_43 = arith.constant 1 : i32
      %dma_start3A_44 = arith.constant 0 : i32
      %dma_start3A_45 = tpu.memref_slice %arg6[%dma_start3A_42, %dma_start3A_43, %dma_start3A_44] : memref<28x2x128xi32, #tpu.memory_space<vmem>> -> memref<1x1x128xi32, #tpu.memory_space<vmem>>
      %dma_start3A_46 = tpu.memref_squeeze %dma_start3A_45 : memref<1x1x128xi32, #tpu.memory_space<vmem>> -> memref<128xi32, #tpu.memory_space<vmem>>
      %dma_start3A_47 = arith.constant 0 : i32
      %dma_start3A_48 = arith.constant 0 : i32
      %dma_start3A_49 = tpu.memref_slice %arg3[%dma_start3A_47, %dma_start3A_48] : memref<10000x128xf32, #tpu.memory_space<hbm>> -> memref<10000x128xf32, #tpu.memory_space<hbm>>
      tpu.enqueue_indirect_dma source(%dma_start3A_49 : memref<10000x128xf32, #tpu.memory_space<hbm>>) target(%arg10 : memref<128x128xf32, #tpu.memory_space<vmem>>) offsets(%dma_start3A_46 : memref<128xi32, #tpu.memory_space<vmem>>) semaphore(%arg14 : memref<!tpu.dma_semaphore, #tpu.memory_space<semaphore_mem>>)
    } else {
    }
    %scan3A = arith.constant 0 : i32
    %scan3A_19 = arith.constant 0 : i32
    %scan3A_20 = arith.constant 14 : i32
    %scan3A_21 = arith.addi %scan3A_19, %scan3A_20 : i32
    %scan3A_22 = arith.constant 1 : i32
    scf.for %scan3A_35 = %scan3A_19 to %scan3A_21 step %scan3A_22  : i32 {
      %mul3A_36 = arith.constant 2 : i32
      %mul3A_37 = arith.muli %scan3A_35, %mul3A_36 : i32
      %lt3A_38 = arith.cmpi slt, %mul3A_37, %select_n3A : i32
      %convert_element_type3A_39 = arith.extui %lt3A_38 : i1 to i32
      %cond3A_40 = arith.constant 0 : i32
      %cond3A_41 = arith.cmpi ne, %convert_element_type3A_39, %cond3A_40 : i32
      scf.if %cond3A_41 {
        %dma_wait3A_60 = arith.constant 0 : i32
        %dma_wait3A_61 = arith.constant 0 : i32
        %dma_wait3A_62 = tpu.memref_slice %arg6[%mul3A_37, %dma_wait3A_60, %dma_wait3A_61] : memref<28x2x128xi32, #tpu.memory_space<vmem>> -> memref<1x1x128xi32, #tpu.memory_space<vmem>>
        %dma_wait3A_63 = tpu.memref_squeeze %dma_wait3A_62 : memref<1x1x128xi32, #tpu.memory_space<vmem>> -> memref<128xi32, #tpu.memory_space<vmem>>
        %dma_wait3A_64 = arith.constant 0 : i32
        %dma_wait3A_65 = arith.constant 0 : i32
        %dma_wait3A_66 = tpu.memref_slice %arg2[%dma_wait3A_64, %dma_wait3A_65] : memref<10000x128xf32, #tpu.memory_space<hbm>> -> memref<10000x128xf32, #tpu.memory_space<hbm>>
        tpu.wait_indirect_dma semaphore(%arg11 : memref<!tpu.dma_semaphore, #tpu.memory_space<semaphore_mem>>) src(%dma_wait3A_66 : memref<10000x128xf32, #tpu.memory_space<hbm>>) dst(%arg7 : memref<128x128xf32, #tpu.memory_space<vmem>>)
        %dma_wait3A_67 = arith.constant 1 : i32
        %dma_wait3A_68 = arith.constant 0 : i32
        %dma_wait3A_69 = tpu.memref_slice %arg6[%mul3A_37, %dma_wait3A_67, %dma_wait3A_68] : memref<28x2x128xi32, #tpu.memory_space<vmem>> -> memref<1x1x128xi32, #tpu.memory_space<vmem>>
        %dma_wait3A_70 = tpu.memref_squeeze %dma_wait3A_69 : memref<1x1x128xi32, #tpu.memory_space<vmem>> -> memref<128xi32, #tpu.memory_space<vmem>>
        %dma_wait3A_71 = arith.constant 0 : i32
        %dma_wait3A_72 = arith.constant 0 : i32
        %dma_wait3A_73 = tpu.memref_slice %arg3[%dma_wait3A_71, %dma_wait3A_72] : memref<10000x128xf32, #tpu.memory_space<hbm>> -> memref<10000x128xf32, #tpu.memory_space<hbm>>
        tpu.wait_indirect_dma semaphore(%arg12 : memref<!tpu.dma_semaphore, #tpu.memory_space<semaphore_mem>>) src(%dma_wait3A_73 : memref<10000x128xf32, #tpu.memory_space<hbm>>) dst(%arg8 : memref<128x128xf32, #tpu.memory_space<vmem>>)
        %scan3A_74 = arith.constant 0 : i32
        %scan3A_75 = arith.constant 0 : i32
        %scan3A_76 = arith.constant 64 : i32
        %scan3A_77 = arith.addi %scan3A_75, %scan3A_76 : i32
        %scan3A_78 = arith.constant 1 : i32
        scf.for %scan3A_86 = %scan3A_75 to %scan3A_77 step %scan3A_78  : i32 {
          %mul3A_87 = arith.constant 2 : i32
          %mul3A_88 = arith.muli %scan3A_86, %mul3A_87 : i32
          %add3A_89 = arith.constant 0 : i32
          %add3A_90 = arith.addi %mul3A_88, %add3A_89 : i32
          %get3A = arith.index_cast %add3A_90 : i32 to index
          %get3A_91 = arith.constant 0 : index
          %get3A_92 = tpu.vector_load %arg7[%get3A, %get3A_91] {strides = array<i32>} : memref<128x128xf32, #tpu.memory_space<vmem>>, vector<1x16xf32>,
          %get3A_93 = vector.shape_cast %get3A_92 : vector<1x16xf32> to vector<16xf32>
          %get3A_94 = arith.index_cast %add3A_90 : i32 to index
          %get3A_95 = arith.constant 0 : index
          %get3A_96 = tpu.vector_load %arg8[%get3A_94, %get3A_95] {strides = array<i32>} : memref<128x128xf32, #tpu.memory_space<vmem>>, vector<1x16xf32>,
          %get3A_97 = vector.shape_cast %get3A_96 : vector<1x16xf32> to vector<16xf32>
          %add3A_98 = arith.addf %get3A_93, %get3A_97 : vector<16xf32>
          %swap3A = arith.index_cast %add3A_90 : i32 to index
          %swap3A_99 = arith.constant 0 : index
          %swap3A_100 = tpu.vector_load %arg7[%swap3A, %swap3A_99] {strides = array<i32>} : memref<128x128xf32, #tpu.memory_space<vmem>>, vector<1x16xf32>,
          %swap3A_101 = vector.shape_cast %swap3A_100 : vector<1x16xf32> to vector<16xf32>
          %swap3A_102 = vector.shape_cast %add3A_98 : vector<16xf32> to vector<1x16xf32>
          tpu.vector_store %arg7[%swap3A, %swap3A_99], %swap3A_102 {strides = array<i32>} : memref<128x128xf32, #tpu.memory_space<vmem>>, vector<1x16xf32>,
          %add3A_103 = arith.constant 0 : i32
          %add3A_104 = arith.addi %mul3A_88, %add3A_103 : i32
          %get3A_105 = arith.index_cast %add3A_104 : i32 to index
          %get3A_106 = arith.constant 16 : index
          %get3A_107 = tpu.vector_load %arg7[%get3A_105, %get3A_106] {strides = array<i32>} : memref<128x128xf32, #tpu.memory_space<vmem>>, vector<1x16xf32>,
          %get3A_108 = vector.shape_cast %get3A_107 : vector<1x16xf32> to vector<16xf32>
          %get3A_109 = arith.index_cast %add3A_104 : i32 to index
          %get3A_110 = arith.constant 16 : index
          %get3A_111 = tpu.vector_load %arg8[%get3A_109, %get3A_110] {strides = array<i32>} : memref<128x128xf32, #tpu.memory_space<vmem>>, vector<1x16xf32>,
          %get3A_112 = vector.shape_cast %get3A_111 : vector<1x16xf32> to vector<16xf32>
          %add3A_113 = arith.addf %get3A_108, %get3A_112 : vector<16xf32>
          %swap3A_114 = arith.index_cast %add3A_104 : i32 to index
          %swap3A_115 = arith.constant 16 : index
          %swap3A_116 = tpu.vector_load %arg7[%swap3A_114, %swap3A_115] {strides = array<i32>} : memref<128x128xf32, #tpu.memory_space<vmem>>, vector<1x16xf32>,
          %swap3A_117 = vector.shape_cast %swap3A_116 : vector<1x16xf32> to vector<16xf32>
          %swap3A_118 = vector.shape_cast %add3A_113 : vector<16xf32> to vector<1x16xf32>
          tpu.vector_store %arg7[%swap3A_114, %swap3A_115], %swap3A_118 {strides = array<i32>} : memref<128x128xf32, #tpu.memory_space<vmem>>, vector<1x16xf32>,
          %add3A_119 = arith.constant 0 : i32
          %add3A_120 = arith.addi %mul3A_88, %add3A_119 : i32
          %get3A_121 = arith.index_cast %add3A_120 : i32 to index
          %get3A_122 = arith.constant 32 : index
          %get3A_123 = tpu.vector_load %arg7[%get3A_121, %get3A_122] {strides = array<i32>} : memref<128x128xf32, #tpu.memory_space<vmem>>, vector<1x16xf32>,
          %get3A_124 = vector.shape_cast %get3A_123 : vector<1x16xf32> to vector<16xf32>
          %get3A_125 = arith.index_cast %add3A_120 : i32 to index
          %get3A_126 = arith.constant 32 : index
          %get3A_127 = tpu.vector_load %arg8[%get3A_125, %get3A_126] {strides = array<i32>} : memref<128x128xf32, #tpu.memory_space<vmem>>, vector<1x16xf32>,
          %get3A_128 = vector.shape_cast %get3A_127 : vector<1x16xf32> to vector<16xf32>
          %add3A_129 = arith.addf %get3A_124, %get3A_128 : vector<16xf32>
          %swap3A_130 = arith.index_cast %add3A_120 : i32 to index
          %swap3A_131 = arith.constant 32 : index
          %swap3A_132 = tpu.vector_load %arg7[%swap3A_130, %swap3A_131] {strides = array<i32>} : memref<128x128xf32, #tpu.memory_space<vmem>>, vector<1x16xf32>,
          %swap3A_133 = vector.shape_cast %swap3A_132 : vector<1x16xf32> to vector<16xf32>
          %swap3A_134 = vector.shape_cast %add3A_129 : vector<16xf32> to vector<1x16xf32>
          tpu.vector_store %arg7[%swap3A_130, %swap3A_131], %swap3A_134 {strides = array<i32>} : memref<128x128xf32, #tpu.memory_space<vmem>>, vector<1x16xf32>,
          %add3A_135 = arith.constant 0 : i32
          %add3A_136 = arith.addi %mul3A_88, %add3A_135 : i32
          %get3A_137 = arith.index_cast %add3A_136 : i32 to index
          %get3A_138 = arith.constant 48 : index
          %get3A_139 = tpu.vector_load %arg7[%get3A_137, %get3A_138] {strides = array<i32>} : memref<128x128xf32, #tpu.memory_space<vmem>>, vector<1x16xf32>,
          %get3A_140 = vector.shape_cast %get3A_139 : vector<1x16xf32> to vector<16xf32>
          %get3A_141 = arith.index_cast %add3A_136 : i32 to index
          %get3A_142 = arith.constant 48 : index
          %get3A_143 = tpu.vector_load %arg8[%get3A_141, %get3A_142] {strides = array<i32>} : memref<128x128xf32, #tpu.memory_space<vmem>>, vector<1x16xf32>,
          %get3A_144 = vector.shape_cast %get3A_143 : vector<1x16xf32> to vector<16xf32>
          %add3A_145 = arith.addf %get3A_140, %get3A_144 : vector<16xf32>
          %swap3A_146 = arith.index_cast %add3A_136 : i32 to index
          %swap3A_147 = arith.constant 48 : index
          %swap3A_148 = tpu.vector_load %arg7[%swap3A_146, %swap3A_147] {strides = array<i32>} : memref<128x128xf32, #tpu.memory_space<vmem>>, vector<1x16xf32>,
          %swap3A_149 = vector.shape_cast %swap3A_148 : vector<1x16xf32> to vector<16xf32>
          %swap3A_150 = vector.shape_cast %add3A_145 : vector<16xf32> to vector<1x16xf32>
          tpu.vector_store %arg7[%swap3A_146, %swap3A_147], %swap3A_150 {strides = array<i32>} : memref<128x128xf32, #tpu.memory_space<vmem>>, vector<1x16xf32>,
          %add3A_151 = arith.constant 0 : i32
          %add3A_152 = arith.addi %mul3A_88, %add3A_151 : i32
          %get3A_153 = arith.index_cast %add3A_152 : i32 to index
          %get3A_154 = arith.constant 64 : index
          %get3A_155 = tpu.vector_load %arg7[%get3A_153, %get3A_154] {strides = array<i32>} : memref<128x128xf32, #tpu.memory_space<vmem>>, vector<1x16xf32>,
          %get3A_156 = vector.shape_cast %get3A_155 : vector<1x16xf32> to vector<16xf32>
          %get3A_157 = arith.index_cast %add3A_152 : i32 to index
          %get3A_158 = arith.constant 64 : index
          %get3A_159 = tpu.vector_load %arg8[%get3A_157, %get3A_158] {strides = array<i32>} : memref<128x128xf32, #tpu.memory_space<vmem>>, vector<1x16xf32>,
          %get3A_160 = vector.shape_cast %get3A_159 : vector<1x16xf32> to vector<16xf32>
          %add3A_161 = arith.addf %get3A_156, %get3A_160 : vector<16xf32>
          %swap3A_162 = arith.index_cast %add3A_152 : i32 to index
          %swap3A_163 = arith.constant 64 : index
          %swap3A_164 = tpu.vector_load %arg7[%swap3A_162, %swap3A_163] {strides = array<i32>} : memref<128x128xf32, #tpu.memory_space<vmem>>, vector<1x16xf32>,
          %swap3A_165 = vector.shape_cast %swap3A_164 : vector<1x16xf32> to vector<16xf32>
          %swap3A_166 = vector.shape_cast %add3A_161 : vector<16xf32> to vector<1x16xf32>
          tpu.vector_store %arg7[%swap3A_162, %swap3A_163], %swap3A_166 {strides = array<i32>} : memref<128x128xf32, #tpu.memory_space<vmem>>, vector<1x16xf32>,
          %add3A_167 = arith.constant 0 : i32
          %add3A_168 = arith.addi %mul3A_88, %add3A_167 : i32
          %get3A_169 = arith.index_cast %add3A_168 : i32 to index
          %get3A_170 = arith.constant 80 : index
          %get3A_171 = tpu.vector_load %arg7[%get3A_169, %get3A_170] {strides = array<i32>} : memref<128x128xf32, #tpu.memory_space<vmem>>, vector<1x16xf32>,
          %get3A_172 = vector.shape_cast %get3A_171 : vector<1x16xf32> to vector<16xf32>
          %get3A_173 = arith.index_cast %add3A_168 : i32 to index
          %get3A_174 = arith.constant 80 : index
          %get3A_175 = tpu.vector_load %arg8[%get3A_173, %get3A_174] {strides = array<i32>} : memref<128x128xf32, #tpu.memory_space<vmem>>, vector<1x16xf32>,
          %get3A_176 = vector.shape_cast %get3A_175 : vector<1x16xf32> to vector<16xf32>
          %add3A_177 = arith.addf %get3A_172, %get3A_176 : vector<16xf32>
          %swap3A_178 = arith.index_cast %add3A_168 : i32 to index
          %swap3A_179 = arith.constant 80 : index
          %swap3A_180 = tpu.vector_load %arg7[%swap3A_178, %swap3A_179] {strides = array<i32>} : memref<128x128xf32, #tpu.memory_space<vmem>>, vector<1x16xf32>,
          %swap3A_181 = vector.shape_cast %swap3A_180 : vector<1x16xf32> to vector<16xf32>
          %swap3A_182 = vector.shape_cast %add3A_177 : vector<16xf32> to vector<1x16xf32>
          tpu.vector_store %arg7[%swap3A_178, %swap3A_179], %swap3A_182 {strides = array<i32>} : memref<128x128xf32, #tpu.memory_space<vmem>>, vector<1x16xf32>,
          %add3A_183 = arith.constant 0 : i32
          %add3A_184 = arith.addi %mul3A_88, %add3A_183 : i32
          %get3A_185 = arith.index_cast %add3A_184 : i32 to index
          %get3A_186 = arith.constant 96 : index
          %get3A_187 = tpu.vector_load %arg7[%get3A_185, %get3A_186] {strides = array<i32>} : memref<128x128xf32, #tpu.memory_space<vmem>>, vector<1x16xf32>,
          %get3A_188 = vector.shape_cast %get3A_187 : vector<1x16xf32> to vector<16xf32>
          %get3A_189 = arith.index_cast %add3A_184 : i32 to index
          %get3A_190 = arith.constant 96 : index
          %get3A_191 = tpu.vector_load %arg8[%get3A_189, %get3A_190] {strides = array<i32>} : memref<128x128xf32, #tpu.memory_space<vmem>>, vector<1x16xf32>,
          %get3A_192 = vector.shape_cast %get3A_191 : vector<1x16xf32> to vector<16xf32>
          %add3A_193 = arith.addf %get3A_188, %get3A_192 : vector<16xf32>
          %swap3A_194 = arith.index_cast %add3A_184 : i32 to index
          %swap3A_195 = arith.constant 96 : index
          %swap3A_196 = tpu.vector_load %arg7[%swap3A_194, %swap3A_195] {strides = array<i32>} : memref<128x128xf32, #tpu.memory_space<vmem>>, vector<1x16xf32>,
          %swap3A_197 = vector.shape_cast %swap3A_196 : vector<1x16xf32> to vector<16xf32>
          %swap3A_198 = vector.shape_cast %add3A_193 : vector<16xf32> to vector<1x16xf32>
          tpu.vector_store %arg7[%swap3A_194, %swap3A_195], %swap3A_198 {strides = array<i32>} : memref<128x128xf32, #tpu.memory_space<vmem>>, vector<1x16xf32>,
          %add3A_199 = arith.constant 0 : i32
          %add3A_200 = arith.addi %mul3A_88, %add3A_199 : i32
          %get3A_201 = arith.index_cast %add3A_200 : i32 to index
          %get3A_202 = arith.constant 112 : index
          %get3A_203 = tpu.vector_load %arg7[%get3A_201, %get3A_202] {strides = array<i32>} : memref<128x128xf32, #tpu.memory_space<vmem>>, vector<1x16xf32>,
          %get3A_204 = vector.shape_cast %get3A_203 : vector<1x16xf32> to vector<16xf32>
          %get3A_205 = arith.index_cast %add3A_200 : i32 to index
          %get3A_206 = arith.constant 112 : index
          %get3A_207 = tpu.vector_load %arg8[%get3A_205, %get3A_206] {strides = array<i32>} : memref<128x128xf32, #tpu.memory_space<vmem>>, vector<1x16xf32>,
          %get3A_208 = vector.shape_cast %get3A_207 : vector<1x16xf32> to vector<16xf32>
          %add3A_209 = arith.addf %get3A_204, %get3A_208 : vector<16xf32>
          %swap3A_210 = arith.index_cast %add3A_200 : i32 to index
          %swap3A_211 = arith.constant 112 : index
          %swap3A_212 = tpu.vector_load %arg7[%swap3A_210, %swap3A_211] {strides = array<i32>} : memref<128x128xf32, #tpu.memory_space<vmem>>, vector<1x16xf32>,
          %swap3A_213 = vector.shape_cast %swap3A_212 : vector<1x16xf32> to vector<16xf32>
          %swap3A_214 = vector.shape_cast %add3A_209 : vector<16xf32> to vector<1x16xf32>
          tpu.vector_store %arg7[%swap3A_210, %swap3A_211], %swap3A_214 {strides = array<i32>} : memref<128x128xf32, #tpu.memory_space<vmem>>, vector<1x16xf32>,
          %add3A_215 = arith.constant 1 : i32
          %add3A_216 = arith.addi %mul3A_88, %add3A_215 : i32
          %get3A_217 = arith.index_cast %add3A_216 : i32 to index
          %get3A_218 = arith.constant 0 : index
          %get3A_219 = tpu.vector_load %arg7[%get3A_217, %get3A_218] {strides = array<i32>} : memref<128x128xf32, #tpu.memory_space<vmem>>, vector<1x16xf32>,
          %get3A_220 = vector.shape_cast %get3A_219 : vector<1x16xf32> to vector<16xf32>
          %get3A_221 = arith.index_cast %add3A_216 : i32 to index
          %get3A_222 = arith.constant 0 : index
          %get3A_223 = tpu.vector_load %arg8[%get3A_221, %get3A_222] {strides = array<i32>} : memref<128x128xf32, #tpu.memory_space<vmem>>, vector<1x16xf32>,
          %get3A_224 = vector.shape_cast %get3A_223 : vector<1x16xf32> to vector<16xf32>
          %add3A_225 = arith.addf %get3A_220, %get3A_224 : vector<16xf32>
          %swap3A_226 = arith.index_cast %add3A_216 : i32 to index
          %swap3A_227 = arith.constant 0 : index
          %swap3A_228 = tpu.vector_load %arg7[%swap3A_226, %swap3A_227] {strides = array<i32>} : memref<128x128xf32, #tpu.memory_space<vmem>>, vector<1x16xf32>,
          %swap3A_229 = vector.shape_cast %swap3A_228 : vector<1x16xf32> to vector<16xf32>
          %swap3A_230 = vector.shape_cast %add3A_225 : vector<16xf32> to vector<1x16xf32>
          tpu.vector_store %arg7[%swap3A_226, %swap3A_227], %swap3A_230 {strides = array<i32>} : memref<128x128xf32, #tpu.memory_space<vmem>>, vector<1x16xf32>,
          %add3A_231 = arith.constant 1 : i32
          %add3A_232 = arith.addi %mul3A_88, %add3A_231 : i32
          %get3A_233 = arith.index_cast %add3A_232 : i32 to index
          %get3A_234 = arith.constant 16 : index
          %get3A_235 = tpu.vector_load %arg7[%get3A_233, %get3A_234] {strides = array<i32>} : memref<128x128xf32, #tpu.memory_space<vmem>>, vector<1x16xf32>,
          %get3A_236 = vector.shape_cast %get3A_235 : vector<1x16xf32> to vector<16xf32>
          %get3A_237 = arith.index_cast %add3A_232 : i32 to index
          %get3A_238 = arith.constant 16 : index
          %get3A_239 = tpu.vector_load %arg8[%get3A_237, %get3A_238] {strides = array<i32>} : memref<128x128xf32, #tpu.memory_space<vmem>>, vector<1x16xf32>,
          %get3A_240 = vector.shape_cast %get3A_239 : vector<1x16xf32> to vector<16xf32>
          %add3A_241 = arith.addf %get3A_236, %get3A_240 : vector<16xf32>
          %swap3A_242 = arith.index_cast %add3A_232 : i32 to index
          %swap3A_243 = arith.constant 16 : index
          %swap3A_244 = tpu.vector_load %arg7[%swap3A_242, %swap3A_243] {strides = array<i32>} : memref<128x128xf32, #tpu.memory_space<vmem>>, vector<1x16xf32>,
          %swap3A_245 = vector.shape_cast %swap3A_244 : vector<1x16xf32> to vector<16xf32>
          %swap3A_246 = vector.shape_cast %add3A_241 : vector<16xf32> to vector<1x16xf32>
          tpu.vector_store %arg7[%swap3A_242, %swap3A_243], %swap3A_246 {strides = array<i32>} : memref<128x128xf32, #tpu.memory_space<vmem>>, vector<1x16xf32>,
          %add3A_247 = arith.constant 1 : i32
          %add3A_248 = arith.addi %mul3A_88, %add3A_247 : i32
          %get3A_249 = arith.index_cast %add3A_248 : i32 to index
          %get3A_250 = arith.constant 32 : index
          %get3A_251 = tpu.vector_load %arg7[%get3A_249, %get3A_250] {strides = array<i32>} : memref<128x128xf32, #tpu.memory_space<vmem>>, vector<1x16xf32>,
          %get3A_252 = vector.shape_cast %get3A_251 : vector<1x16xf32> to vector<16xf32>
          %get3A_253 = arith.index_cast %add3A_248 : i32 to index
          %get3A_254 = arith.constant 32 : index
          %get3A_255 = tpu.vector_load %arg8[%get3A_253, %get3A_254] {strides = array<i32>} : memref<128x128xf32, #tpu.memory_space<vmem>>, vector<1x16xf32>,
          %get3A_256 = vector.shape_cast %get3A_255 : vector<1x16xf32> to vector<16xf32>
          %add3A_257 = arith.addf %get3A_252, %get3A_256 : vector<16xf32>
          %swap3A_258 = arith.index_cast %add3A_248 : i32 to index
          %swap3A_259 = arith.constant 32 : index
          %swap3A_260 = tpu.vector_load %arg7[%swap3A_258, %swap3A_259] {strides = array<i32>} : memref<128x128xf32, #tpu.memory_space<vmem>>, vector<1x16xf32>,
          %swap3A_261 = vector.shape_cast %swap3A_260 : vector<1x16xf32> to vector<16xf32>
          %swap3A_262 = vector.shape_cast %add3A_257 : vector<16xf32> to vector<1x16xf32>
          tpu.vector_store %arg7[%swap3A_258, %swap3A_259], %swap3A_262 {strides = array<i32>} : memref<128x128xf32, #tpu.memory_space<vmem>>, vector<1x16xf32>,
          %add3A_263 = arith.constant 1 : i32
          %add3A_264 = arith.addi %mul3A_88, %add3A_263 : i32
          %get3A_265 = arith.index_cast %add3A_264 : i32 to index
          %get3A_266 = arith.constant 48 : index
          %get3A_267 = tpu.vector_load %arg7[%get3A_265, %get3A_266] {strides = array<i32>} : memref<128x128xf32, #tpu.memory_space<vmem>>, vector<1x16xf32>,
          %get3A_268 = vector.shape_cast %get3A_267 : vector<1x16xf32> to vector<16xf32>
          %get3A_269 = arith.index_cast %add3A_264 : i32 to index
          %get3A_270 = arith.constant 48 : index
          %get3A_271 = tpu.vector_load %arg8[%get3A_269, %get3A_270] {strides = array<i32>} : memref<128x128xf32, #tpu.memory_space<vmem>>, vector<1x16xf32>,
          %get3A_272 = vector.shape_cast %get3A_271 : vector<1x16xf32> to vector<16xf32>
          %add3A_273 = arith.addf %get3A_268, %get3A_272 : vector<16xf32>
          %swap3A_274 = arith.index_cast %add3A_264 : i32 to index
          %swap3A_275 = arith.constant 48 : index
          %swap3A_276 = tpu.vector_load %arg7[%swap3A_274, %swap3A_275] {strides = array<i32>} : memref<128x128xf32, #tpu.memory_space<vmem>>, vector<1x16xf32>,
          %swap3A_277 = vector.shape_cast %swap3A_276 : vector<1x16xf32> to vector<16xf32>
          %swap3A_278 = vector.shape_cast %add3A_273 : vector<16xf32> to vector<1x16xf32>
          tpu.vector_store %arg7[%swap3A_274, %swap3A_275], %swap3A_278 {strides = array<i32>} : memref<128x128xf32, #tpu.memory_space<vmem>>, vector<1x16xf32>,
          %add3A_279 = arith.constant 1 : i32
          %add3A_280 = arith.addi %mul3A_88, %add3A_279 : i32
          %get3A_281 = arith.index_cast %add3A_280 : i32 to index
          %get3A_282 = arith.constant 64 : index
          %get3A_283 = tpu.vector_load %arg7[%get3A_281, %get3A_282] {strides = array<i32>} : memref<128x128xf32, #tpu.memory_space<vmem>>, vector<1x16xf32>,
          %get3A_284 = vector.shape_cast %get3A_283 : vector<1x16xf32> to vector<16xf32>
          %get3A_285 = arith.index_cast %add3A_280 : i32 to index
          %get3A_286 = arith.constant 64 : index
          %get3A_287 = tpu.vector_load %arg8[%get3A_285, %get3A_286] {strides = array<i32>} : memref<128x128xf32, #tpu.memory_space<vmem>>, vector<1x16xf32>,
          %get3A_288 = vector.shape_cast %get3A_287 : vector<1x16xf32> to vector<16xf32>
          %add3A_289 = arith.addf %get3A_284, %get3A_288 : vector<16xf32>
          %swap3A_290 = arith.index_cast %add3A_280 : i32 to index
          %swap3A_291 = arith.constant 64 : index
          %swap3A_292 = tpu.vector_load %arg7[%swap3A_290, %swap3A_291] {strides = array<i32>} : memref<128x128xf32, #tpu.memory_space<vmem>>, vector<1x16xf32>,
          %swap3A_293 = vector.shape_cast %swap3A_292 : vector<1x16xf32> to vector<16xf32>
          %swap3A_294 = vector.shape_cast %add3A_289 : vector<16xf32> to vector<1x16xf32>
          tpu.vector_store %arg7[%swap3A_290, %swap3A_291], %swap3A_294 {strides = array<i32>} : memref<128x128xf32, #tpu.memory_space<vmem>>, vector<1x16xf32>,
          %add3A_295 = arith.constant 1 : i32
          %add3A_296 = arith.addi %mul3A_88, %add3A_295 : i32
          %get3A_297 = arith.index_cast %add3A_296 : i32 to index
          %get3A_298 = arith.constant 80 : index
          %get3A_299 = tpu.vector_load %arg7[%get3A_297, %get3A_298] {strides = array<i32>} : memref<128x128xf32, #tpu.memory_space<vmem>>, vector<1x16xf32>,
          %get3A_300 = vector.shape_cast %get3A_299 : vector<1x16xf32> to vector<16xf32>
          %get3A_301 = arith.index_cast %add3A_296 : i32 to index
          %get3A_302 = arith.constant 80 : index
          %get3A_303 = tpu.vector_load %arg8[%get3A_301, %get3A_302] {strides = array<i32>} : memref<128x128xf32, #tpu.memory_space<vmem>>, vector<1x16xf32>,
          %get3A_304 = vector.shape_cast %get3A_303 : vector<1x16xf32> to vector<16xf32>
          %add3A_305 = arith.addf %get3A_300, %get3A_304 : vector<16xf32>
          %swap3A_306 = arith.index_cast %add3A_296 : i32 to index
          %swap3A_307 = arith.constant 80 : index
          %swap3A_308 = tpu.vector_load %arg7[%swap3A_306, %swap3A_307] {strides = array<i32>} : memref<128x128xf32, #tpu.memory_space<vmem>>, vector<1x16xf32>,
          %swap3A_309 = vector.shape_cast %swap3A_308 : vector<1x16xf32> to vector<16xf32>
          %swap3A_310 = vector.shape_cast %add3A_305 : vector<16xf32> to vector<1x16xf32>
          tpu.vector_store %arg7[%swap3A_306, %swap3A_307], %swap3A_310 {strides = array<i32>} : memref<128x128xf32, #tpu.memory_space<vmem>>, vector<1x16xf32>,
          %add3A_311 = arith.constant 1 : i32
          %add3A_312 = arith.addi %mul3A_88, %add3A_311 : i32
          %get3A_313 = arith.index_cast %add3A_312 : i32 to index
          %get3A_314 = arith.constant 96 : index
          %get3A_315 = tpu.vector_load %arg7[%get3A_313, %get3A_314] {strides = array<i32>} : memref<128x128xf32, #tpu.memory_space<vmem>>, vector<1x16xf32>,
          %get3A_316 = vector.shape_cast %get3A_315 : vector<1x16xf32> to vector<16xf32>
          %get3A_317 = arith.index_cast %add3A_312 : i32 to index
          %get3A_318 = arith.constant 96 : index
          %get3A_319 = tpu.vector_load %arg8[%get3A_317, %get3A_318] {strides = array<i32>} : memref<128x128xf32, #tpu.memory_space<vmem>>, vector<1x16xf32>,
          %get3A_320 = vector.shape_cast %get3A_319 : vector<1x16xf32> to vector<16xf32>
          %add3A_321 = arith.addf %get3A_316, %get3A_320 : vector<16xf32>
          %swap3A_322 = arith.index_cast %add3A_312 : i32 to index
          %swap3A_323 = arith.constant 96 : index
          %swap3A_324 = tpu.vector_load %arg7[%swap3A_322, %swap3A_323] {strides = array<i32>} : memref<128x128xf32, #tpu.memory_space<vmem>>, vector<1x16xf32>,
          %swap3A_325 = vector.shape_cast %swap3A_324 : vector<1x16xf32> to vector<16xf32>
          %swap3A_326 = vector.shape_cast %add3A_321 : vector<16xf32> to vector<1x16xf32>
          tpu.vector_store %arg7[%swap3A_322, %swap3A_323], %swap3A_326 {strides = array<i32>} : memref<128x128xf32, #tpu.memory_space<vmem>>, vector<1x16xf32>,
          %add3A_327 = arith.constant 1 : i32
          %add3A_328 = arith.addi %mul3A_88, %add3A_327 : i32
          %get3A_329 = arith.index_cast %add3A_328 : i32 to index
          %get3A_330 = arith.constant 112 : index
          %get3A_331 = tpu.vector_load %arg7[%get3A_329, %get3A_330] {strides = array<i32>} : memref<128x128xf32, #tpu.memory_space<vmem>>, vector<1x16xf32>,
          %get3A_332 = vector.shape_cast %get3A_331 : vector<1x16xf32> to vector<16xf32>
          %get3A_333 = arith.index_cast %add3A_328 : i32 to index
          %get3A_334 = arith.constant 112 : index
          %get3A_335 = tpu.vector_load %arg8[%get3A_333, %get3A_334] {strides = array<i32>} : memref<128x128xf32, #tpu.memory_space<vmem>>, vector<1x16xf32>,
          %get3A_336 = vector.shape_cast %get3A_335 : vector<1x16xf32> to vector<16xf32>
          %add3A_337 = arith.addf %get3A_332, %get3A_336 : vector<16xf32>
          %swap3A_338 = arith.index_cast %add3A_328 : i32 to index
          %swap3A_339 = arith.constant 112 : index
          %swap3A_340 = tpu.vector_load %arg7[%swap3A_338, %swap3A_339] {strides = array<i32>} : memref<128x128xf32, #tpu.memory_space<vmem>>, vector<1x16xf32>,
          %swap3A_341 = vector.shape_cast %swap3A_340 : vector<1x16xf32> to vector<16xf32>
          %swap3A_342 = vector.shape_cast %add3A_337 : vector<16xf32> to vector<1x16xf32>
          tpu.vector_store %arg7[%swap3A_338, %swap3A_339], %swap3A_342 {strides = array<i32>} : memref<128x128xf32, #tpu.memory_space<vmem>>, vector<1x16xf32>,
        }
        %scan3A_79 = arith.constant 64 : i32
        %add3A_80 = arith.addi %add3A_4, %mul3A_37 : i32
        %mul3A_81 = arith.constant 128 : i32
        %mul3A_82 = arith.muli %add3A_80, %mul3A_81 : i32
        %dma_start3A = arith.constant 0 : i32
        %dma_start3A_83 = tpu.memref_slice %arg5[%mul3A_82, %dma_start3A] : memref<112000x128xf32, #tpu.memory_space<hbm>> -> memref<128x128xf32, #tpu.memory_space<hbm>>
        %dma_start3A_84 = arith.constant 0 : i32
        %dma_start3A_85 = tpu.memref_slice %arg5[%mul3A_82, %dma_start3A_84] : memref<112000x128xf32, #tpu.memory_space<hbm>> -> memref<128x128xf32, #tpu.memory_space<hbm>>
        tpu.enqueue_dma source(%arg7 : memref<128x128xf32, #tpu.memory_space<vmem>>) target(%dma_start3A_85 : memref<128x128xf32, #tpu.memory_space<hbm>>) target_semaphore(%arg15 : memref<!tpu.dma_semaphore, #tpu.memory_space<semaphore_mem>>)
      } else {
      }
      %add3A_42 = arith.constant 1 : i32
      %add3A_43 = arith.addi %mul3A_37, %add3A_42 : i32
      %lt3A_44 = arith.cmpi slt, %add3A_43, %select_n3A : i32
      %convert_element_type3A_45 = arith.extui %lt3A_44 : i1 to i32
      %cond3A_46 = arith.constant 0 : i32
      %cond3A_47 = arith.cmpi ne, %convert_element_type3A_45, %cond3A_46 : i32
      scf.if %cond3A_47 {
        %dma_wait3A_60 = arith.constant 0 : i32
        %dma_wait3A_61 = arith.constant 0 : i32
        %dma_wait3A_62 = tpu.memref_slice %arg6[%add3A_43, %dma_wait3A_60, %dma_wait3A_61] : memref<28x2x128xi32, #tpu.memory_space<vmem>> -> memref<1x1x128xi32, #tpu.memory_space<vmem>>
        %dma_wait3A_63 = tpu.memref_squeeze %dma_wait3A_62 : memref<1x1x128xi32, #tpu.memory_space<vmem>> -> memref<128xi32, #tpu.memory_space<vmem>>
        %dma_wait3A_64 = arith.constant 0 : i32
        %dma_wait3A_65 = arith.constant 0 : i32
        %dma_wait3A_66 = tpu.memref_slice %arg2[%dma_wait3A_64, %dma_wait3A_65] : memref<10000x128xf32, #tpu.memory_space<hbm>> -> memref<10000x128xf32, #tpu.memory_space<hbm>>
        tpu.wait_indirect_dma semaphore(%arg13 : memref<!tpu.dma_semaphore, #tpu.memory_space<semaphore_mem>>) src(%dma_wait3A_66 : memref<10000x128xf32, #tpu.memory_space<hbm>>) dst(%arg9 : memref<128x128xf32, #tpu.memory_space<vmem>>)
        %dma_wait3A_67 = arith.constant 1 : i32
        %dma_wait3A_68 = arith.constant 0 : i32
        %dma_wait3A_69 = tpu.memref_slice %arg6[%add3A_43, %dma_wait3A_67, %dma_wait3A_68] : memref<28x2x128xi32, #tpu.memory_space<vmem>> -> memref<1x1x128xi32, #tpu.memory_space<vmem>>
        %dma_wait3A_70 = tpu.memref_squeeze %dma_wait3A_69 : memref<1x1x128xi32, #tpu.memory_space<vmem>> -> memref<128xi32, #tpu.memory_space<vmem>>
        %dma_wait3A_71 = arith.constant 0 : i32
        %dma_wait3A_72 = arith.constant 0 : i32
        %dma_wait3A_73 = tpu.memref_slice %arg3[%dma_wait3A_71, %dma_wait3A_72] : memref<10000x128xf32, #tpu.memory_space<hbm>> -> memref<10000x128xf32, #tpu.memory_space<hbm>>
        tpu.wait_indirect_dma semaphore(%arg14 : memref<!tpu.dma_semaphore, #tpu.memory_space<semaphore_mem>>) src(%dma_wait3A_73 : memref<10000x128xf32, #tpu.memory_space<hbm>>) dst(%arg10 : memref<128x128xf32, #tpu.memory_space<vmem>>)
        %scan3A_74 = arith.constant 0 : i32
        %scan3A_75 = arith.constant 0 : i32
        %scan3A_76 = arith.constant 64 : i32
        %scan3A_77 = arith.addi %scan3A_75, %scan3A_76 : i32
        %scan3A_78 = arith.constant 1 : i32
        scf.for %scan3A_86 = %scan3A_75 to %scan3A_77 step %scan3A_78  : i32 {
          %mul3A_87 = arith.constant 2 : i32
          %mul3A_88 = arith.muli %scan3A_86, %mul3A_87 : i32
          %add3A_89 = arith.constant 0 : i32
          %add3A_90 = arith.addi %mul3A_88, %add3A_89 : i32
          %get3A = arith.index_cast %add3A_90 : i32 to index
          %get3A_91 = arith.constant 0 : index
          %get3A_92 = tpu.vector_load %arg9[%get3A, %get3A_91] {strides = array<i32>} : memref<128x128xf32, #tpu.memory_space<vmem>>, vector<1x16xf32>,
          %get3A_93 = vector.shape_cast %get3A_92 : vector<1x16xf32> to vector<16xf32>
          %get3A_94 = arith.index_cast %add3A_90 : i32 to index
          %get3A_95 = arith.constant 0 : index
          %get3A_96 = tpu.vector_load %arg10[%get3A_94, %get3A_95] {strides = array<i32>} : memref<128x128xf32, #tpu.memory_space<vmem>>, vector<1x16xf32>,
          %get3A_97 = vector.shape_cast %get3A_96 : vector<1x16xf32> to vector<16xf32>
          %add3A_98 = arith.addf %get3A_93, %get3A_97 : vector<16xf32>
          %swap3A = arith.index_cast %add3A_90 : i32 to index
          %swap3A_99 = arith.constant 0 : index
          %swap3A_100 = tpu.vector_load %arg9[%swap3A, %swap3A_99] {strides = array<i32>} : memref<128x128xf32, #tpu.memory_space<vmem>>, vector<1x16xf32>,
          %swap3A_101 = vector.shape_cast %swap3A_100 : vector<1x16xf32> to vector<16xf32>
          %swap3A_102 = vector.shape_cast %add3A_98 : vector<16xf32> to vector<1x16xf32>
          tpu.vector_store %arg9[%swap3A, %swap3A_99], %swap3A_102 {strides = array<i32>} : memref<128x128xf32, #tpu.memory_space<vmem>>, vector<1x16xf32>,
          %add3A_103 = arith.constant 0 : i32
          %add3A_104 = arith.addi %mul3A_88, %add3A_103 : i32
          %get3A_105 = arith.index_cast %add3A_104 : i32 to index
          %get3A_106 = arith.constant 16 : index
          %get3A_107 = tpu.vector_load %arg9[%get3A_105, %get3A_106] {strides = array<i32>} : memref<128x128xf32, #tpu.memory_space<vmem>>, vector<1x16xf32>,
          %get3A_108 = vector.shape_cast %get3A_107 : vector<1x16xf32> to vector<16xf32>
          %get3A_109 = arith.index_cast %add3A_104 : i32 to index
          %get3A_110 = arith.constant 16 : index
          %get3A_111 = tpu.vector_load %arg10[%get3A_109, %get3A_110] {strides = array<i32>} : memref<128x128xf32, #tpu.memory_space<vmem>>, vector<1x16xf32>,
          %get3A_112 = vector.shape_cast %get3A_111 : vector<1x16xf32> to vector<16xf32>
          %add3A_113 = arith.addf %get3A_108, %get3A_112 : vector<16xf32>
          %swap3A_114 = arith.index_cast %add3A_104 : i32 to index
          %swap3A_115 = arith.constant 16 : index
          %swap3A_116 = tpu.vector_load %arg9[%swap3A_114, %swap3A_115] {strides = array<i32>} : memref<128x128xf32, #tpu.memory_space<vmem>>, vector<1x16xf32>,
          %swap3A_117 = vector.shape_cast %swap3A_116 : vector<1x16xf32> to vector<16xf32>
          %swap3A_118 = vector.shape_cast %add3A_113 : vector<16xf32> to vector<1x16xf32>
          tpu.vector_store %arg9[%swap3A_114, %swap3A_115], %swap3A_118 {strides = array<i32>} : memref<128x128xf32, #tpu.memory_space<vmem>>, vector<1x16xf32>,
          %add3A_119 = arith.constant 0 : i32
          %add3A_120 = arith.addi %mul3A_88, %add3A_119 : i32
          %get3A_121 = arith.index_cast %add3A_120 : i32 to index
          %get3A_122 = arith.constant 32 : index
          %get3A_123 = tpu.vector_load %arg9[%get3A_121, %get3A_122] {strides = array<i32>} : memref<128x128xf32, #tpu.memory_space<vmem>>, vector<1x16xf32>,
          %get3A_124 = vector.shape_cast %get3A_123 : vector<1x16xf32> to vector<16xf32>
          %get3A_125 = arith.index_cast %add3A_120 : i32 to index
          %get3A_126 = arith.constant 32 : index
          %get3A_127 = tpu.vector_load %arg10[%get3A_125, %get3A_126] {strides = array<i32>} : memref<128x128xf32, #tpu.memory_space<vmem>>, vector<1x16xf32>,
          %get3A_128 = vector.shape_cast %get3A_127 : vector<1x16xf32> to vector<16xf32>
          %add3A_129 = arith.addf %get3A_124, %get3A_128 : vector<16xf32>
          %swap3A_130 = arith.index_cast %add3A_120 : i32 to index
          %swap3A_131 = arith.constant 32 : index
          %swap3A_132 = tpu.vector_load %arg9[%swap3A_130, %swap3A_131] {strides = array<i32>} : memref<128x128xf32, #tpu.memory_space<vmem>>, vector<1x16xf32>,
          %swap3A_133 = vector.shape_cast %swap3A_132 : vector<1x16xf32> to vector<16xf32>
          %swap3A_134 = vector.shape_cast %add3A_129 : vector<16xf32> to vector<1x16xf32>
          tpu.vector_store %arg9[%swap3A_130, %swap3A_131], %swap3A_134 {strides = array<i32>} : memref<128x128xf32, #tpu.memory_space<vmem>>, vector<1x16xf32>,
          %add3A_135 = arith.constant 0 : i32
          %add3A_136 = arith.addi %mul3A_88, %add3A_135 : i32
          %get3A_137 = arith.index_cast %add3A_136 : i32 to index
          %get3A_138 = arith.constant 48 : index
          %get3A_139 = tpu.vector_load %arg9[%get3A_137, %get3A_138] {strides = array<i32>} : memref<128x128xf32, #tpu.memory_space<vmem>>, vector<1x16xf32>,
          %get3A_140 = vector.shape_cast %get3A_139 : vector<1x16xf32> to vector<16xf32>
          %get3A_141 = arith.index_cast %add3A_136 : i32 to index
          %get3A_142 = arith.constant 48 : index
          %get3A_143 = tpu.vector_load %arg10[%get3A_141, %get3A_142] {strides = array<i32>} : memref<128x128xf32, #tpu.memory_space<vmem>>, vector<1x16xf32>,
          %get3A_144 = vector.shape_cast %get3A_143 : vector<1x16xf32> to vector<16xf32>
          %add3A_145 = arith.addf %get3A_140, %get3A_144 : vector<16xf32>
          %swap3A_146 = arith.index_cast %add3A_136 : i32 to index
          %swap3A_147 = arith.constant 48 : index
          %swap3A_148 = tpu.vector_load %arg9[%swap3A_146, %swap3A_147] {strides = array<i32>} : memref<128x128xf32, #tpu.memory_space<vmem>>, vector<1x16xf32>,
          %swap3A_149 = vector.shape_cast %swap3A_148 : vector<1x16xf32> to vector<16xf32>
          %swap3A_150 = vector.shape_cast %add3A_145 : vector<16xf32> to vector<1x16xf32>
          tpu.vector_store %arg9[%swap3A_146, %swap3A_147], %swap3A_150 {strides = array<i32>} : memref<128x128xf32, #tpu.memory_space<vmem>>, vector<1x16xf32>,
          %add3A_151 = arith.constant 0 : i32
          %add3A_152 = arith.addi %mul3A_88, %add3A_151 : i32
          %get3A_153 = arith.index_cast %add3A_152 : i32 to index
          %get3A_154 = arith.constant 64 : index
          %get3A_155 = tpu.vector_load %arg9[%get3A_153, %get3A_154] {strides = array<i32>} : memref<128x128xf32, #tpu.memory_space<vmem>>, vector<1x16xf32>,
          %get3A_156 = vector.shape_cast %get3A_155 : vector<1x16xf32> to vector<16xf32>
          %get3A_157 = arith.index_cast %add3A_152 : i32 to index
          %get3A_158 = arith.constant 64 : index
          %get3A_159 = tpu.vector_load %arg10[%get3A_157, %get3A_158] {strides = array<i32>} : memref<128x128xf32, #tpu.memory_space<vmem>>, vector<1x16xf32>,
          %get3A_160 = vector.shape_cast %get3A_159 : vector<1x16xf32> to vector<16xf32>
          %add3A_161 = arith.addf %get3A_156, %get3A_160 : vector<16xf32>
          %swap3A_162 = arith.index_cast %add3A_152 : i32 to index
          %swap3A_163 = arith.constant 64 : index
          %swap3A_164 = tpu.vector_load %arg9[%swap3A_162, %swap3A_163] {strides = array<i32>} : memref<128x128xf32, #tpu.memory_space<vmem>>, vector<1x16xf32>,
          %swap3A_165 = vector.shape_cast %swap3A_164 : vector<1x16xf32> to vector<16xf32>
          %swap3A_166 = vector.shape_cast %add3A_161 : vector<16xf32> to vector<1x16xf32>
          tpu.vector_store %arg9[%swap3A_162, %swap3A_163], %swap3A_166 {strides = array<i32>} : memref<128x128xf32, #tpu.memory_space<vmem>>, vector<1x16xf32>,
          %add3A_167 = arith.constant 0 : i32
          %add3A_168 = arith.addi %mul3A_88, %add3A_167 : i32
          %get3A_169 = arith.index_cast %add3A_168 : i32 to index
          %get3A_170 = arith.constant 80 : index
          %get3A_171 = tpu.vector_load %arg9[%get3A_169, %get3A_170] {strides = array<i32>} : memref<128x128xf32, #tpu.memory_space<vmem>>, vector<1x16xf32>,
          %get3A_172 = vector.shape_cast %get3A_171 : vector<1x16xf32> to vector<16xf32>
          %get3A_173 = arith.index_cast %add3A_168 : i32 to index
          %get3A_174 = arith.constant 80 : index
          %get3A_175 = tpu.vector_load %arg10[%get3A_173, %get3A_174] {strides = array<i32>} : memref<128x128xf32, #tpu.memory_space<vmem>>, vector<1x16xf32>,
          %get3A_176 = vector.shape_cast %get3A_175 : vector<1x16xf32> to vector<16xf32>
          %add3A_177 = arith.addf %get3A_172, %get3A_176 : vector<16xf32>
          %swap3A_178 = arith.index_cast %add3A_168 : i32 to index
          %swap3A_179 = arith.constant 80 : index
          %swap3A_180 = tpu.vector_load %arg9[%swap3A_178, %swap3A_179] {strides = array<i32>} : memref<128x128xf32, #tpu.memory_space<vmem>>, vector<1x16xf32>,
          %swap3A_181 = vector.shape_cast %swap3A_180 : vector<1x16xf32> to vector<16xf32>
          %swap3A_182 = vector.shape_cast %add3A_177 : vector<16xf32> to vector<1x16xf32>
          tpu.vector_store %arg9[%swap3A_178, %swap3A_179], %swap3A_182 {strides = array<i32>} : memref<128x128xf32, #tpu.memory_space<vmem>>, vector<1x16xf32>,
          %add3A_183 = arith.constant 0 : i32
          %add3A_184 = arith.addi %mul3A_88, %add3A_183 : i32
          %get3A_185 = arith.index_cast %add3A_184 : i32 to index
          %get3A_186 = arith.constant 96 : index
          %get3A_187 = tpu.vector_load %arg9[%get3A_185, %get3A_186] {strides = array<i32>} : memref<128x128xf32, #tpu.memory_space<vmem>>, vector<1x16xf32>,
          %get3A_188 = vector.shape_cast %get3A_187 : vector<1x16xf32> to vector<16xf32>
          %get3A_189 = arith.index_cast %add3A_184 : i32 to index
          %get3A_190 = arith.constant 96 : index
          %get3A_191 = tpu.vector_load %arg10[%get3A_189, %get3A_190] {strides = array<i32>} : memref<128x128xf32, #tpu.memory_space<vmem>>, vector<1x16xf32>,
          %get3A_192 = vector.shape_cast %get3A_191 : vector<1x16xf32> to vector<16xf32>
          %add3A_193 = arith.addf %get3A_188, %get3A_192 : vector<16xf32>
          %swap3A_194 = arith.index_cast %add3A_184 : i32 to index
          %swap3A_195 = arith.constant 96 : index
          %swap3A_196 = tpu.vector_load %arg9[%swap3A_194, %swap3A_195] {strides = array<i32>} : memref<128x128xf32, #tpu.memory_space<vmem>>, vector<1x16xf32>,
          %swap3A_197 = vector.shape_cast %swap3A_196 : vector<1x16xf32> to vector<16xf32>
          %swap3A_198 = vector.shape_cast %add3A_193 : vector<16xf32> to vector<1x16xf32>
          tpu.vector_store %arg9[%swap3A_194, %swap3A_195], %swap3A_198 {strides = array<i32>} : memref<128x128xf32, #tpu.memory_space<vmem>>, vector<1x16xf32>,
          %add3A_199 = arith.constant 0 : i32
          %add3A_200 = arith.addi %mul3A_88, %add3A_199 : i32
          %get3A_201 = arith.index_cast %add3A_200 : i32 to index
          %get3A_202 = arith.constant 112 : index
          %get3A_203 = tpu.vector_load %arg9[%get3A_201, %get3A_202] {strides = array<i32>} : memref<128x128xf32, #tpu.memory_space<vmem>>, vector<1x16xf32>,
          %get3A_204 = vector.shape_cast %get3A_203 : vector<1x16xf32> to vector<16xf32>
          %get3A_205 = arith.index_cast %add3A_200 : i32 to index
          %get3A_206 = arith.constant 112 : index
          %get3A_207 = tpu.vector_load %arg10[%get3A_205, %get3A_206] {strides = array<i32>} : memref<128x128xf32, #tpu.memory_space<vmem>>, vector<1x16xf32>,
          %get3A_208 = vector.shape_cast %get3A_207 : vector<1x16xf32> to vector<16xf32>
          %add3A_209 = arith.addf %get3A_204, %get3A_208 : vector<16xf32>
          %swap3A_210 = arith.index_cast %add3A_200 : i32 to index
          %swap3A_211 = arith.constant 112 : index
          %swap3A_212 = tpu.vector_load %arg9[%swap3A_210, %swap3A_211] {strides = array<i32>} : memref<128x128xf32, #tpu.memory_space<vmem>>, vector<1x16xf32>,
          %swap3A_213 = vector.shape_cast %swap3A_212 : vector<1x16xf32> to vector<16xf32>
          %swap3A_214 = vector.shape_cast %add3A_209 : vector<16xf32> to vector<1x16xf32>
          tpu.vector_store %arg9[%swap3A_210, %swap3A_211], %swap3A_214 {strides = array<i32>} : memref<128x128xf32, #tpu.memory_space<vmem>>, vector<1x16xf32>,
          %add3A_215 = arith.constant 1 : i32
          %add3A_216 = arith.addi %mul3A_88, %add3A_215 : i32
          %get3A_217 = arith.index_cast %add3A_216 : i32 to index
          %get3A_218 = arith.constant 0 : index
          %get3A_219 = tpu.vector_load %arg9[%get3A_217, %get3A_218] {strides = array<i32>} : memref<128x128xf32, #tpu.memory_space<vmem>>, vector<1x16xf32>,
          %get3A_220 = vector.shape_cast %get3A_219 : vector<1x16xf32> to vector<16xf32>
          %get3A_221 = arith.index_cast %add3A_216 : i32 to index
          %get3A_222 = arith.constant 0 : index
          %get3A_223 = tpu.vector_load %arg10[%get3A_221, %get3A_222] {strides = array<i32>} : memref<128x128xf32, #tpu.memory_space<vmem>>, vector<1x16xf32>,
          %get3A_224 = vector.shape_cast %get3A_223 : vector<1x16xf32> to vector<16xf32>
          %add3A_225 = arith.addf %get3A_220, %get3A_224 : vector<16xf32>
          %swap3A_226 = arith.index_cast %add3A_216 : i32 to index
          %swap3A_227 = arith.constant 0 : index
          %swap3A_228 = tpu.vector_load %arg9[%swap3A_226, %swap3A_227] {strides = array<i32>} : memref<128x128xf32, #tpu.memory_space<vmem>>, vector<1x16xf32>,
          %swap3A_229 = vector.shape_cast %swap3A_228 : vector<1x16xf32> to vector<16xf32>
          %swap3A_230 = vector.shape_cast %add3A_225 : vector<16xf32> to vector<1x16xf32>
          tpu.vector_store %arg9[%swap3A_226, %swap3A_227], %swap3A_230 {strides = array<i32>} : memref<128x128xf32, #tpu.memory_space<vmem>>, vector<1x16xf32>,
          %add3A_231 = arith.constant 1 : i32
          %add3A_232 = arith.addi %mul3A_88, %add3A_231 : i32
          %get3A_233 = arith.index_cast %add3A_232 : i32 to index
          %get3A_234 = arith.constant 16 : index
          %get3A_235 = tpu.vector_load %arg9[%get3A_233, %get3A_234] {strides = array<i32>} : memref<128x128xf32, #tpu.memory_space<vmem>>, vector<1x16xf32>,
          %get3A_236 = vector.shape_cast %get3A_235 : vector<1x16xf32> to vector<16xf32>
          %get3A_237 = arith.index_cast %add3A_232 : i32 to index
          %get3A_238 = arith.constant 16 : index
          %get3A_239 = tpu.vector_load %arg10[%get3A_237, %get3A_238] {strides = array<i32>} : memref<128x128xf32, #tpu.memory_space<vmem>>, vector<1x16xf32>,
          %get3A_240 = vector.shape_cast %get3A_239 : vector<1x16xf32> to vector<16xf32>
          %add3A_241 = arith.addf %get3A_236, %get3A_240 : vector<16xf32>
          %swap3A_242 = arith.index_cast %add3A_232 : i32 to index
          %swap3A_243 = arith.constant 16 : index
          %swap3A_244 = tpu.vector_load %arg9[%swap3A_242, %swap3A_243] {strides = array<i32>} : memref<128x128xf32, #tpu.memory_space<vmem>>, vector<1x16xf32>,
          %swap3A_245 = vector.shape_cast %swap3A_244 : vector<1x16xf32> to vector<16xf32>
          %swap3A_246 = vector.shape_cast %add3A_241 : vector<16xf32> to vector<1x16xf32>
          tpu.vector_store %arg9[%swap3A_242, %swap3A_243], %swap3A_246 {strides = array<i32>} : memref<128x128xf32, #tpu.memory_space<vmem>>, vector<1x16xf32>,
          %add3A_247 = arith.constant 1 : i32
          %add3A_248 = arith.addi %mul3A_88, %add3A_247 : i32
          %get3A_249 = arith.index_cast %add3A_248 : i32 to index
          %get3A_250 = arith.constant 32 : index
          %get3A_251 = tpu.vector_load %arg9[%get3A_249, %get3A_250] {strides = array<i32>} : memref<128x128xf32, #tpu.memory_space<vmem>>, vector<1x16xf32>,
          %get3A_252 = vector.shape_cast %get3A_251 : vector<1x16xf32> to vector<16xf32>
          %get3A_253 = arith.index_cast %add3A_248 : i32 to index
          %get3A_254 = arith.constant 32 : index
          %get3A_255 = tpu.vector_load %arg10[%get3A_253, %get3A_254] {strides = array<i32>} : memref<128x128xf32, #tpu.memory_space<vmem>>, vector<1x16xf32>,
          %get3A_256 = vector.shape_cast %get3A_255 : vector<1x16xf32> to vector<16xf32>
          %add3A_257 = arith.addf %get3A_252, %get3A_256 : vector<16xf32>
          %swap3A_258 = arith.index_cast %add3A_248 : i32 to index
          %swap3A_259 = arith.constant 32 : index
          %swap3A_260 = tpu.vector_load %arg9[%swap3A_258, %swap3A_259] {strides = array<i32>} : memref<128x128xf32, #tpu.memory_space<vmem>>, vector<1x16xf32>,
          %swap3A_261 = vector.shape_cast %swap3A_260 : vector<1x16xf32> to vector<16xf32>
          %swap3A_262 = vector.shape_cast %add3A_257 : vector<16xf32> to vector<1x16xf32>
          tpu.vector_store %arg9[%swap3A_258, %swap3A_259], %swap3A_262 {strides = array<i32>} : memref<128x128xf32, #tpu.memory_space<vmem>>, vector<1x16xf32>,
          %add3A_263 = arith.constant 1 : i32
          %add3A_264 = arith.addi %mul3A_88, %add3A_263 : i32
          %get3A_265 = arith.index_cast %add3A_264 : i32 to index
          %get3A_266 = arith.constant 48 : index
          %get3A_267 = tpu.vector_load %arg9[%get3A_265, %get3A_266] {strides = array<i32>} : memref<128x128xf32, #tpu.memory_space<vmem>>, vector<1x16xf32>,
          %get3A_268 = vector.shape_cast %get3A_267 : vector<1x16xf32> to vector<16xf32>
          %get3A_269 = arith.index_cast %add3A_264 : i32 to index
          %get3A_270 = arith.constant 48 : index
          %get3A_271 = tpu.vector_load %arg10[%get3A_269, %get3A_270] {strides = array<i32>} : memref<128x128xf32, #tpu.memory_space<vmem>>, vector<1x16xf32>,
          %get3A_272 = vector.shape_cast %get3A_271 : vector<1x16xf32> to vector<16xf32>
          %add3A_273 = arith.addf %get3A_268, %get3A_272 : vector<16xf32>
          %swap3A_274 = arith.index_cast %add3A_264 : i32 to index
          %swap3A_275 = arith.constant 48 : index
          %swap3A_276 = tpu.vector_load %arg9[%swap3A_274, %swap3A_275] {strides = array<i32>} : memref<128x128xf32, #tpu.memory_space<vmem>>, vector<1x16xf32>,
          %swap3A_277 = vector.shape_cast %swap3A_276 : vector<1x16xf32> to vector<16xf32>
          %swap3A_278 = vector.shape_cast %add3A_273 : vector<16xf32> to vector<1x16xf32>
          tpu.vector_store %arg9[%swap3A_274, %swap3A_275], %swap3A_278 {strides = array<i32>} : memref<128x128xf32, #tpu.memory_space<vmem>>, vector<1x16xf32>,
          %add3A_279 = arith.constant 1 : i32
          %add3A_280 = arith.addi %mul3A_88, %add3A_279 : i32
          %get3A_281 = arith.index_cast %add3A_280 : i32 to index
          %get3A_282 = arith.constant 64 : index
          %get3A_283 = tpu.vector_load %arg9[%get3A_281, %get3A_282] {strides = array<i32>} : memref<128x128xf32, #tpu.memory_space<vmem>>, vector<1x16xf32>,
          %get3A_284 = vector.shape_cast %get3A_283 : vector<1x16xf32> to vector<16xf32>
          %get3A_285 = arith.index_cast %add3A_280 : i32 to index
          %get3A_286 = arith.constant 64 : index
          %get3A_287 = tpu.vector_load %arg10[%get3A_285, %get3A_286] {strides = array<i32>} : memref<128x128xf32, #tpu.memory_space<vmem>>, vector<1x16xf32>,
          %get3A_288 = vector.shape_cast %get3A_287 : vector<1x16xf32> to vector<16xf32>
          %add3A_289 = arith.addf %get3A_284, %get3A_288 : vector<16xf32>
          %swap3A_290 = arith.index_cast %add3A_280 : i32 to index
          %swap3A_291 = arith.constant 64 : index
          %swap3A_292 = tpu.vector_load %arg9[%swap3A_290, %swap3A_291] {strides = array<i32>} : memref<128x128xf32, #tpu.memory_space<vmem>>, vector<1x16xf32>,
          %swap3A_293 = vector.shape_cast %swap3A_292 : vector<1x16xf32> to vector<16xf32>
          %swap3A_294 = vector.shape_cast %add3A_289 : vector<16xf32> to vector<1x16xf32>
          tpu.vector_store %arg9[%swap3A_290, %swap3A_291], %swap3A_294 {strides = array<i32>} : memref<128x128xf32, #tpu.memory_space<vmem>>, vector<1x16xf32>,
          %add3A_295 = arith.constant 1 : i32
          %add3A_296 = arith.addi %mul3A_88, %add3A_295 : i32
          %get3A_297 = arith.index_cast %add3A_296 : i32 to index
          %get3A_298 = arith.constant 80 : index
          %get3A_299 = tpu.vector_load %arg9[%get3A_297, %get3A_298] {strides = array<i32>} : memref<128x128xf32, #tpu.memory_space<vmem>>, vector<1x16xf32>,
          %get3A_300 = vector.shape_cast %get3A_299 : vector<1x16xf32> to vector<16xf32>
          %get3A_301 = arith.index_cast %add3A_296 : i32 to index
          %get3A_302 = arith.constant 80 : index
          %get3A_303 = tpu.vector_load %arg10[%get3A_301, %get3A_302] {strides = array<i32>} : memref<128x128xf32, #tpu.memory_space<vmem>>, vector<1x16xf32>,
          %get3A_304 = vector.shape_cast %get3A_303 : vector<1x16xf32> to vector<16xf32>
          %add3A_305 = arith.addf %get3A_300, %get3A_304 : vector<16xf32>
          %swap3A_306 = arith.index_cast %add3A_296 : i32 to index
          %swap3A_307 = arith.constant 80 : index
          %swap3A_308 = tpu.vector_load %arg9[%swap3A_306, %swap3A_307] {strides = array<i32>} : memref<128x128xf32, #tpu.memory_space<vmem>>, vector<1x16xf32>,
          %swap3A_309 = vector.shape_cast %swap3A_308 : vector<1x16xf32> to vector<16xf32>
          %swap3A_310 = vector.shape_cast %add3A_305 : vector<16xf32> to vector<1x16xf32>
          tpu.vector_store %arg9[%swap3A_306, %swap3A_307], %swap3A_310 {strides = array<i32>} : memref<128x128xf32, #tpu.memory_space<vmem>>, vector<1x16xf32>,
          %add3A_311 = arith.constant 1 : i32
          %add3A_312 = arith.addi %mul3A_88, %add3A_311 : i32
          %get3A_313 = arith.index_cast %add3A_312 : i32 to index
          %get3A_314 = arith.constant 96 : index
          %get3A_315 = tpu.vector_load %arg9[%get3A_313, %get3A_314] {strides = array<i32>} : memref<128x128xf32, #tpu.memory_space<vmem>>, vector<1x16xf32>,
          %get3A_316 = vector.shape_cast %get3A_315 : vector<1x16xf32> to vector<16xf32>
          %get3A_317 = arith.index_cast %add3A_312 : i32 to index
          %get3A_318 = arith.constant 96 : index
          %get3A_319 = tpu.vector_load %arg10[%get3A_317, %get3A_318] {strides = array<i32>} : memref<128x128xf32, #tpu.memory_space<vmem>>, vector<1x16xf32>,
          %get3A_320 = vector.shape_cast %get3A_319 : vector<1x16xf32> to vector<16xf32>
          %add3A_321 = arith.addf %get3A_316, %get3A_320 : vector<16xf32>
          %swap3A_322 = arith.index_cast %add3A_312 : i32 to index
          %swap3A_323 = arith.constant 96 : index
          %swap3A_324 = tpu.vector_load %arg9[%swap3A_322, %swap3A_323] {strides = array<i32>} : memref<128x128xf32, #tpu.memory_space<vmem>>, vector<1x16xf32>,
          %swap3A_325 = vector.shape_cast %swap3A_324 : vector<1x16xf32> to vector<16xf32>
          %swap3A_326 = vector.shape_cast %add3A_321 : vector<16xf32> to vector<1x16xf32>
          tpu.vector_store %arg9[%swap3A_322, %swap3A_323], %swap3A_326 {strides = array<i32>} : memref<128x128xf32, #tpu.memory_space<vmem>>, vector<1x16xf32>,
          %add3A_327 = arith.constant 1 : i32
          %add3A_328 = arith.addi %mul3A_88, %add3A_327 : i32
          %get3A_329 = arith.index_cast %add3A_328 : i32 to index
          %get3A_330 = arith.constant 112 : index
          %get3A_331 = tpu.vector_load %arg9[%get3A_329, %get3A_330] {strides = array<i32>} : memref<128x128xf32, #tpu.memory_space<vmem>>, vector<1x16xf32>,
          %get3A_332 = vector.shape_cast %get3A_331 : vector<1x16xf32> to vector<16xf32>
          %get3A_333 = arith.index_cast %add3A_328 : i32 to index
          %get3A_334 = arith.constant 112 : index
          %get3A_335 = tpu.vector_load %arg10[%get3A_333, %get3A_334] {strides = array<i32>} : memref<128x128xf32, #tpu.memory_space<vmem>>, vector<1x16xf32>,
          %get3A_336 = vector.shape_cast %get3A_335 : vector<1x16xf32> to vector<16xf32>
          %add3A_337 = arith.addf %get3A_332, %get3A_336 : vector<16xf32>
          %swap3A_338 = arith.index_cast %add3A_328 : i32 to index
          %swap3A_339 = arith.constant 112 : index
          %swap3A_340 = tpu.vector_load %arg9[%swap3A_338, %swap3A_339] {strides = array<i32>} : memref<128x128xf32, #tpu.memory_space<vmem>>, vector<1x16xf32>,
          %swap3A_341 = vector.shape_cast %swap3A_340 : vector<1x16xf32> to vector<16xf32>
          %swap3A_342 = vector.shape_cast %add3A_337 : vector<16xf32> to vector<1x16xf32>
          tpu.vector_store %arg9[%swap3A_338, %swap3A_339], %swap3A_342 {strides = array<i32>} : memref<128x128xf32, #tpu.memory_space<vmem>>, vector<1x16xf32>,
        }
        %scan3A_79 = arith.constant 64 : i32
        %add3A_80 = arith.addi %add3A_4, %add3A_43 : i32
        %mul3A_81 = arith.constant 128 : i32
        %mul3A_82 = arith.muli %add3A_80, %mul3A_81 : i32
        %dma_start3A = arith.constant 0 : i32
        %dma_start3A_83 = tpu.memref_slice %arg5[%mul3A_82, %dma_start3A] : memref<112000x128xf32, #tpu.memory_space<hbm>> -> memref<128x128xf32, #tpu.memory_space<hbm>>
        %dma_start3A_84 = arith.constant 0 : i32
        %dma_start3A_85 = tpu.memref_slice %arg5[%mul3A_82, %dma_start3A_84] : memref<112000x128xf32, #tpu.memory_space<hbm>> -> memref<128x128xf32, #tpu.memory_space<hbm>>
        tpu.enqueue_dma source(%arg9 : memref<128x128xf32, #tpu.memory_space<vmem>>) target(%dma_start3A_85 : memref<128x128xf32, #tpu.memory_space<hbm>>) target_semaphore(%arg16 : memref<!tpu.dma_semaphore, #tpu.memory_space<semaphore_mem>>)
      } else {
      }
      %add3A_48 = arith.constant 2 : i32
      %add3A_49 = arith.addi %mul3A_37, %add3A_48 : i32
      %lt3A_50 = arith.cmpi slt, %add3A_49, %select_n3A : i32
      %convert_element_type3A_51 = arith.extui %lt3A_50 : i1 to i32
      %cond3A_52 = arith.constant 0 : i32
      %cond3A_53 = arith.cmpi ne, %convert_element_type3A_51, %cond3A_52 : i32
      scf.if %cond3A_53 {
        %add3A_60 = arith.addi %add3A_4, %add3A_49 : i32
        %sub3A = arith.constant 2 : i32
        %sub3A_61 = arith.subi %add3A_60, %sub3A : i32
        %mul3A_62 = arith.constant 128 : i32
        %mul3A_63 = arith.muli %sub3A_61, %mul3A_62 : i32
        %dma_wait3A_64 = arith.constant 0 : i32
        %dma_wait3A_65 = tpu.memref_slice %arg5[%mul3A_63, %dma_wait3A_64] : memref<112000x128xf32, #tpu.memory_space<hbm>> -> memref<128x128xf32, #tpu.memory_space<hbm>>
        %dma_wait3A_66 = arith.constant 0 : i32
        %dma_wait3A_67 = tpu.memref_slice %arg5[%mul3A_63, %dma_wait3A_66] : memref<112000x128xf32, #tpu.memory_space<hbm>> -> memref<128x128xf32, #tpu.memory_space<hbm>>
        tpu.wait_dma2 semaphore(%arg15 : memref<!tpu.dma_semaphore, #tpu.memory_space<semaphore_mem>>) src(%arg7 : memref<128x128xf32, #tpu.memory_space<vmem>>) dst(%dma_wait3A_67 : memref<128x128xf32, #tpu.memory_space<hbm>>)
        %dma_start3A = arith.constant 0 : i32
        %dma_start3A_68 = arith.constant 0 : i32
        %dma_start3A_69 = tpu.memref_slice %arg6[%add3A_49, %dma_start3A, %dma_start3A_68] : memref<28x2x128xi32, #tpu.memory_space<vmem>> -> memref<1x1x128xi32, #tpu.memory_space<vmem>>
        %dma_start3A_70 = tpu.memref_squeeze %dma_start3A_69 : memref<1x1x128xi32, #tpu.memory_space<vmem>> -> memref<128xi32, #tpu.memory_space<vmem>>
        %dma_start3A_71 = arith.constant 0 : i32
        %dma_start3A_72 = arith.constant 0 : i32
        %dma_start3A_73 = tpu.memref_slice %arg2[%dma_start3A_71, %dma_start3A_72] : memref<10000x128xf32, #tpu.memory_space<hbm>> -> memref<10000x128xf32, #tpu.memory_space<hbm>>
        tpu.enqueue_indirect_dma source(%dma_start3A_73 : memref<10000x128xf32, #tpu.memory_space<hbm>>) target(%arg7 : memref<128x128xf32, #tpu.memory_space<vmem>>) offsets(%dma_start3A_70 : memref<128xi32, #tpu.memory_space<vmem>>) semaphore(%arg11 : memref<!tpu.dma_semaphore, #tpu.memory_space<semaphore_mem>>)
        %dma_start3A_74 = arith.constant 1 : i32
        %dma_start3A_75 = arith.constant 0 : i32
        %dma_start3A_76 = tpu.memref_slice %arg6[%add3A_49, %dma_start3A_74, %dma_start3A_75] : memref<28x2x128xi32, #tpu.memory_space<vmem>> -> memref<1x1x128xi32, #tpu.memory_space<vmem>>
        %dma_start3A_77 = tpu.memref_squeeze %dma_start3A_76 : memref<1x1x128xi32, #tpu.memory_space<vmem>> -> memref<128xi32, #tpu.memory_space<vmem>>
        %dma_start3A_78 = arith.constant 0 : i32
        %dma_start3A_79 = arith.constant 0 : i32
        %dma_start3A_80 = tpu.memref_slice %arg3[%dma_start3A_78, %dma_start3A_79] : memref<10000x128xf32, #tpu.memory_space<hbm>> -> memref<10000x128xf32, #tpu.memory_space<hbm>>
        tpu.enqueue_indirect_dma source(%dma_start3A_80 : memref<10000x128xf32, #tpu.memory_space<hbm>>) target(%arg8 : memref<128x128xf32, #tpu.memory_space<vmem>>) offsets(%dma_start3A_77 : memref<128xi32, #tpu.memory_space<vmem>>) semaphore(%arg12 : memref<!tpu.dma_semaphore, #tpu.memory_space<semaphore_mem>>)
      } else {
      }
      %add3A_54 = arith.constant 3 : i32
      %add3A_55 = arith.addi %mul3A_37, %add3A_54 : i32
      %lt3A_56 = arith.cmpi slt, %add3A_55, %select_n3A : i32
      %convert_element_type3A_57 = arith.extui %lt3A_56 : i1 to i32
      %cond3A_58 = arith.constant 0 : i32
      %cond3A_59 = arith.cmpi ne, %convert_element_type3A_57, %cond3A_58 : i32
      scf.if %cond3A_59 {
        %add3A_60 = arith.addi %add3A_4, %add3A_55 : i32
        %sub3A = arith.constant 2 : i32
        %sub3A_61 = arith.subi %add3A_60, %sub3A : i32
        %mul3A_62 = arith.constant 128 : i32
        %mul3A_63 = arith.muli %sub3A_61, %mul3A_62 : i32
        %dma_wait3A_64 = arith.constant 0 : i32
        %dma_wait3A_65 = tpu.memref_slice %arg5[%mul3A_63, %dma_wait3A_64] : memref<112000x128xf32, #tpu.memory_space<hbm>> -> memref<128x128xf32, #tpu.memory_space<hbm>>
        %dma_wait3A_66 = arith.constant 0 : i32
        %dma_wait3A_67 = tpu.memref_slice %arg5[%mul3A_63, %dma_wait3A_66] : memref<112000x128xf32, #tpu.memory_space<hbm>> -> memref<128x128xf32, #tpu.memory_space<hbm>>
        tpu.wait_dma2 semaphore(%arg16 : memref<!tpu.dma_semaphore, #tpu.memory_space<semaphore_mem>>) src(%arg9 : memref<128x128xf32, #tpu.memory_space<vmem>>) dst(%dma_wait3A_67 : memref<128x128xf32, #tpu.memory_space<hbm>>)
        %dma_start3A = arith.constant 0 : i32
        %dma_start3A_68 = arith.constant 0 : i32
        %dma_start3A_69 = tpu.memref_slice %arg6[%add3A_55, %dma_start3A, %dma_start3A_68] : memref<28x2x128xi32, #tpu.memory_space<vmem>> -> memref<1x1x128xi32, #tpu.memory_space<vmem>>
        %dma_start3A_70 = tpu.memref_squeeze %dma_start3A_69 : memref<1x1x128xi32, #tpu.memory_space<vmem>> -> memref<128xi32, #tpu.memory_space<vmem>>
        %dma_start3A_71 = arith.constant 0 : i32
        %dma_start3A_72 = arith.constant 0 : i32
        %dma_start3A_73 = tpu.memref_slice %arg2[%dma_start3A_71, %dma_start3A_72] : memref<10000x128xf32, #tpu.memory_space<hbm>> -> memref<10000x128xf32, #tpu.memory_space<hbm>>
        tpu.enqueue_indirect_dma source(%dma_start3A_73 : memref<10000x128xf32, #tpu.memory_space<hbm>>) target(%arg9 : memref<128x128xf32, #tpu.memory_space<vmem>>) offsets(%dma_start3A_70 : memref<128xi32, #tpu.memory_space<vmem>>) semaphore(%arg13 : memref<!tpu.dma_semaphore, #tpu.memory_space<semaphore_mem>>)
        %dma_start3A_74 = arith.constant 1 : i32
        %dma_start3A_75 = arith.constant 0 : i32
        %dma_start3A_76 = tpu.memref_slice %arg6[%add3A_55, %dma_start3A_74, %dma_start3A_75] : memref<28x2x128xi32, #tpu.memory_space<vmem>> -> memref<1x1x128xi32, #tpu.memory_space<vmem>>
        %dma_start3A_77 = tpu.memref_squeeze %dma_start3A_76 : memref<1x1x128xi32, #tpu.memory_space<vmem>> -> memref<128xi32, #tpu.memory_space<vmem>>
        %dma_start3A_78 = arith.constant 0 : i32
        %dma_start3A_79 = arith.constant 0 : i32
        %dma_start3A_80 = tpu.memref_slice %arg3[%dma_start3A_78, %dma_start3A_79] : memref<10000x128xf32, #tpu.memory_space<hbm>> -> memref<10000x128xf32, #tpu.memory_space<hbm>>
        tpu.enqueue_indirect_dma source(%dma_start3A_80 : memref<10000x128xf32, #tpu.memory_space<hbm>>) target(%arg10 : memref<128x128xf32, #tpu.memory_space<vmem>>) offsets(%dma_start3A_77 : memref<128xi32, #tpu.memory_space<vmem>>) semaphore(%arg14 : memref<!tpu.dma_semaphore, #tpu.memory_space<semaphore_mem>>)
      } else {
      }
    }
    %scan3A_23 = arith.constant 14 : i32
    %dma_wait3A = arith.constant 0 : i32
    %dma_wait3A_24 = arith.constant 0 : i32
    %dma_wait3A_25 = tpu.memref_slice %arg5[%dma_wait3A, %dma_wait3A_24] : memref<112000x128xf32, #tpu.memory_space<hbm>> -> memref<128x128xf32, #tpu.memory_space<hbm>>
    %dma_wait3A_26 = arith.constant 0 : i32
    %dma_wait3A_27 = arith.constant 0 : i32
    %dma_wait3A_28 = tpu.memref_slice %arg5[%dma_wait3A_26, %dma_wait3A_27] : memref<112000x128xf32, #tpu.memory_space<hbm>> -> memref<128x128xf32, #tpu.memory_space<hbm>>
    tpu.wait_dma2 semaphore(%arg15 : memref<!tpu.dma_semaphore, #tpu.memory_space<semaphore_mem>>) src(%arg7 : memref<128x128xf32, #tpu.memory_space<vmem>>) dst(%dma_wait3A_28 : memref<128x128xf32, #tpu.memory_space<hbm>>)
    %dma_wait3A_29 = arith.constant 0 : i32
    %dma_wait3A_30 = arith.constant 0 : i32
    %dma_wait3A_31 = tpu.memref_slice %arg5[%dma_wait3A_29, %dma_wait3A_30] : memref<112000x128xf32, #tpu.memory_space<hbm>> -> memref<128x128xf32, #tpu.memory_space<hbm>>
    %dma_wait3A_32 = arith.constant 0 : i32
    %dma_wait3A_33 = arith.constant 0 : i32
    %dma_wait3A_34 = tpu.memref_slice %arg5[%dma_wait3A_32, %dma_wait3A_33] : memref<112000x128xf32, #tpu.memory_space<hbm>> -> memref<128x128xf32, #tpu.memory_space<hbm>>
    tpu.wait_dma2 semaphore(%arg16 : memref<!tpu.dma_semaphore, #tpu.memory_space<semaphore_mem>>) src(%arg9 : memref<128x128xf32, #tpu.memory_space<vmem>>) dst(%dma_wait3A_34 : memref<128x128xf32, #tpu.memory_space<hbm>>)
    return
  }
}

#map = affine_map<(d0, d1) -> (0, 0)>
#map1 = affine_map<(d0, d1) -> (0, 0, 0)>
module attributes {stable_mosaic.version = 14 : i64} {
  func.func @sc_gather_add(%arg0: i32, %arg1: i32, %arg2: memref<10000x128xf32, #tpu.memory_space<hbm>>, %arg3: memref<10000x128xf32, #tpu.memory_space<hbm>>, %arg4: memref<250x2x128xi32, #tpu.memory_space<hbm>>, %arg5: memref<32000x128xf32, #tpu.memory_space<hbm>>, %arg6: memref<8x2x128xi32, #tpu.memory_space<vmem>>, %arg7: memref<128x128xf32, #tpu.memory_space<vmem>>, %arg8: memref<128x128xf32, #tpu.memory_space<vmem>>, %arg9: memref<128x128xf32, #tpu.memory_space<vmem>>, %arg10: memref<128x128xf32, #tpu.memory_space<vmem>>, %arg11: memref<!tpu.dma_semaphore, #tpu.memory_space<semaphore_mem>>, %arg12: memref<!tpu.dma_semaphore, #tpu.memory_space<semaphore_mem>>, %arg13: memref<!tpu.dma_semaphore, #tpu.memory_space<semaphore_mem>>, %arg14: memref<!tpu.dma_semaphore, #tpu.memory_space<semaphore_mem>>, %arg15: memref<!tpu.dma_semaphore, #tpu.memory_space<semaphore_mem>>, %arg16: memref<!tpu.dma_semaphore, #tpu.memory_space<semaphore_mem>>) attributes {dimension_semantics = [#tpu.dimension_semantics<core_parallel>, #tpu.dimension_semantics<subcore_parallel>], iteration_bounds = array<i64: 2, 16>, scalar_prefetch = 0 : i64, scratch_operands = 11 : i64, tpu.core_type = #tpu.core_type<sc_vector_subcore>, window_params = [{transform_indices = #map}, {transform_indices = #map}, {transform_indices = #map1}, {transform_indices = #map}]} {
    %mul3A = arith.constant 2 : i32
    %mul3A_0 = arith.muli %arg1, %mul3A : i32
    %add3A = arith.addi %mul3A_0, %arg0 : i32
    %mul3A_1 = arith.constant 7 : i32
    %mul3A_2 = arith.muli %add3A, %mul3A_1 : i32
    %min3A = arith.constant 26 : i32
    %min3A_3 = arith.minsi %add3A, %min3A : i32
    %add3A_4 = arith.addi %mul3A_2, %min3A_3 : i32
    %lt3A = arith.constant 26 : i32
    %lt3A_5 = arith.cmpi slt, %add3A, %lt3A : i32
    %jit3A = arith.constant 8 : i32
    %jit3A_6 = arith.constant 7 : i32
    %select_n3A = arith.select %lt3A_5, %jit3A, %jit3A_6 : i32
    "tpu.region"() ({
      %run_scoped3A = tpu.sem_alloc : memref<!tpu.dma_semaphore, #tpu.memory_space<semaphore_mem>>
      %dma_start3A = arith.constant 0 : i32
      %dma_start3A_35 = arith.constant 0 : i32
      %dma_start3A_36 = arith.constant 0 : i32
      %dma_start3A_37 = tpu.memref_slice %arg6[%dma_start3A, %dma_start3A_35, %dma_start3A_36] : memref<8x2x128xi32, #tpu.memory_space<vmem>> -> memref<7x2x128xi32, #tpu.memory_space<vmem>>
      %dma_start3A_38 = arith.constant 0 : i32
      %dma_start3A_39 = arith.constant 0 : i32
      %dma_start3A_40 = tpu.memref_slice %arg4[%add3A_4, %dma_start3A_38, %dma_start3A_39] : memref<250x2x128xi32, #tpu.memory_space<hbm>> -> memref<7x2x128xi32, #tpu.memory_space<hbm>>
      %dma_start3A_41 = arith.constant 0 : i32
      %dma_start3A_42 = arith.constant 0 : i32
      %dma_start3A_43 = arith.constant 0 : i32
      %dma_start3A_44 = tpu.memref_slice %arg6[%dma_start3A_41, %dma_start3A_42, %dma_start3A_43] : memref<8x2x128xi32, #tpu.memory_space<vmem>> -> memref<7x2x128xi32, #tpu.memory_space<vmem>>
      %dma_start3A_45 = arith.constant 0 : i32
      %dma_start3A_46 = arith.constant 0 : i32
      %dma_start3A_47 = tpu.memref_slice %arg4[%add3A_4, %dma_start3A_45, %dma_start3A_46] : memref<250x2x128xi32, #tpu.memory_space<hbm>> -> memref<7x2x128xi32, #tpu.memory_space<hbm>>
      tpu.enqueue_dma source(%dma_start3A_47 : memref<7x2x128xi32, #tpu.memory_space<hbm>>) target(%dma_start3A_44 : memref<7x2x128xi32, #tpu.memory_space<vmem>>) target_semaphore(%run_scoped3A : memref<!tpu.dma_semaphore, #tpu.memory_space<semaphore_mem>>)
      %dma_wait3A_48 = arith.constant 0 : i32
      %dma_wait3A_49 = arith.constant 0 : i32
      %dma_wait3A_50 = arith.constant 0 : i32
      %dma_wait3A_51 = tpu.memref_slice %arg6[%dma_wait3A_48, %dma_wait3A_49, %dma_wait3A_50] : memref<8x2x128xi32, #tpu.memory_space<vmem>> -> memref<7x2x128xi32, #tpu.memory_space<vmem>>
      %dma_wait3A_52 = arith.constant 0 : i32
      %dma_wait3A_53 = arith.constant 0 : i32
      %dma_wait3A_54 = tpu.memref_slice %arg4[%add3A_4, %dma_wait3A_52, %dma_wait3A_53] : memref<250x2x128xi32, #tpu.memory_space<hbm>> -> memref<7x2x128xi32, #tpu.memory_space<hbm>>
      %dma_wait3A_55 = arith.constant 0 : i32
      %dma_wait3A_56 = arith.constant 0 : i32
      %dma_wait3A_57 = arith.constant 0 : i32
      %dma_wait3A_58 = tpu.memref_slice %arg6[%dma_wait3A_55, %dma_wait3A_56, %dma_wait3A_57] : memref<8x2x128xi32, #tpu.memory_space<vmem>> -> memref<7x2x128xi32, #tpu.memory_space<vmem>>
      %dma_wait3A_59 = arith.constant 0 : i32
      %dma_wait3A_60 = arith.constant 0 : i32
      %dma_wait3A_61 = tpu.memref_slice %arg4[%add3A_4, %dma_wait3A_59, %dma_wait3A_60] : memref<250x2x128xi32, #tpu.memory_space<hbm>> -> memref<7x2x128xi32, #tpu.memory_space<hbm>>
      tpu.wait_dma2 semaphore(%run_scoped3A : memref<!tpu.dma_semaphore, #tpu.memory_space<semaphore_mem>>) src(%dma_wait3A_61 : memref<7x2x128xi32, #tpu.memory_space<hbm>>) dst(%dma_wait3A_58 : memref<7x2x128xi32, #tpu.memory_space<vmem>>)
      tpu.yield
    }) : () -> ()
    %lt3A_7 = arith.constant 26 : i32
    %lt3A_8 = arith.cmpi slt, %add3A, %lt3A_7 : i32
    %convert_element_type3A = arith.extui %lt3A_8 : i1 to i32
    %cond3A = arith.constant 0 : i32
    %cond3A_9 = arith.cmpi ne, %convert_element_type3A, %cond3A : i32
    scf.if %cond3A_9 {
      %add3A_35 = arith.constant 7 : i32
      %add3A_36 = arith.addi %add3A_4, %add3A_35 : i32
      "tpu.region"() ({
        %run_scoped3A = tpu.sem_alloc : memref<!tpu.dma_semaphore, #tpu.memory_space<semaphore_mem>>
        %dma_start3A = arith.constant 7 : i32
        %dma_start3A_37 = arith.constant 0 : i32
        %dma_start3A_38 = arith.constant 0 : i32
        %dma_start3A_39 = tpu.memref_slice %arg6[%dma_start3A, %dma_start3A_37, %dma_start3A_38] : memref<8x2x128xi32, #tpu.memory_space<vmem>> -> memref<1x2x128xi32, #tpu.memory_space<vmem>>
        %dma_start3A_40 = arith.constant 0 : i32
        %dma_start3A_41 = arith.constant 0 : i32
        %dma_start3A_42 = tpu.memref_slice %arg4[%add3A_36, %dma_start3A_40, %dma_start3A_41] : memref<250x2x128xi32, #tpu.memory_space<hbm>> -> memref<1x2x128xi32, #tpu.memory_space<hbm>>
        %dma_start3A_43 = arith.constant 7 : i32
        %dma_start3A_44 = arith.constant 0 : i32
        %dma_start3A_45 = arith.constant 0 : i32
        %dma_start3A_46 = tpu.memref_slice %arg6[%dma_start3A_43, %dma_start3A_44, %dma_start3A_45] : memref<8x2x128xi32, #tpu.memory_space<vmem>> -> memref<1x2x128xi32, #tpu.memory_space<vmem>>
        %dma_start3A_47 = arith.constant 0 : i32
        %dma_start3A_48 = arith.constant 0 : i32
        %dma_start3A_49 = tpu.memref_slice %arg4[%add3A_36, %dma_start3A_47, %dma_start3A_48] : memref<250x2x128xi32, #tpu.memory_space<hbm>> -> memref<1x2x128xi32, #tpu.memory_space<hbm>>
        tpu.enqueue_dma source(%dma_start3A_49 : memref<1x2x128xi32, #tpu.memory_space<hbm>>) target(%dma_start3A_46 : memref<1x2x128xi32, #tpu.memory_space<vmem>>) target_semaphore(%run_scoped3A : memref<!tpu.dma_semaphore, #tpu.memory_space<semaphore_mem>>)
        %dma_wait3A_50 = arith.constant 7 : i32
        %dma_wait3A_51 = arith.constant 0 : i32
        %dma_wait3A_52 = arith.constant 0 : i32
        %dma_wait3A_53 = tpu.memref_slice %arg6[%dma_wait3A_50, %dma_wait3A_51, %dma_wait3A_52] : memref<8x2x128xi32, #tpu.memory_space<vmem>> -> memref<1x2x128xi32, #tpu.memory_space<vmem>>
        %dma_wait3A_54 = arith.constant 0 : i32
        %dma_wait3A_55 = arith.constant 0 : i32
        %dma_wait3A_56 = tpu.memref_slice %arg4[%add3A_36, %dma_wait3A_54, %dma_wait3A_55] : memref<250x2x128xi32, #tpu.memory_space<hbm>> -> memref<1x2x128xi32, #tpu.memory_space<hbm>>
        %dma_wait3A_57 = arith.constant 7 : i32
        %dma_wait3A_58 = arith.constant 0 : i32
        %dma_wait3A_59 = arith.constant 0 : i32
        %dma_wait3A_60 = tpu.memref_slice %arg6[%dma_wait3A_57, %dma_wait3A_58, %dma_wait3A_59] : memref<8x2x128xi32, #tpu.memory_space<vmem>> -> memref<1x2x128xi32, #tpu.memory_space<vmem>>
        %dma_wait3A_61 = arith.constant 0 : i32
        %dma_wait3A_62 = arith.constant 0 : i32
        %dma_wait3A_63 = tpu.memref_slice %arg4[%add3A_36, %dma_wait3A_61, %dma_wait3A_62] : memref<250x2x128xi32, #tpu.memory_space<hbm>> -> memref<1x2x128xi32, #tpu.memory_space<hbm>>
        tpu.wait_dma2 semaphore(%run_scoped3A : memref<!tpu.dma_semaphore, #tpu.memory_space<semaphore_mem>>) src(%dma_wait3A_63 : memref<1x2x128xi32, #tpu.memory_space<hbm>>) dst(%dma_wait3A_60 : memref<1x2x128xi32, #tpu.memory_space<vmem>>)
        tpu.yield
      }) : () -> ()
    } else {
    }
    %gt3A = arith.constant 0 : i32
    %gt3A_10 = arith.cmpi sgt, %select_n3A, %gt3A : i32
    %convert_element_type3A_11 = arith.extui %gt3A_10 : i1 to i32
    %cond3A_12 = arith.constant 0 : i32
    %cond3A_13 = arith.cmpi ne, %convert_element_type3A_11, %cond3A_12 : i32
    scf.if %cond3A_13 {
      %dma_start3A = arith.constant 0 : i32
      %dma_start3A_35 = arith.constant 0 : i32
      %dma_start3A_36 = arith.constant 0 : i32
      %dma_start3A_37 = tpu.memref_slice %arg6[%dma_start3A, %dma_start3A_35, %dma_start3A_36] : memref<8x2x128xi32, #tpu.memory_space<vmem>> -> memref<1x1x128xi32, #tpu.memory_space<vmem>>
      %dma_start3A_38 = tpu.memref_squeeze %dma_start3A_37 : memref<1x1x128xi32, #tpu.memory_space<vmem>> -> memref<128xi32, #tpu.memory_space<vmem>>
      %dma_start3A_39 = arith.constant 0 : i32
      %dma_start3A_40 = arith.constant 0 : i32
      %dma_start3A_41 = tpu.memref_slice %arg2[%dma_start3A_39, %dma_start3A_40] : memref<10000x128xf32, #tpu.memory_space<hbm>> -> memref<10000x128xf32, #tpu.memory_space<hbm>>
      tpu.enqueue_indirect_dma source(%dma_start3A_41 : memref<10000x128xf32, #tpu.memory_space<hbm>>) target(%arg7 : memref<128x128xf32, #tpu.memory_space<vmem>>) offsets(%dma_start3A_38 : memref<128xi32, #tpu.memory_space<vmem>>) semaphore(%arg11 : memref<!tpu.dma_semaphore, #tpu.memory_space<semaphore_mem>>)
      %dma_start3A_42 = arith.constant 0 : i32
      %dma_start3A_43 = arith.constant 1 : i32
      %dma_start3A_44 = arith.constant 0 : i32
      %dma_start3A_45 = tpu.memref_slice %arg6[%dma_start3A_42, %dma_start3A_43, %dma_start3A_44] : memref<8x2x128xi32, #tpu.memory_space<vmem>> -> memref<1x1x128xi32, #tpu.memory_space<vmem>>
      %dma_start3A_46 = tpu.memref_squeeze %dma_start3A_45 : memref<1x1x128xi32, #tpu.memory_space<vmem>> -> memref<128xi32, #tpu.memory_space<vmem>>
      %dma_start3A_47 = arith.constant 0 : i32
      %dma_start3A_48 = arith.constant 0 : i32
      %dma_start3A_49 = tpu.memref_slice %arg3[%dma_start3A_47, %dma_start3A_48] : memref<10000x128xf32, #tpu.memory_space<hbm>> -> memref<10000x128xf32, #tpu.memory_space<hbm>>
      tpu.enqueue_indirect_dma source(%dma_start3A_49 : memref<10000x128xf32, #tpu.memory_space<hbm>>) target(%arg8 : memref<128x128xf32, #tpu.memory_space<vmem>>) offsets(%dma_start3A_46 : memref<128xi32, #tpu.memory_space<vmem>>) semaphore(%arg12 : memref<!tpu.dma_semaphore, #tpu.memory_space<semaphore_mem>>)
    } else {
    }
    %gt3A_14 = arith.constant 1 : i32
    %gt3A_15 = arith.cmpi sgt, %select_n3A, %gt3A_14 : i32
    %convert_element_type3A_16 = arith.extui %gt3A_15 : i1 to i32
    %cond3A_17 = arith.constant 0 : i32
    %cond3A_18 = arith.cmpi ne, %convert_element_type3A_16, %cond3A_17 : i32
    scf.if %cond3A_18 {
      %dma_start3A = arith.constant 1 : i32
      %dma_start3A_35 = arith.constant 0 : i32
      %dma_start3A_36 = arith.constant 0 : i32
      %dma_start3A_37 = tpu.memref_slice %arg6[%dma_start3A, %dma_start3A_35, %dma_start3A_36] : memref<8x2x128xi32, #tpu.memory_space<vmem>> -> memref<1x1x128xi32, #tpu.memory_space<vmem>>
      %dma_start3A_38 = tpu.memref_squeeze %dma_start3A_37 : memref<1x1x128xi32, #tpu.memory_space<vmem>> -> memref<128xi32, #tpu.memory_space<vmem>>
      %dma_start3A_39 = arith.constant 0 : i32
      %dma_start3A_40 = arith.constant 0 : i32
      %dma_start3A_41 = tpu.memref_slice %arg2[%dma_start3A_39, %dma_start3A_40] : memref<10000x128xf32, #tpu.memory_space<hbm>> -> memref<10000x128xf32, #tpu.memory_space<hbm>>
      tpu.enqueue_indirect_dma source(%dma_start3A_41 : memref<10000x128xf32, #tpu.memory_space<hbm>>) target(%arg9 : memref<128x128xf32, #tpu.memory_space<vmem>>) offsets(%dma_start3A_38 : memref<128xi32, #tpu.memory_space<vmem>>) semaphore(%arg13 : memref<!tpu.dma_semaphore, #tpu.memory_space<semaphore_mem>>)
      %dma_start3A_42 = arith.constant 1 : i32
      %dma_start3A_43 = arith.constant 1 : i32
      %dma_start3A_44 = arith.constant 0 : i32
      %dma_start3A_45 = tpu.memref_slice %arg6[%dma_start3A_42, %dma_start3A_43, %dma_start3A_44] : memref<8x2x128xi32, #tpu.memory_space<vmem>> -> memref<1x1x128xi32, #tpu.memory_space<vmem>>
      %dma_start3A_46 = tpu.memref_squeeze %dma_start3A_45 : memref<1x1x128xi32, #tpu.memory_space<vmem>> -> memref<128xi32, #tpu.memory_space<vmem>>
      %dma_start3A_47 = arith.constant 0 : i32
      %dma_start3A_48 = arith.constant 0 : i32
      %dma_start3A_49 = tpu.memref_slice %arg3[%dma_start3A_47, %dma_start3A_48] : memref<10000x128xf32, #tpu.memory_space<hbm>> -> memref<10000x128xf32, #tpu.memory_space<hbm>>
      tpu.enqueue_indirect_dma source(%dma_start3A_49 : memref<10000x128xf32, #tpu.memory_space<hbm>>) target(%arg10 : memref<128x128xf32, #tpu.memory_space<vmem>>) offsets(%dma_start3A_46 : memref<128xi32, #tpu.memory_space<vmem>>) semaphore(%arg14 : memref<!tpu.dma_semaphore, #tpu.memory_space<semaphore_mem>>)
    } else {
    }
    %scan3A = arith.constant 0 : i32
    %scan3A_19 = arith.constant 0 : i32
    %scan3A_20 = arith.constant 4 : i32
    %scan3A_21 = arith.addi %scan3A_19, %scan3A_20 : i32
    %scan3A_22 = arith.constant 1 : i32
    scf.for %scan3A_35 = %scan3A_19 to %scan3A_21 step %scan3A_22  : i32 {
      %mul3A_36 = arith.constant 2 : i32
      %mul3A_37 = arith.muli %scan3A_35, %mul3A_36 : i32
      %lt3A_38 = arith.cmpi slt, %mul3A_37, %select_n3A : i32
      %convert_element_type3A_39 = arith.extui %lt3A_38 : i1 to i32
      %cond3A_40 = arith.constant 0 : i32
      %cond3A_41 = arith.cmpi ne, %convert_element_type3A_39, %cond3A_40 : i32
      scf.if %cond3A_41 {
        %dma_wait3A_60 = arith.constant 0 : i32
        %dma_wait3A_61 = arith.constant 0 : i32
        %dma_wait3A_62 = tpu.memref_slice %arg6[%mul3A_37, %dma_wait3A_60, %dma_wait3A_61] : memref<8x2x128xi32, #tpu.memory_space<vmem>> -> memref<1x1x128xi32, #tpu.memory_space<vmem>>
        %dma_wait3A_63 = tpu.memref_squeeze %dma_wait3A_62 : memref<1x1x128xi32, #tpu.memory_space<vmem>> -> memref<128xi32, #tpu.memory_space<vmem>>
        %dma_wait3A_64 = arith.constant 0 : i32
        %dma_wait3A_65 = arith.constant 0 : i32
        %dma_wait3A_66 = tpu.memref_slice %arg2[%dma_wait3A_64, %dma_wait3A_65] : memref<10000x128xf32, #tpu.memory_space<hbm>> -> memref<10000x128xf32, #tpu.memory_space<hbm>>
        tpu.wait_indirect_dma semaphore(%arg11 : memref<!tpu.dma_semaphore, #tpu.memory_space<semaphore_mem>>) src(%dma_wait3A_66 : memref<10000x128xf32, #tpu.memory_space<hbm>>) dst(%arg7 : memref<128x128xf32, #tpu.memory_space<vmem>>)
        %dma_wait3A_67 = arith.constant 1 : i32
        %dma_wait3A_68 = arith.constant 0 : i32
        %dma_wait3A_69 = tpu.memref_slice %arg6[%mul3A_37, %dma_wait3A_67, %dma_wait3A_68] : memref<8x2x128xi32, #tpu.memory_space<vmem>> -> memref<1x1x128xi32, #tpu.memory_space<vmem>>
        %dma_wait3A_70 = tpu.memref_squeeze %dma_wait3A_69 : memref<1x1x128xi32, #tpu.memory_space<vmem>> -> memref<128xi32, #tpu.memory_space<vmem>>
        %dma_wait3A_71 = arith.constant 0 : i32
        %dma_wait3A_72 = arith.constant 0 : i32
        %dma_wait3A_73 = tpu.memref_slice %arg3[%dma_wait3A_71, %dma_wait3A_72] : memref<10000x128xf32, #tpu.memory_space<hbm>> -> memref<10000x128xf32, #tpu.memory_space<hbm>>
        tpu.wait_indirect_dma semaphore(%arg12 : memref<!tpu.dma_semaphore, #tpu.memory_space<semaphore_mem>>) src(%dma_wait3A_73 : memref<10000x128xf32, #tpu.memory_space<hbm>>) dst(%arg8 : memref<128x128xf32, #tpu.memory_space<vmem>>)
        %scan3A_74 = arith.constant 0 : i32
        %scan3A_75 = arith.constant 0 : i32
        %scan3A_76 = arith.constant 64 : i32
        %scan3A_77 = arith.addi %scan3A_75, %scan3A_76 : i32
        %scan3A_78 = arith.constant 1 : i32
        scf.for %scan3A_86 = %scan3A_75 to %scan3A_77 step %scan3A_78  : i32 {
          %mul3A_87 = arith.constant 2 : i32
          %mul3A_88 = arith.muli %scan3A_86, %mul3A_87 : i32
          %add3A_89 = arith.constant 0 : i32
          %add3A_90 = arith.addi %mul3A_88, %add3A_89 : i32
          %get3A = arith.index_cast %add3A_90 : i32 to index
          %get3A_91 = arith.constant 0 : index
          %get3A_92 = tpu.vector_load %arg7[%get3A, %get3A_91] {strides = array<i32>} : memref<128x128xf32, #tpu.memory_space<vmem>>, vector<1x16xf32>,
          %get3A_93 = vector.shape_cast %get3A_92 : vector<1x16xf32> to vector<16xf32>
          %get3A_94 = arith.index_cast %add3A_90 : i32 to index
          %get3A_95 = arith.constant 0 : index
          %get3A_96 = tpu.vector_load %arg8[%get3A_94, %get3A_95] {strides = array<i32>} : memref<128x128xf32, #tpu.memory_space<vmem>>, vector<1x16xf32>,
          %get3A_97 = vector.shape_cast %get3A_96 : vector<1x16xf32> to vector<16xf32>
          %add3A_98 = arith.addf %get3A_93, %get3A_97 : vector<16xf32>
          %swap3A = arith.index_cast %add3A_90 : i32 to index
          %swap3A_99 = arith.constant 0 : index
          %swap3A_100 = tpu.vector_load %arg7[%swap3A, %swap3A_99] {strides = array<i32>} : memref<128x128xf32, #tpu.memory_space<vmem>>, vector<1x16xf32>,
          %swap3A_101 = vector.shape_cast %swap3A_100 : vector<1x16xf32> to vector<16xf32>
          %swap3A_102 = vector.shape_cast %add3A_98 : vector<16xf32> to vector<1x16xf32>
          tpu.vector_store %arg7[%swap3A, %swap3A_99], %swap3A_102 {strides = array<i32>} : memref<128x128xf32, #tpu.memory_space<vmem>>, vector<1x16xf32>,
          %add3A_103 = arith.constant 0 : i32
          %add3A_104 = arith.addi %mul3A_88, %add3A_103 : i32
          %get3A_105 = arith.index_cast %add3A_104 : i32 to index
          %get3A_106 = arith.constant 16 : index
          %get3A_107 = tpu.vector_load %arg7[%get3A_105, %get3A_106] {strides = array<i32>} : memref<128x128xf32, #tpu.memory_space<vmem>>, vector<1x16xf32>,
          %get3A_108 = vector.shape_cast %get3A_107 : vector<1x16xf32> to vector<16xf32>
          %get3A_109 = arith.index_cast %add3A_104 : i32 to index
          %get3A_110 = arith.constant 16 : index
          %get3A_111 = tpu.vector_load %arg8[%get3A_109, %get3A_110] {strides = array<i32>} : memref<128x128xf32, #tpu.memory_space<vmem>>, vector<1x16xf32>,
          %get3A_112 = vector.shape_cast %get3A_111 : vector<1x16xf32> to vector<16xf32>
          %add3A_113 = arith.addf %get3A_108, %get3A_112 : vector<16xf32>
          %swap3A_114 = arith.index_cast %add3A_104 : i32 to index
          %swap3A_115 = arith.constant 16 : index
          %swap3A_116 = tpu.vector_load %arg7[%swap3A_114, %swap3A_115] {strides = array<i32>} : memref<128x128xf32, #tpu.memory_space<vmem>>, vector<1x16xf32>,
          %swap3A_117 = vector.shape_cast %swap3A_116 : vector<1x16xf32> to vector<16xf32>
          %swap3A_118 = vector.shape_cast %add3A_113 : vector<16xf32> to vector<1x16xf32>
          tpu.vector_store %arg7[%swap3A_114, %swap3A_115], %swap3A_118 {strides = array<i32>} : memref<128x128xf32, #tpu.memory_space<vmem>>, vector<1x16xf32>,
          %add3A_119 = arith.constant 0 : i32
          %add3A_120 = arith.addi %mul3A_88, %add3A_119 : i32
          %get3A_121 = arith.index_cast %add3A_120 : i32 to index
          %get3A_122 = arith.constant 32 : index
          %get3A_123 = tpu.vector_load %arg7[%get3A_121, %get3A_122] {strides = array<i32>} : memref<128x128xf32, #tpu.memory_space<vmem>>, vector<1x16xf32>,
          %get3A_124 = vector.shape_cast %get3A_123 : vector<1x16xf32> to vector<16xf32>
          %get3A_125 = arith.index_cast %add3A_120 : i32 to index
          %get3A_126 = arith.constant 32 : index
          %get3A_127 = tpu.vector_load %arg8[%get3A_125, %get3A_126] {strides = array<i32>} : memref<128x128xf32, #tpu.memory_space<vmem>>, vector<1x16xf32>,
          %get3A_128 = vector.shape_cast %get3A_127 : vector<1x16xf32> to vector<16xf32>
          %add3A_129 = arith.addf %get3A_124, %get3A_128 : vector<16xf32>
          %swap3A_130 = arith.index_cast %add3A_120 : i32 to index
          %swap3A_131 = arith.constant 32 : index
          %swap3A_132 = tpu.vector_load %arg7[%swap3A_130, %swap3A_131] {strides = array<i32>} : memref<128x128xf32, #tpu.memory_space<vmem>>, vector<1x16xf32>,
          %swap3A_133 = vector.shape_cast %swap3A_132 : vector<1x16xf32> to vector<16xf32>
          %swap3A_134 = vector.shape_cast %add3A_129 : vector<16xf32> to vector<1x16xf32>
          tpu.vector_store %arg7[%swap3A_130, %swap3A_131], %swap3A_134 {strides = array<i32>} : memref<128x128xf32, #tpu.memory_space<vmem>>, vector<1x16xf32>,
          %add3A_135 = arith.constant 0 : i32
          %add3A_136 = arith.addi %mul3A_88, %add3A_135 : i32
          %get3A_137 = arith.index_cast %add3A_136 : i32 to index
          %get3A_138 = arith.constant 48 : index
          %get3A_139 = tpu.vector_load %arg7[%get3A_137, %get3A_138] {strides = array<i32>} : memref<128x128xf32, #tpu.memory_space<vmem>>, vector<1x16xf32>,
          %get3A_140 = vector.shape_cast %get3A_139 : vector<1x16xf32> to vector<16xf32>
          %get3A_141 = arith.index_cast %add3A_136 : i32 to index
          %get3A_142 = arith.constant 48 : index
          %get3A_143 = tpu.vector_load %arg8[%get3A_141, %get3A_142] {strides = array<i32>} : memref<128x128xf32, #tpu.memory_space<vmem>>, vector<1x16xf32>,
          %get3A_144 = vector.shape_cast %get3A_143 : vector<1x16xf32> to vector<16xf32>
          %add3A_145 = arith.addf %get3A_140, %get3A_144 : vector<16xf32>
          %swap3A_146 = arith.index_cast %add3A_136 : i32 to index
          %swap3A_147 = arith.constant 48 : index
          %swap3A_148 = tpu.vector_load %arg7[%swap3A_146, %swap3A_147] {strides = array<i32>} : memref<128x128xf32, #tpu.memory_space<vmem>>, vector<1x16xf32>,
          %swap3A_149 = vector.shape_cast %swap3A_148 : vector<1x16xf32> to vector<16xf32>
          %swap3A_150 = vector.shape_cast %add3A_145 : vector<16xf32> to vector<1x16xf32>
          tpu.vector_store %arg7[%swap3A_146, %swap3A_147], %swap3A_150 {strides = array<i32>} : memref<128x128xf32, #tpu.memory_space<vmem>>, vector<1x16xf32>,
          %add3A_151 = arith.constant 0 : i32
          %add3A_152 = arith.addi %mul3A_88, %add3A_151 : i32
          %get3A_153 = arith.index_cast %add3A_152 : i32 to index
          %get3A_154 = arith.constant 64 : index
          %get3A_155 = tpu.vector_load %arg7[%get3A_153, %get3A_154] {strides = array<i32>} : memref<128x128xf32, #tpu.memory_space<vmem>>, vector<1x16xf32>,
          %get3A_156 = vector.shape_cast %get3A_155 : vector<1x16xf32> to vector<16xf32>
          %get3A_157 = arith.index_cast %add3A_152 : i32 to index
          %get3A_158 = arith.constant 64 : index
          %get3A_159 = tpu.vector_load %arg8[%get3A_157, %get3A_158] {strides = array<i32>} : memref<128x128xf32, #tpu.memory_space<vmem>>, vector<1x16xf32>,
          %get3A_160 = vector.shape_cast %get3A_159 : vector<1x16xf32> to vector<16xf32>
          %add3A_161 = arith.addf %get3A_156, %get3A_160 : vector<16xf32>
          %swap3A_162 = arith.index_cast %add3A_152 : i32 to index
          %swap3A_163 = arith.constant 64 : index
          %swap3A_164 = tpu.vector_load %arg7[%swap3A_162, %swap3A_163] {strides = array<i32>} : memref<128x128xf32, #tpu.memory_space<vmem>>, vector<1x16xf32>,
          %swap3A_165 = vector.shape_cast %swap3A_164 : vector<1x16xf32> to vector<16xf32>
          %swap3A_166 = vector.shape_cast %add3A_161 : vector<16xf32> to vector<1x16xf32>
          tpu.vector_store %arg7[%swap3A_162, %swap3A_163], %swap3A_166 {strides = array<i32>} : memref<128x128xf32, #tpu.memory_space<vmem>>, vector<1x16xf32>,
          %add3A_167 = arith.constant 0 : i32
          %add3A_168 = arith.addi %mul3A_88, %add3A_167 : i32
          %get3A_169 = arith.index_cast %add3A_168 : i32 to index
          %get3A_170 = arith.constant 80 : index
          %get3A_171 = tpu.vector_load %arg7[%get3A_169, %get3A_170] {strides = array<i32>} : memref<128x128xf32, #tpu.memory_space<vmem>>, vector<1x16xf32>,
          %get3A_172 = vector.shape_cast %get3A_171 : vector<1x16xf32> to vector<16xf32>
          %get3A_173 = arith.index_cast %add3A_168 : i32 to index
          %get3A_174 = arith.constant 80 : index
          %get3A_175 = tpu.vector_load %arg8[%get3A_173, %get3A_174] {strides = array<i32>} : memref<128x128xf32, #tpu.memory_space<vmem>>, vector<1x16xf32>,
          %get3A_176 = vector.shape_cast %get3A_175 : vector<1x16xf32> to vector<16xf32>
          %add3A_177 = arith.addf %get3A_172, %get3A_176 : vector<16xf32>
          %swap3A_178 = arith.index_cast %add3A_168 : i32 to index
          %swap3A_179 = arith.constant 80 : index
          %swap3A_180 = tpu.vector_load %arg7[%swap3A_178, %swap3A_179] {strides = array<i32>} : memref<128x128xf32, #tpu.memory_space<vmem>>, vector<1x16xf32>,
          %swap3A_181 = vector.shape_cast %swap3A_180 : vector<1x16xf32> to vector<16xf32>
          %swap3A_182 = vector.shape_cast %add3A_177 : vector<16xf32> to vector<1x16xf32>
          tpu.vector_store %arg7[%swap3A_178, %swap3A_179], %swap3A_182 {strides = array<i32>} : memref<128x128xf32, #tpu.memory_space<vmem>>, vector<1x16xf32>,
          %add3A_183 = arith.constant 0 : i32
          %add3A_184 = arith.addi %mul3A_88, %add3A_183 : i32
          %get3A_185 = arith.index_cast %add3A_184 : i32 to index
          %get3A_186 = arith.constant 96 : index
          %get3A_187 = tpu.vector_load %arg7[%get3A_185, %get3A_186] {strides = array<i32>} : memref<128x128xf32, #tpu.memory_space<vmem>>, vector<1x16xf32>,
          %get3A_188 = vector.shape_cast %get3A_187 : vector<1x16xf32> to vector<16xf32>
          %get3A_189 = arith.index_cast %add3A_184 : i32 to index
          %get3A_190 = arith.constant 96 : index
          %get3A_191 = tpu.vector_load %arg8[%get3A_189, %get3A_190] {strides = array<i32>} : memref<128x128xf32, #tpu.memory_space<vmem>>, vector<1x16xf32>,
          %get3A_192 = vector.shape_cast %get3A_191 : vector<1x16xf32> to vector<16xf32>
          %add3A_193 = arith.addf %get3A_188, %get3A_192 : vector<16xf32>
          %swap3A_194 = arith.index_cast %add3A_184 : i32 to index
          %swap3A_195 = arith.constant 96 : index
          %swap3A_196 = tpu.vector_load %arg7[%swap3A_194, %swap3A_195] {strides = array<i32>} : memref<128x128xf32, #tpu.memory_space<vmem>>, vector<1x16xf32>,
          %swap3A_197 = vector.shape_cast %swap3A_196 : vector<1x16xf32> to vector<16xf32>
          %swap3A_198 = vector.shape_cast %add3A_193 : vector<16xf32> to vector<1x16xf32>
          tpu.vector_store %arg7[%swap3A_194, %swap3A_195], %swap3A_198 {strides = array<i32>} : memref<128x128xf32, #tpu.memory_space<vmem>>, vector<1x16xf32>,
          %add3A_199 = arith.constant 0 : i32
          %add3A_200 = arith.addi %mul3A_88, %add3A_199 : i32
          %get3A_201 = arith.index_cast %add3A_200 : i32 to index
          %get3A_202 = arith.constant 112 : index
          %get3A_203 = tpu.vector_load %arg7[%get3A_201, %get3A_202] {strides = array<i32>} : memref<128x128xf32, #tpu.memory_space<vmem>>, vector<1x16xf32>,
          %get3A_204 = vector.shape_cast %get3A_203 : vector<1x16xf32> to vector<16xf32>
          %get3A_205 = arith.index_cast %add3A_200 : i32 to index
          %get3A_206 = arith.constant 112 : index
          %get3A_207 = tpu.vector_load %arg8[%get3A_205, %get3A_206] {strides = array<i32>} : memref<128x128xf32, #tpu.memory_space<vmem>>, vector<1x16xf32>,
          %get3A_208 = vector.shape_cast %get3A_207 : vector<1x16xf32> to vector<16xf32>
          %add3A_209 = arith.addf %get3A_204, %get3A_208 : vector<16xf32>
          %swap3A_210 = arith.index_cast %add3A_200 : i32 to index
          %swap3A_211 = arith.constant 112 : index
          %swap3A_212 = tpu.vector_load %arg7[%swap3A_210, %swap3A_211] {strides = array<i32>} : memref<128x128xf32, #tpu.memory_space<vmem>>, vector<1x16xf32>,
          %swap3A_213 = vector.shape_cast %swap3A_212 : vector<1x16xf32> to vector<16xf32>
          %swap3A_214 = vector.shape_cast %add3A_209 : vector<16xf32> to vector<1x16xf32>
          tpu.vector_store %arg7[%swap3A_210, %swap3A_211], %swap3A_214 {strides = array<i32>} : memref<128x128xf32, #tpu.memory_space<vmem>>, vector<1x16xf32>,
          %add3A_215 = arith.constant 1 : i32
          %add3A_216 = arith.addi %mul3A_88, %add3A_215 : i32
          %get3A_217 = arith.index_cast %add3A_216 : i32 to index
          %get3A_218 = arith.constant 0 : index
          %get3A_219 = tpu.vector_load %arg7[%get3A_217, %get3A_218] {strides = array<i32>} : memref<128x128xf32, #tpu.memory_space<vmem>>, vector<1x16xf32>,
          %get3A_220 = vector.shape_cast %get3A_219 : vector<1x16xf32> to vector<16xf32>
          %get3A_221 = arith.index_cast %add3A_216 : i32 to index
          %get3A_222 = arith.constant 0 : index
          %get3A_223 = tpu.vector_load %arg8[%get3A_221, %get3A_222] {strides = array<i32>} : memref<128x128xf32, #tpu.memory_space<vmem>>, vector<1x16xf32>,
          %get3A_224 = vector.shape_cast %get3A_223 : vector<1x16xf32> to vector<16xf32>
          %add3A_225 = arith.addf %get3A_220, %get3A_224 : vector<16xf32>
          %swap3A_226 = arith.index_cast %add3A_216 : i32 to index
          %swap3A_227 = arith.constant 0 : index
          %swap3A_228 = tpu.vector_load %arg7[%swap3A_226, %swap3A_227] {strides = array<i32>} : memref<128x128xf32, #tpu.memory_space<vmem>>, vector<1x16xf32>,
          %swap3A_229 = vector.shape_cast %swap3A_228 : vector<1x16xf32> to vector<16xf32>
          %swap3A_230 = vector.shape_cast %add3A_225 : vector<16xf32> to vector<1x16xf32>
          tpu.vector_store %arg7[%swap3A_226, %swap3A_227], %swap3A_230 {strides = array<i32>} : memref<128x128xf32, #tpu.memory_space<vmem>>, vector<1x16xf32>,
          %add3A_231 = arith.constant 1 : i32
          %add3A_232 = arith.addi %mul3A_88, %add3A_231 : i32
          %get3A_233 = arith.index_cast %add3A_232 : i32 to index
          %get3A_234 = arith.constant 16 : index
          %get3A_235 = tpu.vector_load %arg7[%get3A_233, %get3A_234] {strides = array<i32>} : memref<128x128xf32, #tpu.memory_space<vmem>>, vector<1x16xf32>,
          %get3A_236 = vector.shape_cast %get3A_235 : vector<1x16xf32> to vector<16xf32>
          %get3A_237 = arith.index_cast %add3A_232 : i32 to index
          %get3A_238 = arith.constant 16 : index
          %get3A_239 = tpu.vector_load %arg8[%get3A_237, %get3A_238] {strides = array<i32>} : memref<128x128xf32, #tpu.memory_space<vmem>>, vector<1x16xf32>,
          %get3A_240 = vector.shape_cast %get3A_239 : vector<1x16xf32> to vector<16xf32>
          %add3A_241 = arith.addf %get3A_236, %get3A_240 : vector<16xf32>
          %swap3A_242 = arith.index_cast %add3A_232 : i32 to index
          %swap3A_243 = arith.constant 16 : index
          %swap3A_244 = tpu.vector_load %arg7[%swap3A_242, %swap3A_243] {strides = array<i32>} : memref<128x128xf32, #tpu.memory_space<vmem>>, vector<1x16xf32>,
          %swap3A_245 = vector.shape_cast %swap3A_244 : vector<1x16xf32> to vector<16xf32>
          %swap3A_246 = vector.shape_cast %add3A_241 : vector<16xf32> to vector<1x16xf32>
          tpu.vector_store %arg7[%swap3A_242, %swap3A_243], %swap3A_246 {strides = array<i32>} : memref<128x128xf32, #tpu.memory_space<vmem>>, vector<1x16xf32>,
          %add3A_247 = arith.constant 1 : i32
          %add3A_248 = arith.addi %mul3A_88, %add3A_247 : i32
          %get3A_249 = arith.index_cast %add3A_248 : i32 to index
          %get3A_250 = arith.constant 32 : index
          %get3A_251 = tpu.vector_load %arg7[%get3A_249, %get3A_250] {strides = array<i32>} : memref<128x128xf32, #tpu.memory_space<vmem>>, vector<1x16xf32>,
          %get3A_252 = vector.shape_cast %get3A_251 : vector<1x16xf32> to vector<16xf32>
          %get3A_253 = arith.index_cast %add3A_248 : i32 to index
          %get3A_254 = arith.constant 32 : index
          %get3A_255 = tpu.vector_load %arg8[%get3A_253, %get3A_254] {strides = array<i32>} : memref<128x128xf32, #tpu.memory_space<vmem>>, vector<1x16xf32>,
          %get3A_256 = vector.shape_cast %get3A_255 : vector<1x16xf32> to vector<16xf32>
          %add3A_257 = arith.addf %get3A_252, %get3A_256 : vector<16xf32>
          %swap3A_258 = arith.index_cast %add3A_248 : i32 to index
          %swap3A_259 = arith.constant 32 : index
          %swap3A_260 = tpu.vector_load %arg7[%swap3A_258, %swap3A_259] {strides = array<i32>} : memref<128x128xf32, #tpu.memory_space<vmem>>, vector<1x16xf32>,
          %swap3A_261 = vector.shape_cast %swap3A_260 : vector<1x16xf32> to vector<16xf32>
          %swap3A_262 = vector.shape_cast %add3A_257 : vector<16xf32> to vector<1x16xf32>
          tpu.vector_store %arg7[%swap3A_258, %swap3A_259], %swap3A_262 {strides = array<i32>} : memref<128x128xf32, #tpu.memory_space<vmem>>, vector<1x16xf32>,
          %add3A_263 = arith.constant 1 : i32
          %add3A_264 = arith.addi %mul3A_88, %add3A_263 : i32
          %get3A_265 = arith.index_cast %add3A_264 : i32 to index
          %get3A_266 = arith.constant 48 : index
          %get3A_267 = tpu.vector_load %arg7[%get3A_265, %get3A_266] {strides = array<i32>} : memref<128x128xf32, #tpu.memory_space<vmem>>, vector<1x16xf32>,
          %get3A_268 = vector.shape_cast %get3A_267 : vector<1x16xf32> to vector<16xf32>
          %get3A_269 = arith.index_cast %add3A_264 : i32 to index
          %get3A_270 = arith.constant 48 : index
          %get3A_271 = tpu.vector_load %arg8[%get3A_269, %get3A_270] {strides = array<i32>} : memref<128x128xf32, #tpu.memory_space<vmem>>, vector<1x16xf32>,
          %get3A_272 = vector.shape_cast %get3A_271 : vector<1x16xf32> to vector<16xf32>
          %add3A_273 = arith.addf %get3A_268, %get3A_272 : vector<16xf32>
          %swap3A_274 = arith.index_cast %add3A_264 : i32 to index
          %swap3A_275 = arith.constant 48 : index
          %swap3A_276 = tpu.vector_load %arg7[%swap3A_274, %swap3A_275] {strides = array<i32>} : memref<128x128xf32, #tpu.memory_space<vmem>>, vector<1x16xf32>,
          %swap3A_277 = vector.shape_cast %swap3A_276 : vector<1x16xf32> to vector<16xf32>
          %swap3A_278 = vector.shape_cast %add3A_273 : vector<16xf32> to vector<1x16xf32>
          tpu.vector_store %arg7[%swap3A_274, %swap3A_275], %swap3A_278 {strides = array<i32>} : memref<128x128xf32, #tpu.memory_space<vmem>>, vector<1x16xf32>,
          %add3A_279 = arith.constant 1 : i32
          %add3A_280 = arith.addi %mul3A_88, %add3A_279 : i32
          %get3A_281 = arith.index_cast %add3A_280 : i32 to index
          %get3A_282 = arith.constant 64 : index
          %get3A_283 = tpu.vector_load %arg7[%get3A_281, %get3A_282] {strides = array<i32>} : memref<128x128xf32, #tpu.memory_space<vmem>>, vector<1x16xf32>,
          %get3A_284 = vector.shape_cast %get3A_283 : vector<1x16xf32> to vector<16xf32>
          %get3A_285 = arith.index_cast %add3A_280 : i32 to index
          %get3A_286 = arith.constant 64 : index
          %get3A_287 = tpu.vector_load %arg8[%get3A_285, %get3A_286] {strides = array<i32>} : memref<128x128xf32, #tpu.memory_space<vmem>>, vector<1x16xf32>,
          %get3A_288 = vector.shape_cast %get3A_287 : vector<1x16xf32> to vector<16xf32>
          %add3A_289 = arith.addf %get3A_284, %get3A_288 : vector<16xf32>
          %swap3A_290 = arith.index_cast %add3A_280 : i32 to index
          %swap3A_291 = arith.constant 64 : index
          %swap3A_292 = tpu.vector_load %arg7[%swap3A_290, %swap3A_291] {strides = array<i32>} : memref<128x128xf32, #tpu.memory_space<vmem>>, vector<1x16xf32>,
          %swap3A_293 = vector.shape_cast %swap3A_292 : vector<1x16xf32> to vector<16xf32>
          %swap3A_294 = vector.shape_cast %add3A_289 : vector<16xf32> to vector<1x16xf32>
          tpu.vector_store %arg7[%swap3A_290, %swap3A_291], %swap3A_294 {strides = array<i32>} : memref<128x128xf32, #tpu.memory_space<vmem>>, vector<1x16xf32>,
          %add3A_295 = arith.constant 1 : i32
          %add3A_296 = arith.addi %mul3A_88, %add3A_295 : i32
          %get3A_297 = arith.index_cast %add3A_296 : i32 to index
          %get3A_298 = arith.constant 80 : index
          %get3A_299 = tpu.vector_load %arg7[%get3A_297, %get3A_298] {strides = array<i32>} : memref<128x128xf32, #tpu.memory_space<vmem>>, vector<1x16xf32>,
          %get3A_300 = vector.shape_cast %get3A_299 : vector<1x16xf32> to vector<16xf32>
          %get3A_301 = arith.index_cast %add3A_296 : i32 to index
          %get3A_302 = arith.constant 80 : index
          %get3A_303 = tpu.vector_load %arg8[%get3A_301, %get3A_302] {strides = array<i32>} : memref<128x128xf32, #tpu.memory_space<vmem>>, vector<1x16xf32>,
          %get3A_304 = vector.shape_cast %get3A_303 : vector<1x16xf32> to vector<16xf32>
          %add3A_305 = arith.addf %get3A_300, %get3A_304 : vector<16xf32>
          %swap3A_306 = arith.index_cast %add3A_296 : i32 to index
          %swap3A_307 = arith.constant 80 : index
          %swap3A_308 = tpu.vector_load %arg7[%swap3A_306, %swap3A_307] {strides = array<i32>} : memref<128x128xf32, #tpu.memory_space<vmem>>, vector<1x16xf32>,
          %swap3A_309 = vector.shape_cast %swap3A_308 : vector<1x16xf32> to vector<16xf32>
          %swap3A_310 = vector.shape_cast %add3A_305 : vector<16xf32> to vector<1x16xf32>
          tpu.vector_store %arg7[%swap3A_306, %swap3A_307], %swap3A_310 {strides = array<i32>} : memref<128x128xf32, #tpu.memory_space<vmem>>, vector<1x16xf32>,
          %add3A_311 = arith.constant 1 : i32
          %add3A_312 = arith.addi %mul3A_88, %add3A_311 : i32
          %get3A_313 = arith.index_cast %add3A_312 : i32 to index
          %get3A_314 = arith.constant 96 : index
          %get3A_315 = tpu.vector_load %arg7[%get3A_313, %get3A_314] {strides = array<i32>} : memref<128x128xf32, #tpu.memory_space<vmem>>, vector<1x16xf32>,
          %get3A_316 = vector.shape_cast %get3A_315 : vector<1x16xf32> to vector<16xf32>
          %get3A_317 = arith.index_cast %add3A_312 : i32 to index
          %get3A_318 = arith.constant 96 : index
          %get3A_319 = tpu.vector_load %arg8[%get3A_317, %get3A_318] {strides = array<i32>} : memref<128x128xf32, #tpu.memory_space<vmem>>, vector<1x16xf32>,
          %get3A_320 = vector.shape_cast %get3A_319 : vector<1x16xf32> to vector<16xf32>
          %add3A_321 = arith.addf %get3A_316, %get3A_320 : vector<16xf32>
          %swap3A_322 = arith.index_cast %add3A_312 : i32 to index
          %swap3A_323 = arith.constant 96 : index
          %swap3A_324 = tpu.vector_load %arg7[%swap3A_322, %swap3A_323] {strides = array<i32>} : memref<128x128xf32, #tpu.memory_space<vmem>>, vector<1x16xf32>,
          %swap3A_325 = vector.shape_cast %swap3A_324 : vector<1x16xf32> to vector<16xf32>
          %swap3A_326 = vector.shape_cast %add3A_321 : vector<16xf32> to vector<1x16xf32>
          tpu.vector_store %arg7[%swap3A_322, %swap3A_323], %swap3A_326 {strides = array<i32>} : memref<128x128xf32, #tpu.memory_space<vmem>>, vector<1x16xf32>,
          %add3A_327 = arith.constant 1 : i32
          %add3A_328 = arith.addi %mul3A_88, %add3A_327 : i32
          %get3A_329 = arith.index_cast %add3A_328 : i32 to index
          %get3A_330 = arith.constant 112 : index
          %get3A_331 = tpu.vector_load %arg7[%get3A_329, %get3A_330] {strides = array<i32>} : memref<128x128xf32, #tpu.memory_space<vmem>>, vector<1x16xf32>,
          %get3A_332 = vector.shape_cast %get3A_331 : vector<1x16xf32> to vector<16xf32>
          %get3A_333 = arith.index_cast %add3A_328 : i32 to index
          %get3A_334 = arith.constant 112 : index
          %get3A_335 = tpu.vector_load %arg8[%get3A_333, %get3A_334] {strides = array<i32>} : memref<128x128xf32, #tpu.memory_space<vmem>>, vector<1x16xf32>,
          %get3A_336 = vector.shape_cast %get3A_335 : vector<1x16xf32> to vector<16xf32>
          %add3A_337 = arith.addf %get3A_332, %get3A_336 : vector<16xf32>
          %swap3A_338 = arith.index_cast %add3A_328 : i32 to index
          %swap3A_339 = arith.constant 112 : index
          %swap3A_340 = tpu.vector_load %arg7[%swap3A_338, %swap3A_339] {strides = array<i32>} : memref<128x128xf32, #tpu.memory_space<vmem>>, vector<1x16xf32>,
          %swap3A_341 = vector.shape_cast %swap3A_340 : vector<1x16xf32> to vector<16xf32>
          %swap3A_342 = vector.shape_cast %add3A_337 : vector<16xf32> to vector<1x16xf32>
          tpu.vector_store %arg7[%swap3A_338, %swap3A_339], %swap3A_342 {strides = array<i32>} : memref<128x128xf32, #tpu.memory_space<vmem>>, vector<1x16xf32>,
        }
        %scan3A_79 = arith.constant 64 : i32
        %add3A_80 = arith.addi %add3A_4, %mul3A_37 : i32
        %mul3A_81 = arith.constant 128 : i32
        %mul3A_82 = arith.muli %add3A_80, %mul3A_81 : i32
        %dma_start3A = arith.constant 0 : i32
        %dma_start3A_83 = tpu.memref_slice %arg5[%mul3A_82, %dma_start3A] : memref<32000x128xf32, #tpu.memory_space<hbm>> -> memref<128x128xf32, #tpu.memory_space<hbm>>
        %dma_start3A_84 = arith.constant 0 : i32
        %dma_start3A_85 = tpu.memref_slice %arg5[%mul3A_82, %dma_start3A_84] : memref<32000x128xf32, #tpu.memory_space<hbm>> -> memref<128x128xf32, #tpu.memory_space<hbm>>
        tpu.enqueue_dma source(%arg7 : memref<128x128xf32, #tpu.memory_space<vmem>>) target(%dma_start3A_85 : memref<128x128xf32, #tpu.memory_space<hbm>>) target_semaphore(%arg15 : memref<!tpu.dma_semaphore, #tpu.memory_space<semaphore_mem>>)
      } else {
      }
      %add3A_42 = arith.constant 1 : i32
      %add3A_43 = arith.addi %mul3A_37, %add3A_42 : i32
      %lt3A_44 = arith.cmpi slt, %add3A_43, %select_n3A : i32
      %convert_element_type3A_45 = arith.extui %lt3A_44 : i1 to i32
      %cond3A_46 = arith.constant 0 : i32
      %cond3A_47 = arith.cmpi ne, %convert_element_type3A_45, %cond3A_46 : i32
      scf.if %cond3A_47 {
        %dma_wait3A_60 = arith.constant 0 : i32
        %dma_wait3A_61 = arith.constant 0 : i32
        %dma_wait3A_62 = tpu.memref_slice %arg6[%add3A_43, %dma_wait3A_60, %dma_wait3A_61] : memref<8x2x128xi32, #tpu.memory_space<vmem>> -> memref<1x1x128xi32, #tpu.memory_space<vmem>>
        %dma_wait3A_63 = tpu.memref_squeeze %dma_wait3A_62 : memref<1x1x128xi32, #tpu.memory_space<vmem>> -> memref<128xi32, #tpu.memory_space<vmem>>
        %dma_wait3A_64 = arith.constant 0 : i32
        %dma_wait3A_65 = arith.constant 0 : i32
        %dma_wait3A_66 = tpu.memref_slice %arg2[%dma_wait3A_64, %dma_wait3A_65] : memref<10000x128xf32, #tpu.memory_space<hbm>> -> memref<10000x128xf32, #tpu.memory_space<hbm>>
        tpu.wait_indirect_dma semaphore(%arg13 : memref<!tpu.dma_semaphore, #tpu.memory_space<semaphore_mem>>) src(%dma_wait3A_66 : memref<10000x128xf32, #tpu.memory_space<hbm>>) dst(%arg9 : memref<128x128xf32, #tpu.memory_space<vmem>>)
        %dma_wait3A_67 = arith.constant 1 : i32
        %dma_wait3A_68 = arith.constant 0 : i32
        %dma_wait3A_69 = tpu.memref_slice %arg6[%add3A_43, %dma_wait3A_67, %dma_wait3A_68] : memref<8x2x128xi32, #tpu.memory_space<vmem>> -> memref<1x1x128xi32, #tpu.memory_space<vmem>>
        %dma_wait3A_70 = tpu.memref_squeeze %dma_wait3A_69 : memref<1x1x128xi32, #tpu.memory_space<vmem>> -> memref<128xi32, #tpu.memory_space<vmem>>
        %dma_wait3A_71 = arith.constant 0 : i32
        %dma_wait3A_72 = arith.constant 0 : i32
        %dma_wait3A_73 = tpu.memref_slice %arg3[%dma_wait3A_71, %dma_wait3A_72] : memref<10000x128xf32, #tpu.memory_space<hbm>> -> memref<10000x128xf32, #tpu.memory_space<hbm>>
        tpu.wait_indirect_dma semaphore(%arg14 : memref<!tpu.dma_semaphore, #tpu.memory_space<semaphore_mem>>) src(%dma_wait3A_73 : memref<10000x128xf32, #tpu.memory_space<hbm>>) dst(%arg10 : memref<128x128xf32, #tpu.memory_space<vmem>>)
        %scan3A_74 = arith.constant 0 : i32
        %scan3A_75 = arith.constant 0 : i32
        %scan3A_76 = arith.constant 64 : i32
        %scan3A_77 = arith.addi %scan3A_75, %scan3A_76 : i32
        %scan3A_78 = arith.constant 1 : i32
        scf.for %scan3A_86 = %scan3A_75 to %scan3A_77 step %scan3A_78  : i32 {
          %mul3A_87 = arith.constant 2 : i32
          %mul3A_88 = arith.muli %scan3A_86, %mul3A_87 : i32
          %add3A_89 = arith.constant 0 : i32
          %add3A_90 = arith.addi %mul3A_88, %add3A_89 : i32
          %get3A = arith.index_cast %add3A_90 : i32 to index
          %get3A_91 = arith.constant 0 : index
          %get3A_92 = tpu.vector_load %arg9[%get3A, %get3A_91] {strides = array<i32>} : memref<128x128xf32, #tpu.memory_space<vmem>>, vector<1x16xf32>,
          %get3A_93 = vector.shape_cast %get3A_92 : vector<1x16xf32> to vector<16xf32>
          %get3A_94 = arith.index_cast %add3A_90 : i32 to index
          %get3A_95 = arith.constant 0 : index
          %get3A_96 = tpu.vector_load %arg10[%get3A_94, %get3A_95] {strides = array<i32>} : memref<128x128xf32, #tpu.memory_space<vmem>>, vector<1x16xf32>,
          %get3A_97 = vector.shape_cast %get3A_96 : vector<1x16xf32> to vector<16xf32>
          %add3A_98 = arith.addf %get3A_93, %get3A_97 : vector<16xf32>
          %swap3A = arith.index_cast %add3A_90 : i32 to index
          %swap3A_99 = arith.constant 0 : index
          %swap3A_100 = tpu.vector_load %arg9[%swap3A, %swap3A_99] {strides = array<i32>} : memref<128x128xf32, #tpu.memory_space<vmem>>, vector<1x16xf32>,
          %swap3A_101 = vector.shape_cast %swap3A_100 : vector<1x16xf32> to vector<16xf32>
          %swap3A_102 = vector.shape_cast %add3A_98 : vector<16xf32> to vector<1x16xf32>
          tpu.vector_store %arg9[%swap3A, %swap3A_99], %swap3A_102 {strides = array<i32>} : memref<128x128xf32, #tpu.memory_space<vmem>>, vector<1x16xf32>,
          %add3A_103 = arith.constant 0 : i32
          %add3A_104 = arith.addi %mul3A_88, %add3A_103 : i32
          %get3A_105 = arith.index_cast %add3A_104 : i32 to index
          %get3A_106 = arith.constant 16 : index
          %get3A_107 = tpu.vector_load %arg9[%get3A_105, %get3A_106] {strides = array<i32>} : memref<128x128xf32, #tpu.memory_space<vmem>>, vector<1x16xf32>,
          %get3A_108 = vector.shape_cast %get3A_107 : vector<1x16xf32> to vector<16xf32>
          %get3A_109 = arith.index_cast %add3A_104 : i32 to index
          %get3A_110 = arith.constant 16 : index
          %get3A_111 = tpu.vector_load %arg10[%get3A_109, %get3A_110] {strides = array<i32>} : memref<128x128xf32, #tpu.memory_space<vmem>>, vector<1x16xf32>,
          %get3A_112 = vector.shape_cast %get3A_111 : vector<1x16xf32> to vector<16xf32>
          %add3A_113 = arith.addf %get3A_108, %get3A_112 : vector<16xf32>
          %swap3A_114 = arith.index_cast %add3A_104 : i32 to index
          %swap3A_115 = arith.constant 16 : index
          %swap3A_116 = tpu.vector_load %arg9[%swap3A_114, %swap3A_115] {strides = array<i32>} : memref<128x128xf32, #tpu.memory_space<vmem>>, vector<1x16xf32>,
          %swap3A_117 = vector.shape_cast %swap3A_116 : vector<1x16xf32> to vector<16xf32>
          %swap3A_118 = vector.shape_cast %add3A_113 : vector<16xf32> to vector<1x16xf32>
          tpu.vector_store %arg9[%swap3A_114, %swap3A_115], %swap3A_118 {strides = array<i32>} : memref<128x128xf32, #tpu.memory_space<vmem>>, vector<1x16xf32>,
          %add3A_119 = arith.constant 0 : i32
          %add3A_120 = arith.addi %mul3A_88, %add3A_119 : i32
          %get3A_121 = arith.index_cast %add3A_120 : i32 to index
          %get3A_122 = arith.constant 32 : index
          %get3A_123 = tpu.vector_load %arg9[%get3A_121, %get3A_122] {strides = array<i32>} : memref<128x128xf32, #tpu.memory_space<vmem>>, vector<1x16xf32>,
          %get3A_124 = vector.shape_cast %get3A_123 : vector<1x16xf32> to vector<16xf32>
          %get3A_125 = arith.index_cast %add3A_120 : i32 to index
          %get3A_126 = arith.constant 32 : index
          %get3A_127 = tpu.vector_load %arg10[%get3A_125, %get3A_126] {strides = array<i32>} : memref<128x128xf32, #tpu.memory_space<vmem>>, vector<1x16xf32>,
          %get3A_128 = vector.shape_cast %get3A_127 : vector<1x16xf32> to vector<16xf32>
          %add3A_129 = arith.addf %get3A_124, %get3A_128 : vector<16xf32>
          %swap3A_130 = arith.index_cast %add3A_120 : i32 to index
          %swap3A_131 = arith.constant 32 : index
          %swap3A_132 = tpu.vector_load %arg9[%swap3A_130, %swap3A_131] {strides = array<i32>} : memref<128x128xf32, #tpu.memory_space<vmem>>, vector<1x16xf32>,
          %swap3A_133 = vector.shape_cast %swap3A_132 : vector<1x16xf32> to vector<16xf32>
          %swap3A_134 = vector.shape_cast %add3A_129 : vector<16xf32> to vector<1x16xf32>
          tpu.vector_store %arg9[%swap3A_130, %swap3A_131], %swap3A_134 {strides = array<i32>} : memref<128x128xf32, #tpu.memory_space<vmem>>, vector<1x16xf32>,
          %add3A_135 = arith.constant 0 : i32
          %add3A_136 = arith.addi %mul3A_88, %add3A_135 : i32
          %get3A_137 = arith.index_cast %add3A_136 : i32 to index
          %get3A_138 = arith.constant 48 : index
          %get3A_139 = tpu.vector_load %arg9[%get3A_137, %get3A_138] {strides = array<i32>} : memref<128x128xf32, #tpu.memory_space<vmem>>, vector<1x16xf32>,
          %get3A_140 = vector.shape_cast %get3A_139 : vector<1x16xf32> to vector<16xf32>
          %get3A_141 = arith.index_cast %add3A_136 : i32 to index
          %get3A_142 = arith.constant 48 : index
          %get3A_143 = tpu.vector_load %arg10[%get3A_141, %get3A_142] {strides = array<i32>} : memref<128x128xf32, #tpu.memory_space<vmem>>, vector<1x16xf32>,
          %get3A_144 = vector.shape_cast %get3A_143 : vector<1x16xf32> to vector<16xf32>
          %add3A_145 = arith.addf %get3A_140, %get3A_144 : vector<16xf32>
          %swap3A_146 = arith.index_cast %add3A_136 : i32 to index
          %swap3A_147 = arith.constant 48 : index
          %swap3A_148 = tpu.vector_load %arg9[%swap3A_146, %swap3A_147] {strides = array<i32>} : memref<128x128xf32, #tpu.memory_space<vmem>>, vector<1x16xf32>,
          %swap3A_149 = vector.shape_cast %swap3A_148 : vector<1x16xf32> to vector<16xf32>
          %swap3A_150 = vector.shape_cast %add3A_145 : vector<16xf32> to vector<1x16xf32>
          tpu.vector_store %arg9[%swap3A_146, %swap3A_147], %swap3A_150 {strides = array<i32>} : memref<128x128xf32, #tpu.memory_space<vmem>>, vector<1x16xf32>,
          %add3A_151 = arith.constant 0 : i32
          %add3A_152 = arith.addi %mul3A_88, %add3A_151 : i32
          %get3A_153 = arith.index_cast %add3A_152 : i32 to index
          %get3A_154 = arith.constant 64 : index
          %get3A_155 = tpu.vector_load %arg9[%get3A_153, %get3A_154] {strides = array<i32>} : memref<128x128xf32, #tpu.memory_space<vmem>>, vector<1x16xf32>,
          %get3A_156 = vector.shape_cast %get3A_155 : vector<1x16xf32> to vector<16xf32>
          %get3A_157 = arith.index_cast %add3A_152 : i32 to index
          %get3A_158 = arith.constant 64 : index
          %get3A_159 = tpu.vector_load %arg10[%get3A_157, %get3A_158] {strides = array<i32>} : memref<128x128xf32, #tpu.memory_space<vmem>>, vector<1x16xf32>,
          %get3A_160 = vector.shape_cast %get3A_159 : vector<1x16xf32> to vector<16xf32>
          %add3A_161 = arith.addf %get3A_156, %get3A_160 : vector<16xf32>
          %swap3A_162 = arith.index_cast %add3A_152 : i32 to index
          %swap3A_163 = arith.constant 64 : index
          %swap3A_164 = tpu.vector_load %arg9[%swap3A_162, %swap3A_163] {strides = array<i32>} : memref<128x128xf32, #tpu.memory_space<vmem>>, vector<1x16xf32>,
          %swap3A_165 = vector.shape_cast %swap3A_164 : vector<1x16xf32> to vector<16xf32>
          %swap3A_166 = vector.shape_cast %add3A_161 : vector<16xf32> to vector<1x16xf32>
          tpu.vector_store %arg9[%swap3A_162, %swap3A_163], %swap3A_166 {strides = array<i32>} : memref<128x128xf32, #tpu.memory_space<vmem>>, vector<1x16xf32>,
          %add3A_167 = arith.constant 0 : i32
          %add3A_168 = arith.addi %mul3A_88, %add3A_167 : i32
          %get3A_169 = arith.index_cast %add3A_168 : i32 to index
          %get3A_170 = arith.constant 80 : index
          %get3A_171 = tpu.vector_load %arg9[%get3A_169, %get3A_170] {strides = array<i32>} : memref<128x128xf32, #tpu.memory_space<vmem>>, vector<1x16xf32>,
          %get3A_172 = vector.shape_cast %get3A_171 : vector<1x16xf32> to vector<16xf32>
          %get3A_173 = arith.index_cast %add3A_168 : i32 to index
          %get3A_174 = arith.constant 80 : index
          %get3A_175 = tpu.vector_load %arg10[%get3A_173, %get3A_174] {strides = array<i32>} : memref<128x128xf32, #tpu.memory_space<vmem>>, vector<1x16xf32>,
          %get3A_176 = vector.shape_cast %get3A_175 : vector<1x16xf32> to vector<16xf32>
          %add3A_177 = arith.addf %get3A_172, %get3A_176 : vector<16xf32>
          %swap3A_178 = arith.index_cast %add3A_168 : i32 to index
          %swap3A_179 = arith.constant 80 : index
          %swap3A_180 = tpu.vector_load %arg9[%swap3A_178, %swap3A_179] {strides = array<i32>} : memref<128x128xf32, #tpu.memory_space<vmem>>, vector<1x16xf32>,
          %swap3A_181 = vector.shape_cast %swap3A_180 : vector<1x16xf32> to vector<16xf32>
          %swap3A_182 = vector.shape_cast %add3A_177 : vector<16xf32> to vector<1x16xf32>
          tpu.vector_store %arg9[%swap3A_178, %swap3A_179], %swap3A_182 {strides = array<i32>} : memref<128x128xf32, #tpu.memory_space<vmem>>, vector<1x16xf32>,
          %add3A_183 = arith.constant 0 : i32
          %add3A_184 = arith.addi %mul3A_88, %add3A_183 : i32
          %get3A_185 = arith.index_cast %add3A_184 : i32 to index
          %get3A_186 = arith.constant 96 : index
          %get3A_187 = tpu.vector_load %arg9[%get3A_185, %get3A_186] {strides = array<i32>} : memref<128x128xf32, #tpu.memory_space<vmem>>, vector<1x16xf32>,
          %get3A_188 = vector.shape_cast %get3A_187 : vector<1x16xf32> to vector<16xf32>
          %get3A_189 = arith.index_cast %add3A_184 : i32 to index
          %get3A_190 = arith.constant 96 : index
          %get3A_191 = tpu.vector_load %arg10[%get3A_189, %get3A_190] {strides = array<i32>} : memref<128x128xf32, #tpu.memory_space<vmem>>, vector<1x16xf32>,
          %get3A_192 = vector.shape_cast %get3A_191 : vector<1x16xf32> to vector<16xf32>
          %add3A_193 = arith.addf %get3A_188, %get3A_192 : vector<16xf32>
          %swap3A_194 = arith.index_cast %add3A_184 : i32 to index
          %swap3A_195 = arith.constant 96 : index
          %swap3A_196 = tpu.vector_load %arg9[%swap3A_194, %swap3A_195] {strides = array<i32>} : memref<128x128xf32, #tpu.memory_space<vmem>>, vector<1x16xf32>,
          %swap3A_197 = vector.shape_cast %swap3A_196 : vector<1x16xf32> to vector<16xf32>
          %swap3A_198 = vector.shape_cast %add3A_193 : vector<16xf32> to vector<1x16xf32>
          tpu.vector_store %arg9[%swap3A_194, %swap3A_195], %swap3A_198 {strides = array<i32>} : memref<128x128xf32, #tpu.memory_space<vmem>>, vector<1x16xf32>,
          %add3A_199 = arith.constant 0 : i32
          %add3A_200 = arith.addi %mul3A_88, %add3A_199 : i32
          %get3A_201 = arith.index_cast %add3A_200 : i32 to index
          %get3A_202 = arith.constant 112 : index
          %get3A_203 = tpu.vector_load %arg9[%get3A_201, %get3A_202] {strides = array<i32>} : memref<128x128xf32, #tpu.memory_space<vmem>>, vector<1x16xf32>,
          %get3A_204 = vector.shape_cast %get3A_203 : vector<1x16xf32> to vector<16xf32>
          %get3A_205 = arith.index_cast %add3A_200 : i32 to index
          %get3A_206 = arith.constant 112 : index
          %get3A_207 = tpu.vector_load %arg10[%get3A_205, %get3A_206] {strides = array<i32>} : memref<128x128xf32, #tpu.memory_space<vmem>>, vector<1x16xf32>,
          %get3A_208 = vector.shape_cast %get3A_207 : vector<1x16xf32> to vector<16xf32>
          %add3A_209 = arith.addf %get3A_204, %get3A_208 : vector<16xf32>
          %swap3A_210 = arith.index_cast %add3A_200 : i32 to index
          %swap3A_211 = arith.constant 112 : index
          %swap3A_212 = tpu.vector_load %arg9[%swap3A_210, %swap3A_211] {strides = array<i32>} : memref<128x128xf32, #tpu.memory_space<vmem>>, vector<1x16xf32>,
          %swap3A_213 = vector.shape_cast %swap3A_212 : vector<1x16xf32> to vector<16xf32>
          %swap3A_214 = vector.shape_cast %add3A_209 : vector<16xf32> to vector<1x16xf32>
          tpu.vector_store %arg9[%swap3A_210, %swap3A_211], %swap3A_214 {strides = array<i32>} : memref<128x128xf32, #tpu.memory_space<vmem>>, vector<1x16xf32>,
          %add3A_215 = arith.constant 1 : i32
          %add3A_216 = arith.addi %mul3A_88, %add3A_215 : i32
          %get3A_217 = arith.index_cast %add3A_216 : i32 to index
          %get3A_218 = arith.constant 0 : index
          %get3A_219 = tpu.vector_load %arg9[%get3A_217, %get3A_218] {strides = array<i32>} : memref<128x128xf32, #tpu.memory_space<vmem>>, vector<1x16xf32>,
          %get3A_220 = vector.shape_cast %get3A_219 : vector<1x16xf32> to vector<16xf32>
          %get3A_221 = arith.index_cast %add3A_216 : i32 to index
          %get3A_222 = arith.constant 0 : index
          %get3A_223 = tpu.vector_load %arg10[%get3A_221, %get3A_222] {strides = array<i32>} : memref<128x128xf32, #tpu.memory_space<vmem>>, vector<1x16xf32>,
          %get3A_224 = vector.shape_cast %get3A_223 : vector<1x16xf32> to vector<16xf32>
          %add3A_225 = arith.addf %get3A_220, %get3A_224 : vector<16xf32>
          %swap3A_226 = arith.index_cast %add3A_216 : i32 to index
          %swap3A_227 = arith.constant 0 : index
          %swap3A_228 = tpu.vector_load %arg9[%swap3A_226, %swap3A_227] {strides = array<i32>} : memref<128x128xf32, #tpu.memory_space<vmem>>, vector<1x16xf32>,
          %swap3A_229 = vector.shape_cast %swap3A_228 : vector<1x16xf32> to vector<16xf32>
          %swap3A_230 = vector.shape_cast %add3A_225 : vector<16xf32> to vector<1x16xf32>
          tpu.vector_store %arg9[%swap3A_226, %swap3A_227], %swap3A_230 {strides = array<i32>} : memref<128x128xf32, #tpu.memory_space<vmem>>, vector<1x16xf32>,
          %add3A_231 = arith.constant 1 : i32
          %add3A_232 = arith.addi %mul3A_88, %add3A_231 : i32
          %get3A_233 = arith.index_cast %add3A_232 : i32 to index
          %get3A_234 = arith.constant 16 : index
          %get3A_235 = tpu.vector_load %arg9[%get3A_233, %get3A_234] {strides = array<i32>} : memref<128x128xf32, #tpu.memory_space<vmem>>, vector<1x16xf32>,
          %get3A_236 = vector.shape_cast %get3A_235 : vector<1x16xf32> to vector<16xf32>
          %get3A_237 = arith.index_cast %add3A_232 : i32 to index
          %get3A_238 = arith.constant 16 : index
          %get3A_239 = tpu.vector_load %arg10[%get3A_237, %get3A_238] {strides = array<i32>} : memref<128x128xf32, #tpu.memory_space<vmem>>, vector<1x16xf32>,
          %get3A_240 = vector.shape_cast %get3A_239 : vector<1x16xf32> to vector<16xf32>
          %add3A_241 = arith.addf %get3A_236, %get3A_240 : vector<16xf32>
          %swap3A_242 = arith.index_cast %add3A_232 : i32 to index
          %swap3A_243 = arith.constant 16 : index
          %swap3A_244 = tpu.vector_load %arg9[%swap3A_242, %swap3A_243] {strides = array<i32>} : memref<128x128xf32, #tpu.memory_space<vmem>>, vector<1x16xf32>,
          %swap3A_245 = vector.shape_cast %swap3A_244 : vector<1x16xf32> to vector<16xf32>
          %swap3A_246 = vector.shape_cast %add3A_241 : vector<16xf32> to vector<1x16xf32>
          tpu.vector_store %arg9[%swap3A_242, %swap3A_243], %swap3A_246 {strides = array<i32>} : memref<128x128xf32, #tpu.memory_space<vmem>>, vector<1x16xf32>,
          %add3A_247 = arith.constant 1 : i32
          %add3A_248 = arith.addi %mul3A_88, %add3A_247 : i32
          %get3A_249 = arith.index_cast %add3A_248 : i32 to index
          %get3A_250 = arith.constant 32 : index
          %get3A_251 = tpu.vector_load %arg9[%get3A_249, %get3A_250] {strides = array<i32>} : memref<128x128xf32, #tpu.memory_space<vmem>>, vector<1x16xf32>,
          %get3A_252 = vector.shape_cast %get3A_251 : vector<1x16xf32> to vector<16xf32>
          %get3A_253 = arith.index_cast %add3A_248 : i32 to index
          %get3A_254 = arith.constant 32 : index
          %get3A_255 = tpu.vector_load %arg10[%get3A_253, %get3A_254] {strides = array<i32>} : memref<128x128xf32, #tpu.memory_space<vmem>>, vector<1x16xf32>,
          %get3A_256 = vector.shape_cast %get3A_255 : vector<1x16xf32> to vector<16xf32>
          %add3A_257 = arith.addf %get3A_252, %get3A_256 : vector<16xf32>
          %swap3A_258 = arith.index_cast %add3A_248 : i32 to index
          %swap3A_259 = arith.constant 32 : index
          %swap3A_260 = tpu.vector_load %arg9[%swap3A_258, %swap3A_259] {strides = array<i32>} : memref<128x128xf32, #tpu.memory_space<vmem>>, vector<1x16xf32>,
          %swap3A_261 = vector.shape_cast %swap3A_260 : vector<1x16xf32> to vector<16xf32>
          %swap3A_262 = vector.shape_cast %add3A_257 : vector<16xf32> to vector<1x16xf32>
          tpu.vector_store %arg9[%swap3A_258, %swap3A_259], %swap3A_262 {strides = array<i32>} : memref<128x128xf32, #tpu.memory_space<vmem>>, vector<1x16xf32>,
          %add3A_263 = arith.constant 1 : i32
          %add3A_264 = arith.addi %mul3A_88, %add3A_263 : i32
          %get3A_265 = arith.index_cast %add3A_264 : i32 to index
          %get3A_266 = arith.constant 48 : index
          %get3A_267 = tpu.vector_load %arg9[%get3A_265, %get3A_266] {strides = array<i32>} : memref<128x128xf32, #tpu.memory_space<vmem>>, vector<1x16xf32>,
          %get3A_268 = vector.shape_cast %get3A_267 : vector<1x16xf32> to vector<16xf32>
          %get3A_269 = arith.index_cast %add3A_264 : i32 to index
          %get3A_270 = arith.constant 48 : index
          %get3A_271 = tpu.vector_load %arg10[%get3A_269, %get3A_270] {strides = array<i32>} : memref<128x128xf32, #tpu.memory_space<vmem>>, vector<1x16xf32>,
          %get3A_272 = vector.shape_cast %get3A_271 : vector<1x16xf32> to vector<16xf32>
          %add3A_273 = arith.addf %get3A_268, %get3A_272 : vector<16xf32>
          %swap3A_274 = arith.index_cast %add3A_264 : i32 to index
          %swap3A_275 = arith.constant 48 : index
          %swap3A_276 = tpu.vector_load %arg9[%swap3A_274, %swap3A_275] {strides = array<i32>} : memref<128x128xf32, #tpu.memory_space<vmem>>, vector<1x16xf32>,
          %swap3A_277 = vector.shape_cast %swap3A_276 : vector<1x16xf32> to vector<16xf32>
          %swap3A_278 = vector.shape_cast %add3A_273 : vector<16xf32> to vector<1x16xf32>
          tpu.vector_store %arg9[%swap3A_274, %swap3A_275], %swap3A_278 {strides = array<i32>} : memref<128x128xf32, #tpu.memory_space<vmem>>, vector<1x16xf32>,
          %add3A_279 = arith.constant 1 : i32
          %add3A_280 = arith.addi %mul3A_88, %add3A_279 : i32
          %get3A_281 = arith.index_cast %add3A_280 : i32 to index
          %get3A_282 = arith.constant 64 : index
          %get3A_283 = tpu.vector_load %arg9[%get3A_281, %get3A_282] {strides = array<i32>} : memref<128x128xf32, #tpu.memory_space<vmem>>, vector<1x16xf32>,
          %get3A_284 = vector.shape_cast %get3A_283 : vector<1x16xf32> to vector<16xf32>
          %get3A_285 = arith.index_cast %add3A_280 : i32 to index
          %get3A_286 = arith.constant 64 : index
          %get3A_287 = tpu.vector_load %arg10[%get3A_285, %get3A_286] {strides = array<i32>} : memref<128x128xf32, #tpu.memory_space<vmem>>, vector<1x16xf32>,
          %get3A_288 = vector.shape_cast %get3A_287 : vector<1x16xf32> to vector<16xf32>
          %add3A_289 = arith.addf %get3A_284, %get3A_288 : vector<16xf32>
          %swap3A_290 = arith.index_cast %add3A_280 : i32 to index
          %swap3A_291 = arith.constant 64 : index
          %swap3A_292 = tpu.vector_load %arg9[%swap3A_290, %swap3A_291] {strides = array<i32>} : memref<128x128xf32, #tpu.memory_space<vmem>>, vector<1x16xf32>,
          %swap3A_293 = vector.shape_cast %swap3A_292 : vector<1x16xf32> to vector<16xf32>
          %swap3A_294 = vector.shape_cast %add3A_289 : vector<16xf32> to vector<1x16xf32>
          tpu.vector_store %arg9[%swap3A_290, %swap3A_291], %swap3A_294 {strides = array<i32>} : memref<128x128xf32, #tpu.memory_space<vmem>>, vector<1x16xf32>,
          %add3A_295 = arith.constant 1 : i32
          %add3A_296 = arith.addi %mul3A_88, %add3A_295 : i32
          %get3A_297 = arith.index_cast %add3A_296 : i32 to index
          %get3A_298 = arith.constant 80 : index
          %get3A_299 = tpu.vector_load %arg9[%get3A_297, %get3A_298] {strides = array<i32>} : memref<128x128xf32, #tpu.memory_space<vmem>>, vector<1x16xf32>,
          %get3A_300 = vector.shape_cast %get3A_299 : vector<1x16xf32> to vector<16xf32>
          %get3A_301 = arith.index_cast %add3A_296 : i32 to index
          %get3A_302 = arith.constant 80 : index
          %get3A_303 = tpu.vector_load %arg10[%get3A_301, %get3A_302] {strides = array<i32>} : memref<128x128xf32, #tpu.memory_space<vmem>>, vector<1x16xf32>,
          %get3A_304 = vector.shape_cast %get3A_303 : vector<1x16xf32> to vector<16xf32>
          %add3A_305 = arith.addf %get3A_300, %get3A_304 : vector<16xf32>
          %swap3A_306 = arith.index_cast %add3A_296 : i32 to index
          %swap3A_307 = arith.constant 80 : index
          %swap3A_308 = tpu.vector_load %arg9[%swap3A_306, %swap3A_307] {strides = array<i32>} : memref<128x128xf32, #tpu.memory_space<vmem>>, vector<1x16xf32>,
          %swap3A_309 = vector.shape_cast %swap3A_308 : vector<1x16xf32> to vector<16xf32>
          %swap3A_310 = vector.shape_cast %add3A_305 : vector<16xf32> to vector<1x16xf32>
          tpu.vector_store %arg9[%swap3A_306, %swap3A_307], %swap3A_310 {strides = array<i32>} : memref<128x128xf32, #tpu.memory_space<vmem>>, vector<1x16xf32>,
          %add3A_311 = arith.constant 1 : i32
          %add3A_312 = arith.addi %mul3A_88, %add3A_311 : i32
          %get3A_313 = arith.index_cast %add3A_312 : i32 to index
          %get3A_314 = arith.constant 96 : index
          %get3A_315 = tpu.vector_load %arg9[%get3A_313, %get3A_314] {strides = array<i32>} : memref<128x128xf32, #tpu.memory_space<vmem>>, vector<1x16xf32>,
          %get3A_316 = vector.shape_cast %get3A_315 : vector<1x16xf32> to vector<16xf32>
          %get3A_317 = arith.index_cast %add3A_312 : i32 to index
          %get3A_318 = arith.constant 96 : index
          %get3A_319 = tpu.vector_load %arg10[%get3A_317, %get3A_318] {strides = array<i32>} : memref<128x128xf32, #tpu.memory_space<vmem>>, vector<1x16xf32>,
          %get3A_320 = vector.shape_cast %get3A_319 : vector<1x16xf32> to vector<16xf32>
          %add3A_321 = arith.addf %get3A_316, %get3A_320 : vector<16xf32>
          %swap3A_322 = arith.index_cast %add3A_312 : i32 to index
          %swap3A_323 = arith.constant 96 : index
          %swap3A_324 = tpu.vector_load %arg9[%swap3A_322, %swap3A_323] {strides = array<i32>} : memref<128x128xf32, #tpu.memory_space<vmem>>, vector<1x16xf32>,
          %swap3A_325 = vector.shape_cast %swap3A_324 : vector<1x16xf32> to vector<16xf32>
          %swap3A_326 = vector.shape_cast %add3A_321 : vector<16xf32> to vector<1x16xf32>
          tpu.vector_store %arg9[%swap3A_322, %swap3A_323], %swap3A_326 {strides = array<i32>} : memref<128x128xf32, #tpu.memory_space<vmem>>, vector<1x16xf32>,
          %add3A_327 = arith.constant 1 : i32
          %add3A_328 = arith.addi %mul3A_88, %add3A_327 : i32
          %get3A_329 = arith.index_cast %add3A_328 : i32 to index
          %get3A_330 = arith.constant 112 : index
          %get3A_331 = tpu.vector_load %arg9[%get3A_329, %get3A_330] {strides = array<i32>} : memref<128x128xf32, #tpu.memory_space<vmem>>, vector<1x16xf32>,
          %get3A_332 = vector.shape_cast %get3A_331 : vector<1x16xf32> to vector<16xf32>
          %get3A_333 = arith.index_cast %add3A_328 : i32 to index
          %get3A_334 = arith.constant 112 : index
          %get3A_335 = tpu.vector_load %arg10[%get3A_333, %get3A_334] {strides = array<i32>} : memref<128x128xf32, #tpu.memory_space<vmem>>, vector<1x16xf32>,
          %get3A_336 = vector.shape_cast %get3A_335 : vector<1x16xf32> to vector<16xf32>
          %add3A_337 = arith.addf %get3A_332, %get3A_336 : vector<16xf32>
          %swap3A_338 = arith.index_cast %add3A_328 : i32 to index
          %swap3A_339 = arith.constant 112 : index
          %swap3A_340 = tpu.vector_load %arg9[%swap3A_338, %swap3A_339] {strides = array<i32>} : memref<128x128xf32, #tpu.memory_space<vmem>>, vector<1x16xf32>,
          %swap3A_341 = vector.shape_cast %swap3A_340 : vector<1x16xf32> to vector<16xf32>
          %swap3A_342 = vector.shape_cast %add3A_337 : vector<16xf32> to vector<1x16xf32>
          tpu.vector_store %arg9[%swap3A_338, %swap3A_339], %swap3A_342 {strides = array<i32>} : memref<128x128xf32, #tpu.memory_space<vmem>>, vector<1x16xf32>,
        }
        %scan3A_79 = arith.constant 64 : i32
        %add3A_80 = arith.addi %add3A_4, %add3A_43 : i32
        %mul3A_81 = arith.constant 128 : i32
        %mul3A_82 = arith.muli %add3A_80, %mul3A_81 : i32
        %dma_start3A = arith.constant 0 : i32
        %dma_start3A_83 = tpu.memref_slice %arg5[%mul3A_82, %dma_start3A] : memref<32000x128xf32, #tpu.memory_space<hbm>> -> memref<128x128xf32, #tpu.memory_space<hbm>>
        %dma_start3A_84 = arith.constant 0 : i32
        %dma_start3A_85 = tpu.memref_slice %arg5[%mul3A_82, %dma_start3A_84] : memref<32000x128xf32, #tpu.memory_space<hbm>> -> memref<128x128xf32, #tpu.memory_space<hbm>>
        tpu.enqueue_dma source(%arg9 : memref<128x128xf32, #tpu.memory_space<vmem>>) target(%dma_start3A_85 : memref<128x128xf32, #tpu.memory_space<hbm>>) target_semaphore(%arg16 : memref<!tpu.dma_semaphore, #tpu.memory_space<semaphore_mem>>)
      } else {
      }
      %add3A_48 = arith.constant 2 : i32
      %add3A_49 = arith.addi %mul3A_37, %add3A_48 : i32
      %lt3A_50 = arith.cmpi slt, %add3A_49, %select_n3A : i32
      %convert_element_type3A_51 = arith.extui %lt3A_50 : i1 to i32
      %cond3A_52 = arith.constant 0 : i32
      %cond3A_53 = arith.cmpi ne, %convert_element_type3A_51, %cond3A_52 : i32
      scf.if %cond3A_53 {
        %add3A_60 = arith.addi %add3A_4, %add3A_49 : i32
        %sub3A = arith.constant 2 : i32
        %sub3A_61 = arith.subi %add3A_60, %sub3A : i32
        %mul3A_62 = arith.constant 128 : i32
        %mul3A_63 = arith.muli %sub3A_61, %mul3A_62 : i32
        %dma_wait3A_64 = arith.constant 0 : i32
        %dma_wait3A_65 = tpu.memref_slice %arg5[%mul3A_63, %dma_wait3A_64] : memref<32000x128xf32, #tpu.memory_space<hbm>> -> memref<128x128xf32, #tpu.memory_space<hbm>>
        %dma_wait3A_66 = arith.constant 0 : i32
        %dma_wait3A_67 = tpu.memref_slice %arg5[%mul3A_63, %dma_wait3A_66] : memref<32000x128xf32, #tpu.memory_space<hbm>> -> memref<128x128xf32, #tpu.memory_space<hbm>>
        tpu.wait_dma2 semaphore(%arg15 : memref<!tpu.dma_semaphore, #tpu.memory_space<semaphore_mem>>) src(%arg7 : memref<128x128xf32, #tpu.memory_space<vmem>>) dst(%dma_wait3A_67 : memref<128x128xf32, #tpu.memory_space<hbm>>)
        %dma_start3A = arith.constant 0 : i32
        %dma_start3A_68 = arith.constant 0 : i32
        %dma_start3A_69 = tpu.memref_slice %arg6[%add3A_49, %dma_start3A, %dma_start3A_68] : memref<8x2x128xi32, #tpu.memory_space<vmem>> -> memref<1x1x128xi32, #tpu.memory_space<vmem>>
        %dma_start3A_70 = tpu.memref_squeeze %dma_start3A_69 : memref<1x1x128xi32, #tpu.memory_space<vmem>> -> memref<128xi32, #tpu.memory_space<vmem>>
        %dma_start3A_71 = arith.constant 0 : i32
        %dma_start3A_72 = arith.constant 0 : i32
        %dma_start3A_73 = tpu.memref_slice %arg2[%dma_start3A_71, %dma_start3A_72] : memref<10000x128xf32, #tpu.memory_space<hbm>> -> memref<10000x128xf32, #tpu.memory_space<hbm>>
        tpu.enqueue_indirect_dma source(%dma_start3A_73 : memref<10000x128xf32, #tpu.memory_space<hbm>>) target(%arg7 : memref<128x128xf32, #tpu.memory_space<vmem>>) offsets(%dma_start3A_70 : memref<128xi32, #tpu.memory_space<vmem>>) semaphore(%arg11 : memref<!tpu.dma_semaphore, #tpu.memory_space<semaphore_mem>>)
        %dma_start3A_74 = arith.constant 1 : i32
        %dma_start3A_75 = arith.constant 0 : i32
        %dma_start3A_76 = tpu.memref_slice %arg6[%add3A_49, %dma_start3A_74, %dma_start3A_75] : memref<8x2x128xi32, #tpu.memory_space<vmem>> -> memref<1x1x128xi32, #tpu.memory_space<vmem>>
        %dma_start3A_77 = tpu.memref_squeeze %dma_start3A_76 : memref<1x1x128xi32, #tpu.memory_space<vmem>> -> memref<128xi32, #tpu.memory_space<vmem>>
        %dma_start3A_78 = arith.constant 0 : i32
        %dma_start3A_79 = arith.constant 0 : i32
        %dma_start3A_80 = tpu.memref_slice %arg3[%dma_start3A_78, %dma_start3A_79] : memref<10000x128xf32, #tpu.memory_space<hbm>> -> memref<10000x128xf32, #tpu.memory_space<hbm>>
        tpu.enqueue_indirect_dma source(%dma_start3A_80 : memref<10000x128xf32, #tpu.memory_space<hbm>>) target(%arg8 : memref<128x128xf32, #tpu.memory_space<vmem>>) offsets(%dma_start3A_77 : memref<128xi32, #tpu.memory_space<vmem>>) semaphore(%arg12 : memref<!tpu.dma_semaphore, #tpu.memory_space<semaphore_mem>>)
      } else {
      }
      %add3A_54 = arith.constant 3 : i32
      %add3A_55 = arith.addi %mul3A_37, %add3A_54 : i32
      %lt3A_56 = arith.cmpi slt, %add3A_55, %select_n3A : i32
      %convert_element_type3A_57 = arith.extui %lt3A_56 : i1 to i32
      %cond3A_58 = arith.constant 0 : i32
      %cond3A_59 = arith.cmpi ne, %convert_element_type3A_57, %cond3A_58 : i32
      scf.if %cond3A_59 {
        %add3A_60 = arith.addi %add3A_4, %add3A_55 : i32
        %sub3A = arith.constant 2 : i32
        %sub3A_61 = arith.subi %add3A_60, %sub3A : i32
        %mul3A_62 = arith.constant 128 : i32
        %mul3A_63 = arith.muli %sub3A_61, %mul3A_62 : i32
        %dma_wait3A_64 = arith.constant 0 : i32
        %dma_wait3A_65 = tpu.memref_slice %arg5[%mul3A_63, %dma_wait3A_64] : memref<32000x128xf32, #tpu.memory_space<hbm>> -> memref<128x128xf32, #tpu.memory_space<hbm>>
        %dma_wait3A_66 = arith.constant 0 : i32
        %dma_wait3A_67 = tpu.memref_slice %arg5[%mul3A_63, %dma_wait3A_66] : memref<32000x128xf32, #tpu.memory_space<hbm>> -> memref<128x128xf32, #tpu.memory_space<hbm>>
        tpu.wait_dma2 semaphore(%arg16 : memref<!tpu.dma_semaphore, #tpu.memory_space<semaphore_mem>>) src(%arg9 : memref<128x128xf32, #tpu.memory_space<vmem>>) dst(%dma_wait3A_67 : memref<128x128xf32, #tpu.memory_space<hbm>>)
        %dma_start3A = arith.constant 0 : i32
        %dma_start3A_68 = arith.constant 0 : i32
        %dma_start3A_69 = tpu.memref_slice %arg6[%add3A_55, %dma_start3A, %dma_start3A_68] : memref<8x2x128xi32, #tpu.memory_space<vmem>> -> memref<1x1x128xi32, #tpu.memory_space<vmem>>
        %dma_start3A_70 = tpu.memref_squeeze %dma_start3A_69 : memref<1x1x128xi32, #tpu.memory_space<vmem>> -> memref<128xi32, #tpu.memory_space<vmem>>
        %dma_start3A_71 = arith.constant 0 : i32
        %dma_start3A_72 = arith.constant 0 : i32
        %dma_start3A_73 = tpu.memref_slice %arg2[%dma_start3A_71, %dma_start3A_72] : memref<10000x128xf32, #tpu.memory_space<hbm>> -> memref<10000x128xf32, #tpu.memory_space<hbm>>
        tpu.enqueue_indirect_dma source(%dma_start3A_73 : memref<10000x128xf32, #tpu.memory_space<hbm>>) target(%arg9 : memref<128x128xf32, #tpu.memory_space<vmem>>) offsets(%dma_start3A_70 : memref<128xi32, #tpu.memory_space<vmem>>) semaphore(%arg13 : memref<!tpu.dma_semaphore, #tpu.memory_space<semaphore_mem>>)
        %dma_start3A_74 = arith.constant 1 : i32
        %dma_start3A_75 = arith.constant 0 : i32
        %dma_start3A_76 = tpu.memref_slice %arg6[%add3A_55, %dma_start3A_74, %dma_start3A_75] : memref<8x2x128xi32, #tpu.memory_space<vmem>> -> memref<1x1x128xi32, #tpu.memory_space<vmem>>
        %dma_start3A_77 = tpu.memref_squeeze %dma_start3A_76 : memref<1x1x128xi32, #tpu.memory_space<vmem>> -> memref<128xi32, #tpu.memory_space<vmem>>
        %dma_start3A_78 = arith.constant 0 : i32
        %dma_start3A_79 = arith.constant 0 : i32
        %dma_start3A_80 = tpu.memref_slice %arg3[%dma_start3A_78, %dma_start3A_79] : memref<10000x128xf32, #tpu.memory_space<hbm>> -> memref<10000x128xf32, #tpu.memory_space<hbm>>
        tpu.enqueue_indirect_dma source(%dma_start3A_80 : memref<10000x128xf32, #tpu.memory_space<hbm>>) target(%arg10 : memref<128x128xf32, #tpu.memory_space<vmem>>) offsets(%dma_start3A_77 : memref<128xi32, #tpu.memory_space<vmem>>) semaphore(%arg14 : memref<!tpu.dma_semaphore, #tpu.memory_space<semaphore_mem>>)
      } else {
      }
    }
    %scan3A_23 = arith.constant 4 : i32
    %dma_wait3A = arith.constant 0 : i32
    %dma_wait3A_24 = arith.constant 0 : i32
    %dma_wait3A_25 = tpu.memref_slice %arg5[%dma_wait3A, %dma_wait3A_24] : memref<32000x128xf32, #tpu.memory_space<hbm>> -> memref<128x128xf32, #tpu.memory_space<hbm>>
    %dma_wait3A_26 = arith.constant 0 : i32
    %dma_wait3A_27 = arith.constant 0 : i32
    %dma_wait3A_28 = tpu.memref_slice %arg5[%dma_wait3A_26, %dma_wait3A_27] : memref<32000x128xf32, #tpu.memory_space<hbm>> -> memref<128x128xf32, #tpu.memory_space<hbm>>
    tpu.wait_dma2 semaphore(%arg15 : memref<!tpu.dma_semaphore, #tpu.memory_space<semaphore_mem>>) src(%arg7 : memref<128x128xf32, #tpu.memory_space<vmem>>) dst(%dma_wait3A_28 : memref<128x128xf32, #tpu.memory_space<hbm>>)
    %dma_wait3A_29 = arith.constant 0 : i32
    %dma_wait3A_30 = arith.constant 0 : i32
    %dma_wait3A_31 = tpu.memref_slice %arg5[%dma_wait3A_29, %dma_wait3A_30] : memref<32000x128xf32, #tpu.memory_space<hbm>> -> memref<128x128xf32, #tpu.memory_space<hbm>>
    %dma_wait3A_32 = arith.constant 0 : i32
    %dma_wait3A_33 = arith.constant 0 : i32
    %dma_wait3A_34 = tpu.memref_slice %arg5[%dma_wait3A_32, %dma_wait3A_33] : memref<32000x128xf32, #tpu.memory_space<hbm>> -> memref<128x128xf32, #tpu.memory_space<hbm>>
    tpu.wait_dma2 semaphore(%arg16 : memref<!tpu.dma_semaphore, #tpu.memory_space<semaphore_mem>>) src(%arg9 : memref<128x128xf32, #tpu.memory_space<vmem>>) dst(%dma_wait3A_34 : memref<128x128xf32, #tpu.memory_space<hbm>>)
    return
  }
}

#map = affine_map<(d0, d1) -> (0, 0)>
#map1 = affine_map<(d0, d1) -> (0, 0, 0)>
module attributes {stable_mosaic.version = 14 : i64} {
  func.func @sc_gather_add(%arg0: i32, %arg1: i32, %arg2: memref<10000x128xf32, #tpu.memory_space<hbm>>, %arg3: memref<10000x128xf32, #tpu.memory_space<hbm>>, %arg4: memref<875x2x128xi32, #tpu.memory_space<hbm>>, %arg5: memref<112000x128xf32, #tpu.memory_space<hbm>>, %arg6: memref<28x2x128xi32, #tpu.memory_space<vmem>>, %arg7: memref<128x128xf32, #tpu.memory_space<vmem>>, %arg8: memref<128x128xf32, #tpu.memory_space<vmem>>, %arg9: memref<128x128xf32, #tpu.memory_space<vmem>>, %arg10: memref<128x128xf32, #tpu.memory_space<vmem>>, %arg11: memref<!tpu.dma_semaphore, #tpu.memory_space<semaphore_mem>>, %arg12: memref<!tpu.dma_semaphore, #tpu.memory_space<semaphore_mem>>, %arg13: memref<!tpu.dma_semaphore, #tpu.memory_space<semaphore_mem>>, %arg14: memref<!tpu.dma_semaphore, #tpu.memory_space<semaphore_mem>>, %arg15: memref<!tpu.dma_semaphore, #tpu.memory_space<semaphore_mem>>, %arg16: memref<!tpu.dma_semaphore, #tpu.memory_space<semaphore_mem>>) attributes {dimension_semantics = [#tpu.dimension_semantics<core_parallel>, #tpu.dimension_semantics<subcore_parallel>], iteration_bounds = array<i64: 2, 16>, scalar_prefetch = 0 : i64, scratch_operands = 11 : i64, tpu.core_type = #tpu.core_type<sc_vector_subcore>, window_params = [{transform_indices = #map}, {transform_indices = #map}, {transform_indices = #map1}, {transform_indices = #map}]} {
    %mul3A = arith.constant 2 : i32
    %mul3A_0 = arith.muli %arg1, %mul3A : i32
    %add3A = arith.addi %mul3A_0, %arg0 : i32
    %mul3A_1 = arith.constant 27 : i32
    %mul3A_2 = arith.muli %add3A, %mul3A_1 : i32
    %min3A = arith.constant 11 : i32
    %min3A_3 = arith.minsi %add3A, %min3A : i32
    %add3A_4 = arith.addi %mul3A_2, %min3A_3 : i32
    %lt3A = arith.constant 11 : i32
    %lt3A_5 = arith.cmpi slt, %add3A, %lt3A : i32
    %jit3A = arith.constant 28 : i32
    %jit3A_6 = arith.constant 27 : i32
    %select_n3A = arith.select %lt3A_5, %jit3A, %jit3A_6 : i32
    "tpu.region"() ({
      %run_scoped3A = tpu.sem_alloc : memref<!tpu.dma_semaphore, #tpu.memory_space<semaphore_mem>>
      %dma_start3A = arith.constant 0 : i32
      %dma_start3A_35 = arith.constant 0 : i32
      %dma_start3A_36 = arith.constant 0 : i32
      %dma_start3A_37 = tpu.memref_slice %arg6[%dma_start3A, %dma_start3A_35, %dma_start3A_36] : memref<28x2x128xi32, #tpu.memory_space<vmem>> -> memref<27x2x128xi32, #tpu.memory_space<vmem>>
      %dma_start3A_38 = arith.constant 0 : i32
      %dma_start3A_39 = arith.constant 0 : i32
      %dma_start3A_40 = tpu.memref_slice %arg4[%add3A_4, %dma_start3A_38, %dma_start3A_39] : memref<875x2x128xi32, #tpu.memory_space<hbm>> -> memref<27x2x128xi32, #tpu.memory_space<hbm>>
      %dma_start3A_41 = arith.constant 0 : i32
      %dma_start3A_42 = arith.constant 0 : i32
      %dma_start3A_43 = arith.constant 0 : i32
      %dma_start3A_44 = tpu.memref_slice %arg6[%dma_start3A_41, %dma_start3A_42, %dma_start3A_43] : memref<28x2x128xi32, #tpu.memory_space<vmem>> -> memref<27x2x128xi32, #tpu.memory_space<vmem>>
      %dma_start3A_45 = arith.constant 0 : i32
      %dma_start3A_46 = arith.constant 0 : i32
      %dma_start3A_47 = tpu.memref_slice %arg4[%add3A_4, %dma_start3A_45, %dma_start3A_46] : memref<875x2x128xi32, #tpu.memory_space<hbm>> -> memref<27x2x128xi32, #tpu.memory_space<hbm>>
      tpu.enqueue_dma source(%dma_start3A_47 : memref<27x2x128xi32, #tpu.memory_space<hbm>>) target(%dma_start3A_44 : memref<27x2x128xi32, #tpu.memory_space<vmem>>) target_semaphore(%run_scoped3A : memref<!tpu.dma_semaphore, #tpu.memory_space<semaphore_mem>>)
      %dma_wait3A_48 = arith.constant 0 : i32
      %dma_wait3A_49 = arith.constant 0 : i32
      %dma_wait3A_50 = arith.constant 0 : i32
      %dma_wait3A_51 = tpu.memref_slice %arg6[%dma_wait3A_48, %dma_wait3A_49, %dma_wait3A_50] : memref<28x2x128xi32, #tpu.memory_space<vmem>> -> memref<27x2x128xi32, #tpu.memory_space<vmem>>
      %dma_wait3A_52 = arith.constant 0 : i32
      %dma_wait3A_53 = arith.constant 0 : i32
      %dma_wait3A_54 = tpu.memref_slice %arg4[%add3A_4, %dma_wait3A_52, %dma_wait3A_53] : memref<875x2x128xi32, #tpu.memory_space<hbm>> -> memref<27x2x128xi32, #tpu.memory_space<hbm>>
      %dma_wait3A_55 = arith.constant 0 : i32
      %dma_wait3A_56 = arith.constant 0 : i32
      %dma_wait3A_57 = arith.constant 0 : i32
      %dma_wait3A_58 = tpu.memref_slice %arg6[%dma_wait3A_55, %dma_wait3A_56, %dma_wait3A_57] : memref<28x2x128xi32, #tpu.memory_space<vmem>> -> memref<27x2x128xi32, #tpu.memory_space<vmem>>
      %dma_wait3A_59 = arith.constant 0 : i32
      %dma_wait3A_60 = arith.constant 0 : i32
      %dma_wait3A_61 = tpu.memref_slice %arg4[%add3A_4, %dma_wait3A_59, %dma_wait3A_60] : memref<875x2x128xi32, #tpu.memory_space<hbm>> -> memref<27x2x128xi32, #tpu.memory_space<hbm>>
      tpu.wait_dma2 semaphore(%run_scoped3A : memref<!tpu.dma_semaphore, #tpu.memory_space<semaphore_mem>>) src(%dma_wait3A_61 : memref<27x2x128xi32, #tpu.memory_space<hbm>>) dst(%dma_wait3A_58 : memref<27x2x128xi32, #tpu.memory_space<vmem>>)
      tpu.yield
    }) : () -> ()
    %lt3A_7 = arith.constant 11 : i32
    %lt3A_8 = arith.cmpi slt, %add3A, %lt3A_7 : i32
    %convert_element_type3A = arith.extui %lt3A_8 : i1 to i32
    %cond3A = arith.constant 0 : i32
    %cond3A_9 = arith.cmpi ne, %convert_element_type3A, %cond3A : i32
    scf.if %cond3A_9 {
      %add3A_35 = arith.constant 27 : i32
      %add3A_36 = arith.addi %add3A_4, %add3A_35 : i32
      "tpu.region"() ({
        %run_scoped3A = tpu.sem_alloc : memref<!tpu.dma_semaphore, #tpu.memory_space<semaphore_mem>>
        %dma_start3A = arith.constant 27 : i32
        %dma_start3A_37 = arith.constant 0 : i32
        %dma_start3A_38 = arith.constant 0 : i32
        %dma_start3A_39 = tpu.memref_slice %arg6[%dma_start3A, %dma_start3A_37, %dma_start3A_38] : memref<28x2x128xi32, #tpu.memory_space<vmem>> -> memref<1x2x128xi32, #tpu.memory_space<vmem>>
        %dma_start3A_40 = arith.constant 0 : i32
        %dma_start3A_41 = arith.constant 0 : i32
        %dma_start3A_42 = tpu.memref_slice %arg4[%add3A_36, %dma_start3A_40, %dma_start3A_41] : memref<875x2x128xi32, #tpu.memory_space<hbm>> -> memref<1x2x128xi32, #tpu.memory_space<hbm>>
        %dma_start3A_43 = arith.constant 27 : i32
        %dma_start3A_44 = arith.constant 0 : i32
        %dma_start3A_45 = arith.constant 0 : i32
        %dma_start3A_46 = tpu.memref_slice %arg6[%dma_start3A_43, %dma_start3A_44, %dma_start3A_45] : memref<28x2x128xi32, #tpu.memory_space<vmem>> -> memref<1x2x128xi32, #tpu.memory_space<vmem>>
        %dma_start3A_47 = arith.constant 0 : i32
        %dma_start3A_48 = arith.constant 0 : i32
        %dma_start3A_49 = tpu.memref_slice %arg4[%add3A_36, %dma_start3A_47, %dma_start3A_48] : memref<875x2x128xi32, #tpu.memory_space<hbm>> -> memref<1x2x128xi32, #tpu.memory_space<hbm>>
        tpu.enqueue_dma source(%dma_start3A_49 : memref<1x2x128xi32, #tpu.memory_space<hbm>>) target(%dma_start3A_46 : memref<1x2x128xi32, #tpu.memory_space<vmem>>) target_semaphore(%run_scoped3A : memref<!tpu.dma_semaphore, #tpu.memory_space<semaphore_mem>>)
        %dma_wait3A_50 = arith.constant 27 : i32
        %dma_wait3A_51 = arith.constant 0 : i32
        %dma_wait3A_52 = arith.constant 0 : i32
        %dma_wait3A_53 = tpu.memref_slice %arg6[%dma_wait3A_50, %dma_wait3A_51, %dma_wait3A_52] : memref<28x2x128xi32, #tpu.memory_space<vmem>> -> memref<1x2x128xi32, #tpu.memory_space<vmem>>
        %dma_wait3A_54 = arith.constant 0 : i32
        %dma_wait3A_55 = arith.constant 0 : i32
        %dma_wait3A_56 = tpu.memref_slice %arg4[%add3A_36, %dma_wait3A_54, %dma_wait3A_55] : memref<875x2x128xi32, #tpu.memory_space<hbm>> -> memref<1x2x128xi32, #tpu.memory_space<hbm>>
        %dma_wait3A_57 = arith.constant 27 : i32
        %dma_wait3A_58 = arith.constant 0 : i32
        %dma_wait3A_59 = arith.constant 0 : i32
        %dma_wait3A_60 = tpu.memref_slice %arg6[%dma_wait3A_57, %dma_wait3A_58, %dma_wait3A_59] : memref<28x2x128xi32, #tpu.memory_space<vmem>> -> memref<1x2x128xi32, #tpu.memory_space<vmem>>
        %dma_wait3A_61 = arith.constant 0 : i32
        %dma_wait3A_62 = arith.constant 0 : i32
        %dma_wait3A_63 = tpu.memref_slice %arg4[%add3A_36, %dma_wait3A_61, %dma_wait3A_62] : memref<875x2x128xi32, #tpu.memory_space<hbm>> -> memref<1x2x128xi32, #tpu.memory_space<hbm>>
        tpu.wait_dma2 semaphore(%run_scoped3A : memref<!tpu.dma_semaphore, #tpu.memory_space<semaphore_mem>>) src(%dma_wait3A_63 : memref<1x2x128xi32, #tpu.memory_space<hbm>>) dst(%dma_wait3A_60 : memref<1x2x128xi32, #tpu.memory_space<vmem>>)
        tpu.yield
      }) : () -> ()
    } else {
    }
    %gt3A = arith.constant 0 : i32
    %gt3A_10 = arith.cmpi sgt, %select_n3A, %gt3A : i32
    %convert_element_type3A_11 = arith.extui %gt3A_10 : i1 to i32
    %cond3A_12 = arith.constant 0 : i32
    %cond3A_13 = arith.cmpi ne, %convert_element_type3A_11, %cond3A_12 : i32
    scf.if %cond3A_13 {
      %dma_start3A = arith.constant 0 : i32
      %dma_start3A_35 = arith.constant 0 : i32
      %dma_start3A_36 = arith.constant 0 : i32
      %dma_start3A_37 = tpu.memref_slice %arg6[%dma_start3A, %dma_start3A_35, %dma_start3A_36] : memref<28x2x128xi32, #tpu.memory_space<vmem>> -> memref<1x1x128xi32, #tpu.memory_space<vmem>>
      %dma_start3A_38 = tpu.memref_squeeze %dma_start3A_37 : memref<1x1x128xi32, #tpu.memory_space<vmem>> -> memref<128xi32, #tpu.memory_space<vmem>>
      %dma_start3A_39 = arith.constant 0 : i32
      %dma_start3A_40 = arith.constant 0 : i32
      %dma_start3A_41 = tpu.memref_slice %arg2[%dma_start3A_39, %dma_start3A_40] : memref<10000x128xf32, #tpu.memory_space<hbm>> -> memref<10000x128xf32, #tpu.memory_space<hbm>>
      tpu.enqueue_indirect_dma source(%dma_start3A_41 : memref<10000x128xf32, #tpu.memory_space<hbm>>) target(%arg7 : memref<128x128xf32, #tpu.memory_space<vmem>>) offsets(%dma_start3A_38 : memref<128xi32, #tpu.memory_space<vmem>>) semaphore(%arg11 : memref<!tpu.dma_semaphore, #tpu.memory_space<semaphore_mem>>)
      %dma_start3A_42 = arith.constant 0 : i32
      %dma_start3A_43 = arith.constant 1 : i32
      %dma_start3A_44 = arith.constant 0 : i32
      %dma_start3A_45 = tpu.memref_slice %arg6[%dma_start3A_42, %dma_start3A_43, %dma_start3A_44] : memref<28x2x128xi32, #tpu.memory_space<vmem>> -> memref<1x1x128xi32, #tpu.memory_space<vmem>>
      %dma_start3A_46 = tpu.memref_squeeze %dma_start3A_45 : memref<1x1x128xi32, #tpu.memory_space<vmem>> -> memref<128xi32, #tpu.memory_space<vmem>>
      %dma_start3A_47 = arith.constant 0 : i32
      %dma_start3A_48 = arith.constant 0 : i32
      %dma_start3A_49 = tpu.memref_slice %arg3[%dma_start3A_47, %dma_start3A_48] : memref<10000x128xf32, #tpu.memory_space<hbm>> -> memref<10000x128xf32, #tpu.memory_space<hbm>>
      tpu.enqueue_indirect_dma source(%dma_start3A_49 : memref<10000x128xf32, #tpu.memory_space<hbm>>) target(%arg8 : memref<128x128xf32, #tpu.memory_space<vmem>>) offsets(%dma_start3A_46 : memref<128xi32, #tpu.memory_space<vmem>>) semaphore(%arg12 : memref<!tpu.dma_semaphore, #tpu.memory_space<semaphore_mem>>)
    } else {
    }
    %gt3A_14 = arith.constant 1 : i32
    %gt3A_15 = arith.cmpi sgt, %select_n3A, %gt3A_14 : i32
    %convert_element_type3A_16 = arith.extui %gt3A_15 : i1 to i32
    %cond3A_17 = arith.constant 0 : i32
    %cond3A_18 = arith.cmpi ne, %convert_element_type3A_16, %cond3A_17 : i32
    scf.if %cond3A_18 {
      %dma_start3A = arith.constant 1 : i32
      %dma_start3A_35 = arith.constant 0 : i32
      %dma_start3A_36 = arith.constant 0 : i32
      %dma_start3A_37 = tpu.memref_slice %arg6[%dma_start3A, %dma_start3A_35, %dma_start3A_36] : memref<28x2x128xi32, #tpu.memory_space<vmem>> -> memref<1x1x128xi32, #tpu.memory_space<vmem>>
      %dma_start3A_38 = tpu.memref_squeeze %dma_start3A_37 : memref<1x1x128xi32, #tpu.memory_space<vmem>> -> memref<128xi32, #tpu.memory_space<vmem>>
      %dma_start3A_39 = arith.constant 0 : i32
      %dma_start3A_40 = arith.constant 0 : i32
      %dma_start3A_41 = tpu.memref_slice %arg2[%dma_start3A_39, %dma_start3A_40] : memref<10000x128xf32, #tpu.memory_space<hbm>> -> memref<10000x128xf32, #tpu.memory_space<hbm>>
      tpu.enqueue_indirect_dma source(%dma_start3A_41 : memref<10000x128xf32, #tpu.memory_space<hbm>>) target(%arg9 : memref<128x128xf32, #tpu.memory_space<vmem>>) offsets(%dma_start3A_38 : memref<128xi32, #tpu.memory_space<vmem>>) semaphore(%arg13 : memref<!tpu.dma_semaphore, #tpu.memory_space<semaphore_mem>>)
      %dma_start3A_42 = arith.constant 1 : i32
      %dma_start3A_43 = arith.constant 1 : i32
      %dma_start3A_44 = arith.constant 0 : i32
      %dma_start3A_45 = tpu.memref_slice %arg6[%dma_start3A_42, %dma_start3A_43, %dma_start3A_44] : memref<28x2x128xi32, #tpu.memory_space<vmem>> -> memref<1x1x128xi32, #tpu.memory_space<vmem>>
      %dma_start3A_46 = tpu.memref_squeeze %dma_start3A_45 : memref<1x1x128xi32, #tpu.memory_space<vmem>> -> memref<128xi32, #tpu.memory_space<vmem>>
      %dma_start3A_47 = arith.constant 0 : i32
      %dma_start3A_48 = arith.constant 0 : i32
      %dma_start3A_49 = tpu.memref_slice %arg3[%dma_start3A_47, %dma_start3A_48] : memref<10000x128xf32, #tpu.memory_space<hbm>> -> memref<10000x128xf32, #tpu.memory_space<hbm>>
      tpu.enqueue_indirect_dma source(%dma_start3A_49 : memref<10000x128xf32, #tpu.memory_space<hbm>>) target(%arg10 : memref<128x128xf32, #tpu.memory_space<vmem>>) offsets(%dma_start3A_46 : memref<128xi32, #tpu.memory_space<vmem>>) semaphore(%arg14 : memref<!tpu.dma_semaphore, #tpu.memory_space<semaphore_mem>>)
    } else {
    }
    %scan3A = arith.constant 0 : i32
    %scan3A_19 = arith.constant 0 : i32
    %scan3A_20 = arith.constant 14 : i32
    %scan3A_21 = arith.addi %scan3A_19, %scan3A_20 : i32
    %scan3A_22 = arith.constant 1 : i32
    scf.for %scan3A_35 = %scan3A_19 to %scan3A_21 step %scan3A_22  : i32 {
      %mul3A_36 = arith.constant 2 : i32
      %mul3A_37 = arith.muli %scan3A_35, %mul3A_36 : i32
      %lt3A_38 = arith.cmpi slt, %mul3A_37, %select_n3A : i32
      %convert_element_type3A_39 = arith.extui %lt3A_38 : i1 to i32
      %cond3A_40 = arith.constant 0 : i32
      %cond3A_41 = arith.cmpi ne, %convert_element_type3A_39, %cond3A_40 : i32
      scf.if %cond3A_41 {
        %dma_wait3A_60 = arith.constant 0 : i32
        %dma_wait3A_61 = arith.constant 0 : i32
        %dma_wait3A_62 = tpu.memref_slice %arg6[%mul3A_37, %dma_wait3A_60, %dma_wait3A_61] : memref<28x2x128xi32, #tpu.memory_space<vmem>> -> memref<1x1x128xi32, #tpu.memory_space<vmem>>
        %dma_wait3A_63 = tpu.memref_squeeze %dma_wait3A_62 : memref<1x1x128xi32, #tpu.memory_space<vmem>> -> memref<128xi32, #tpu.memory_space<vmem>>
        %dma_wait3A_64 = arith.constant 0 : i32
        %dma_wait3A_65 = arith.constant 0 : i32
        %dma_wait3A_66 = tpu.memref_slice %arg2[%dma_wait3A_64, %dma_wait3A_65] : memref<10000x128xf32, #tpu.memory_space<hbm>> -> memref<10000x128xf32, #tpu.memory_space<hbm>>
        tpu.wait_indirect_dma semaphore(%arg11 : memref<!tpu.dma_semaphore, #tpu.memory_space<semaphore_mem>>) src(%dma_wait3A_66 : memref<10000x128xf32, #tpu.memory_space<hbm>>) dst(%arg7 : memref<128x128xf32, #tpu.memory_space<vmem>>)
        %dma_wait3A_67 = arith.constant 1 : i32
        %dma_wait3A_68 = arith.constant 0 : i32
        %dma_wait3A_69 = tpu.memref_slice %arg6[%mul3A_37, %dma_wait3A_67, %dma_wait3A_68] : memref<28x2x128xi32, #tpu.memory_space<vmem>> -> memref<1x1x128xi32, #tpu.memory_space<vmem>>
        %dma_wait3A_70 = tpu.memref_squeeze %dma_wait3A_69 : memref<1x1x128xi32, #tpu.memory_space<vmem>> -> memref<128xi32, #tpu.memory_space<vmem>>
        %dma_wait3A_71 = arith.constant 0 : i32
        %dma_wait3A_72 = arith.constant 0 : i32
        %dma_wait3A_73 = tpu.memref_slice %arg3[%dma_wait3A_71, %dma_wait3A_72] : memref<10000x128xf32, #tpu.memory_space<hbm>> -> memref<10000x128xf32, #tpu.memory_space<hbm>>
        tpu.wait_indirect_dma semaphore(%arg12 : memref<!tpu.dma_semaphore, #tpu.memory_space<semaphore_mem>>) src(%dma_wait3A_73 : memref<10000x128xf32, #tpu.memory_space<hbm>>) dst(%arg8 : memref<128x128xf32, #tpu.memory_space<vmem>>)
        %scan3A_74 = arith.constant 0 : i32
        %scan3A_75 = arith.constant 0 : i32
        %scan3A_76 = arith.constant 64 : i32
        %scan3A_77 = arith.addi %scan3A_75, %scan3A_76 : i32
        %scan3A_78 = arith.constant 1 : i32
        scf.for %scan3A_86 = %scan3A_75 to %scan3A_77 step %scan3A_78  : i32 {
          %mul3A_87 = arith.constant 2 : i32
          %mul3A_88 = arith.muli %scan3A_86, %mul3A_87 : i32
          %add3A_89 = arith.constant 0 : i32
          %add3A_90 = arith.addi %mul3A_88, %add3A_89 : i32
          %get3A = arith.index_cast %add3A_90 : i32 to index
          %get3A_91 = arith.constant 0 : index
          %get3A_92 = tpu.vector_load %arg7[%get3A, %get3A_91] {strides = array<i32>} : memref<128x128xf32, #tpu.memory_space<vmem>>, vector<1x16xf32>,
          %get3A_93 = vector.shape_cast %get3A_92 : vector<1x16xf32> to vector<16xf32>
          %get3A_94 = arith.index_cast %add3A_90 : i32 to index
          %get3A_95 = arith.constant 0 : index
          %get3A_96 = tpu.vector_load %arg8[%get3A_94, %get3A_95] {strides = array<i32>} : memref<128x128xf32, #tpu.memory_space<vmem>>, vector<1x16xf32>,
          %get3A_97 = vector.shape_cast %get3A_96 : vector<1x16xf32> to vector<16xf32>
          %add3A_98 = arith.addf %get3A_93, %get3A_97 : vector<16xf32>
          %swap3A = arith.index_cast %add3A_90 : i32 to index
          %swap3A_99 = arith.constant 0 : index
          %swap3A_100 = tpu.vector_load %arg7[%swap3A, %swap3A_99] {strides = array<i32>} : memref<128x128xf32, #tpu.memory_space<vmem>>, vector<1x16xf32>,
          %swap3A_101 = vector.shape_cast %swap3A_100 : vector<1x16xf32> to vector<16xf32>
          %swap3A_102 = vector.shape_cast %add3A_98 : vector<16xf32> to vector<1x16xf32>
          tpu.vector_store %arg7[%swap3A, %swap3A_99], %swap3A_102 {strides = array<i32>} : memref<128x128xf32, #tpu.memory_space<vmem>>, vector<1x16xf32>,
          %add3A_103 = arith.constant 0 : i32
          %add3A_104 = arith.addi %mul3A_88, %add3A_103 : i32
          %get3A_105 = arith.index_cast %add3A_104 : i32 to index
          %get3A_106 = arith.constant 16 : index
          %get3A_107 = tpu.vector_load %arg7[%get3A_105, %get3A_106] {strides = array<i32>} : memref<128x128xf32, #tpu.memory_space<vmem>>, vector<1x16xf32>,
          %get3A_108 = vector.shape_cast %get3A_107 : vector<1x16xf32> to vector<16xf32>
          %get3A_109 = arith.index_cast %add3A_104 : i32 to index
          %get3A_110 = arith.constant 16 : index
          %get3A_111 = tpu.vector_load %arg8[%get3A_109, %get3A_110] {strides = array<i32>} : memref<128x128xf32, #tpu.memory_space<vmem>>, vector<1x16xf32>,
          %get3A_112 = vector.shape_cast %get3A_111 : vector<1x16xf32> to vector<16xf32>
          %add3A_113 = arith.addf %get3A_108, %get3A_112 : vector<16xf32>
          %swap3A_114 = arith.index_cast %add3A_104 : i32 to index
          %swap3A_115 = arith.constant 16 : index
          %swap3A_116 = tpu.vector_load %arg7[%swap3A_114, %swap3A_115] {strides = array<i32>} : memref<128x128xf32, #tpu.memory_space<vmem>>, vector<1x16xf32>,
          %swap3A_117 = vector.shape_cast %swap3A_116 : vector<1x16xf32> to vector<16xf32>
          %swap3A_118 = vector.shape_cast %add3A_113 : vector<16xf32> to vector<1x16xf32>
          tpu.vector_store %arg7[%swap3A_114, %swap3A_115], %swap3A_118 {strides = array<i32>} : memref<128x128xf32, #tpu.memory_space<vmem>>, vector<1x16xf32>,
          %add3A_119 = arith.constant 0 : i32
          %add3A_120 = arith.addi %mul3A_88, %add3A_119 : i32
          %get3A_121 = arith.index_cast %add3A_120 : i32 to index
          %get3A_122 = arith.constant 32 : index
          %get3A_123 = tpu.vector_load %arg7[%get3A_121, %get3A_122] {strides = array<i32>} : memref<128x128xf32, #tpu.memory_space<vmem>>, vector<1x16xf32>,
          %get3A_124 = vector.shape_cast %get3A_123 : vector<1x16xf32> to vector<16xf32>
          %get3A_125 = arith.index_cast %add3A_120 : i32 to index
          %get3A_126 = arith.constant 32 : index
          %get3A_127 = tpu.vector_load %arg8[%get3A_125, %get3A_126] {strides = array<i32>} : memref<128x128xf32, #tpu.memory_space<vmem>>, vector<1x16xf32>,
          %get3A_128 = vector.shape_cast %get3A_127 : vector<1x16xf32> to vector<16xf32>
          %add3A_129 = arith.addf %get3A_124, %get3A_128 : vector<16xf32>
          %swap3A_130 = arith.index_cast %add3A_120 : i32 to index
          %swap3A_131 = arith.constant 32 : index
          %swap3A_132 = tpu.vector_load %arg7[%swap3A_130, %swap3A_131] {strides = array<i32>} : memref<128x128xf32, #tpu.memory_space<vmem>>, vector<1x16xf32>,
          %swap3A_133 = vector.shape_cast %swap3A_132 : vector<1x16xf32> to vector<16xf32>
          %swap3A_134 = vector.shape_cast %add3A_129 : vector<16xf32> to vector<1x16xf32>
          tpu.vector_store %arg7[%swap3A_130, %swap3A_131], %swap3A_134 {strides = array<i32>} : memref<128x128xf32, #tpu.memory_space<vmem>>, vector<1x16xf32>,
          %add3A_135 = arith.constant 0 : i32
          %add3A_136 = arith.addi %mul3A_88, %add3A_135 : i32
          %get3A_137 = arith.index_cast %add3A_136 : i32 to index
          %get3A_138 = arith.constant 48 : index
          %get3A_139 = tpu.vector_load %arg7[%get3A_137, %get3A_138] {strides = array<i32>} : memref<128x128xf32, #tpu.memory_space<vmem>>, vector<1x16xf32>,
          %get3A_140 = vector.shape_cast %get3A_139 : vector<1x16xf32> to vector<16xf32>
          %get3A_141 = arith.index_cast %add3A_136 : i32 to index
          %get3A_142 = arith.constant 48 : index
          %get3A_143 = tpu.vector_load %arg8[%get3A_141, %get3A_142] {strides = array<i32>} : memref<128x128xf32, #tpu.memory_space<vmem>>, vector<1x16xf32>,
          %get3A_144 = vector.shape_cast %get3A_143 : vector<1x16xf32> to vector<16xf32>
          %add3A_145 = arith.addf %get3A_140, %get3A_144 : vector<16xf32>
          %swap3A_146 = arith.index_cast %add3A_136 : i32 to index
          %swap3A_147 = arith.constant 48 : index
          %swap3A_148 = tpu.vector_load %arg7[%swap3A_146, %swap3A_147] {strides = array<i32>} : memref<128x128xf32, #tpu.memory_space<vmem>>, vector<1x16xf32>,
          %swap3A_149 = vector.shape_cast %swap3A_148 : vector<1x16xf32> to vector<16xf32>
          %swap3A_150 = vector.shape_cast %add3A_145 : vector<16xf32> to vector<1x16xf32>
          tpu.vector_store %arg7[%swap3A_146, %swap3A_147], %swap3A_150 {strides = array<i32>} : memref<128x128xf32, #tpu.memory_space<vmem>>, vector<1x16xf32>,
          %add3A_151 = arith.constant 0 : i32
          %add3A_152 = arith.addi %mul3A_88, %add3A_151 : i32
          %get3A_153 = arith.index_cast %add3A_152 : i32 to index
          %get3A_154 = arith.constant 64 : index
          %get3A_155 = tpu.vector_load %arg7[%get3A_153, %get3A_154] {strides = array<i32>} : memref<128x128xf32, #tpu.memory_space<vmem>>, vector<1x16xf32>,
          %get3A_156 = vector.shape_cast %get3A_155 : vector<1x16xf32> to vector<16xf32>
          %get3A_157 = arith.index_cast %add3A_152 : i32 to index
          %get3A_158 = arith.constant 64 : index
          %get3A_159 = tpu.vector_load %arg8[%get3A_157, %get3A_158] {strides = array<i32>} : memref<128x128xf32, #tpu.memory_space<vmem>>, vector<1x16xf32>,
          %get3A_160 = vector.shape_cast %get3A_159 : vector<1x16xf32> to vector<16xf32>
          %add3A_161 = arith.addf %get3A_156, %get3A_160 : vector<16xf32>
          %swap3A_162 = arith.index_cast %add3A_152 : i32 to index
          %swap3A_163 = arith.constant 64 : index
          %swap3A_164 = tpu.vector_load %arg7[%swap3A_162, %swap3A_163] {strides = array<i32>} : memref<128x128xf32, #tpu.memory_space<vmem>>, vector<1x16xf32>,
          %swap3A_165 = vector.shape_cast %swap3A_164 : vector<1x16xf32> to vector<16xf32>
          %swap3A_166 = vector.shape_cast %add3A_161 : vector<16xf32> to vector<1x16xf32>
          tpu.vector_store %arg7[%swap3A_162, %swap3A_163], %swap3A_166 {strides = array<i32>} : memref<128x128xf32, #tpu.memory_space<vmem>>, vector<1x16xf32>,
          %add3A_167 = arith.constant 0 : i32
          %add3A_168 = arith.addi %mul3A_88, %add3A_167 : i32
          %get3A_169 = arith.index_cast %add3A_168 : i32 to index
          %get3A_170 = arith.constant 80 : index
          %get3A_171 = tpu.vector_load %arg7[%get3A_169, %get3A_170] {strides = array<i32>} : memref<128x128xf32, #tpu.memory_space<vmem>>, vector<1x16xf32>,
          %get3A_172 = vector.shape_cast %get3A_171 : vector<1x16xf32> to vector<16xf32>
          %get3A_173 = arith.index_cast %add3A_168 : i32 to index
          %get3A_174 = arith.constant 80 : index
          %get3A_175 = tpu.vector_load %arg8[%get3A_173, %get3A_174] {strides = array<i32>} : memref<128x128xf32, #tpu.memory_space<vmem>>, vector<1x16xf32>,
          %get3A_176 = vector.shape_cast %get3A_175 : vector<1x16xf32> to vector<16xf32>
          %add3A_177 = arith.addf %get3A_172, %get3A_176 : vector<16xf32>
          %swap3A_178 = arith.index_cast %add3A_168 : i32 to index
          %swap3A_179 = arith.constant 80 : index
          %swap3A_180 = tpu.vector_load %arg7[%swap3A_178, %swap3A_179] {strides = array<i32>} : memref<128x128xf32, #tpu.memory_space<vmem>>, vector<1x16xf32>,
          %swap3A_181 = vector.shape_cast %swap3A_180 : vector<1x16xf32> to vector<16xf32>
          %swap3A_182 = vector.shape_cast %add3A_177 : vector<16xf32> to vector<1x16xf32>
          tpu.vector_store %arg7[%swap3A_178, %swap3A_179], %swap3A_182 {strides = array<i32>} : memref<128x128xf32, #tpu.memory_space<vmem>>, vector<1x16xf32>,
          %add3A_183 = arith.constant 0 : i32
          %add3A_184 = arith.addi %mul3A_88, %add3A_183 : i32
          %get3A_185 = arith.index_cast %add3A_184 : i32 to index
          %get3A_186 = arith.constant 96 : index
          %get3A_187 = tpu.vector_load %arg7[%get3A_185, %get3A_186] {strides = array<i32>} : memref<128x128xf32, #tpu.memory_space<vmem>>, vector<1x16xf32>,
          %get3A_188 = vector.shape_cast %get3A_187 : vector<1x16xf32> to vector<16xf32>
          %get3A_189 = arith.index_cast %add3A_184 : i32 to index
          %get3A_190 = arith.constant 96 : index
          %get3A_191 = tpu.vector_load %arg8[%get3A_189, %get3A_190] {strides = array<i32>} : memref<128x128xf32, #tpu.memory_space<vmem>>, vector<1x16xf32>,
          %get3A_192 = vector.shape_cast %get3A_191 : vector<1x16xf32> to vector<16xf32>
          %add3A_193 = arith.addf %get3A_188, %get3A_192 : vector<16xf32>
          %swap3A_194 = arith.index_cast %add3A_184 : i32 to index
          %swap3A_195 = arith.constant 96 : index
          %swap3A_196 = tpu.vector_load %arg7[%swap3A_194, %swap3A_195] {strides = array<i32>} : memref<128x128xf32, #tpu.memory_space<vmem>>, vector<1x16xf32>,
          %swap3A_197 = vector.shape_cast %swap3A_196 : vector<1x16xf32> to vector<16xf32>
          %swap3A_198 = vector.shape_cast %add3A_193 : vector<16xf32> to vector<1x16xf32>
          tpu.vector_store %arg7[%swap3A_194, %swap3A_195], %swap3A_198 {strides = array<i32>} : memref<128x128xf32, #tpu.memory_space<vmem>>, vector<1x16xf32>,
          %add3A_199 = arith.constant 0 : i32
          %add3A_200 = arith.addi %mul3A_88, %add3A_199 : i32
          %get3A_201 = arith.index_cast %add3A_200 : i32 to index
          %get3A_202 = arith.constant 112 : index
          %get3A_203 = tpu.vector_load %arg7[%get3A_201, %get3A_202] {strides = array<i32>} : memref<128x128xf32, #tpu.memory_space<vmem>>, vector<1x16xf32>,
          %get3A_204 = vector.shape_cast %get3A_203 : vector<1x16xf32> to vector<16xf32>
          %get3A_205 = arith.index_cast %add3A_200 : i32 to index
          %get3A_206 = arith.constant 112 : index
          %get3A_207 = tpu.vector_load %arg8[%get3A_205, %get3A_206] {strides = array<i32>} : memref<128x128xf32, #tpu.memory_space<vmem>>, vector<1x16xf32>,
          %get3A_208 = vector.shape_cast %get3A_207 : vector<1x16xf32> to vector<16xf32>
          %add3A_209 = arith.addf %get3A_204, %get3A_208 : vector<16xf32>
          %swap3A_210 = arith.index_cast %add3A_200 : i32 to index
          %swap3A_211 = arith.constant 112 : index
          %swap3A_212 = tpu.vector_load %arg7[%swap3A_210, %swap3A_211] {strides = array<i32>} : memref<128x128xf32, #tpu.memory_space<vmem>>, vector<1x16xf32>,
          %swap3A_213 = vector.shape_cast %swap3A_212 : vector<1x16xf32> to vector<16xf32>
          %swap3A_214 = vector.shape_cast %add3A_209 : vector<16xf32> to vector<1x16xf32>
          tpu.vector_store %arg7[%swap3A_210, %swap3A_211], %swap3A_214 {strides = array<i32>} : memref<128x128xf32, #tpu.memory_space<vmem>>, vector<1x16xf32>,
          %add3A_215 = arith.constant 1 : i32
          %add3A_216 = arith.addi %mul3A_88, %add3A_215 : i32
          %get3A_217 = arith.index_cast %add3A_216 : i32 to index
          %get3A_218 = arith.constant 0 : index
          %get3A_219 = tpu.vector_load %arg7[%get3A_217, %get3A_218] {strides = array<i32>} : memref<128x128xf32, #tpu.memory_space<vmem>>, vector<1x16xf32>,
          %get3A_220 = vector.shape_cast %get3A_219 : vector<1x16xf32> to vector<16xf32>
          %get3A_221 = arith.index_cast %add3A_216 : i32 to index
          %get3A_222 = arith.constant 0 : index
          %get3A_223 = tpu.vector_load %arg8[%get3A_221, %get3A_222] {strides = array<i32>} : memref<128x128xf32, #tpu.memory_space<vmem>>, vector<1x16xf32>,
          %get3A_224 = vector.shape_cast %get3A_223 : vector<1x16xf32> to vector<16xf32>
          %add3A_225 = arith.addf %get3A_220, %get3A_224 : vector<16xf32>
          %swap3A_226 = arith.index_cast %add3A_216 : i32 to index
          %swap3A_227 = arith.constant 0 : index
          %swap3A_228 = tpu.vector_load %arg7[%swap3A_226, %swap3A_227] {strides = array<i32>} : memref<128x128xf32, #tpu.memory_space<vmem>>, vector<1x16xf32>,
          %swap3A_229 = vector.shape_cast %swap3A_228 : vector<1x16xf32> to vector<16xf32>
          %swap3A_230 = vector.shape_cast %add3A_225 : vector<16xf32> to vector<1x16xf32>
          tpu.vector_store %arg7[%swap3A_226, %swap3A_227], %swap3A_230 {strides = array<i32>} : memref<128x128xf32, #tpu.memory_space<vmem>>, vector<1x16xf32>,
          %add3A_231 = arith.constant 1 : i32
          %add3A_232 = arith.addi %mul3A_88, %add3A_231 : i32
          %get3A_233 = arith.index_cast %add3A_232 : i32 to index
          %get3A_234 = arith.constant 16 : index
          %get3A_235 = tpu.vector_load %arg7[%get3A_233, %get3A_234] {strides = array<i32>} : memref<128x128xf32, #tpu.memory_space<vmem>>, vector<1x16xf32>,
          %get3A_236 = vector.shape_cast %get3A_235 : vector<1x16xf32> to vector<16xf32>
          %get3A_237 = arith.index_cast %add3A_232 : i32 to index
          %get3A_238 = arith.constant 16 : index
          %get3A_239 = tpu.vector_load %arg8[%get3A_237, %get3A_238] {strides = array<i32>} : memref<128x128xf32, #tpu.memory_space<vmem>>, vector<1x16xf32>,
          %get3A_240 = vector.shape_cast %get3A_239 : vector<1x16xf32> to vector<16xf32>
          %add3A_241 = arith.addf %get3A_236, %get3A_240 : vector<16xf32>
          %swap3A_242 = arith.index_cast %add3A_232 : i32 to index
          %swap3A_243 = arith.constant 16 : index
          %swap3A_244 = tpu.vector_load %arg7[%swap3A_242, %swap3A_243] {strides = array<i32>} : memref<128x128xf32, #tpu.memory_space<vmem>>, vector<1x16xf32>,
          %swap3A_245 = vector.shape_cast %swap3A_244 : vector<1x16xf32> to vector<16xf32>
          %swap3A_246 = vector.shape_cast %add3A_241 : vector<16xf32> to vector<1x16xf32>
          tpu.vector_store %arg7[%swap3A_242, %swap3A_243], %swap3A_246 {strides = array<i32>} : memref<128x128xf32, #tpu.memory_space<vmem>>, vector<1x16xf32>,
          %add3A_247 = arith.constant 1 : i32
          %add3A_248 = arith.addi %mul3A_88, %add3A_247 : i32
          %get3A_249 = arith.index_cast %add3A_248 : i32 to index
          %get3A_250 = arith.constant 32 : index
          %get3A_251 = tpu.vector_load %arg7[%get3A_249, %get3A_250] {strides = array<i32>} : memref<128x128xf32, #tpu.memory_space<vmem>>, vector<1x16xf32>,
          %get3A_252 = vector.shape_cast %get3A_251 : vector<1x16xf32> to vector<16xf32>
          %get3A_253 = arith.index_cast %add3A_248 : i32 to index
          %get3A_254 = arith.constant 32 : index
          %get3A_255 = tpu.vector_load %arg8[%get3A_253, %get3A_254] {strides = array<i32>} : memref<128x128xf32, #tpu.memory_space<vmem>>, vector<1x16xf32>,
          %get3A_256 = vector.shape_cast %get3A_255 : vector<1x16xf32> to vector<16xf32>
          %add3A_257 = arith.addf %get3A_252, %get3A_256 : vector<16xf32>
          %swap3A_258 = arith.index_cast %add3A_248 : i32 to index
          %swap3A_259 = arith.constant 32 : index
          %swap3A_260 = tpu.vector_load %arg7[%swap3A_258, %swap3A_259] {strides = array<i32>} : memref<128x128xf32, #tpu.memory_space<vmem>>, vector<1x16xf32>,
          %swap3A_261 = vector.shape_cast %swap3A_260 : vector<1x16xf32> to vector<16xf32>
          %swap3A_262 = vector.shape_cast %add3A_257 : vector<16xf32> to vector<1x16xf32>
          tpu.vector_store %arg7[%swap3A_258, %swap3A_259], %swap3A_262 {strides = array<i32>} : memref<128x128xf32, #tpu.memory_space<vmem>>, vector<1x16xf32>,
          %add3A_263 = arith.constant 1 : i32
          %add3A_264 = arith.addi %mul3A_88, %add3A_263 : i32
          %get3A_265 = arith.index_cast %add3A_264 : i32 to index
          %get3A_266 = arith.constant 48 : index
          %get3A_267 = tpu.vector_load %arg7[%get3A_265, %get3A_266] {strides = array<i32>} : memref<128x128xf32, #tpu.memory_space<vmem>>, vector<1x16xf32>,
          %get3A_268 = vector.shape_cast %get3A_267 : vector<1x16xf32> to vector<16xf32>
          %get3A_269 = arith.index_cast %add3A_264 : i32 to index
          %get3A_270 = arith.constant 48 : index
          %get3A_271 = tpu.vector_load %arg8[%get3A_269, %get3A_270] {strides = array<i32>} : memref<128x128xf32, #tpu.memory_space<vmem>>, vector<1x16xf32>,
          %get3A_272 = vector.shape_cast %get3A_271 : vector<1x16xf32> to vector<16xf32>
          %add3A_273 = arith.addf %get3A_268, %get3A_272 : vector<16xf32>
          %swap3A_274 = arith.index_cast %add3A_264 : i32 to index
          %swap3A_275 = arith.constant 48 : index
          %swap3A_276 = tpu.vector_load %arg7[%swap3A_274, %swap3A_275] {strides = array<i32>} : memref<128x128xf32, #tpu.memory_space<vmem>>, vector<1x16xf32>,
          %swap3A_277 = vector.shape_cast %swap3A_276 : vector<1x16xf32> to vector<16xf32>
          %swap3A_278 = vector.shape_cast %add3A_273 : vector<16xf32> to vector<1x16xf32>
          tpu.vector_store %arg7[%swap3A_274, %swap3A_275], %swap3A_278 {strides = array<i32>} : memref<128x128xf32, #tpu.memory_space<vmem>>, vector<1x16xf32>,
          %add3A_279 = arith.constant 1 : i32
          %add3A_280 = arith.addi %mul3A_88, %add3A_279 : i32
          %get3A_281 = arith.index_cast %add3A_280 : i32 to index
          %get3A_282 = arith.constant 64 : index
          %get3A_283 = tpu.vector_load %arg7[%get3A_281, %get3A_282] {strides = array<i32>} : memref<128x128xf32, #tpu.memory_space<vmem>>, vector<1x16xf32>,
          %get3A_284 = vector.shape_cast %get3A_283 : vector<1x16xf32> to vector<16xf32>
          %get3A_285 = arith.index_cast %add3A_280 : i32 to index
          %get3A_286 = arith.constant 64 : index
          %get3A_287 = tpu.vector_load %arg8[%get3A_285, %get3A_286] {strides = array<i32>} : memref<128x128xf32, #tpu.memory_space<vmem>>, vector<1x16xf32>,
          %get3A_288 = vector.shape_cast %get3A_287 : vector<1x16xf32> to vector<16xf32>
          %add3A_289 = arith.addf %get3A_284, %get3A_288 : vector<16xf32>
          %swap3A_290 = arith.index_cast %add3A_280 : i32 to index
          %swap3A_291 = arith.constant 64 : index
          %swap3A_292 = tpu.vector_load %arg7[%swap3A_290, %swap3A_291] {strides = array<i32>} : memref<128x128xf32, #tpu.memory_space<vmem>>, vector<1x16xf32>,
          %swap3A_293 = vector.shape_cast %swap3A_292 : vector<1x16xf32> to vector<16xf32>
          %swap3A_294 = vector.shape_cast %add3A_289 : vector<16xf32> to vector<1x16xf32>
          tpu.vector_store %arg7[%swap3A_290, %swap3A_291], %swap3A_294 {strides = array<i32>} : memref<128x128xf32, #tpu.memory_space<vmem>>, vector<1x16xf32>,
          %add3A_295 = arith.constant 1 : i32
          %add3A_296 = arith.addi %mul3A_88, %add3A_295 : i32
          %get3A_297 = arith.index_cast %add3A_296 : i32 to index
          %get3A_298 = arith.constant 80 : index
          %get3A_299 = tpu.vector_load %arg7[%get3A_297, %get3A_298] {strides = array<i32>} : memref<128x128xf32, #tpu.memory_space<vmem>>, vector<1x16xf32>,
          %get3A_300 = vector.shape_cast %get3A_299 : vector<1x16xf32> to vector<16xf32>
          %get3A_301 = arith.index_cast %add3A_296 : i32 to index
          %get3A_302 = arith.constant 80 : index
          %get3A_303 = tpu.vector_load %arg8[%get3A_301, %get3A_302] {strides = array<i32>} : memref<128x128xf32, #tpu.memory_space<vmem>>, vector<1x16xf32>,
          %get3A_304 = vector.shape_cast %get3A_303 : vector<1x16xf32> to vector<16xf32>
          %add3A_305 = arith.addf %get3A_300, %get3A_304 : vector<16xf32>
          %swap3A_306 = arith.index_cast %add3A_296 : i32 to index
          %swap3A_307 = arith.constant 80 : index
          %swap3A_308 = tpu.vector_load %arg7[%swap3A_306, %swap3A_307] {strides = array<i32>} : memref<128x128xf32, #tpu.memory_space<vmem>>, vector<1x16xf32>,
          %swap3A_309 = vector.shape_cast %swap3A_308 : vector<1x16xf32> to vector<16xf32>
          %swap3A_310 = vector.shape_cast %add3A_305 : vector<16xf32> to vector<1x16xf32>
          tpu.vector_store %arg7[%swap3A_306, %swap3A_307], %swap3A_310 {strides = array<i32>} : memref<128x128xf32, #tpu.memory_space<vmem>>, vector<1x16xf32>,
          %add3A_311 = arith.constant 1 : i32
          %add3A_312 = arith.addi %mul3A_88, %add3A_311 : i32
          %get3A_313 = arith.index_cast %add3A_312 : i32 to index
          %get3A_314 = arith.constant 96 : index
          %get3A_315 = tpu.vector_load %arg7[%get3A_313, %get3A_314] {strides = array<i32>} : memref<128x128xf32, #tpu.memory_space<vmem>>, vector<1x16xf32>,
          %get3A_316 = vector.shape_cast %get3A_315 : vector<1x16xf32> to vector<16xf32>
          %get3A_317 = arith.index_cast %add3A_312 : i32 to index
          %get3A_318 = arith.constant 96 : index
          %get3A_319 = tpu.vector_load %arg8[%get3A_317, %get3A_318] {strides = array<i32>} : memref<128x128xf32, #tpu.memory_space<vmem>>, vector<1x16xf32>,
          %get3A_320 = vector.shape_cast %get3A_319 : vector<1x16xf32> to vector<16xf32>
          %add3A_321 = arith.addf %get3A_316, %get3A_320 : vector<16xf32>
          %swap3A_322 = arith.index_cast %add3A_312 : i32 to index
          %swap3A_323 = arith.constant 96 : index
          %swap3A_324 = tpu.vector_load %arg7[%swap3A_322, %swap3A_323] {strides = array<i32>} : memref<128x128xf32, #tpu.memory_space<vmem>>, vector<1x16xf32>,
          %swap3A_325 = vector.shape_cast %swap3A_324 : vector<1x16xf32> to vector<16xf32>
          %swap3A_326 = vector.shape_cast %add3A_321 : vector<16xf32> to vector<1x16xf32>
          tpu.vector_store %arg7[%swap3A_322, %swap3A_323], %swap3A_326 {strides = array<i32>} : memref<128x128xf32, #tpu.memory_space<vmem>>, vector<1x16xf32>,
          %add3A_327 = arith.constant 1 : i32
          %add3A_328 = arith.addi %mul3A_88, %add3A_327 : i32
          %get3A_329 = arith.index_cast %add3A_328 : i32 to index
          %get3A_330 = arith.constant 112 : index
          %get3A_331 = tpu.vector_load %arg7[%get3A_329, %get3A_330] {strides = array<i32>} : memref<128x128xf32, #tpu.memory_space<vmem>>, vector<1x16xf32>,
          %get3A_332 = vector.shape_cast %get3A_331 : vector<1x16xf32> to vector<16xf32>
          %get3A_333 = arith.index_cast %add3A_328 : i32 to index
          %get3A_334 = arith.constant 112 : index
          %get3A_335 = tpu.vector_load %arg8[%get3A_333, %get3A_334] {strides = array<i32>} : memref<128x128xf32, #tpu.memory_space<vmem>>, vector<1x16xf32>,
          %get3A_336 = vector.shape_cast %get3A_335 : vector<1x16xf32> to vector<16xf32>
          %add3A_337 = arith.addf %get3A_332, %get3A_336 : vector<16xf32>
          %swap3A_338 = arith.index_cast %add3A_328 : i32 to index
          %swap3A_339 = arith.constant 112 : index
          %swap3A_340 = tpu.vector_load %arg7[%swap3A_338, %swap3A_339] {strides = array<i32>} : memref<128x128xf32, #tpu.memory_space<vmem>>, vector<1x16xf32>,
          %swap3A_341 = vector.shape_cast %swap3A_340 : vector<1x16xf32> to vector<16xf32>
          %swap3A_342 = vector.shape_cast %add3A_337 : vector<16xf32> to vector<1x16xf32>
          tpu.vector_store %arg7[%swap3A_338, %swap3A_339], %swap3A_342 {strides = array<i32>} : memref<128x128xf32, #tpu.memory_space<vmem>>, vector<1x16xf32>,
        }
        %scan3A_79 = arith.constant 64 : i32
        %add3A_80 = arith.addi %add3A_4, %mul3A_37 : i32
        %mul3A_81 = arith.constant 128 : i32
        %mul3A_82 = arith.muli %add3A_80, %mul3A_81 : i32
        %dma_start3A = arith.constant 0 : i32
        %dma_start3A_83 = tpu.memref_slice %arg5[%mul3A_82, %dma_start3A] : memref<112000x128xf32, #tpu.memory_space<hbm>> -> memref<128x128xf32, #tpu.memory_space<hbm>>
        %dma_start3A_84 = arith.constant 0 : i32
        %dma_start3A_85 = tpu.memref_slice %arg5[%mul3A_82, %dma_start3A_84] : memref<112000x128xf32, #tpu.memory_space<hbm>> -> memref<128x128xf32, #tpu.memory_space<hbm>>
        tpu.enqueue_dma source(%arg7 : memref<128x128xf32, #tpu.memory_space<vmem>>) target(%dma_start3A_85 : memref<128x128xf32, #tpu.memory_space<hbm>>) target_semaphore(%arg15 : memref<!tpu.dma_semaphore, #tpu.memory_space<semaphore_mem>>)
      } else {
      }
      %add3A_42 = arith.constant 1 : i32
      %add3A_43 = arith.addi %mul3A_37, %add3A_42 : i32
      %lt3A_44 = arith.cmpi slt, %add3A_43, %select_n3A : i32
      %convert_element_type3A_45 = arith.extui %lt3A_44 : i1 to i32
      %cond3A_46 = arith.constant 0 : i32
      %cond3A_47 = arith.cmpi ne, %convert_element_type3A_45, %cond3A_46 : i32
      scf.if %cond3A_47 {
        %dma_wait3A_60 = arith.constant 0 : i32
        %dma_wait3A_61 = arith.constant 0 : i32
        %dma_wait3A_62 = tpu.memref_slice %arg6[%add3A_43, %dma_wait3A_60, %dma_wait3A_61] : memref<28x2x128xi32, #tpu.memory_space<vmem>> -> memref<1x1x128xi32, #tpu.memory_space<vmem>>
        %dma_wait3A_63 = tpu.memref_squeeze %dma_wait3A_62 : memref<1x1x128xi32, #tpu.memory_space<vmem>> -> memref<128xi32, #tpu.memory_space<vmem>>
        %dma_wait3A_64 = arith.constant 0 : i32
        %dma_wait3A_65 = arith.constant 0 : i32
        %dma_wait3A_66 = tpu.memref_slice %arg2[%dma_wait3A_64, %dma_wait3A_65] : memref<10000x128xf32, #tpu.memory_space<hbm>> -> memref<10000x128xf32, #tpu.memory_space<hbm>>
        tpu.wait_indirect_dma semaphore(%arg13 : memref<!tpu.dma_semaphore, #tpu.memory_space<semaphore_mem>>) src(%dma_wait3A_66 : memref<10000x128xf32, #tpu.memory_space<hbm>>) dst(%arg9 : memref<128x128xf32, #tpu.memory_space<vmem>>)
        %dma_wait3A_67 = arith.constant 1 : i32
        %dma_wait3A_68 = arith.constant 0 : i32
        %dma_wait3A_69 = tpu.memref_slice %arg6[%add3A_43, %dma_wait3A_67, %dma_wait3A_68] : memref<28x2x128xi32, #tpu.memory_space<vmem>> -> memref<1x1x128xi32, #tpu.memory_space<vmem>>
        %dma_wait3A_70 = tpu.memref_squeeze %dma_wait3A_69 : memref<1x1x128xi32, #tpu.memory_space<vmem>> -> memref<128xi32, #tpu.memory_space<vmem>>
        %dma_wait3A_71 = arith.constant 0 : i32
        %dma_wait3A_72 = arith.constant 0 : i32
        %dma_wait3A_73 = tpu.memref_slice %arg3[%dma_wait3A_71, %dma_wait3A_72] : memref<10000x128xf32, #tpu.memory_space<hbm>> -> memref<10000x128xf32, #tpu.memory_space<hbm>>
        tpu.wait_indirect_dma semaphore(%arg14 : memref<!tpu.dma_semaphore, #tpu.memory_space<semaphore_mem>>) src(%dma_wait3A_73 : memref<10000x128xf32, #tpu.memory_space<hbm>>) dst(%arg10 : memref<128x128xf32, #tpu.memory_space<vmem>>)
        %scan3A_74 = arith.constant 0 : i32
        %scan3A_75 = arith.constant 0 : i32
        %scan3A_76 = arith.constant 64 : i32
        %scan3A_77 = arith.addi %scan3A_75, %scan3A_76 : i32
        %scan3A_78 = arith.constant 1 : i32
        scf.for %scan3A_86 = %scan3A_75 to %scan3A_77 step %scan3A_78  : i32 {
          %mul3A_87 = arith.constant 2 : i32
          %mul3A_88 = arith.muli %scan3A_86, %mul3A_87 : i32
          %add3A_89 = arith.constant 0 : i32
          %add3A_90 = arith.addi %mul3A_88, %add3A_89 : i32
          %get3A = arith.index_cast %add3A_90 : i32 to index
          %get3A_91 = arith.constant 0 : index
          %get3A_92 = tpu.vector_load %arg9[%get3A, %get3A_91] {strides = array<i32>} : memref<128x128xf32, #tpu.memory_space<vmem>>, vector<1x16xf32>,
          %get3A_93 = vector.shape_cast %get3A_92 : vector<1x16xf32> to vector<16xf32>
          %get3A_94 = arith.index_cast %add3A_90 : i32 to index
          %get3A_95 = arith.constant 0 : index
          %get3A_96 = tpu.vector_load %arg10[%get3A_94, %get3A_95] {strides = array<i32>} : memref<128x128xf32, #tpu.memory_space<vmem>>, vector<1x16xf32>,
          %get3A_97 = vector.shape_cast %get3A_96 : vector<1x16xf32> to vector<16xf32>
          %add3A_98 = arith.addf %get3A_93, %get3A_97 : vector<16xf32>
          %swap3A = arith.index_cast %add3A_90 : i32 to index
          %swap3A_99 = arith.constant 0 : index
          %swap3A_100 = tpu.vector_load %arg9[%swap3A, %swap3A_99] {strides = array<i32>} : memref<128x128xf32, #tpu.memory_space<vmem>>, vector<1x16xf32>,
          %swap3A_101 = vector.shape_cast %swap3A_100 : vector<1x16xf32> to vector<16xf32>
          %swap3A_102 = vector.shape_cast %add3A_98 : vector<16xf32> to vector<1x16xf32>
          tpu.vector_store %arg9[%swap3A, %swap3A_99], %swap3A_102 {strides = array<i32>} : memref<128x128xf32, #tpu.memory_space<vmem>>, vector<1x16xf32>,
          %add3A_103 = arith.constant 0 : i32
          %add3A_104 = arith.addi %mul3A_88, %add3A_103 : i32
          %get3A_105 = arith.index_cast %add3A_104 : i32 to index
          %get3A_106 = arith.constant 16 : index
          %get3A_107 = tpu.vector_load %arg9[%get3A_105, %get3A_106] {strides = array<i32>} : memref<128x128xf32, #tpu.memory_space<vmem>>, vector<1x16xf32>,
          %get3A_108 = vector.shape_cast %get3A_107 : vector<1x16xf32> to vector<16xf32>
          %get3A_109 = arith.index_cast %add3A_104 : i32 to index
          %get3A_110 = arith.constant 16 : index
          %get3A_111 = tpu.vector_load %arg10[%get3A_109, %get3A_110] {strides = array<i32>} : memref<128x128xf32, #tpu.memory_space<vmem>>, vector<1x16xf32>,
          %get3A_112 = vector.shape_cast %get3A_111 : vector<1x16xf32> to vector<16xf32>
          %add3A_113 = arith.addf %get3A_108, %get3A_112 : vector<16xf32>
          %swap3A_114 = arith.index_cast %add3A_104 : i32 to index
          %swap3A_115 = arith.constant 16 : index
          %swap3A_116 = tpu.vector_load %arg9[%swap3A_114, %swap3A_115] {strides = array<i32>} : memref<128x128xf32, #tpu.memory_space<vmem>>, vector<1x16xf32>,
          %swap3A_117 = vector.shape_cast %swap3A_116 : vector<1x16xf32> to vector<16xf32>
          %swap3A_118 = vector.shape_cast %add3A_113 : vector<16xf32> to vector<1x16xf32>
          tpu.vector_store %arg9[%swap3A_114, %swap3A_115], %swap3A_118 {strides = array<i32>} : memref<128x128xf32, #tpu.memory_space<vmem>>, vector<1x16xf32>,
          %add3A_119 = arith.constant 0 : i32
          %add3A_120 = arith.addi %mul3A_88, %add3A_119 : i32
          %get3A_121 = arith.index_cast %add3A_120 : i32 to index
          %get3A_122 = arith.constant 32 : index
          %get3A_123 = tpu.vector_load %arg9[%get3A_121, %get3A_122] {strides = array<i32>} : memref<128x128xf32, #tpu.memory_space<vmem>>, vector<1x16xf32>,
          %get3A_124 = vector.shape_cast %get3A_123 : vector<1x16xf32> to vector<16xf32>
          %get3A_125 = arith.index_cast %add3A_120 : i32 to index
          %get3A_126 = arith.constant 32 : index
          %get3A_127 = tpu.vector_load %arg10[%get3A_125, %get3A_126] {strides = array<i32>} : memref<128x128xf32, #tpu.memory_space<vmem>>, vector<1x16xf32>,
          %get3A_128 = vector.shape_cast %get3A_127 : vector<1x16xf32> to vector<16xf32>
          %add3A_129 = arith.addf %get3A_124, %get3A_128 : vector<16xf32>
          %swap3A_130 = arith.index_cast %add3A_120 : i32 to index
          %swap3A_131 = arith.constant 32 : index
          %swap3A_132 = tpu.vector_load %arg9[%swap3A_130, %swap3A_131] {strides = array<i32>} : memref<128x128xf32, #tpu.memory_space<vmem>>, vector<1x16xf32>,
          %swap3A_133 = vector.shape_cast %swap3A_132 : vector<1x16xf32> to vector<16xf32>
          %swap3A_134 = vector.shape_cast %add3A_129 : vector<16xf32> to vector<1x16xf32>
          tpu.vector_store %arg9[%swap3A_130, %swap3A_131], %swap3A_134 {strides = array<i32>} : memref<128x128xf32, #tpu.memory_space<vmem>>, vector<1x16xf32>,
          %add3A_135 = arith.constant 0 : i32
          %add3A_136 = arith.addi %mul3A_88, %add3A_135 : i32
          %get3A_137 = arith.index_cast %add3A_136 : i32 to index
          %get3A_138 = arith.constant 48 : index
          %get3A_139 = tpu.vector_load %arg9[%get3A_137, %get3A_138] {strides = array<i32>} : memref<128x128xf32, #tpu.memory_space<vmem>>, vector<1x16xf32>,
          %get3A_140 = vector.shape_cast %get3A_139 : vector<1x16xf32> to vector<16xf32>
          %get3A_141 = arith.index_cast %add3A_136 : i32 to index
          %get3A_142 = arith.constant 48 : index
          %get3A_143 = tpu.vector_load %arg10[%get3A_141, %get3A_142] {strides = array<i32>} : memref<128x128xf32, #tpu.memory_space<vmem>>, vector<1x16xf32>,
          %get3A_144 = vector.shape_cast %get3A_143 : vector<1x16xf32> to vector<16xf32>
          %add3A_145 = arith.addf %get3A_140, %get3A_144 : vector<16xf32>
          %swap3A_146 = arith.index_cast %add3A_136 : i32 to index
          %swap3A_147 = arith.constant 48 : index
          %swap3A_148 = tpu.vector_load %arg9[%swap3A_146, %swap3A_147] {strides = array<i32>} : memref<128x128xf32, #tpu.memory_space<vmem>>, vector<1x16xf32>,
          %swap3A_149 = vector.shape_cast %swap3A_148 : vector<1x16xf32> to vector<16xf32>
          %swap3A_150 = vector.shape_cast %add3A_145 : vector<16xf32> to vector<1x16xf32>
          tpu.vector_store %arg9[%swap3A_146, %swap3A_147], %swap3A_150 {strides = array<i32>} : memref<128x128xf32, #tpu.memory_space<vmem>>, vector<1x16xf32>,
          %add3A_151 = arith.constant 0 : i32
          %add3A_152 = arith.addi %mul3A_88, %add3A_151 : i32
          %get3A_153 = arith.index_cast %add3A_152 : i32 to index
          %get3A_154 = arith.constant 64 : index
          %get3A_155 = tpu.vector_load %arg9[%get3A_153, %get3A_154] {strides = array<i32>} : memref<128x128xf32, #tpu.memory_space<vmem>>, vector<1x16xf32>,
          %get3A_156 = vector.shape_cast %get3A_155 : vector<1x16xf32> to vector<16xf32>
          %get3A_157 = arith.index_cast %add3A_152 : i32 to index
          %get3A_158 = arith.constant 64 : index
          %get3A_159 = tpu.vector_load %arg10[%get3A_157, %get3A_158] {strides = array<i32>} : memref<128x128xf32, #tpu.memory_space<vmem>>, vector<1x16xf32>,
          %get3A_160 = vector.shape_cast %get3A_159 : vector<1x16xf32> to vector<16xf32>
          %add3A_161 = arith.addf %get3A_156, %get3A_160 : vector<16xf32>
          %swap3A_162 = arith.index_cast %add3A_152 : i32 to index
          %swap3A_163 = arith.constant 64 : index
          %swap3A_164 = tpu.vector_load %arg9[%swap3A_162, %swap3A_163] {strides = array<i32>} : memref<128x128xf32, #tpu.memory_space<vmem>>, vector<1x16xf32>,
          %swap3A_165 = vector.shape_cast %swap3A_164 : vector<1x16xf32> to vector<16xf32>
          %swap3A_166 = vector.shape_cast %add3A_161 : vector<16xf32> to vector<1x16xf32>
          tpu.vector_store %arg9[%swap3A_162, %swap3A_163], %swap3A_166 {strides = array<i32>} : memref<128x128xf32, #tpu.memory_space<vmem>>, vector<1x16xf32>,
          %add3A_167 = arith.constant 0 : i32
          %add3A_168 = arith.addi %mul3A_88, %add3A_167 : i32
          %get3A_169 = arith.index_cast %add3A_168 : i32 to index
          %get3A_170 = arith.constant 80 : index
          %get3A_171 = tpu.vector_load %arg9[%get3A_169, %get3A_170] {strides = array<i32>} : memref<128x128xf32, #tpu.memory_space<vmem>>, vector<1x16xf32>,
          %get3A_172 = vector.shape_cast %get3A_171 : vector<1x16xf32> to vector<16xf32>
          %get3A_173 = arith.index_cast %add3A_168 : i32 to index
          %get3A_174 = arith.constant 80 : index
          %get3A_175 = tpu.vector_load %arg10[%get3A_173, %get3A_174] {strides = array<i32>} : memref<128x128xf32, #tpu.memory_space<vmem>>, vector<1x16xf32>,
          %get3A_176 = vector.shape_cast %get3A_175 : vector<1x16xf32> to vector<16xf32>
          %add3A_177 = arith.addf %get3A_172, %get3A_176 : vector<16xf32>
          %swap3A_178 = arith.index_cast %add3A_168 : i32 to index
          %swap3A_179 = arith.constant 80 : index
          %swap3A_180 = tpu.vector_load %arg9[%swap3A_178, %swap3A_179] {strides = array<i32>} : memref<128x128xf32, #tpu.memory_space<vmem>>, vector<1x16xf32>,
          %swap3A_181 = vector.shape_cast %swap3A_180 : vector<1x16xf32> to vector<16xf32>
          %swap3A_182 = vector.shape_cast %add3A_177 : vector<16xf32> to vector<1x16xf32>
          tpu.vector_store %arg9[%swap3A_178, %swap3A_179], %swap3A_182 {strides = array<i32>} : memref<128x128xf32, #tpu.memory_space<vmem>>, vector<1x16xf32>,
          %add3A_183 = arith.constant 0 : i32
          %add3A_184 = arith.addi %mul3A_88, %add3A_183 : i32
          %get3A_185 = arith.index_cast %add3A_184 : i32 to index
          %get3A_186 = arith.constant 96 : index
          %get3A_187 = tpu.vector_load %arg9[%get3A_185, %get3A_186] {strides = array<i32>} : memref<128x128xf32, #tpu.memory_space<vmem>>, vector<1x16xf32>,
          %get3A_188 = vector.shape_cast %get3A_187 : vector<1x16xf32> to vector<16xf32>
          %get3A_189 = arith.index_cast %add3A_184 : i32 to index
          %get3A_190 = arith.constant 96 : index
          %get3A_191 = tpu.vector_load %arg10[%get3A_189, %get3A_190] {strides = array<i32>} : memref<128x128xf32, #tpu.memory_space<vmem>>, vector<1x16xf32>,
          %get3A_192 = vector.shape_cast %get3A_191 : vector<1x16xf32> to vector<16xf32>
          %add3A_193 = arith.addf %get3A_188, %get3A_192 : vector<16xf32>
          %swap3A_194 = arith.index_cast %add3A_184 : i32 to index
          %swap3A_195 = arith.constant 96 : index
          %swap3A_196 = tpu.vector_load %arg9[%swap3A_194, %swap3A_195] {strides = array<i32>} : memref<128x128xf32, #tpu.memory_space<vmem>>, vector<1x16xf32>,
          %swap3A_197 = vector.shape_cast %swap3A_196 : vector<1x16xf32> to vector<16xf32>
          %swap3A_198 = vector.shape_cast %add3A_193 : vector<16xf32> to vector<1x16xf32>
          tpu.vector_store %arg9[%swap3A_194, %swap3A_195], %swap3A_198 {strides = array<i32>} : memref<128x128xf32, #tpu.memory_space<vmem>>, vector<1x16xf32>,
          %add3A_199 = arith.constant 0 : i32
          %add3A_200 = arith.addi %mul3A_88, %add3A_199 : i32
          %get3A_201 = arith.index_cast %add3A_200 : i32 to index
          %get3A_202 = arith.constant 112 : index
          %get3A_203 = tpu.vector_load %arg9[%get3A_201, %get3A_202] {strides = array<i32>} : memref<128x128xf32, #tpu.memory_space<vmem>>, vector<1x16xf32>,
          %get3A_204 = vector.shape_cast %get3A_203 : vector<1x16xf32> to vector<16xf32>
          %get3A_205 = arith.index_cast %add3A_200 : i32 to index
          %get3A_206 = arith.constant 112 : index
          %get3A_207 = tpu.vector_load %arg10[%get3A_205, %get3A_206] {strides = array<i32>} : memref<128x128xf32, #tpu.memory_space<vmem>>, vector<1x16xf32>,
          %get3A_208 = vector.shape_cast %get3A_207 : vector<1x16xf32> to vector<16xf32>
          %add3A_209 = arith.addf %get3A_204, %get3A_208 : vector<16xf32>
          %swap3A_210 = arith.index_cast %add3A_200 : i32 to index
          %swap3A_211 = arith.constant 112 : index
          %swap3A_212 = tpu.vector_load %arg9[%swap3A_210, %swap3A_211] {strides = array<i32>} : memref<128x128xf32, #tpu.memory_space<vmem>>, vector<1x16xf32>,
          %swap3A_213 = vector.shape_cast %swap3A_212 : vector<1x16xf32> to vector<16xf32>
          %swap3A_214 = vector.shape_cast %add3A_209 : vector<16xf32> to vector<1x16xf32>
          tpu.vector_store %arg9[%swap3A_210, %swap3A_211], %swap3A_214 {strides = array<i32>} : memref<128x128xf32, #tpu.memory_space<vmem>>, vector<1x16xf32>,
          %add3A_215 = arith.constant 1 : i32
          %add3A_216 = arith.addi %mul3A_88, %add3A_215 : i32
          %get3A_217 = arith.index_cast %add3A_216 : i32 to index
          %get3A_218 = arith.constant 0 : index
          %get3A_219 = tpu.vector_load %arg9[%get3A_217, %get3A_218] {strides = array<i32>} : memref<128x128xf32, #tpu.memory_space<vmem>>, vector<1x16xf32>,
          %get3A_220 = vector.shape_cast %get3A_219 : vector<1x16xf32> to vector<16xf32>
          %get3A_221 = arith.index_cast %add3A_216 : i32 to index
          %get3A_222 = arith.constant 0 : index
          %get3A_223 = tpu.vector_load %arg10[%get3A_221, %get3A_222] {strides = array<i32>} : memref<128x128xf32, #tpu.memory_space<vmem>>, vector<1x16xf32>,
          %get3A_224 = vector.shape_cast %get3A_223 : vector<1x16xf32> to vector<16xf32>
          %add3A_225 = arith.addf %get3A_220, %get3A_224 : vector<16xf32>
          %swap3A_226 = arith.index_cast %add3A_216 : i32 to index
          %swap3A_227 = arith.constant 0 : index
          %swap3A_228 = tpu.vector_load %arg9[%swap3A_226, %swap3A_227] {strides = array<i32>} : memref<128x128xf32, #tpu.memory_space<vmem>>, vector<1x16xf32>,
          %swap3A_229 = vector.shape_cast %swap3A_228 : vector<1x16xf32> to vector<16xf32>
          %swap3A_230 = vector.shape_cast %add3A_225 : vector<16xf32> to vector<1x16xf32>
          tpu.vector_store %arg9[%swap3A_226, %swap3A_227], %swap3A_230 {strides = array<i32>} : memref<128x128xf32, #tpu.memory_space<vmem>>, vector<1x16xf32>,
          %add3A_231 = arith.constant 1 : i32
          %add3A_232 = arith.addi %mul3A_88, %add3A_231 : i32
          %get3A_233 = arith.index_cast %add3A_232 : i32 to index
          %get3A_234 = arith.constant 16 : index
          %get3A_235 = tpu.vector_load %arg9[%get3A_233, %get3A_234] {strides = array<i32>} : memref<128x128xf32, #tpu.memory_space<vmem>>, vector<1x16xf32>,
          %get3A_236 = vector.shape_cast %get3A_235 : vector<1x16xf32> to vector<16xf32>
          %get3A_237 = arith.index_cast %add3A_232 : i32 to index
          %get3A_238 = arith.constant 16 : index
          %get3A_239 = tpu.vector_load %arg10[%get3A_237, %get3A_238] {strides = array<i32>} : memref<128x128xf32, #tpu.memory_space<vmem>>, vector<1x16xf32>,
          %get3A_240 = vector.shape_cast %get3A_239 : vector<1x16xf32> to vector<16xf32>
          %add3A_241 = arith.addf %get3A_236, %get3A_240 : vector<16xf32>
          %swap3A_242 = arith.index_cast %add3A_232 : i32 to index
          %swap3A_243 = arith.constant 16 : index
          %swap3A_244 = tpu.vector_load %arg9[%swap3A_242, %swap3A_243] {strides = array<i32>} : memref<128x128xf32, #tpu.memory_space<vmem>>, vector<1x16xf32>,
          %swap3A_245 = vector.shape_cast %swap3A_244 : vector<1x16xf32> to vector<16xf32>
          %swap3A_246 = vector.shape_cast %add3A_241 : vector<16xf32> to vector<1x16xf32>
          tpu.vector_store %arg9[%swap3A_242, %swap3A_243], %swap3A_246 {strides = array<i32>} : memref<128x128xf32, #tpu.memory_space<vmem>>, vector<1x16xf32>,
          %add3A_247 = arith.constant 1 : i32
          %add3A_248 = arith.addi %mul3A_88, %add3A_247 : i32
          %get3A_249 = arith.index_cast %add3A_248 : i32 to index
          %get3A_250 = arith.constant 32 : index
          %get3A_251 = tpu.vector_load %arg9[%get3A_249, %get3A_250] {strides = array<i32>} : memref<128x128xf32, #tpu.memory_space<vmem>>, vector<1x16xf32>,
          %get3A_252 = vector.shape_cast %get3A_251 : vector<1x16xf32> to vector<16xf32>
          %get3A_253 = arith.index_cast %add3A_248 : i32 to index
          %get3A_254 = arith.constant 32 : index
          %get3A_255 = tpu.vector_load %arg10[%get3A_253, %get3A_254] {strides = array<i32>} : memref<128x128xf32, #tpu.memory_space<vmem>>, vector<1x16xf32>,
          %get3A_256 = vector.shape_cast %get3A_255 : vector<1x16xf32> to vector<16xf32>
          %add3A_257 = arith.addf %get3A_252, %get3A_256 : vector<16xf32>
          %swap3A_258 = arith.index_cast %add3A_248 : i32 to index
          %swap3A_259 = arith.constant 32 : index
          %swap3A_260 = tpu.vector_load %arg9[%swap3A_258, %swap3A_259] {strides = array<i32>} : memref<128x128xf32, #tpu.memory_space<vmem>>, vector<1x16xf32>,
          %swap3A_261 = vector.shape_cast %swap3A_260 : vector<1x16xf32> to vector<16xf32>
          %swap3A_262 = vector.shape_cast %add3A_257 : vector<16xf32> to vector<1x16xf32>
          tpu.vector_store %arg9[%swap3A_258, %swap3A_259], %swap3A_262 {strides = array<i32>} : memref<128x128xf32, #tpu.memory_space<vmem>>, vector<1x16xf32>,
          %add3A_263 = arith.constant 1 : i32
          %add3A_264 = arith.addi %mul3A_88, %add3A_263 : i32
          %get3A_265 = arith.index_cast %add3A_264 : i32 to index
          %get3A_266 = arith.constant 48 : index
          %get3A_267 = tpu.vector_load %arg9[%get3A_265, %get3A_266] {strides = array<i32>} : memref<128x128xf32, #tpu.memory_space<vmem>>, vector<1x16xf32>,
          %get3A_268 = vector.shape_cast %get3A_267 : vector<1x16xf32> to vector<16xf32>
          %get3A_269 = arith.index_cast %add3A_264 : i32 to index
          %get3A_270 = arith.constant 48 : index
          %get3A_271 = tpu.vector_load %arg10[%get3A_269, %get3A_270] {strides = array<i32>} : memref<128x128xf32, #tpu.memory_space<vmem>>, vector<1x16xf32>,
          %get3A_272 = vector.shape_cast %get3A_271 : vector<1x16xf32> to vector<16xf32>
          %add3A_273 = arith.addf %get3A_268, %get3A_272 : vector<16xf32>
          %swap3A_274 = arith.index_cast %add3A_264 : i32 to index
          %swap3A_275 = arith.constant 48 : index
          %swap3A_276 = tpu.vector_load %arg9[%swap3A_274, %swap3A_275] {strides = array<i32>} : memref<128x128xf32, #tpu.memory_space<vmem>>, vector<1x16xf32>,
          %swap3A_277 = vector.shape_cast %swap3A_276 : vector<1x16xf32> to vector<16xf32>
          %swap3A_278 = vector.shape_cast %add3A_273 : vector<16xf32> to vector<1x16xf32>
          tpu.vector_store %arg9[%swap3A_274, %swap3A_275], %swap3A_278 {strides = array<i32>} : memref<128x128xf32, #tpu.memory_space<vmem>>, vector<1x16xf32>,
          %add3A_279 = arith.constant 1 : i32
          %add3A_280 = arith.addi %mul3A_88, %add3A_279 : i32
          %get3A_281 = arith.index_cast %add3A_280 : i32 to index
          %get3A_282 = arith.constant 64 : index
          %get3A_283 = tpu.vector_load %arg9[%get3A_281, %get3A_282] {strides = array<i32>} : memref<128x128xf32, #tpu.memory_space<vmem>>, vector<1x16xf32>,
          %get3A_284 = vector.shape_cast %get3A_283 : vector<1x16xf32> to vector<16xf32>
          %get3A_285 = arith.index_cast %add3A_280 : i32 to index
          %get3A_286 = arith.constant 64 : index
          %get3A_287 = tpu.vector_load %arg10[%get3A_285, %get3A_286] {strides = array<i32>} : memref<128x128xf32, #tpu.memory_space<vmem>>, vector<1x16xf32>,
          %get3A_288 = vector.shape_cast %get3A_287 : vector<1x16xf32> to vector<16xf32>
          %add3A_289 = arith.addf %get3A_284, %get3A_288 : vector<16xf32>
          %swap3A_290 = arith.index_cast %add3A_280 : i32 to index
          %swap3A_291 = arith.constant 64 : index
          %swap3A_292 = tpu.vector_load %arg9[%swap3A_290, %swap3A_291] {strides = array<i32>} : memref<128x128xf32, #tpu.memory_space<vmem>>, vector<1x16xf32>,
          %swap3A_293 = vector.shape_cast %swap3A_292 : vector<1x16xf32> to vector<16xf32>
          %swap3A_294 = vector.shape_cast %add3A_289 : vector<16xf32> to vector<1x16xf32>
          tpu.vector_store %arg9[%swap3A_290, %swap3A_291], %swap3A_294 {strides = array<i32>} : memref<128x128xf32, #tpu.memory_space<vmem>>, vector<1x16xf32>,
          %add3A_295 = arith.constant 1 : i32
          %add3A_296 = arith.addi %mul3A_88, %add3A_295 : i32
          %get3A_297 = arith.index_cast %add3A_296 : i32 to index
          %get3A_298 = arith.constant 80 : index
          %get3A_299 = tpu.vector_load %arg9[%get3A_297, %get3A_298] {strides = array<i32>} : memref<128x128xf32, #tpu.memory_space<vmem>>, vector<1x16xf32>,
          %get3A_300 = vector.shape_cast %get3A_299 : vector<1x16xf32> to vector<16xf32>
          %get3A_301 = arith.index_cast %add3A_296 : i32 to index
          %get3A_302 = arith.constant 80 : index
          %get3A_303 = tpu.vector_load %arg10[%get3A_301, %get3A_302] {strides = array<i32>} : memref<128x128xf32, #tpu.memory_space<vmem>>, vector<1x16xf32>,
          %get3A_304 = vector.shape_cast %get3A_303 : vector<1x16xf32> to vector<16xf32>
          %add3A_305 = arith.addf %get3A_300, %get3A_304 : vector<16xf32>
          %swap3A_306 = arith.index_cast %add3A_296 : i32 to index
          %swap3A_307 = arith.constant 80 : index
          %swap3A_308 = tpu.vector_load %arg9[%swap3A_306, %swap3A_307] {strides = array<i32>} : memref<128x128xf32, #tpu.memory_space<vmem>>, vector<1x16xf32>,
          %swap3A_309 = vector.shape_cast %swap3A_308 : vector<1x16xf32> to vector<16xf32>
          %swap3A_310 = vector.shape_cast %add3A_305 : vector<16xf32> to vector<1x16xf32>
          tpu.vector_store %arg9[%swap3A_306, %swap3A_307], %swap3A_310 {strides = array<i32>} : memref<128x128xf32, #tpu.memory_space<vmem>>, vector<1x16xf32>,
          %add3A_311 = arith.constant 1 : i32
          %add3A_312 = arith.addi %mul3A_88, %add3A_311 : i32
          %get3A_313 = arith.index_cast %add3A_312 : i32 to index
          %get3A_314 = arith.constant 96 : index
          %get3A_315 = tpu.vector_load %arg9[%get3A_313, %get3A_314] {strides = array<i32>} : memref<128x128xf32, #tpu.memory_space<vmem>>, vector<1x16xf32>,
          %get3A_316 = vector.shape_cast %get3A_315 : vector<1x16xf32> to vector<16xf32>
          %get3A_317 = arith.index_cast %add3A_312 : i32 to index
          %get3A_318 = arith.constant 96 : index
          %get3A_319 = tpu.vector_load %arg10[%get3A_317, %get3A_318] {strides = array<i32>} : memref<128x128xf32, #tpu.memory_space<vmem>>, vector<1x16xf32>,
          %get3A_320 = vector.shape_cast %get3A_319 : vector<1x16xf32> to vector<16xf32>
          %add3A_321 = arith.addf %get3A_316, %get3A_320 : vector<16xf32>
          %swap3A_322 = arith.index_cast %add3A_312 : i32 to index
          %swap3A_323 = arith.constant 96 : index
          %swap3A_324 = tpu.vector_load %arg9[%swap3A_322, %swap3A_323] {strides = array<i32>} : memref<128x128xf32, #tpu.memory_space<vmem>>, vector<1x16xf32>,
          %swap3A_325 = vector.shape_cast %swap3A_324 : vector<1x16xf32> to vector<16xf32>
          %swap3A_326 = vector.shape_cast %add3A_321 : vector<16xf32> to vector<1x16xf32>
          tpu.vector_store %arg9[%swap3A_322, %swap3A_323], %swap3A_326 {strides = array<i32>} : memref<128x128xf32, #tpu.memory_space<vmem>>, vector<1x16xf32>,
          %add3A_327 = arith.constant 1 : i32
          %add3A_328 = arith.addi %mul3A_88, %add3A_327 : i32
          %get3A_329 = arith.index_cast %add3A_328 : i32 to index
          %get3A_330 = arith.constant 112 : index
          %get3A_331 = tpu.vector_load %arg9[%get3A_329, %get3A_330] {strides = array<i32>} : memref<128x128xf32, #tpu.memory_space<vmem>>, vector<1x16xf32>,
          %get3A_332 = vector.shape_cast %get3A_331 : vector<1x16xf32> to vector<16xf32>
          %get3A_333 = arith.index_cast %add3A_328 : i32 to index
          %get3A_334 = arith.constant 112 : index
          %get3A_335 = tpu.vector_load %arg10[%get3A_333, %get3A_334] {strides = array<i32>} : memref<128x128xf32, #tpu.memory_space<vmem>>, vector<1x16xf32>,
          %get3A_336 = vector.shape_cast %get3A_335 : vector<1x16xf32> to vector<16xf32>
          %add3A_337 = arith.addf %get3A_332, %get3A_336 : vector<16xf32>
          %swap3A_338 = arith.index_cast %add3A_328 : i32 to index
          %swap3A_339 = arith.constant 112 : index
          %swap3A_340 = tpu.vector_load %arg9[%swap3A_338, %swap3A_339] {strides = array<i32>} : memref<128x128xf32, #tpu.memory_space<vmem>>, vector<1x16xf32>,
          %swap3A_341 = vector.shape_cast %swap3A_340 : vector<1x16xf32> to vector<16xf32>
          %swap3A_342 = vector.shape_cast %add3A_337 : vector<16xf32> to vector<1x16xf32>
          tpu.vector_store %arg9[%swap3A_338, %swap3A_339], %swap3A_342 {strides = array<i32>} : memref<128x128xf32, #tpu.memory_space<vmem>>, vector<1x16xf32>,
        }
        %scan3A_79 = arith.constant 64 : i32
        %add3A_80 = arith.addi %add3A_4, %add3A_43 : i32
        %mul3A_81 = arith.constant 128 : i32
        %mul3A_82 = arith.muli %add3A_80, %mul3A_81 : i32
        %dma_start3A = arith.constant 0 : i32
        %dma_start3A_83 = tpu.memref_slice %arg5[%mul3A_82, %dma_start3A] : memref<112000x128xf32, #tpu.memory_space<hbm>> -> memref<128x128xf32, #tpu.memory_space<hbm>>
        %dma_start3A_84 = arith.constant 0 : i32
        %dma_start3A_85 = tpu.memref_slice %arg5[%mul3A_82, %dma_start3A_84] : memref<112000x128xf32, #tpu.memory_space<hbm>> -> memref<128x128xf32, #tpu.memory_space<hbm>>
        tpu.enqueue_dma source(%arg9 : memref<128x128xf32, #tpu.memory_space<vmem>>) target(%dma_start3A_85 : memref<128x128xf32, #tpu.memory_space<hbm>>) target_semaphore(%arg16 : memref<!tpu.dma_semaphore, #tpu.memory_space<semaphore_mem>>)
      } else {
      }
      %add3A_48 = arith.constant 2 : i32
      %add3A_49 = arith.addi %mul3A_37, %add3A_48 : i32
      %lt3A_50 = arith.cmpi slt, %add3A_49, %select_n3A : i32
      %convert_element_type3A_51 = arith.extui %lt3A_50 : i1 to i32
      %cond3A_52 = arith.constant 0 : i32
      %cond3A_53 = arith.cmpi ne, %convert_element_type3A_51, %cond3A_52 : i32
      scf.if %cond3A_53 {
        %add3A_60 = arith.addi %add3A_4, %add3A_49 : i32
        %sub3A = arith.constant 2 : i32
        %sub3A_61 = arith.subi %add3A_60, %sub3A : i32
        %mul3A_62 = arith.constant 128 : i32
        %mul3A_63 = arith.muli %sub3A_61, %mul3A_62 : i32
        %dma_wait3A_64 = arith.constant 0 : i32
        %dma_wait3A_65 = tpu.memref_slice %arg5[%mul3A_63, %dma_wait3A_64] : memref<112000x128xf32, #tpu.memory_space<hbm>> -> memref<128x128xf32, #tpu.memory_space<hbm>>
        %dma_wait3A_66 = arith.constant 0 : i32
        %dma_wait3A_67 = tpu.memref_slice %arg5[%mul3A_63, %dma_wait3A_66] : memref<112000x128xf32, #tpu.memory_space<hbm>> -> memref<128x128xf32, #tpu.memory_space<hbm>>
        tpu.wait_dma2 semaphore(%arg15 : memref<!tpu.dma_semaphore, #tpu.memory_space<semaphore_mem>>) src(%arg7 : memref<128x128xf32, #tpu.memory_space<vmem>>) dst(%dma_wait3A_67 : memref<128x128xf32, #tpu.memory_space<hbm>>)
        %dma_start3A = arith.constant 0 : i32
        %dma_start3A_68 = arith.constant 0 : i32
        %dma_start3A_69 = tpu.memref_slice %arg6[%add3A_49, %dma_start3A, %dma_start3A_68] : memref<28x2x128xi32, #tpu.memory_space<vmem>> -> memref<1x1x128xi32, #tpu.memory_space<vmem>>
        %dma_start3A_70 = tpu.memref_squeeze %dma_start3A_69 : memref<1x1x128xi32, #tpu.memory_space<vmem>> -> memref<128xi32, #tpu.memory_space<vmem>>
        %dma_start3A_71 = arith.constant 0 : i32
        %dma_start3A_72 = arith.constant 0 : i32
        %dma_start3A_73 = tpu.memref_slice %arg2[%dma_start3A_71, %dma_start3A_72] : memref<10000x128xf32, #tpu.memory_space<hbm>> -> memref<10000x128xf32, #tpu.memory_space<hbm>>
        tpu.enqueue_indirect_dma source(%dma_start3A_73 : memref<10000x128xf32, #tpu.memory_space<hbm>>) target(%arg7 : memref<128x128xf32, #tpu.memory_space<vmem>>) offsets(%dma_start3A_70 : memref<128xi32, #tpu.memory_space<vmem>>) semaphore(%arg11 : memref<!tpu.dma_semaphore, #tpu.memory_space<semaphore_mem>>)
        %dma_start3A_74 = arith.constant 1 : i32
        %dma_start3A_75 = arith.constant 0 : i32
        %dma_start3A_76 = tpu.memref_slice %arg6[%add3A_49, %dma_start3A_74, %dma_start3A_75] : memref<28x2x128xi32, #tpu.memory_space<vmem>> -> memref<1x1x128xi32, #tpu.memory_space<vmem>>
        %dma_start3A_77 = tpu.memref_squeeze %dma_start3A_76 : memref<1x1x128xi32, #tpu.memory_space<vmem>> -> memref<128xi32, #tpu.memory_space<vmem>>
        %dma_start3A_78 = arith.constant 0 : i32
        %dma_start3A_79 = arith.constant 0 : i32
        %dma_start3A_80 = tpu.memref_slice %arg3[%dma_start3A_78, %dma_start3A_79] : memref<10000x128xf32, #tpu.memory_space<hbm>> -> memref<10000x128xf32, #tpu.memory_space<hbm>>
        tpu.enqueue_indirect_dma source(%dma_start3A_80 : memref<10000x128xf32, #tpu.memory_space<hbm>>) target(%arg8 : memref<128x128xf32, #tpu.memory_space<vmem>>) offsets(%dma_start3A_77 : memref<128xi32, #tpu.memory_space<vmem>>) semaphore(%arg12 : memref<!tpu.dma_semaphore, #tpu.memory_space<semaphore_mem>>)
      } else {
      }
      %add3A_54 = arith.constant 3 : i32
      %add3A_55 = arith.addi %mul3A_37, %add3A_54 : i32
      %lt3A_56 = arith.cmpi slt, %add3A_55, %select_n3A : i32
      %convert_element_type3A_57 = arith.extui %lt3A_56 : i1 to i32
      %cond3A_58 = arith.constant 0 : i32
      %cond3A_59 = arith.cmpi ne, %convert_element_type3A_57, %cond3A_58 : i32
      scf.if %cond3A_59 {
        %add3A_60 = arith.addi %add3A_4, %add3A_55 : i32
        %sub3A = arith.constant 2 : i32
        %sub3A_61 = arith.subi %add3A_60, %sub3A : i32
        %mul3A_62 = arith.constant 128 : i32
        %mul3A_63 = arith.muli %sub3A_61, %mul3A_62 : i32
        %dma_wait3A_64 = arith.constant 0 : i32
        %dma_wait3A_65 = tpu.memref_slice %arg5[%mul3A_63, %dma_wait3A_64] : memref<112000x128xf32, #tpu.memory_space<hbm>> -> memref<128x128xf32, #tpu.memory_space<hbm>>
        %dma_wait3A_66 = arith.constant 0 : i32
        %dma_wait3A_67 = tpu.memref_slice %arg5[%mul3A_63, %dma_wait3A_66] : memref<112000x128xf32, #tpu.memory_space<hbm>> -> memref<128x128xf32, #tpu.memory_space<hbm>>
        tpu.wait_dma2 semaphore(%arg16 : memref<!tpu.dma_semaphore, #tpu.memory_space<semaphore_mem>>) src(%arg9 : memref<128x128xf32, #tpu.memory_space<vmem>>) dst(%dma_wait3A_67 : memref<128x128xf32, #tpu.memory_space<hbm>>)
        %dma_start3A = arith.constant 0 : i32
        %dma_start3A_68 = arith.constant 0 : i32
        %dma_start3A_69 = tpu.memref_slice %arg6[%add3A_55, %dma_start3A, %dma_start3A_68] : memref<28x2x128xi32, #tpu.memory_space<vmem>> -> memref<1x1x128xi32, #tpu.memory_space<vmem>>
        %dma_start3A_70 = tpu.memref_squeeze %dma_start3A_69 : memref<1x1x128xi32, #tpu.memory_space<vmem>> -> memref<128xi32, #tpu.memory_space<vmem>>
        %dma_start3A_71 = arith.constant 0 : i32
        %dma_start3A_72 = arith.constant 0 : i32
        %dma_start3A_73 = tpu.memref_slice %arg2[%dma_start3A_71, %dma_start3A_72] : memref<10000x128xf32, #tpu.memory_space<hbm>> -> memref<10000x128xf32, #tpu.memory_space<hbm>>
        tpu.enqueue_indirect_dma source(%dma_start3A_73 : memref<10000x128xf32, #tpu.memory_space<hbm>>) target(%arg9 : memref<128x128xf32, #tpu.memory_space<vmem>>) offsets(%dma_start3A_70 : memref<128xi32, #tpu.memory_space<vmem>>) semaphore(%arg13 : memref<!tpu.dma_semaphore, #tpu.memory_space<semaphore_mem>>)
        %dma_start3A_74 = arith.constant 1 : i32
        %dma_start3A_75 = arith.constant 0 : i32
        %dma_start3A_76 = tpu.memref_slice %arg6[%add3A_55, %dma_start3A_74, %dma_start3A_75] : memref<28x2x128xi32, #tpu.memory_space<vmem>> -> memref<1x1x128xi32, #tpu.memory_space<vmem>>
        %dma_start3A_77 = tpu.memref_squeeze %dma_start3A_76 : memref<1x1x128xi32, #tpu.memory_space<vmem>> -> memref<128xi32, #tpu.memory_space<vmem>>
        %dma_start3A_78 = arith.constant 0 : i32
        %dma_start3A_79 = arith.constant 0 : i32
        %dma_start3A_80 = tpu.memref_slice %arg3[%dma_start3A_78, %dma_start3A_79] : memref<10000x128xf32, #tpu.memory_space<hbm>> -> memref<10000x128xf32, #tpu.memory_space<hbm>>
        tpu.enqueue_indirect_dma source(%dma_start3A_80 : memref<10000x128xf32, #tpu.memory_space<hbm>>) target(%arg10 : memref<128x128xf32, #tpu.memory_space<vmem>>) offsets(%dma_start3A_77 : memref<128xi32, #tpu.memory_space<vmem>>) semaphore(%arg14 : memref<!tpu.dma_semaphore, #tpu.memory_space<semaphore_mem>>)
      } else {
      }
    }
    %scan3A_23 = arith.constant 14 : i32
    %dma_wait3A = arith.constant 0 : i32
    %dma_wait3A_24 = arith.constant 0 : i32
    %dma_wait3A_25 = tpu.memref_slice %arg5[%dma_wait3A, %dma_wait3A_24] : memref<112000x128xf32, #tpu.memory_space<hbm>> -> memref<128x128xf32, #tpu.memory_space<hbm>>
    %dma_wait3A_26 = arith.constant 0 : i32
    %dma_wait3A_27 = arith.constant 0 : i32
    %dma_wait3A_28 = tpu.memref_slice %arg5[%dma_wait3A_26, %dma_wait3A_27] : memref<112000x128xf32, #tpu.memory_space<hbm>> -> memref<128x128xf32, #tpu.memory_space<hbm>>
    tpu.wait_dma2 semaphore(%arg15 : memref<!tpu.dma_semaphore, #tpu.memory_space<semaphore_mem>>) src(%arg7 : memref<128x128xf32, #tpu.memory_space<vmem>>) dst(%dma_wait3A_28 : memref<128x128xf32, #tpu.memory_space<hbm>>)
    %dma_wait3A_29 = arith.constant 0 : i32
    %dma_wait3A_30 = arith.constant 0 : i32
    %dma_wait3A_31 = tpu.memref_slice %arg5[%dma_wait3A_29, %dma_wait3A_30] : memref<112000x128xf32, #tpu.memory_space<hbm>> -> memref<128x128xf32, #tpu.memory_space<hbm>>
    %dma_wait3A_32 = arith.constant 0 : i32
    %dma_wait3A_33 = arith.constant 0 : i32
    %dma_wait3A_34 = tpu.memref_slice %arg5[%dma_wait3A_32, %dma_wait3A_33] : memref<112000x128xf32, #tpu.memory_space<hbm>> -> memref<128x128xf32, #tpu.memory_space<hbm>>
    tpu.wait_dma2 semaphore(%arg16 : memref<!tpu.dma_semaphore, #tpu.memory_space<semaphore_mem>>) src(%arg9 : memref<128x128xf32, #tpu.memory_space<vmem>>) dst(%dma_wait3A_34 : memref<128x128xf32, #tpu.memory_space<hbm>>)
    return
  }
}

#map = affine_map<(d0, d1) -> (0, 0)>
#map1 = affine_map<(d0, d1) -> (0, 0, 0)>
module attributes {stable_mosaic.version = 14 : i64} {
  func.func @sc_gather_add(%arg0: i32, %arg1: i32, %arg2: memref<10000x128xf32, #tpu.memory_space<hbm>>, %arg3: memref<10000x128xf32, #tpu.memory_space<hbm>>, %arg4: memref<500x2x128xi32, #tpu.memory_space<hbm>>, %arg5: memref<64000x128xf32, #tpu.memory_space<hbm>>, %arg6: memref<16x2x128xi32, #tpu.memory_space<vmem>>, %arg7: memref<128x128xf32, #tpu.memory_space<vmem>>, %arg8: memref<128x128xf32, #tpu.memory_space<vmem>>, %arg9: memref<128x128xf32, #tpu.memory_space<vmem>>, %arg10: memref<128x128xf32, #tpu.memory_space<vmem>>, %arg11: memref<!tpu.dma_semaphore, #tpu.memory_space<semaphore_mem>>, %arg12: memref<!tpu.dma_semaphore, #tpu.memory_space<semaphore_mem>>, %arg13: memref<!tpu.dma_semaphore, #tpu.memory_space<semaphore_mem>>, %arg14: memref<!tpu.dma_semaphore, #tpu.memory_space<semaphore_mem>>, %arg15: memref<!tpu.dma_semaphore, #tpu.memory_space<semaphore_mem>>, %arg16: memref<!tpu.dma_semaphore, #tpu.memory_space<semaphore_mem>>) attributes {dimension_semantics = [#tpu.dimension_semantics<core_parallel>, #tpu.dimension_semantics<subcore_parallel>], iteration_bounds = array<i64: 2, 16>, scalar_prefetch = 0 : i64, scratch_operands = 11 : i64, tpu.core_type = #tpu.core_type<sc_vector_subcore>, window_params = [{transform_indices = #map}, {transform_indices = #map}, {transform_indices = #map1}, {transform_indices = #map}]} {
    %mul3A = arith.constant 2 : i32
    %mul3A_0 = arith.muli %arg1, %mul3A : i32
    %add3A = arith.addi %mul3A_0, %arg0 : i32
    %mul3A_1 = arith.constant 15 : i32
    %mul3A_2 = arith.muli %add3A, %mul3A_1 : i32
    %min3A = arith.constant 20 : i32
    %min3A_3 = arith.minsi %add3A, %min3A : i32
    %add3A_4 = arith.addi %mul3A_2, %min3A_3 : i32
    %lt3A = arith.constant 20 : i32
    %lt3A_5 = arith.cmpi slt, %add3A, %lt3A : i32
    %jit3A = arith.constant 16 : i32
    %jit3A_6 = arith.constant 15 : i32
    %select_n3A = arith.select %lt3A_5, %jit3A, %jit3A_6 : i32
    "tpu.region"() ({
      %run_scoped3A = tpu.sem_alloc : memref<!tpu.dma_semaphore, #tpu.memory_space<semaphore_mem>>
      %dma_start3A = arith.constant 0 : i32
      %dma_start3A_35 = arith.constant 0 : i32
      %dma_start3A_36 = arith.constant 0 : i32
      %dma_start3A_37 = tpu.memref_slice %arg6[%dma_start3A, %dma_start3A_35, %dma_start3A_36] : memref<16x2x128xi32, #tpu.memory_space<vmem>> -> memref<15x2x128xi32, #tpu.memory_space<vmem>>
      %dma_start3A_38 = arith.constant 0 : i32
      %dma_start3A_39 = arith.constant 0 : i32
      %dma_start3A_40 = tpu.memref_slice %arg4[%add3A_4, %dma_start3A_38, %dma_start3A_39] : memref<500x2x128xi32, #tpu.memory_space<hbm>> -> memref<15x2x128xi32, #tpu.memory_space<hbm>>
      %dma_start3A_41 = arith.constant 0 : i32
      %dma_start3A_42 = arith.constant 0 : i32
      %dma_start3A_43 = arith.constant 0 : i32
      %dma_start3A_44 = tpu.memref_slice %arg6[%dma_start3A_41, %dma_start3A_42, %dma_start3A_43] : memref<16x2x128xi32, #tpu.memory_space<vmem>> -> memref<15x2x128xi32, #tpu.memory_space<vmem>>
      %dma_start3A_45 = arith.constant 0 : i32
      %dma_start3A_46 = arith.constant 0 : i32
      %dma_start3A_47 = tpu.memref_slice %arg4[%add3A_4, %dma_start3A_45, %dma_start3A_46] : memref<500x2x128xi32, #tpu.memory_space<hbm>> -> memref<15x2x128xi32, #tpu.memory_space<hbm>>
      tpu.enqueue_dma source(%dma_start3A_47 : memref<15x2x128xi32, #tpu.memory_space<hbm>>) target(%dma_start3A_44 : memref<15x2x128xi32, #tpu.memory_space<vmem>>) target_semaphore(%run_scoped3A : memref<!tpu.dma_semaphore, #tpu.memory_space<semaphore_mem>>)
      %dma_wait3A_48 = arith.constant 0 : i32
      %dma_wait3A_49 = arith.constant 0 : i32
      %dma_wait3A_50 = arith.constant 0 : i32
      %dma_wait3A_51 = tpu.memref_slice %arg6[%dma_wait3A_48, %dma_wait3A_49, %dma_wait3A_50] : memref<16x2x128xi32, #tpu.memory_space<vmem>> -> memref<15x2x128xi32, #tpu.memory_space<vmem>>
      %dma_wait3A_52 = arith.constant 0 : i32
      %dma_wait3A_53 = arith.constant 0 : i32
      %dma_wait3A_54 = tpu.memref_slice %arg4[%add3A_4, %dma_wait3A_52, %dma_wait3A_53] : memref<500x2x128xi32, #tpu.memory_space<hbm>> -> memref<15x2x128xi32, #tpu.memory_space<hbm>>
      %dma_wait3A_55 = arith.constant 0 : i32
      %dma_wait3A_56 = arith.constant 0 : i32
      %dma_wait3A_57 = arith.constant 0 : i32
      %dma_wait3A_58 = tpu.memref_slice %arg6[%dma_wait3A_55, %dma_wait3A_56, %dma_wait3A_57] : memref<16x2x128xi32, #tpu.memory_space<vmem>> -> memref<15x2x128xi32, #tpu.memory_space<vmem>>
      %dma_wait3A_59 = arith.constant 0 : i32
      %dma_wait3A_60 = arith.constant 0 : i32
      %dma_wait3A_61 = tpu.memref_slice %arg4[%add3A_4, %dma_wait3A_59, %dma_wait3A_60] : memref<500x2x128xi32, #tpu.memory_space<hbm>> -> memref<15x2x128xi32, #tpu.memory_space<hbm>>
      tpu.wait_dma2 semaphore(%run_scoped3A : memref<!tpu.dma_semaphore, #tpu.memory_space<semaphore_mem>>) src(%dma_wait3A_61 : memref<15x2x128xi32, #tpu.memory_space<hbm>>) dst(%dma_wait3A_58 : memref<15x2x128xi32, #tpu.memory_space<vmem>>)
      tpu.yield
    }) : () -> ()
    %lt3A_7 = arith.constant 20 : i32
    %lt3A_8 = arith.cmpi slt, %add3A, %lt3A_7 : i32
    %convert_element_type3A = arith.extui %lt3A_8 : i1 to i32
    %cond3A = arith.constant 0 : i32
    %cond3A_9 = arith.cmpi ne, %convert_element_type3A, %cond3A : i32
    scf.if %cond3A_9 {
      %add3A_35 = arith.constant 15 : i32
      %add3A_36 = arith.addi %add3A_4, %add3A_35 : i32
      "tpu.region"() ({
        %run_scoped3A = tpu.sem_alloc : memref<!tpu.dma_semaphore, #tpu.memory_space<semaphore_mem>>
        %dma_start3A = arith.constant 15 : i32
        %dma_start3A_37 = arith.constant 0 : i32
        %dma_start3A_38 = arith.constant 0 : i32
        %dma_start3A_39 = tpu.memref_slice %arg6[%dma_start3A, %dma_start3A_37, %dma_start3A_38] : memref<16x2x128xi32, #tpu.memory_space<vmem>> -> memref<1x2x128xi32, #tpu.memory_space<vmem>>
        %dma_start3A_40 = arith.constant 0 : i32
        %dma_start3A_41 = arith.constant 0 : i32
        %dma_start3A_42 = tpu.memref_slice %arg4[%add3A_36, %dma_start3A_40, %dma_start3A_41] : memref<500x2x128xi32, #tpu.memory_space<hbm>> -> memref<1x2x128xi32, #tpu.memory_space<hbm>>
        %dma_start3A_43 = arith.constant 15 : i32
        %dma_start3A_44 = arith.constant 0 : i32
        %dma_start3A_45 = arith.constant 0 : i32
        %dma_start3A_46 = tpu.memref_slice %arg6[%dma_start3A_43, %dma_start3A_44, %dma_start3A_45] : memref<16x2x128xi32, #tpu.memory_space<vmem>> -> memref<1x2x128xi32, #tpu.memory_space<vmem>>
        %dma_start3A_47 = arith.constant 0 : i32
        %dma_start3A_48 = arith.constant 0 : i32
        %dma_start3A_49 = tpu.memref_slice %arg4[%add3A_36, %dma_start3A_47, %dma_start3A_48] : memref<500x2x128xi32, #tpu.memory_space<hbm>> -> memref<1x2x128xi32, #tpu.memory_space<hbm>>
        tpu.enqueue_dma source(%dma_start3A_49 : memref<1x2x128xi32, #tpu.memory_space<hbm>>) target(%dma_start3A_46 : memref<1x2x128xi32, #tpu.memory_space<vmem>>) target_semaphore(%run_scoped3A : memref<!tpu.dma_semaphore, #tpu.memory_space<semaphore_mem>>)
        %dma_wait3A_50 = arith.constant 15 : i32
        %dma_wait3A_51 = arith.constant 0 : i32
        %dma_wait3A_52 = arith.constant 0 : i32
        %dma_wait3A_53 = tpu.memref_slice %arg6[%dma_wait3A_50, %dma_wait3A_51, %dma_wait3A_52] : memref<16x2x128xi32, #tpu.memory_space<vmem>> -> memref<1x2x128xi32, #tpu.memory_space<vmem>>
        %dma_wait3A_54 = arith.constant 0 : i32
        %dma_wait3A_55 = arith.constant 0 : i32
        %dma_wait3A_56 = tpu.memref_slice %arg4[%add3A_36, %dma_wait3A_54, %dma_wait3A_55] : memref<500x2x128xi32, #tpu.memory_space<hbm>> -> memref<1x2x128xi32, #tpu.memory_space<hbm>>
        %dma_wait3A_57 = arith.constant 15 : i32
        %dma_wait3A_58 = arith.constant 0 : i32
        %dma_wait3A_59 = arith.constant 0 : i32
        %dma_wait3A_60 = tpu.memref_slice %arg6[%dma_wait3A_57, %dma_wait3A_58, %dma_wait3A_59] : memref<16x2x128xi32, #tpu.memory_space<vmem>> -> memref<1x2x128xi32, #tpu.memory_space<vmem>>
        %dma_wait3A_61 = arith.constant 0 : i32
        %dma_wait3A_62 = arith.constant 0 : i32
        %dma_wait3A_63 = tpu.memref_slice %arg4[%add3A_36, %dma_wait3A_61, %dma_wait3A_62] : memref<500x2x128xi32, #tpu.memory_space<hbm>> -> memref<1x2x128xi32, #tpu.memory_space<hbm>>
        tpu.wait_dma2 semaphore(%run_scoped3A : memref<!tpu.dma_semaphore, #tpu.memory_space<semaphore_mem>>) src(%dma_wait3A_63 : memref<1x2x128xi32, #tpu.memory_space<hbm>>) dst(%dma_wait3A_60 : memref<1x2x128xi32, #tpu.memory_space<vmem>>)
        tpu.yield
      }) : () -> ()
    } else {
    }
    %gt3A = arith.constant 0 : i32
    %gt3A_10 = arith.cmpi sgt, %select_n3A, %gt3A : i32
    %convert_element_type3A_11 = arith.extui %gt3A_10 : i1 to i32
    %cond3A_12 = arith.constant 0 : i32
    %cond3A_13 = arith.cmpi ne, %convert_element_type3A_11, %cond3A_12 : i32
    scf.if %cond3A_13 {
      %dma_start3A = arith.constant 0 : i32
      %dma_start3A_35 = arith.constant 0 : i32
      %dma_start3A_36 = arith.constant 0 : i32
      %dma_start3A_37 = tpu.memref_slice %arg6[%dma_start3A, %dma_start3A_35, %dma_start3A_36] : memref<16x2x128xi32, #tpu.memory_space<vmem>> -> memref<1x1x128xi32, #tpu.memory_space<vmem>>
      %dma_start3A_38 = tpu.memref_squeeze %dma_start3A_37 : memref<1x1x128xi32, #tpu.memory_space<vmem>> -> memref<128xi32, #tpu.memory_space<vmem>>
      %dma_start3A_39 = arith.constant 0 : i32
      %dma_start3A_40 = arith.constant 0 : i32
      %dma_start3A_41 = tpu.memref_slice %arg2[%dma_start3A_39, %dma_start3A_40] : memref<10000x128xf32, #tpu.memory_space<hbm>> -> memref<10000x128xf32, #tpu.memory_space<hbm>>
      tpu.enqueue_indirect_dma source(%dma_start3A_41 : memref<10000x128xf32, #tpu.memory_space<hbm>>) target(%arg7 : memref<128x128xf32, #tpu.memory_space<vmem>>) offsets(%dma_start3A_38 : memref<128xi32, #tpu.memory_space<vmem>>) semaphore(%arg11 : memref<!tpu.dma_semaphore, #tpu.memory_space<semaphore_mem>>)
      %dma_start3A_42 = arith.constant 0 : i32
      %dma_start3A_43 = arith.constant 1 : i32
      %dma_start3A_44 = arith.constant 0 : i32
      %dma_start3A_45 = tpu.memref_slice %arg6[%dma_start3A_42, %dma_start3A_43, %dma_start3A_44] : memref<16x2x128xi32, #tpu.memory_space<vmem>> -> memref<1x1x128xi32, #tpu.memory_space<vmem>>
      %dma_start3A_46 = tpu.memref_squeeze %dma_start3A_45 : memref<1x1x128xi32, #tpu.memory_space<vmem>> -> memref<128xi32, #tpu.memory_space<vmem>>
      %dma_start3A_47 = arith.constant 0 : i32
      %dma_start3A_48 = arith.constant 0 : i32
      %dma_start3A_49 = tpu.memref_slice %arg3[%dma_start3A_47, %dma_start3A_48] : memref<10000x128xf32, #tpu.memory_space<hbm>> -> memref<10000x128xf32, #tpu.memory_space<hbm>>
      tpu.enqueue_indirect_dma source(%dma_start3A_49 : memref<10000x128xf32, #tpu.memory_space<hbm>>) target(%arg8 : memref<128x128xf32, #tpu.memory_space<vmem>>) offsets(%dma_start3A_46 : memref<128xi32, #tpu.memory_space<vmem>>) semaphore(%arg12 : memref<!tpu.dma_semaphore, #tpu.memory_space<semaphore_mem>>)
    } else {
    }
    %gt3A_14 = arith.constant 1 : i32
    %gt3A_15 = arith.cmpi sgt, %select_n3A, %gt3A_14 : i32
    %convert_element_type3A_16 = arith.extui %gt3A_15 : i1 to i32
    %cond3A_17 = arith.constant 0 : i32
    %cond3A_18 = arith.cmpi ne, %convert_element_type3A_16, %cond3A_17 : i32
    scf.if %cond3A_18 {
      %dma_start3A = arith.constant 1 : i32
      %dma_start3A_35 = arith.constant 0 : i32
      %dma_start3A_36 = arith.constant 0 : i32
      %dma_start3A_37 = tpu.memref_slice %arg6[%dma_start3A, %dma_start3A_35, %dma_start3A_36] : memref<16x2x128xi32, #tpu.memory_space<vmem>> -> memref<1x1x128xi32, #tpu.memory_space<vmem>>
      %dma_start3A_38 = tpu.memref_squeeze %dma_start3A_37 : memref<1x1x128xi32, #tpu.memory_space<vmem>> -> memref<128xi32, #tpu.memory_space<vmem>>
      %dma_start3A_39 = arith.constant 0 : i32
      %dma_start3A_40 = arith.constant 0 : i32
      %dma_start3A_41 = tpu.memref_slice %arg2[%dma_start3A_39, %dma_start3A_40] : memref<10000x128xf32, #tpu.memory_space<hbm>> -> memref<10000x128xf32, #tpu.memory_space<hbm>>
      tpu.enqueue_indirect_dma source(%dma_start3A_41 : memref<10000x128xf32, #tpu.memory_space<hbm>>) target(%arg9 : memref<128x128xf32, #tpu.memory_space<vmem>>) offsets(%dma_start3A_38 : memref<128xi32, #tpu.memory_space<vmem>>) semaphore(%arg13 : memref<!tpu.dma_semaphore, #tpu.memory_space<semaphore_mem>>)
      %dma_start3A_42 = arith.constant 1 : i32
      %dma_start3A_43 = arith.constant 1 : i32
      %dma_start3A_44 = arith.constant 0 : i32
      %dma_start3A_45 = tpu.memref_slice %arg6[%dma_start3A_42, %dma_start3A_43, %dma_start3A_44] : memref<16x2x128xi32, #tpu.memory_space<vmem>> -> memref<1x1x128xi32, #tpu.memory_space<vmem>>
      %dma_start3A_46 = tpu.memref_squeeze %dma_start3A_45 : memref<1x1x128xi32, #tpu.memory_space<vmem>> -> memref<128xi32, #tpu.memory_space<vmem>>
      %dma_start3A_47 = arith.constant 0 : i32
      %dma_start3A_48 = arith.constant 0 : i32
      %dma_start3A_49 = tpu.memref_slice %arg3[%dma_start3A_47, %dma_start3A_48] : memref<10000x128xf32, #tpu.memory_space<hbm>> -> memref<10000x128xf32, #tpu.memory_space<hbm>>
      tpu.enqueue_indirect_dma source(%dma_start3A_49 : memref<10000x128xf32, #tpu.memory_space<hbm>>) target(%arg10 : memref<128x128xf32, #tpu.memory_space<vmem>>) offsets(%dma_start3A_46 : memref<128xi32, #tpu.memory_space<vmem>>) semaphore(%arg14 : memref<!tpu.dma_semaphore, #tpu.memory_space<semaphore_mem>>)
    } else {
    }
    %scan3A = arith.constant 0 : i32
    %scan3A_19 = arith.constant 0 : i32
    %scan3A_20 = arith.constant 8 : i32
    %scan3A_21 = arith.addi %scan3A_19, %scan3A_20 : i32
    %scan3A_22 = arith.constant 1 : i32
    scf.for %scan3A_35 = %scan3A_19 to %scan3A_21 step %scan3A_22  : i32 {
      %mul3A_36 = arith.constant 2 : i32
      %mul3A_37 = arith.muli %scan3A_35, %mul3A_36 : i32
      %lt3A_38 = arith.cmpi slt, %mul3A_37, %select_n3A : i32
      %convert_element_type3A_39 = arith.extui %lt3A_38 : i1 to i32
      %cond3A_40 = arith.constant 0 : i32
      %cond3A_41 = arith.cmpi ne, %convert_element_type3A_39, %cond3A_40 : i32
      scf.if %cond3A_41 {
        %dma_wait3A_60 = arith.constant 0 : i32
        %dma_wait3A_61 = arith.constant 0 : i32
        %dma_wait3A_62 = tpu.memref_slice %arg6[%mul3A_37, %dma_wait3A_60, %dma_wait3A_61] : memref<16x2x128xi32, #tpu.memory_space<vmem>> -> memref<1x1x128xi32, #tpu.memory_space<vmem>>
        %dma_wait3A_63 = tpu.memref_squeeze %dma_wait3A_62 : memref<1x1x128xi32, #tpu.memory_space<vmem>> -> memref<128xi32, #tpu.memory_space<vmem>>
        %dma_wait3A_64 = arith.constant 0 : i32
        %dma_wait3A_65 = arith.constant 0 : i32
        %dma_wait3A_66 = tpu.memref_slice %arg2[%dma_wait3A_64, %dma_wait3A_65] : memref<10000x128xf32, #tpu.memory_space<hbm>> -> memref<10000x128xf32, #tpu.memory_space<hbm>>
        tpu.wait_indirect_dma semaphore(%arg11 : memref<!tpu.dma_semaphore, #tpu.memory_space<semaphore_mem>>) src(%dma_wait3A_66 : memref<10000x128xf32, #tpu.memory_space<hbm>>) dst(%arg7 : memref<128x128xf32, #tpu.memory_space<vmem>>)
        %dma_wait3A_67 = arith.constant 1 : i32
        %dma_wait3A_68 = arith.constant 0 : i32
        %dma_wait3A_69 = tpu.memref_slice %arg6[%mul3A_37, %dma_wait3A_67, %dma_wait3A_68] : memref<16x2x128xi32, #tpu.memory_space<vmem>> -> memref<1x1x128xi32, #tpu.memory_space<vmem>>
        %dma_wait3A_70 = tpu.memref_squeeze %dma_wait3A_69 : memref<1x1x128xi32, #tpu.memory_space<vmem>> -> memref<128xi32, #tpu.memory_space<vmem>>
        %dma_wait3A_71 = arith.constant 0 : i32
        %dma_wait3A_72 = arith.constant 0 : i32
        %dma_wait3A_73 = tpu.memref_slice %arg3[%dma_wait3A_71, %dma_wait3A_72] : memref<10000x128xf32, #tpu.memory_space<hbm>> -> memref<10000x128xf32, #tpu.memory_space<hbm>>
        tpu.wait_indirect_dma semaphore(%arg12 : memref<!tpu.dma_semaphore, #tpu.memory_space<semaphore_mem>>) src(%dma_wait3A_73 : memref<10000x128xf32, #tpu.memory_space<hbm>>) dst(%arg8 : memref<128x128xf32, #tpu.memory_space<vmem>>)
        %scan3A_74 = arith.constant 0 : i32
        %scan3A_75 = arith.constant 0 : i32
        %scan3A_76 = arith.constant 64 : i32
        %scan3A_77 = arith.addi %scan3A_75, %scan3A_76 : i32
        %scan3A_78 = arith.constant 1 : i32
        scf.for %scan3A_86 = %scan3A_75 to %scan3A_77 step %scan3A_78  : i32 {
          %mul3A_87 = arith.constant 2 : i32
          %mul3A_88 = arith.muli %scan3A_86, %mul3A_87 : i32
          %add3A_89 = arith.constant 0 : i32
          %add3A_90 = arith.addi %mul3A_88, %add3A_89 : i32
          %get3A = arith.index_cast %add3A_90 : i32 to index
          %get3A_91 = arith.constant 0 : index
          %get3A_92 = tpu.vector_load %arg7[%get3A, %get3A_91] {strides = array<i32>} : memref<128x128xf32, #tpu.memory_space<vmem>>, vector<1x16xf32>,
          %get3A_93 = vector.shape_cast %get3A_92 : vector<1x16xf32> to vector<16xf32>
          %get3A_94 = arith.index_cast %add3A_90 : i32 to index
          %get3A_95 = arith.constant 0 : index
          %get3A_96 = tpu.vector_load %arg8[%get3A_94, %get3A_95] {strides = array<i32>} : memref<128x128xf32, #tpu.memory_space<vmem>>, vector<1x16xf32>,
          %get3A_97 = vector.shape_cast %get3A_96 : vector<1x16xf32> to vector<16xf32>
          %add3A_98 = arith.addf %get3A_93, %get3A_97 : vector<16xf32>
          %swap3A = arith.index_cast %add3A_90 : i32 to index
          %swap3A_99 = arith.constant 0 : index
          %swap3A_100 = tpu.vector_load %arg7[%swap3A, %swap3A_99] {strides = array<i32>} : memref<128x128xf32, #tpu.memory_space<vmem>>, vector<1x16xf32>,
          %swap3A_101 = vector.shape_cast %swap3A_100 : vector<1x16xf32> to vector<16xf32>
          %swap3A_102 = vector.shape_cast %add3A_98 : vector<16xf32> to vector<1x16xf32>
          tpu.vector_store %arg7[%swap3A, %swap3A_99], %swap3A_102 {strides = array<i32>} : memref<128x128xf32, #tpu.memory_space<vmem>>, vector<1x16xf32>,
          %add3A_103 = arith.constant 0 : i32
          %add3A_104 = arith.addi %mul3A_88, %add3A_103 : i32
          %get3A_105 = arith.index_cast %add3A_104 : i32 to index
          %get3A_106 = arith.constant 16 : index
          %get3A_107 = tpu.vector_load %arg7[%get3A_105, %get3A_106] {strides = array<i32>} : memref<128x128xf32, #tpu.memory_space<vmem>>, vector<1x16xf32>,
          %get3A_108 = vector.shape_cast %get3A_107 : vector<1x16xf32> to vector<16xf32>
          %get3A_109 = arith.index_cast %add3A_104 : i32 to index
          %get3A_110 = arith.constant 16 : index
          %get3A_111 = tpu.vector_load %arg8[%get3A_109, %get3A_110] {strides = array<i32>} : memref<128x128xf32, #tpu.memory_space<vmem>>, vector<1x16xf32>,
          %get3A_112 = vector.shape_cast %get3A_111 : vector<1x16xf32> to vector<16xf32>
          %add3A_113 = arith.addf %get3A_108, %get3A_112 : vector<16xf32>
          %swap3A_114 = arith.index_cast %add3A_104 : i32 to index
          %swap3A_115 = arith.constant 16 : index
          %swap3A_116 = tpu.vector_load %arg7[%swap3A_114, %swap3A_115] {strides = array<i32>} : memref<128x128xf32, #tpu.memory_space<vmem>>, vector<1x16xf32>,
          %swap3A_117 = vector.shape_cast %swap3A_116 : vector<1x16xf32> to vector<16xf32>
          %swap3A_118 = vector.shape_cast %add3A_113 : vector<16xf32> to vector<1x16xf32>
          tpu.vector_store %arg7[%swap3A_114, %swap3A_115], %swap3A_118 {strides = array<i32>} : memref<128x128xf32, #tpu.memory_space<vmem>>, vector<1x16xf32>,
          %add3A_119 = arith.constant 0 : i32
          %add3A_120 = arith.addi %mul3A_88, %add3A_119 : i32
          %get3A_121 = arith.index_cast %add3A_120 : i32 to index
          %get3A_122 = arith.constant 32 : index
          %get3A_123 = tpu.vector_load %arg7[%get3A_121, %get3A_122] {strides = array<i32>} : memref<128x128xf32, #tpu.memory_space<vmem>>, vector<1x16xf32>,
          %get3A_124 = vector.shape_cast %get3A_123 : vector<1x16xf32> to vector<16xf32>
          %get3A_125 = arith.index_cast %add3A_120 : i32 to index
          %get3A_126 = arith.constant 32 : index
          %get3A_127 = tpu.vector_load %arg8[%get3A_125, %get3A_126] {strides = array<i32>} : memref<128x128xf32, #tpu.memory_space<vmem>>, vector<1x16xf32>,
          %get3A_128 = vector.shape_cast %get3A_127 : vector<1x16xf32> to vector<16xf32>
          %add3A_129 = arith.addf %get3A_124, %get3A_128 : vector<16xf32>
          %swap3A_130 = arith.index_cast %add3A_120 : i32 to index
          %swap3A_131 = arith.constant 32 : index
          %swap3A_132 = tpu.vector_load %arg7[%swap3A_130, %swap3A_131] {strides = array<i32>} : memref<128x128xf32, #tpu.memory_space<vmem>>, vector<1x16xf32>,
          %swap3A_133 = vector.shape_cast %swap3A_132 : vector<1x16xf32> to vector<16xf32>
          %swap3A_134 = vector.shape_cast %add3A_129 : vector<16xf32> to vector<1x16xf32>
          tpu.vector_store %arg7[%swap3A_130, %swap3A_131], %swap3A_134 {strides = array<i32>} : memref<128x128xf32, #tpu.memory_space<vmem>>, vector<1x16xf32>,
          %add3A_135 = arith.constant 0 : i32
          %add3A_136 = arith.addi %mul3A_88, %add3A_135 : i32
          %get3A_137 = arith.index_cast %add3A_136 : i32 to index
          %get3A_138 = arith.constant 48 : index
          %get3A_139 = tpu.vector_load %arg7[%get3A_137, %get3A_138] {strides = array<i32>} : memref<128x128xf32, #tpu.memory_space<vmem>>, vector<1x16xf32>,
          %get3A_140 = vector.shape_cast %get3A_139 : vector<1x16xf32> to vector<16xf32>
          %get3A_141 = arith.index_cast %add3A_136 : i32 to index
          %get3A_142 = arith.constant 48 : index
          %get3A_143 = tpu.vector_load %arg8[%get3A_141, %get3A_142] {strides = array<i32>} : memref<128x128xf32, #tpu.memory_space<vmem>>, vector<1x16xf32>,
          %get3A_144 = vector.shape_cast %get3A_143 : vector<1x16xf32> to vector<16xf32>
          %add3A_145 = arith.addf %get3A_140, %get3A_144 : vector<16xf32>
          %swap3A_146 = arith.index_cast %add3A_136 : i32 to index
          %swap3A_147 = arith.constant 48 : index
          %swap3A_148 = tpu.vector_load %arg7[%swap3A_146, %swap3A_147] {strides = array<i32>} : memref<128x128xf32, #tpu.memory_space<vmem>>, vector<1x16xf32>,
          %swap3A_149 = vector.shape_cast %swap3A_148 : vector<1x16xf32> to vector<16xf32>
          %swap3A_150 = vector.shape_cast %add3A_145 : vector<16xf32> to vector<1x16xf32>
          tpu.vector_store %arg7[%swap3A_146, %swap3A_147], %swap3A_150 {strides = array<i32>} : memref<128x128xf32, #tpu.memory_space<vmem>>, vector<1x16xf32>,
          %add3A_151 = arith.constant 0 : i32
          %add3A_152 = arith.addi %mul3A_88, %add3A_151 : i32
          %get3A_153 = arith.index_cast %add3A_152 : i32 to index
          %get3A_154 = arith.constant 64 : index
          %get3A_155 = tpu.vector_load %arg7[%get3A_153, %get3A_154] {strides = array<i32>} : memref<128x128xf32, #tpu.memory_space<vmem>>, vector<1x16xf32>,
          %get3A_156 = vector.shape_cast %get3A_155 : vector<1x16xf32> to vector<16xf32>
          %get3A_157 = arith.index_cast %add3A_152 : i32 to index
          %get3A_158 = arith.constant 64 : index
          %get3A_159 = tpu.vector_load %arg8[%get3A_157, %get3A_158] {strides = array<i32>} : memref<128x128xf32, #tpu.memory_space<vmem>>, vector<1x16xf32>,
          %get3A_160 = vector.shape_cast %get3A_159 : vector<1x16xf32> to vector<16xf32>
          %add3A_161 = arith.addf %get3A_156, %get3A_160 : vector<16xf32>
          %swap3A_162 = arith.index_cast %add3A_152 : i32 to index
          %swap3A_163 = arith.constant 64 : index
          %swap3A_164 = tpu.vector_load %arg7[%swap3A_162, %swap3A_163] {strides = array<i32>} : memref<128x128xf32, #tpu.memory_space<vmem>>, vector<1x16xf32>,
          %swap3A_165 = vector.shape_cast %swap3A_164 : vector<1x16xf32> to vector<16xf32>
          %swap3A_166 = vector.shape_cast %add3A_161 : vector<16xf32> to vector<1x16xf32>
          tpu.vector_store %arg7[%swap3A_162, %swap3A_163], %swap3A_166 {strides = array<i32>} : memref<128x128xf32, #tpu.memory_space<vmem>>, vector<1x16xf32>,
          %add3A_167 = arith.constant 0 : i32
          %add3A_168 = arith.addi %mul3A_88, %add3A_167 : i32
          %get3A_169 = arith.index_cast %add3A_168 : i32 to index
          %get3A_170 = arith.constant 80 : index
          %get3A_171 = tpu.vector_load %arg7[%get3A_169, %get3A_170] {strides = array<i32>} : memref<128x128xf32, #tpu.memory_space<vmem>>, vector<1x16xf32>,
          %get3A_172 = vector.shape_cast %get3A_171 : vector<1x16xf32> to vector<16xf32>
          %get3A_173 = arith.index_cast %add3A_168 : i32 to index
          %get3A_174 = arith.constant 80 : index
          %get3A_175 = tpu.vector_load %arg8[%get3A_173, %get3A_174] {strides = array<i32>} : memref<128x128xf32, #tpu.memory_space<vmem>>, vector<1x16xf32>,
          %get3A_176 = vector.shape_cast %get3A_175 : vector<1x16xf32> to vector<16xf32>
          %add3A_177 = arith.addf %get3A_172, %get3A_176 : vector<16xf32>
          %swap3A_178 = arith.index_cast %add3A_168 : i32 to index
          %swap3A_179 = arith.constant 80 : index
          %swap3A_180 = tpu.vector_load %arg7[%swap3A_178, %swap3A_179] {strides = array<i32>} : memref<128x128xf32, #tpu.memory_space<vmem>>, vector<1x16xf32>,
          %swap3A_181 = vector.shape_cast %swap3A_180 : vector<1x16xf32> to vector<16xf32>
          %swap3A_182 = vector.shape_cast %add3A_177 : vector<16xf32> to vector<1x16xf32>
          tpu.vector_store %arg7[%swap3A_178, %swap3A_179], %swap3A_182 {strides = array<i32>} : memref<128x128xf32, #tpu.memory_space<vmem>>, vector<1x16xf32>,
          %add3A_183 = arith.constant 0 : i32
          %add3A_184 = arith.addi %mul3A_88, %add3A_183 : i32
          %get3A_185 = arith.index_cast %add3A_184 : i32 to index
          %get3A_186 = arith.constant 96 : index
          %get3A_187 = tpu.vector_load %arg7[%get3A_185, %get3A_186] {strides = array<i32>} : memref<128x128xf32, #tpu.memory_space<vmem>>, vector<1x16xf32>,
          %get3A_188 = vector.shape_cast %get3A_187 : vector<1x16xf32> to vector<16xf32>
          %get3A_189 = arith.index_cast %add3A_184 : i32 to index
          %get3A_190 = arith.constant 96 : index
          %get3A_191 = tpu.vector_load %arg8[%get3A_189, %get3A_190] {strides = array<i32>} : memref<128x128xf32, #tpu.memory_space<vmem>>, vector<1x16xf32>,
          %get3A_192 = vector.shape_cast %get3A_191 : vector<1x16xf32> to vector<16xf32>
          %add3A_193 = arith.addf %get3A_188, %get3A_192 : vector<16xf32>
          %swap3A_194 = arith.index_cast %add3A_184 : i32 to index
          %swap3A_195 = arith.constant 96 : index
          %swap3A_196 = tpu.vector_load %arg7[%swap3A_194, %swap3A_195] {strides = array<i32>} : memref<128x128xf32, #tpu.memory_space<vmem>>, vector<1x16xf32>,
          %swap3A_197 = vector.shape_cast %swap3A_196 : vector<1x16xf32> to vector<16xf32>
          %swap3A_198 = vector.shape_cast %add3A_193 : vector<16xf32> to vector<1x16xf32>
          tpu.vector_store %arg7[%swap3A_194, %swap3A_195], %swap3A_198 {strides = array<i32>} : memref<128x128xf32, #tpu.memory_space<vmem>>, vector<1x16xf32>,
          %add3A_199 = arith.constant 0 : i32
          %add3A_200 = arith.addi %mul3A_88, %add3A_199 : i32
          %get3A_201 = arith.index_cast %add3A_200 : i32 to index
          %get3A_202 = arith.constant 112 : index
          %get3A_203 = tpu.vector_load %arg7[%get3A_201, %get3A_202] {strides = array<i32>} : memref<128x128xf32, #tpu.memory_space<vmem>>, vector<1x16xf32>,
          %get3A_204 = vector.shape_cast %get3A_203 : vector<1x16xf32> to vector<16xf32>
          %get3A_205 = arith.index_cast %add3A_200 : i32 to index
          %get3A_206 = arith.constant 112 : index
          %get3A_207 = tpu.vector_load %arg8[%get3A_205, %get3A_206] {strides = array<i32>} : memref<128x128xf32, #tpu.memory_space<vmem>>, vector<1x16xf32>,
          %get3A_208 = vector.shape_cast %get3A_207 : vector<1x16xf32> to vector<16xf32>
          %add3A_209 = arith.addf %get3A_204, %get3A_208 : vector<16xf32>
          %swap3A_210 = arith.index_cast %add3A_200 : i32 to index
          %swap3A_211 = arith.constant 112 : index
          %swap3A_212 = tpu.vector_load %arg7[%swap3A_210, %swap3A_211] {strides = array<i32>} : memref<128x128xf32, #tpu.memory_space<vmem>>, vector<1x16xf32>,
          %swap3A_213 = vector.shape_cast %swap3A_212 : vector<1x16xf32> to vector<16xf32>
          %swap3A_214 = vector.shape_cast %add3A_209 : vector<16xf32> to vector<1x16xf32>
          tpu.vector_store %arg7[%swap3A_210, %swap3A_211], %swap3A_214 {strides = array<i32>} : memref<128x128xf32, #tpu.memory_space<vmem>>, vector<1x16xf32>,
          %add3A_215 = arith.constant 1 : i32
          %add3A_216 = arith.addi %mul3A_88, %add3A_215 : i32
          %get3A_217 = arith.index_cast %add3A_216 : i32 to index
          %get3A_218 = arith.constant 0 : index
          %get3A_219 = tpu.vector_load %arg7[%get3A_217, %get3A_218] {strides = array<i32>} : memref<128x128xf32, #tpu.memory_space<vmem>>, vector<1x16xf32>,
          %get3A_220 = vector.shape_cast %get3A_219 : vector<1x16xf32> to vector<16xf32>
          %get3A_221 = arith.index_cast %add3A_216 : i32 to index
          %get3A_222 = arith.constant 0 : index
          %get3A_223 = tpu.vector_load %arg8[%get3A_221, %get3A_222] {strides = array<i32>} : memref<128x128xf32, #tpu.memory_space<vmem>>, vector<1x16xf32>,
          %get3A_224 = vector.shape_cast %get3A_223 : vector<1x16xf32> to vector<16xf32>
          %add3A_225 = arith.addf %get3A_220, %get3A_224 : vector<16xf32>
          %swap3A_226 = arith.index_cast %add3A_216 : i32 to index
          %swap3A_227 = arith.constant 0 : index
          %swap3A_228 = tpu.vector_load %arg7[%swap3A_226, %swap3A_227] {strides = array<i32>} : memref<128x128xf32, #tpu.memory_space<vmem>>, vector<1x16xf32>,
          %swap3A_229 = vector.shape_cast %swap3A_228 : vector<1x16xf32> to vector<16xf32>
          %swap3A_230 = vector.shape_cast %add3A_225 : vector<16xf32> to vector<1x16xf32>
          tpu.vector_store %arg7[%swap3A_226, %swap3A_227], %swap3A_230 {strides = array<i32>} : memref<128x128xf32, #tpu.memory_space<vmem>>, vector<1x16xf32>,
          %add3A_231 = arith.constant 1 : i32
          %add3A_232 = arith.addi %mul3A_88, %add3A_231 : i32
          %get3A_233 = arith.index_cast %add3A_232 : i32 to index
          %get3A_234 = arith.constant 16 : index
          %get3A_235 = tpu.vector_load %arg7[%get3A_233, %get3A_234] {strides = array<i32>} : memref<128x128xf32, #tpu.memory_space<vmem>>, vector<1x16xf32>,
          %get3A_236 = vector.shape_cast %get3A_235 : vector<1x16xf32> to vector<16xf32>
          %get3A_237 = arith.index_cast %add3A_232 : i32 to index
          %get3A_238 = arith.constant 16 : index
          %get3A_239 = tpu.vector_load %arg8[%get3A_237, %get3A_238] {strides = array<i32>} : memref<128x128xf32, #tpu.memory_space<vmem>>, vector<1x16xf32>,
          %get3A_240 = vector.shape_cast %get3A_239 : vector<1x16xf32> to vector<16xf32>
          %add3A_241 = arith.addf %get3A_236, %get3A_240 : vector<16xf32>
          %swap3A_242 = arith.index_cast %add3A_232 : i32 to index
          %swap3A_243 = arith.constant 16 : index
          %swap3A_244 = tpu.vector_load %arg7[%swap3A_242, %swap3A_243] {strides = array<i32>} : memref<128x128xf32, #tpu.memory_space<vmem>>, vector<1x16xf32>,
          %swap3A_245 = vector.shape_cast %swap3A_244 : vector<1x16xf32> to vector<16xf32>
          %swap3A_246 = vector.shape_cast %add3A_241 : vector<16xf32> to vector<1x16xf32>
          tpu.vector_store %arg7[%swap3A_242, %swap3A_243], %swap3A_246 {strides = array<i32>} : memref<128x128xf32, #tpu.memory_space<vmem>>, vector<1x16xf32>,
          %add3A_247 = arith.constant 1 : i32
          %add3A_248 = arith.addi %mul3A_88, %add3A_247 : i32
          %get3A_249 = arith.index_cast %add3A_248 : i32 to index
          %get3A_250 = arith.constant 32 : index
          %get3A_251 = tpu.vector_load %arg7[%get3A_249, %get3A_250] {strides = array<i32>} : memref<128x128xf32, #tpu.memory_space<vmem>>, vector<1x16xf32>,
          %get3A_252 = vector.shape_cast %get3A_251 : vector<1x16xf32> to vector<16xf32>
          %get3A_253 = arith.index_cast %add3A_248 : i32 to index
          %get3A_254 = arith.constant 32 : index
          %get3A_255 = tpu.vector_load %arg8[%get3A_253, %get3A_254] {strides = array<i32>} : memref<128x128xf32, #tpu.memory_space<vmem>>, vector<1x16xf32>,
          %get3A_256 = vector.shape_cast %get3A_255 : vector<1x16xf32> to vector<16xf32>
          %add3A_257 = arith.addf %get3A_252, %get3A_256 : vector<16xf32>
          %swap3A_258 = arith.index_cast %add3A_248 : i32 to index
          %swap3A_259 = arith.constant 32 : index
          %swap3A_260 = tpu.vector_load %arg7[%swap3A_258, %swap3A_259] {strides = array<i32>} : memref<128x128xf32, #tpu.memory_space<vmem>>, vector<1x16xf32>,
          %swap3A_261 = vector.shape_cast %swap3A_260 : vector<1x16xf32> to vector<16xf32>
          %swap3A_262 = vector.shape_cast %add3A_257 : vector<16xf32> to vector<1x16xf32>
          tpu.vector_store %arg7[%swap3A_258, %swap3A_259], %swap3A_262 {strides = array<i32>} : memref<128x128xf32, #tpu.memory_space<vmem>>, vector<1x16xf32>,
          %add3A_263 = arith.constant 1 : i32
          %add3A_264 = arith.addi %mul3A_88, %add3A_263 : i32
          %get3A_265 = arith.index_cast %add3A_264 : i32 to index
          %get3A_266 = arith.constant 48 : index
          %get3A_267 = tpu.vector_load %arg7[%get3A_265, %get3A_266] {strides = array<i32>} : memref<128x128xf32, #tpu.memory_space<vmem>>, vector<1x16xf32>,
          %get3A_268 = vector.shape_cast %get3A_267 : vector<1x16xf32> to vector<16xf32>
          %get3A_269 = arith.index_cast %add3A_264 : i32 to index
          %get3A_270 = arith.constant 48 : index
          %get3A_271 = tpu.vector_load %arg8[%get3A_269, %get3A_270] {strides = array<i32>} : memref<128x128xf32, #tpu.memory_space<vmem>>, vector<1x16xf32>,
          %get3A_272 = vector.shape_cast %get3A_271 : vector<1x16xf32> to vector<16xf32>
          %add3A_273 = arith.addf %get3A_268, %get3A_272 : vector<16xf32>
          %swap3A_274 = arith.index_cast %add3A_264 : i32 to index
          %swap3A_275 = arith.constant 48 : index
          %swap3A_276 = tpu.vector_load %arg7[%swap3A_274, %swap3A_275] {strides = array<i32>} : memref<128x128xf32, #tpu.memory_space<vmem>>, vector<1x16xf32>,
          %swap3A_277 = vector.shape_cast %swap3A_276 : vector<1x16xf32> to vector<16xf32>
          %swap3A_278 = vector.shape_cast %add3A_273 : vector<16xf32> to vector<1x16xf32>
          tpu.vector_store %arg7[%swap3A_274, %swap3A_275], %swap3A_278 {strides = array<i32>} : memref<128x128xf32, #tpu.memory_space<vmem>>, vector<1x16xf32>,
          %add3A_279 = arith.constant 1 : i32
          %add3A_280 = arith.addi %mul3A_88, %add3A_279 : i32
          %get3A_281 = arith.index_cast %add3A_280 : i32 to index
          %get3A_282 = arith.constant 64 : index
          %get3A_283 = tpu.vector_load %arg7[%get3A_281, %get3A_282] {strides = array<i32>} : memref<128x128xf32, #tpu.memory_space<vmem>>, vector<1x16xf32>,
          %get3A_284 = vector.shape_cast %get3A_283 : vector<1x16xf32> to vector<16xf32>
          %get3A_285 = arith.index_cast %add3A_280 : i32 to index
          %get3A_286 = arith.constant 64 : index
          %get3A_287 = tpu.vector_load %arg8[%get3A_285, %get3A_286] {strides = array<i32>} : memref<128x128xf32, #tpu.memory_space<vmem>>, vector<1x16xf32>,
          %get3A_288 = vector.shape_cast %get3A_287 : vector<1x16xf32> to vector<16xf32>
          %add3A_289 = arith.addf %get3A_284, %get3A_288 : vector<16xf32>
          %swap3A_290 = arith.index_cast %add3A_280 : i32 to index
          %swap3A_291 = arith.constant 64 : index
          %swap3A_292 = tpu.vector_load %arg7[%swap3A_290, %swap3A_291] {strides = array<i32>} : memref<128x128xf32, #tpu.memory_space<vmem>>, vector<1x16xf32>,
          %swap3A_293 = vector.shape_cast %swap3A_292 : vector<1x16xf32> to vector<16xf32>
          %swap3A_294 = vector.shape_cast %add3A_289 : vector<16xf32> to vector<1x16xf32>
          tpu.vector_store %arg7[%swap3A_290, %swap3A_291], %swap3A_294 {strides = array<i32>} : memref<128x128xf32, #tpu.memory_space<vmem>>, vector<1x16xf32>,
          %add3A_295 = arith.constant 1 : i32
          %add3A_296 = arith.addi %mul3A_88, %add3A_295 : i32
          %get3A_297 = arith.index_cast %add3A_296 : i32 to index
          %get3A_298 = arith.constant 80 : index
          %get3A_299 = tpu.vector_load %arg7[%get3A_297, %get3A_298] {strides = array<i32>} : memref<128x128xf32, #tpu.memory_space<vmem>>, vector<1x16xf32>,
          %get3A_300 = vector.shape_cast %get3A_299 : vector<1x16xf32> to vector<16xf32>
          %get3A_301 = arith.index_cast %add3A_296 : i32 to index
          %get3A_302 = arith.constant 80 : index
          %get3A_303 = tpu.vector_load %arg8[%get3A_301, %get3A_302] {strides = array<i32>} : memref<128x128xf32, #tpu.memory_space<vmem>>, vector<1x16xf32>,
          %get3A_304 = vector.shape_cast %get3A_303 : vector<1x16xf32> to vector<16xf32>
          %add3A_305 = arith.addf %get3A_300, %get3A_304 : vector<16xf32>
          %swap3A_306 = arith.index_cast %add3A_296 : i32 to index
          %swap3A_307 = arith.constant 80 : index
          %swap3A_308 = tpu.vector_load %arg7[%swap3A_306, %swap3A_307] {strides = array<i32>} : memref<128x128xf32, #tpu.memory_space<vmem>>, vector<1x16xf32>,
          %swap3A_309 = vector.shape_cast %swap3A_308 : vector<1x16xf32> to vector<16xf32>
          %swap3A_310 = vector.shape_cast %add3A_305 : vector<16xf32> to vector<1x16xf32>
          tpu.vector_store %arg7[%swap3A_306, %swap3A_307], %swap3A_310 {strides = array<i32>} : memref<128x128xf32, #tpu.memory_space<vmem>>, vector<1x16xf32>,
          %add3A_311 = arith.constant 1 : i32
          %add3A_312 = arith.addi %mul3A_88, %add3A_311 : i32
          %get3A_313 = arith.index_cast %add3A_312 : i32 to index
          %get3A_314 = arith.constant 96 : index
          %get3A_315 = tpu.vector_load %arg7[%get3A_313, %get3A_314] {strides = array<i32>} : memref<128x128xf32, #tpu.memory_space<vmem>>, vector<1x16xf32>,
          %get3A_316 = vector.shape_cast %get3A_315 : vector<1x16xf32> to vector<16xf32>
          %get3A_317 = arith.index_cast %add3A_312 : i32 to index
          %get3A_318 = arith.constant 96 : index
          %get3A_319 = tpu.vector_load %arg8[%get3A_317, %get3A_318] {strides = array<i32>} : memref<128x128xf32, #tpu.memory_space<vmem>>, vector<1x16xf32>,
          %get3A_320 = vector.shape_cast %get3A_319 : vector<1x16xf32> to vector<16xf32>
          %add3A_321 = arith.addf %get3A_316, %get3A_320 : vector<16xf32>
          %swap3A_322 = arith.index_cast %add3A_312 : i32 to index
          %swap3A_323 = arith.constant 96 : index
          %swap3A_324 = tpu.vector_load %arg7[%swap3A_322, %swap3A_323] {strides = array<i32>} : memref<128x128xf32, #tpu.memory_space<vmem>>, vector<1x16xf32>,
          %swap3A_325 = vector.shape_cast %swap3A_324 : vector<1x16xf32> to vector<16xf32>
          %swap3A_326 = vector.shape_cast %add3A_321 : vector<16xf32> to vector<1x16xf32>
          tpu.vector_store %arg7[%swap3A_322, %swap3A_323], %swap3A_326 {strides = array<i32>} : memref<128x128xf32, #tpu.memory_space<vmem>>, vector<1x16xf32>,
          %add3A_327 = arith.constant 1 : i32
          %add3A_328 = arith.addi %mul3A_88, %add3A_327 : i32
          %get3A_329 = arith.index_cast %add3A_328 : i32 to index
          %get3A_330 = arith.constant 112 : index
          %get3A_331 = tpu.vector_load %arg7[%get3A_329, %get3A_330] {strides = array<i32>} : memref<128x128xf32, #tpu.memory_space<vmem>>, vector<1x16xf32>,
          %get3A_332 = vector.shape_cast %get3A_331 : vector<1x16xf32> to vector<16xf32>
          %get3A_333 = arith.index_cast %add3A_328 : i32 to index
          %get3A_334 = arith.constant 112 : index
          %get3A_335 = tpu.vector_load %arg8[%get3A_333, %get3A_334] {strides = array<i32>} : memref<128x128xf32, #tpu.memory_space<vmem>>, vector<1x16xf32>,
          %get3A_336 = vector.shape_cast %get3A_335 : vector<1x16xf32> to vector<16xf32>
          %add3A_337 = arith.addf %get3A_332, %get3A_336 : vector<16xf32>
          %swap3A_338 = arith.index_cast %add3A_328 : i32 to index
          %swap3A_339 = arith.constant 112 : index
          %swap3A_340 = tpu.vector_load %arg7[%swap3A_338, %swap3A_339] {strides = array<i32>} : memref<128x128xf32, #tpu.memory_space<vmem>>, vector<1x16xf32>,
          %swap3A_341 = vector.shape_cast %swap3A_340 : vector<1x16xf32> to vector<16xf32>
          %swap3A_342 = vector.shape_cast %add3A_337 : vector<16xf32> to vector<1x16xf32>
          tpu.vector_store %arg7[%swap3A_338, %swap3A_339], %swap3A_342 {strides = array<i32>} : memref<128x128xf32, #tpu.memory_space<vmem>>, vector<1x16xf32>,
        }
        %scan3A_79 = arith.constant 64 : i32
        %add3A_80 = arith.addi %add3A_4, %mul3A_37 : i32
        %mul3A_81 = arith.constant 128 : i32
        %mul3A_82 = arith.muli %add3A_80, %mul3A_81 : i32
        %dma_start3A = arith.constant 0 : i32
        %dma_start3A_83 = tpu.memref_slice %arg5[%mul3A_82, %dma_start3A] : memref<64000x128xf32, #tpu.memory_space<hbm>> -> memref<128x128xf32, #tpu.memory_space<hbm>>
        %dma_start3A_84 = arith.constant 0 : i32
        %dma_start3A_85 = tpu.memref_slice %arg5[%mul3A_82, %dma_start3A_84] : memref<64000x128xf32, #tpu.memory_space<hbm>> -> memref<128x128xf32, #tpu.memory_space<hbm>>
        tpu.enqueue_dma source(%arg7 : memref<128x128xf32, #tpu.memory_space<vmem>>) target(%dma_start3A_85 : memref<128x128xf32, #tpu.memory_space<hbm>>) target_semaphore(%arg15 : memref<!tpu.dma_semaphore, #tpu.memory_space<semaphore_mem>>)
      } else {
      }
      %add3A_42 = arith.constant 1 : i32
      %add3A_43 = arith.addi %mul3A_37, %add3A_42 : i32
      %lt3A_44 = arith.cmpi slt, %add3A_43, %select_n3A : i32
      %convert_element_type3A_45 = arith.extui %lt3A_44 : i1 to i32
      %cond3A_46 = arith.constant 0 : i32
      %cond3A_47 = arith.cmpi ne, %convert_element_type3A_45, %cond3A_46 : i32
      scf.if %cond3A_47 {
        %dma_wait3A_60 = arith.constant 0 : i32
        %dma_wait3A_61 = arith.constant 0 : i32
        %dma_wait3A_62 = tpu.memref_slice %arg6[%add3A_43, %dma_wait3A_60, %dma_wait3A_61] : memref<16x2x128xi32, #tpu.memory_space<vmem>> -> memref<1x1x128xi32, #tpu.memory_space<vmem>>
        %dma_wait3A_63 = tpu.memref_squeeze %dma_wait3A_62 : memref<1x1x128xi32, #tpu.memory_space<vmem>> -> memref<128xi32, #tpu.memory_space<vmem>>
        %dma_wait3A_64 = arith.constant 0 : i32
        %dma_wait3A_65 = arith.constant 0 : i32
        %dma_wait3A_66 = tpu.memref_slice %arg2[%dma_wait3A_64, %dma_wait3A_65] : memref<10000x128xf32, #tpu.memory_space<hbm>> -> memref<10000x128xf32, #tpu.memory_space<hbm>>
        tpu.wait_indirect_dma semaphore(%arg13 : memref<!tpu.dma_semaphore, #tpu.memory_space<semaphore_mem>>) src(%dma_wait3A_66 : memref<10000x128xf32, #tpu.memory_space<hbm>>) dst(%arg9 : memref<128x128xf32, #tpu.memory_space<vmem>>)
        %dma_wait3A_67 = arith.constant 1 : i32
        %dma_wait3A_68 = arith.constant 0 : i32
        %dma_wait3A_69 = tpu.memref_slice %arg6[%add3A_43, %dma_wait3A_67, %dma_wait3A_68] : memref<16x2x128xi32, #tpu.memory_space<vmem>> -> memref<1x1x128xi32, #tpu.memory_space<vmem>>
        %dma_wait3A_70 = tpu.memref_squeeze %dma_wait3A_69 : memref<1x1x128xi32, #tpu.memory_space<vmem>> -> memref<128xi32, #tpu.memory_space<vmem>>
        %dma_wait3A_71 = arith.constant 0 : i32
        %dma_wait3A_72 = arith.constant 0 : i32
        %dma_wait3A_73 = tpu.memref_slice %arg3[%dma_wait3A_71, %dma_wait3A_72] : memref<10000x128xf32, #tpu.memory_space<hbm>> -> memref<10000x128xf32, #tpu.memory_space<hbm>>
        tpu.wait_indirect_dma semaphore(%arg14 : memref<!tpu.dma_semaphore, #tpu.memory_space<semaphore_mem>>) src(%dma_wait3A_73 : memref<10000x128xf32, #tpu.memory_space<hbm>>) dst(%arg10 : memref<128x128xf32, #tpu.memory_space<vmem>>)
        %scan3A_74 = arith.constant 0 : i32
        %scan3A_75 = arith.constant 0 : i32
        %scan3A_76 = arith.constant 64 : i32
        %scan3A_77 = arith.addi %scan3A_75, %scan3A_76 : i32
        %scan3A_78 = arith.constant 1 : i32
        scf.for %scan3A_86 = %scan3A_75 to %scan3A_77 step %scan3A_78  : i32 {
          %mul3A_87 = arith.constant 2 : i32
          %mul3A_88 = arith.muli %scan3A_86, %mul3A_87 : i32
          %add3A_89 = arith.constant 0 : i32
          %add3A_90 = arith.addi %mul3A_88, %add3A_89 : i32
          %get3A = arith.index_cast %add3A_90 : i32 to index
          %get3A_91 = arith.constant 0 : index
          %get3A_92 = tpu.vector_load %arg9[%get3A, %get3A_91] {strides = array<i32>} : memref<128x128xf32, #tpu.memory_space<vmem>>, vector<1x16xf32>,
          %get3A_93 = vector.shape_cast %get3A_92 : vector<1x16xf32> to vector<16xf32>
          %get3A_94 = arith.index_cast %add3A_90 : i32 to index
          %get3A_95 = arith.constant 0 : index
          %get3A_96 = tpu.vector_load %arg10[%get3A_94, %get3A_95] {strides = array<i32>} : memref<128x128xf32, #tpu.memory_space<vmem>>, vector<1x16xf32>,
          %get3A_97 = vector.shape_cast %get3A_96 : vector<1x16xf32> to vector<16xf32>
          %add3A_98 = arith.addf %get3A_93, %get3A_97 : vector<16xf32>
          %swap3A = arith.index_cast %add3A_90 : i32 to index
          %swap3A_99 = arith.constant 0 : index
          %swap3A_100 = tpu.vector_load %arg9[%swap3A, %swap3A_99] {strides = array<i32>} : memref<128x128xf32, #tpu.memory_space<vmem>>, vector<1x16xf32>,
          %swap3A_101 = vector.shape_cast %swap3A_100 : vector<1x16xf32> to vector<16xf32>
          %swap3A_102 = vector.shape_cast %add3A_98 : vector<16xf32> to vector<1x16xf32>
          tpu.vector_store %arg9[%swap3A, %swap3A_99], %swap3A_102 {strides = array<i32>} : memref<128x128xf32, #tpu.memory_space<vmem>>, vector<1x16xf32>,
          %add3A_103 = arith.constant 0 : i32
          %add3A_104 = arith.addi %mul3A_88, %add3A_103 : i32
          %get3A_105 = arith.index_cast %add3A_104 : i32 to index
          %get3A_106 = arith.constant 16 : index
          %get3A_107 = tpu.vector_load %arg9[%get3A_105, %get3A_106] {strides = array<i32>} : memref<128x128xf32, #tpu.memory_space<vmem>>, vector<1x16xf32>,
          %get3A_108 = vector.shape_cast %get3A_107 : vector<1x16xf32> to vector<16xf32>
          %get3A_109 = arith.index_cast %add3A_104 : i32 to index
          %get3A_110 = arith.constant 16 : index
          %get3A_111 = tpu.vector_load %arg10[%get3A_109, %get3A_110] {strides = array<i32>} : memref<128x128xf32, #tpu.memory_space<vmem>>, vector<1x16xf32>,
          %get3A_112 = vector.shape_cast %get3A_111 : vector<1x16xf32> to vector<16xf32>
          %add3A_113 = arith.addf %get3A_108, %get3A_112 : vector<16xf32>
          %swap3A_114 = arith.index_cast %add3A_104 : i32 to index
          %swap3A_115 = arith.constant 16 : index
          %swap3A_116 = tpu.vector_load %arg9[%swap3A_114, %swap3A_115] {strides = array<i32>} : memref<128x128xf32, #tpu.memory_space<vmem>>, vector<1x16xf32>,
          %swap3A_117 = vector.shape_cast %swap3A_116 : vector<1x16xf32> to vector<16xf32>
          %swap3A_118 = vector.shape_cast %add3A_113 : vector<16xf32> to vector<1x16xf32>
          tpu.vector_store %arg9[%swap3A_114, %swap3A_115], %swap3A_118 {strides = array<i32>} : memref<128x128xf32, #tpu.memory_space<vmem>>, vector<1x16xf32>,
          %add3A_119 = arith.constant 0 : i32
          %add3A_120 = arith.addi %mul3A_88, %add3A_119 : i32
          %get3A_121 = arith.index_cast %add3A_120 : i32 to index
          %get3A_122 = arith.constant 32 : index
          %get3A_123 = tpu.vector_load %arg9[%get3A_121, %get3A_122] {strides = array<i32>} : memref<128x128xf32, #tpu.memory_space<vmem>>, vector<1x16xf32>,
          %get3A_124 = vector.shape_cast %get3A_123 : vector<1x16xf32> to vector<16xf32>
          %get3A_125 = arith.index_cast %add3A_120 : i32 to index
          %get3A_126 = arith.constant 32 : index
          %get3A_127 = tpu.vector_load %arg10[%get3A_125, %get3A_126] {strides = array<i32>} : memref<128x128xf32, #tpu.memory_space<vmem>>, vector<1x16xf32>,
          %get3A_128 = vector.shape_cast %get3A_127 : vector<1x16xf32> to vector<16xf32>
          %add3A_129 = arith.addf %get3A_124, %get3A_128 : vector<16xf32>
          %swap3A_130 = arith.index_cast %add3A_120 : i32 to index
          %swap3A_131 = arith.constant 32 : index
          %swap3A_132 = tpu.vector_load %arg9[%swap3A_130, %swap3A_131] {strides = array<i32>} : memref<128x128xf32, #tpu.memory_space<vmem>>, vector<1x16xf32>,
          %swap3A_133 = vector.shape_cast %swap3A_132 : vector<1x16xf32> to vector<16xf32>
          %swap3A_134 = vector.shape_cast %add3A_129 : vector<16xf32> to vector<1x16xf32>
          tpu.vector_store %arg9[%swap3A_130, %swap3A_131], %swap3A_134 {strides = array<i32>} : memref<128x128xf32, #tpu.memory_space<vmem>>, vector<1x16xf32>,
          %add3A_135 = arith.constant 0 : i32
          %add3A_136 = arith.addi %mul3A_88, %add3A_135 : i32
          %get3A_137 = arith.index_cast %add3A_136 : i32 to index
          %get3A_138 = arith.constant 48 : index
          %get3A_139 = tpu.vector_load %arg9[%get3A_137, %get3A_138] {strides = array<i32>} : memref<128x128xf32, #tpu.memory_space<vmem>>, vector<1x16xf32>,
          %get3A_140 = vector.shape_cast %get3A_139 : vector<1x16xf32> to vector<16xf32>
          %get3A_141 = arith.index_cast %add3A_136 : i32 to index
          %get3A_142 = arith.constant 48 : index
          %get3A_143 = tpu.vector_load %arg10[%get3A_141, %get3A_142] {strides = array<i32>} : memref<128x128xf32, #tpu.memory_space<vmem>>, vector<1x16xf32>,
          %get3A_144 = vector.shape_cast %get3A_143 : vector<1x16xf32> to vector<16xf32>
          %add3A_145 = arith.addf %get3A_140, %get3A_144 : vector<16xf32>
          %swap3A_146 = arith.index_cast %add3A_136 : i32 to index
          %swap3A_147 = arith.constant 48 : index
          %swap3A_148 = tpu.vector_load %arg9[%swap3A_146, %swap3A_147] {strides = array<i32>} : memref<128x128xf32, #tpu.memory_space<vmem>>, vector<1x16xf32>,
          %swap3A_149 = vector.shape_cast %swap3A_148 : vector<1x16xf32> to vector<16xf32>
          %swap3A_150 = vector.shape_cast %add3A_145 : vector<16xf32> to vector<1x16xf32>
          tpu.vector_store %arg9[%swap3A_146, %swap3A_147], %swap3A_150 {strides = array<i32>} : memref<128x128xf32, #tpu.memory_space<vmem>>, vector<1x16xf32>,
          %add3A_151 = arith.constant 0 : i32
          %add3A_152 = arith.addi %mul3A_88, %add3A_151 : i32
          %get3A_153 = arith.index_cast %add3A_152 : i32 to index
          %get3A_154 = arith.constant 64 : index
          %get3A_155 = tpu.vector_load %arg9[%get3A_153, %get3A_154] {strides = array<i32>} : memref<128x128xf32, #tpu.memory_space<vmem>>, vector<1x16xf32>,
          %get3A_156 = vector.shape_cast %get3A_155 : vector<1x16xf32> to vector<16xf32>
          %get3A_157 = arith.index_cast %add3A_152 : i32 to index
          %get3A_158 = arith.constant 64 : index
          %get3A_159 = tpu.vector_load %arg10[%get3A_157, %get3A_158] {strides = array<i32>} : memref<128x128xf32, #tpu.memory_space<vmem>>, vector<1x16xf32>,
          %get3A_160 = vector.shape_cast %get3A_159 : vector<1x16xf32> to vector<16xf32>
          %add3A_161 = arith.addf %get3A_156, %get3A_160 : vector<16xf32>
          %swap3A_162 = arith.index_cast %add3A_152 : i32 to index
          %swap3A_163 = arith.constant 64 : index
          %swap3A_164 = tpu.vector_load %arg9[%swap3A_162, %swap3A_163] {strides = array<i32>} : memref<128x128xf32, #tpu.memory_space<vmem>>, vector<1x16xf32>,
          %swap3A_165 = vector.shape_cast %swap3A_164 : vector<1x16xf32> to vector<16xf32>
          %swap3A_166 = vector.shape_cast %add3A_161 : vector<16xf32> to vector<1x16xf32>
          tpu.vector_store %arg9[%swap3A_162, %swap3A_163], %swap3A_166 {strides = array<i32>} : memref<128x128xf32, #tpu.memory_space<vmem>>, vector<1x16xf32>,
          %add3A_167 = arith.constant 0 : i32
          %add3A_168 = arith.addi %mul3A_88, %add3A_167 : i32
          %get3A_169 = arith.index_cast %add3A_168 : i32 to index
          %get3A_170 = arith.constant 80 : index
          %get3A_171 = tpu.vector_load %arg9[%get3A_169, %get3A_170] {strides = array<i32>} : memref<128x128xf32, #tpu.memory_space<vmem>>, vector<1x16xf32>,
          %get3A_172 = vector.shape_cast %get3A_171 : vector<1x16xf32> to vector<16xf32>
          %get3A_173 = arith.index_cast %add3A_168 : i32 to index
          %get3A_174 = arith.constant 80 : index
          %get3A_175 = tpu.vector_load %arg10[%get3A_173, %get3A_174] {strides = array<i32>} : memref<128x128xf32, #tpu.memory_space<vmem>>, vector<1x16xf32>,
          %get3A_176 = vector.shape_cast %get3A_175 : vector<1x16xf32> to vector<16xf32>
          %add3A_177 = arith.addf %get3A_172, %get3A_176 : vector<16xf32>
          %swap3A_178 = arith.index_cast %add3A_168 : i32 to index
          %swap3A_179 = arith.constant 80 : index
          %swap3A_180 = tpu.vector_load %arg9[%swap3A_178, %swap3A_179] {strides = array<i32>} : memref<128x128xf32, #tpu.memory_space<vmem>>, vector<1x16xf32>,
          %swap3A_181 = vector.shape_cast %swap3A_180 : vector<1x16xf32> to vector<16xf32>
          %swap3A_182 = vector.shape_cast %add3A_177 : vector<16xf32> to vector<1x16xf32>
          tpu.vector_store %arg9[%swap3A_178, %swap3A_179], %swap3A_182 {strides = array<i32>} : memref<128x128xf32, #tpu.memory_space<vmem>>, vector<1x16xf32>,
          %add3A_183 = arith.constant 0 : i32
          %add3A_184 = arith.addi %mul3A_88, %add3A_183 : i32
          %get3A_185 = arith.index_cast %add3A_184 : i32 to index
          %get3A_186 = arith.constant 96 : index
          %get3A_187 = tpu.vector_load %arg9[%get3A_185, %get3A_186] {strides = array<i32>} : memref<128x128xf32, #tpu.memory_space<vmem>>, vector<1x16xf32>,
          %get3A_188 = vector.shape_cast %get3A_187 : vector<1x16xf32> to vector<16xf32>
          %get3A_189 = arith.index_cast %add3A_184 : i32 to index
          %get3A_190 = arith.constant 96 : index
          %get3A_191 = tpu.vector_load %arg10[%get3A_189, %get3A_190] {strides = array<i32>} : memref<128x128xf32, #tpu.memory_space<vmem>>, vector<1x16xf32>,
          %get3A_192 = vector.shape_cast %get3A_191 : vector<1x16xf32> to vector<16xf32>
          %add3A_193 = arith.addf %get3A_188, %get3A_192 : vector<16xf32>
          %swap3A_194 = arith.index_cast %add3A_184 : i32 to index
          %swap3A_195 = arith.constant 96 : index
          %swap3A_196 = tpu.vector_load %arg9[%swap3A_194, %swap3A_195] {strides = array<i32>} : memref<128x128xf32, #tpu.memory_space<vmem>>, vector<1x16xf32>,
          %swap3A_197 = vector.shape_cast %swap3A_196 : vector<1x16xf32> to vector<16xf32>
          %swap3A_198 = vector.shape_cast %add3A_193 : vector<16xf32> to vector<1x16xf32>
          tpu.vector_store %arg9[%swap3A_194, %swap3A_195], %swap3A_198 {strides = array<i32>} : memref<128x128xf32, #tpu.memory_space<vmem>>, vector<1x16xf32>,
          %add3A_199 = arith.constant 0 : i32
          %add3A_200 = arith.addi %mul3A_88, %add3A_199 : i32
          %get3A_201 = arith.index_cast %add3A_200 : i32 to index
          %get3A_202 = arith.constant 112 : index
          %get3A_203 = tpu.vector_load %arg9[%get3A_201, %get3A_202] {strides = array<i32>} : memref<128x128xf32, #tpu.memory_space<vmem>>, vector<1x16xf32>,
          %get3A_204 = vector.shape_cast %get3A_203 : vector<1x16xf32> to vector<16xf32>
          %get3A_205 = arith.index_cast %add3A_200 : i32 to index
          %get3A_206 = arith.constant 112 : index
          %get3A_207 = tpu.vector_load %arg10[%get3A_205, %get3A_206] {strides = array<i32>} : memref<128x128xf32, #tpu.memory_space<vmem>>, vector<1x16xf32>,
          %get3A_208 = vector.shape_cast %get3A_207 : vector<1x16xf32> to vector<16xf32>
          %add3A_209 = arith.addf %get3A_204, %get3A_208 : vector<16xf32>
          %swap3A_210 = arith.index_cast %add3A_200 : i32 to index
          %swap3A_211 = arith.constant 112 : index
          %swap3A_212 = tpu.vector_load %arg9[%swap3A_210, %swap3A_211] {strides = array<i32>} : memref<128x128xf32, #tpu.memory_space<vmem>>, vector<1x16xf32>,
          %swap3A_213 = vector.shape_cast %swap3A_212 : vector<1x16xf32> to vector<16xf32>
          %swap3A_214 = vector.shape_cast %add3A_209 : vector<16xf32> to vector<1x16xf32>
          tpu.vector_store %arg9[%swap3A_210, %swap3A_211], %swap3A_214 {strides = array<i32>} : memref<128x128xf32, #tpu.memory_space<vmem>>, vector<1x16xf32>,
          %add3A_215 = arith.constant 1 : i32
          %add3A_216 = arith.addi %mul3A_88, %add3A_215 : i32
          %get3A_217 = arith.index_cast %add3A_216 : i32 to index
          %get3A_218 = arith.constant 0 : index
          %get3A_219 = tpu.vector_load %arg9[%get3A_217, %get3A_218] {strides = array<i32>} : memref<128x128xf32, #tpu.memory_space<vmem>>, vector<1x16xf32>,
          %get3A_220 = vector.shape_cast %get3A_219 : vector<1x16xf32> to vector<16xf32>
          %get3A_221 = arith.index_cast %add3A_216 : i32 to index
          %get3A_222 = arith.constant 0 : index
          %get3A_223 = tpu.vector_load %arg10[%get3A_221, %get3A_222] {strides = array<i32>} : memref<128x128xf32, #tpu.memory_space<vmem>>, vector<1x16xf32>,
          %get3A_224 = vector.shape_cast %get3A_223 : vector<1x16xf32> to vector<16xf32>
          %add3A_225 = arith.addf %get3A_220, %get3A_224 : vector<16xf32>
          %swap3A_226 = arith.index_cast %add3A_216 : i32 to index
          %swap3A_227 = arith.constant 0 : index
          %swap3A_228 = tpu.vector_load %arg9[%swap3A_226, %swap3A_227] {strides = array<i32>} : memref<128x128xf32, #tpu.memory_space<vmem>>, vector<1x16xf32>,
          %swap3A_229 = vector.shape_cast %swap3A_228 : vector<1x16xf32> to vector<16xf32>
          %swap3A_230 = vector.shape_cast %add3A_225 : vector<16xf32> to vector<1x16xf32>
          tpu.vector_store %arg9[%swap3A_226, %swap3A_227], %swap3A_230 {strides = array<i32>} : memref<128x128xf32, #tpu.memory_space<vmem>>, vector<1x16xf32>,
          %add3A_231 = arith.constant 1 : i32
          %add3A_232 = arith.addi %mul3A_88, %add3A_231 : i32
          %get3A_233 = arith.index_cast %add3A_232 : i32 to index
          %get3A_234 = arith.constant 16 : index
          %get3A_235 = tpu.vector_load %arg9[%get3A_233, %get3A_234] {strides = array<i32>} : memref<128x128xf32, #tpu.memory_space<vmem>>, vector<1x16xf32>,
          %get3A_236 = vector.shape_cast %get3A_235 : vector<1x16xf32> to vector<16xf32>
          %get3A_237 = arith.index_cast %add3A_232 : i32 to index
          %get3A_238 = arith.constant 16 : index
          %get3A_239 = tpu.vector_load %arg10[%get3A_237, %get3A_238] {strides = array<i32>} : memref<128x128xf32, #tpu.memory_space<vmem>>, vector<1x16xf32>,
          %get3A_240 = vector.shape_cast %get3A_239 : vector<1x16xf32> to vector<16xf32>
          %add3A_241 = arith.addf %get3A_236, %get3A_240 : vector<16xf32>
          %swap3A_242 = arith.index_cast %add3A_232 : i32 to index
          %swap3A_243 = arith.constant 16 : index
          %swap3A_244 = tpu.vector_load %arg9[%swap3A_242, %swap3A_243] {strides = array<i32>} : memref<128x128xf32, #tpu.memory_space<vmem>>, vector<1x16xf32>,
          %swap3A_245 = vector.shape_cast %swap3A_244 : vector<1x16xf32> to vector<16xf32>
          %swap3A_246 = vector.shape_cast %add3A_241 : vector<16xf32> to vector<1x16xf32>
          tpu.vector_store %arg9[%swap3A_242, %swap3A_243], %swap3A_246 {strides = array<i32>} : memref<128x128xf32, #tpu.memory_space<vmem>>, vector<1x16xf32>,
          %add3A_247 = arith.constant 1 : i32
          %add3A_248 = arith.addi %mul3A_88, %add3A_247 : i32
          %get3A_249 = arith.index_cast %add3A_248 : i32 to index
          %get3A_250 = arith.constant 32 : index
          %get3A_251 = tpu.vector_load %arg9[%get3A_249, %get3A_250] {strides = array<i32>} : memref<128x128xf32, #tpu.memory_space<vmem>>, vector<1x16xf32>,
          %get3A_252 = vector.shape_cast %get3A_251 : vector<1x16xf32> to vector<16xf32>
          %get3A_253 = arith.index_cast %add3A_248 : i32 to index
          %get3A_254 = arith.constant 32 : index
          %get3A_255 = tpu.vector_load %arg10[%get3A_253, %get3A_254] {strides = array<i32>} : memref<128x128xf32, #tpu.memory_space<vmem>>, vector<1x16xf32>,
          %get3A_256 = vector.shape_cast %get3A_255 : vector<1x16xf32> to vector<16xf32>
          %add3A_257 = arith.addf %get3A_252, %get3A_256 : vector<16xf32>
          %swap3A_258 = arith.index_cast %add3A_248 : i32 to index
          %swap3A_259 = arith.constant 32 : index
          %swap3A_260 = tpu.vector_load %arg9[%swap3A_258, %swap3A_259] {strides = array<i32>} : memref<128x128xf32, #tpu.memory_space<vmem>>, vector<1x16xf32>,
          %swap3A_261 = vector.shape_cast %swap3A_260 : vector<1x16xf32> to vector<16xf32>
          %swap3A_262 = vector.shape_cast %add3A_257 : vector<16xf32> to vector<1x16xf32>
          tpu.vector_store %arg9[%swap3A_258, %swap3A_259], %swap3A_262 {strides = array<i32>} : memref<128x128xf32, #tpu.memory_space<vmem>>, vector<1x16xf32>,
          %add3A_263 = arith.constant 1 : i32
          %add3A_264 = arith.addi %mul3A_88, %add3A_263 : i32
          %get3A_265 = arith.index_cast %add3A_264 : i32 to index
          %get3A_266 = arith.constant 48 : index
          %get3A_267 = tpu.vector_load %arg9[%get3A_265, %get3A_266] {strides = array<i32>} : memref<128x128xf32, #tpu.memory_space<vmem>>, vector<1x16xf32>,
          %get3A_268 = vector.shape_cast %get3A_267 : vector<1x16xf32> to vector<16xf32>
          %get3A_269 = arith.index_cast %add3A_264 : i32 to index
          %get3A_270 = arith.constant 48 : index
          %get3A_271 = tpu.vector_load %arg10[%get3A_269, %get3A_270] {strides = array<i32>} : memref<128x128xf32, #tpu.memory_space<vmem>>, vector<1x16xf32>,
          %get3A_272 = vector.shape_cast %get3A_271 : vector<1x16xf32> to vector<16xf32>
          %add3A_273 = arith.addf %get3A_268, %get3A_272 : vector<16xf32>
          %swap3A_274 = arith.index_cast %add3A_264 : i32 to index
          %swap3A_275 = arith.constant 48 : index
          %swap3A_276 = tpu.vector_load %arg9[%swap3A_274, %swap3A_275] {strides = array<i32>} : memref<128x128xf32, #tpu.memory_space<vmem>>, vector<1x16xf32>,
          %swap3A_277 = vector.shape_cast %swap3A_276 : vector<1x16xf32> to vector<16xf32>
          %swap3A_278 = vector.shape_cast %add3A_273 : vector<16xf32> to vector<1x16xf32>
          tpu.vector_store %arg9[%swap3A_274, %swap3A_275], %swap3A_278 {strides = array<i32>} : memref<128x128xf32, #tpu.memory_space<vmem>>, vector<1x16xf32>,
          %add3A_279 = arith.constant 1 : i32
          %add3A_280 = arith.addi %mul3A_88, %add3A_279 : i32
          %get3A_281 = arith.index_cast %add3A_280 : i32 to index
          %get3A_282 = arith.constant 64 : index
          %get3A_283 = tpu.vector_load %arg9[%get3A_281, %get3A_282] {strides = array<i32>} : memref<128x128xf32, #tpu.memory_space<vmem>>, vector<1x16xf32>,
          %get3A_284 = vector.shape_cast %get3A_283 : vector<1x16xf32> to vector<16xf32>
          %get3A_285 = arith.index_cast %add3A_280 : i32 to index
          %get3A_286 = arith.constant 64 : index
          %get3A_287 = tpu.vector_load %arg10[%get3A_285, %get3A_286] {strides = array<i32>} : memref<128x128xf32, #tpu.memory_space<vmem>>, vector<1x16xf32>,
          %get3A_288 = vector.shape_cast %get3A_287 : vector<1x16xf32> to vector<16xf32>
          %add3A_289 = arith.addf %get3A_284, %get3A_288 : vector<16xf32>
          %swap3A_290 = arith.index_cast %add3A_280 : i32 to index
          %swap3A_291 = arith.constant 64 : index
          %swap3A_292 = tpu.vector_load %arg9[%swap3A_290, %swap3A_291] {strides = array<i32>} : memref<128x128xf32, #tpu.memory_space<vmem>>, vector<1x16xf32>,
          %swap3A_293 = vector.shape_cast %swap3A_292 : vector<1x16xf32> to vector<16xf32>
          %swap3A_294 = vector.shape_cast %add3A_289 : vector<16xf32> to vector<1x16xf32>
          tpu.vector_store %arg9[%swap3A_290, %swap3A_291], %swap3A_294 {strides = array<i32>} : memref<128x128xf32, #tpu.memory_space<vmem>>, vector<1x16xf32>,
          %add3A_295 = arith.constant 1 : i32
          %add3A_296 = arith.addi %mul3A_88, %add3A_295 : i32
          %get3A_297 = arith.index_cast %add3A_296 : i32 to index
          %get3A_298 = arith.constant 80 : index
          %get3A_299 = tpu.vector_load %arg9[%get3A_297, %get3A_298] {strides = array<i32>} : memref<128x128xf32, #tpu.memory_space<vmem>>, vector<1x16xf32>,
          %get3A_300 = vector.shape_cast %get3A_299 : vector<1x16xf32> to vector<16xf32>
          %get3A_301 = arith.index_cast %add3A_296 : i32 to index
          %get3A_302 = arith.constant 80 : index
          %get3A_303 = tpu.vector_load %arg10[%get3A_301, %get3A_302] {strides = array<i32>} : memref<128x128xf32, #tpu.memory_space<vmem>>, vector<1x16xf32>,
          %get3A_304 = vector.shape_cast %get3A_303 : vector<1x16xf32> to vector<16xf32>
          %add3A_305 = arith.addf %get3A_300, %get3A_304 : vector<16xf32>
          %swap3A_306 = arith.index_cast %add3A_296 : i32 to index
          %swap3A_307 = arith.constant 80 : index
          %swap3A_308 = tpu.vector_load %arg9[%swap3A_306, %swap3A_307] {strides = array<i32>} : memref<128x128xf32, #tpu.memory_space<vmem>>, vector<1x16xf32>,
          %swap3A_309 = vector.shape_cast %swap3A_308 : vector<1x16xf32> to vector<16xf32>
          %swap3A_310 = vector.shape_cast %add3A_305 : vector<16xf32> to vector<1x16xf32>
          tpu.vector_store %arg9[%swap3A_306, %swap3A_307], %swap3A_310 {strides = array<i32>} : memref<128x128xf32, #tpu.memory_space<vmem>>, vector<1x16xf32>,
          %add3A_311 = arith.constant 1 : i32
          %add3A_312 = arith.addi %mul3A_88, %add3A_311 : i32
          %get3A_313 = arith.index_cast %add3A_312 : i32 to index
          %get3A_314 = arith.constant 96 : index
          %get3A_315 = tpu.vector_load %arg9[%get3A_313, %get3A_314] {strides = array<i32>} : memref<128x128xf32, #tpu.memory_space<vmem>>, vector<1x16xf32>,
          %get3A_316 = vector.shape_cast %get3A_315 : vector<1x16xf32> to vector<16xf32>
          %get3A_317 = arith.index_cast %add3A_312 : i32 to index
          %get3A_318 = arith.constant 96 : index
          %get3A_319 = tpu.vector_load %arg10[%get3A_317, %get3A_318] {strides = array<i32>} : memref<128x128xf32, #tpu.memory_space<vmem>>, vector<1x16xf32>,
          %get3A_320 = vector.shape_cast %get3A_319 : vector<1x16xf32> to vector<16xf32>
          %add3A_321 = arith.addf %get3A_316, %get3A_320 : vector<16xf32>
          %swap3A_322 = arith.index_cast %add3A_312 : i32 to index
          %swap3A_323 = arith.constant 96 : index
          %swap3A_324 = tpu.vector_load %arg9[%swap3A_322, %swap3A_323] {strides = array<i32>} : memref<128x128xf32, #tpu.memory_space<vmem>>, vector<1x16xf32>,
          %swap3A_325 = vector.shape_cast %swap3A_324 : vector<1x16xf32> to vector<16xf32>
          %swap3A_326 = vector.shape_cast %add3A_321 : vector<16xf32> to vector<1x16xf32>
          tpu.vector_store %arg9[%swap3A_322, %swap3A_323], %swap3A_326 {strides = array<i32>} : memref<128x128xf32, #tpu.memory_space<vmem>>, vector<1x16xf32>,
          %add3A_327 = arith.constant 1 : i32
          %add3A_328 = arith.addi %mul3A_88, %add3A_327 : i32
          %get3A_329 = arith.index_cast %add3A_328 : i32 to index
          %get3A_330 = arith.constant 112 : index
          %get3A_331 = tpu.vector_load %arg9[%get3A_329, %get3A_330] {strides = array<i32>} : memref<128x128xf32, #tpu.memory_space<vmem>>, vector<1x16xf32>,
          %get3A_332 = vector.shape_cast %get3A_331 : vector<1x16xf32> to vector<16xf32>
          %get3A_333 = arith.index_cast %add3A_328 : i32 to index
          %get3A_334 = arith.constant 112 : index
          %get3A_335 = tpu.vector_load %arg10[%get3A_333, %get3A_334] {strides = array<i32>} : memref<128x128xf32, #tpu.memory_space<vmem>>, vector<1x16xf32>,
          %get3A_336 = vector.shape_cast %get3A_335 : vector<1x16xf32> to vector<16xf32>
          %add3A_337 = arith.addf %get3A_332, %get3A_336 : vector<16xf32>
          %swap3A_338 = arith.index_cast %add3A_328 : i32 to index
          %swap3A_339 = arith.constant 112 : index
          %swap3A_340 = tpu.vector_load %arg9[%swap3A_338, %swap3A_339] {strides = array<i32>} : memref<128x128xf32, #tpu.memory_space<vmem>>, vector<1x16xf32>,
          %swap3A_341 = vector.shape_cast %swap3A_340 : vector<1x16xf32> to vector<16xf32>
          %swap3A_342 = vector.shape_cast %add3A_337 : vector<16xf32> to vector<1x16xf32>
          tpu.vector_store %arg9[%swap3A_338, %swap3A_339], %swap3A_342 {strides = array<i32>} : memref<128x128xf32, #tpu.memory_space<vmem>>, vector<1x16xf32>,
        }
        %scan3A_79 = arith.constant 64 : i32
        %add3A_80 = arith.addi %add3A_4, %add3A_43 : i32
        %mul3A_81 = arith.constant 128 : i32
        %mul3A_82 = arith.muli %add3A_80, %mul3A_81 : i32
        %dma_start3A = arith.constant 0 : i32
        %dma_start3A_83 = tpu.memref_slice %arg5[%mul3A_82, %dma_start3A] : memref<64000x128xf32, #tpu.memory_space<hbm>> -> memref<128x128xf32, #tpu.memory_space<hbm>>
        %dma_start3A_84 = arith.constant 0 : i32
        %dma_start3A_85 = tpu.memref_slice %arg5[%mul3A_82, %dma_start3A_84] : memref<64000x128xf32, #tpu.memory_space<hbm>> -> memref<128x128xf32, #tpu.memory_space<hbm>>
        tpu.enqueue_dma source(%arg9 : memref<128x128xf32, #tpu.memory_space<vmem>>) target(%dma_start3A_85 : memref<128x128xf32, #tpu.memory_space<hbm>>) target_semaphore(%arg16 : memref<!tpu.dma_semaphore, #tpu.memory_space<semaphore_mem>>)
      } else {
      }
      %add3A_48 = arith.constant 2 : i32
      %add3A_49 = arith.addi %mul3A_37, %add3A_48 : i32
      %lt3A_50 = arith.cmpi slt, %add3A_49, %select_n3A : i32
      %convert_element_type3A_51 = arith.extui %lt3A_50 : i1 to i32
      %cond3A_52 = arith.constant 0 : i32
      %cond3A_53 = arith.cmpi ne, %convert_element_type3A_51, %cond3A_52 : i32
      scf.if %cond3A_53 {
        %add3A_60 = arith.addi %add3A_4, %add3A_49 : i32
        %sub3A = arith.constant 2 : i32
        %sub3A_61 = arith.subi %add3A_60, %sub3A : i32
        %mul3A_62 = arith.constant 128 : i32
        %mul3A_63 = arith.muli %sub3A_61, %mul3A_62 : i32
        %dma_wait3A_64 = arith.constant 0 : i32
        %dma_wait3A_65 = tpu.memref_slice %arg5[%mul3A_63, %dma_wait3A_64] : memref<64000x128xf32, #tpu.memory_space<hbm>> -> memref<128x128xf32, #tpu.memory_space<hbm>>
        %dma_wait3A_66 = arith.constant 0 : i32
        %dma_wait3A_67 = tpu.memref_slice %arg5[%mul3A_63, %dma_wait3A_66] : memref<64000x128xf32, #tpu.memory_space<hbm>> -> memref<128x128xf32, #tpu.memory_space<hbm>>
        tpu.wait_dma2 semaphore(%arg15 : memref<!tpu.dma_semaphore, #tpu.memory_space<semaphore_mem>>) src(%arg7 : memref<128x128xf32, #tpu.memory_space<vmem>>) dst(%dma_wait3A_67 : memref<128x128xf32, #tpu.memory_space<hbm>>)
        %dma_start3A = arith.constant 0 : i32
        %dma_start3A_68 = arith.constant 0 : i32
        %dma_start3A_69 = tpu.memref_slice %arg6[%add3A_49, %dma_start3A, %dma_start3A_68] : memref<16x2x128xi32, #tpu.memory_space<vmem>> -> memref<1x1x128xi32, #tpu.memory_space<vmem>>
        %dma_start3A_70 = tpu.memref_squeeze %dma_start3A_69 : memref<1x1x128xi32, #tpu.memory_space<vmem>> -> memref<128xi32, #tpu.memory_space<vmem>>
        %dma_start3A_71 = arith.constant 0 : i32
        %dma_start3A_72 = arith.constant 0 : i32
        %dma_start3A_73 = tpu.memref_slice %arg2[%dma_start3A_71, %dma_start3A_72] : memref<10000x128xf32, #tpu.memory_space<hbm>> -> memref<10000x128xf32, #tpu.memory_space<hbm>>
        tpu.enqueue_indirect_dma source(%dma_start3A_73 : memref<10000x128xf32, #tpu.memory_space<hbm>>) target(%arg7 : memref<128x128xf32, #tpu.memory_space<vmem>>) offsets(%dma_start3A_70 : memref<128xi32, #tpu.memory_space<vmem>>) semaphore(%arg11 : memref<!tpu.dma_semaphore, #tpu.memory_space<semaphore_mem>>)
        %dma_start3A_74 = arith.constant 1 : i32
        %dma_start3A_75 = arith.constant 0 : i32
        %dma_start3A_76 = tpu.memref_slice %arg6[%add3A_49, %dma_start3A_74, %dma_start3A_75] : memref<16x2x128xi32, #tpu.memory_space<vmem>> -> memref<1x1x128xi32, #tpu.memory_space<vmem>>
        %dma_start3A_77 = tpu.memref_squeeze %dma_start3A_76 : memref<1x1x128xi32, #tpu.memory_space<vmem>> -> memref<128xi32, #tpu.memory_space<vmem>>
        %dma_start3A_78 = arith.constant 0 : i32
        %dma_start3A_79 = arith.constant 0 : i32
        %dma_start3A_80 = tpu.memref_slice %arg3[%dma_start3A_78, %dma_start3A_79] : memref<10000x128xf32, #tpu.memory_space<hbm>> -> memref<10000x128xf32, #tpu.memory_space<hbm>>
        tpu.enqueue_indirect_dma source(%dma_start3A_80 : memref<10000x128xf32, #tpu.memory_space<hbm>>) target(%arg8 : memref<128x128xf32, #tpu.memory_space<vmem>>) offsets(%dma_start3A_77 : memref<128xi32, #tpu.memory_space<vmem>>) semaphore(%arg12 : memref<!tpu.dma_semaphore, #tpu.memory_space<semaphore_mem>>)
      } else {
      }
      %add3A_54 = arith.constant 3 : i32
      %add3A_55 = arith.addi %mul3A_37, %add3A_54 : i32
      %lt3A_56 = arith.cmpi slt, %add3A_55, %select_n3A : i32
      %convert_element_type3A_57 = arith.extui %lt3A_56 : i1 to i32
      %cond3A_58 = arith.constant 0 : i32
      %cond3A_59 = arith.cmpi ne, %convert_element_type3A_57, %cond3A_58 : i32
      scf.if %cond3A_59 {
        %add3A_60 = arith.addi %add3A_4, %add3A_55 : i32
        %sub3A = arith.constant 2 : i32
        %sub3A_61 = arith.subi %add3A_60, %sub3A : i32
        %mul3A_62 = arith.constant 128 : i32
        %mul3A_63 = arith.muli %sub3A_61, %mul3A_62 : i32
        %dma_wait3A_64 = arith.constant 0 : i32
        %dma_wait3A_65 = tpu.memref_slice %arg5[%mul3A_63, %dma_wait3A_64] : memref<64000x128xf32, #tpu.memory_space<hbm>> -> memref<128x128xf32, #tpu.memory_space<hbm>>
        %dma_wait3A_66 = arith.constant 0 : i32
        %dma_wait3A_67 = tpu.memref_slice %arg5[%mul3A_63, %dma_wait3A_66] : memref<64000x128xf32, #tpu.memory_space<hbm>> -> memref<128x128xf32, #tpu.memory_space<hbm>>
        tpu.wait_dma2 semaphore(%arg16 : memref<!tpu.dma_semaphore, #tpu.memory_space<semaphore_mem>>) src(%arg9 : memref<128x128xf32, #tpu.memory_space<vmem>>) dst(%dma_wait3A_67 : memref<128x128xf32, #tpu.memory_space<hbm>>)
        %dma_start3A = arith.constant 0 : i32
        %dma_start3A_68 = arith.constant 0 : i32
        %dma_start3A_69 = tpu.memref_slice %arg6[%add3A_55, %dma_start3A, %dma_start3A_68] : memref<16x2x128xi32, #tpu.memory_space<vmem>> -> memref<1x1x128xi32, #tpu.memory_space<vmem>>
        %dma_start3A_70 = tpu.memref_squeeze %dma_start3A_69 : memref<1x1x128xi32, #tpu.memory_space<vmem>> -> memref<128xi32, #tpu.memory_space<vmem>>
        %dma_start3A_71 = arith.constant 0 : i32
        %dma_start3A_72 = arith.constant 0 : i32
        %dma_start3A_73 = tpu.memref_slice %arg2[%dma_start3A_71, %dma_start3A_72] : memref<10000x128xf32, #tpu.memory_space<hbm>> -> memref<10000x128xf32, #tpu.memory_space<hbm>>
        tpu.enqueue_indirect_dma source(%dma_start3A_73 : memref<10000x128xf32, #tpu.memory_space<hbm>>) target(%arg9 : memref<128x128xf32, #tpu.memory_space<vmem>>) offsets(%dma_start3A_70 : memref<128xi32, #tpu.memory_space<vmem>>) semaphore(%arg13 : memref<!tpu.dma_semaphore, #tpu.memory_space<semaphore_mem>>)
        %dma_start3A_74 = arith.constant 1 : i32
        %dma_start3A_75 = arith.constant 0 : i32
        %dma_start3A_76 = tpu.memref_slice %arg6[%add3A_55, %dma_start3A_74, %dma_start3A_75] : memref<16x2x128xi32, #tpu.memory_space<vmem>> -> memref<1x1x128xi32, #tpu.memory_space<vmem>>
        %dma_start3A_77 = tpu.memref_squeeze %dma_start3A_76 : memref<1x1x128xi32, #tpu.memory_space<vmem>> -> memref<128xi32, #tpu.memory_space<vmem>>
        %dma_start3A_78 = arith.constant 0 : i32
        %dma_start3A_79 = arith.constant 0 : i32
        %dma_start3A_80 = tpu.memref_slice %arg3[%dma_start3A_78, %dma_start3A_79] : memref<10000x128xf32, #tpu.memory_space<hbm>> -> memref<10000x128xf32, #tpu.memory_space<hbm>>
        tpu.enqueue_indirect_dma source(%dma_start3A_80 : memref<10000x128xf32, #tpu.memory_space<hbm>>) target(%arg10 : memref<128x128xf32, #tpu.memory_space<vmem>>) offsets(%dma_start3A_77 : memref<128xi32, #tpu.memory_space<vmem>>) semaphore(%arg14 : memref<!tpu.dma_semaphore, #tpu.memory_space<semaphore_mem>>)
      } else {
      }
    }
    %scan3A_23 = arith.constant 8 : i32
    %dma_wait3A = arith.constant 0 : i32
    %dma_wait3A_24 = arith.constant 0 : i32
    %dma_wait3A_25 = tpu.memref_slice %arg5[%dma_wait3A, %dma_wait3A_24] : memref<64000x128xf32, #tpu.memory_space<hbm>> -> memref<128x128xf32, #tpu.memory_space<hbm>>
    %dma_wait3A_26 = arith.constant 0 : i32
    %dma_wait3A_27 = arith.constant 0 : i32
    %dma_wait3A_28 = tpu.memref_slice %arg5[%dma_wait3A_26, %dma_wait3A_27] : memref<64000x128xf32, #tpu.memory_space<hbm>> -> memref<128x128xf32, #tpu.memory_space<hbm>>
    tpu.wait_dma2 semaphore(%arg15 : memref<!tpu.dma_semaphore, #tpu.memory_space<semaphore_mem>>) src(%arg7 : memref<128x128xf32, #tpu.memory_space<vmem>>) dst(%dma_wait3A_28 : memref<128x128xf32, #tpu.memory_space<hbm>>)
    %dma_wait3A_29 = arith.constant 0 : i32
    %dma_wait3A_30 = arith.constant 0 : i32
    %dma_wait3A_31 = tpu.memref_slice %arg5[%dma_wait3A_29, %dma_wait3A_30] : memref<64000x128xf32, #tpu.memory_space<hbm>> -> memref<128x128xf32, #tpu.memory_space<hbm>>
    %dma_wait3A_32 = arith.constant 0 : i32
    %dma_wait3A_33 = arith.constant 0 : i32
    %dma_wait3A_34 = tpu.memref_slice %arg5[%dma_wait3A_32, %dma_wait3A_33] : memref<64000x128xf32, #tpu.memory_space<hbm>> -> memref<128x128xf32, #tpu.memory_space<hbm>>
    tpu.wait_dma2 semaphore(%arg16 : memref<!tpu.dma_semaphore, #tpu.memory_space<semaphore_mem>>) src(%arg9 : memref<128x128xf32, #tpu.memory_space<vmem>>) dst(%dma_wait3A_34 : memref<128x128xf32, #tpu.memory_space<hbm>>)
    return
  }
}

module attributes {stable_mosaic.version = 14 : i64} {
  func.func @_precompute_body(%arg0: memref<10000x128xf32, #tpu.memory_space<vmem>>, %arg1: memref<128x128xf32, #tpu.memory_space<vmem>>, %arg2: memref<128x128xf32, #tpu.memory_space<vmem>>, %arg3: memref<10000x128xf32, #tpu.memory_space<vmem>>, %arg4: memref<10000x128xf32, #tpu.memory_space<vmem>>) attributes {dimension_semantics = [], scalar_prefetch = 0 : i64, scratch_operands = 0 : i64, tpu.core_type = #tpu.core_type<tc>} {
    %get3A = arith.constant 0 : index
    %get3A_0 = arith.constant 0 : index
    %get3A_1 = vector.load %arg0[%get3A, %get3A_0] : memref<10000x128xf32, #tpu.memory_space<vmem>>, vector<10000x128xf32>
    %get3A_2 = arith.constant 0 : index
    %get3A_3 = arith.constant 0 : index
    %get3A_4 = vector.load %arg1[%get3A_2, %get3A_3] : memref<128x128xf32, #tpu.memory_space<vmem>>, vector<128x128xf32>
    %dot_general3A = arith.constant dense<0.000000e+00> : vector<10000x128xf32>
    %dot_general3A_5 = tpu.matmul %get3A_1, %get3A_4, %dot_general3A {dimension_numbers = #tpu.dot_dimension_numbers<[1], [0], [0], [1], [0, 0, 1, 1], [], []>, transpose_lhs_hint = false} : vector<10000x128xf32>, vector<128x128xf32>, vector<10000x128xf32> -> vector<10000x128xf32>
    %swap3A = arith.constant 0 : index
    %swap3A_6 = arith.constant 0 : index
    %swap3A_7 = vector.load %arg3[%swap3A, %swap3A_6] : memref<10000x128xf32, #tpu.memory_space<vmem>>, vector<10000x128xf32>
    tpu.vector_store %arg3[%swap3A, %swap3A_6], %dot_general3A_5 {strides = array<i32>} : memref<10000x128xf32, #tpu.memory_space<vmem>>, vector<10000x128xf32>,
    %get3A_8 = arith.constant 0 : index
    %get3A_9 = arith.constant 0 : index
    %get3A_10 = vector.load %arg2[%get3A_8, %get3A_9] : memref<128x128xf32, #tpu.memory_space<vmem>>, vector<128x128xf32>
    %dot_general3A_11 = arith.constant dense<0.000000e+00> : vector<10000x128xf32>
    %dot_general3A_12 = tpu.matmul %get3A_1, %get3A_10, %dot_general3A_11 {dimension_numbers = #tpu.dot_dimension_numbers<[1], [0], [0], [1], [0, 0, 1, 1], [], []>, transpose_lhs_hint = false} : vector<10000x128xf32>, vector<128x128xf32>, vector<10000x128xf32> -> vector<10000x128xf32>
    %swap3A_13 = arith.constant 0 : index
    %swap3A_14 = arith.constant 0 : index
    %swap3A_15 = vector.load %arg4[%swap3A_13, %swap3A_14] : memref<10000x128xf32, #tpu.memory_space<vmem>>, vector<10000x128xf32>
    tpu.vector_store %arg4[%swap3A_13, %swap3A_14], %dot_general3A_12 {strides = array<i32>} : memref<10000x128xf32, #tpu.memory_space<vmem>>, vector<10000x128xf32>,
    return
  }
}

module attributes {stable_mosaic.version = 14 : i64} {
  func.func @mlp_body(%arg0: i32, %arg1: memref<8000x128xf32, #tpu.memory_space<vmem>>, %arg2: memref<1x128xf32, #tpu.memory_space<vmem>>, %arg3: memref<128x128xf32, #tpu.memory_space<vmem>>, %arg4: memref<1x128xf32, #tpu.memory_space<vmem>>, %arg5: memref<1x128xf32, #tpu.memory_space<vmem>>, %arg6: memref<1x1xf32, #tpu.memory_space<vmem>>, %arg7: memref<1x1x8000xf32, #tpu.memory_space<vmem>>) attributes {dimension_semantics = [#tpu.dimension_semantics<arbitrary>], iteration_bounds = array<i64: 14>, scalar_prefetch = 0 : i64, scratch_operands = 0 : i64, tpu.core_type = #tpu.core_type<tc>, window_params = [{transform_indices = @transform_0, window_bounds = array<i64: 8000, 128>}, {pipeline_mode = #tpu.pipeline_mode<synchronous>, transform_indices = @transform_1, window_bounds = array<i64: 1, 128>}, {pipeline_mode = #tpu.pipeline_mode<synchronous>, transform_indices = @transform_2, window_bounds = array<i64: 128, 128>}, {pipeline_mode = #tpu.pipeline_mode<synchronous>, transform_indices = @transform_3, window_bounds = array<i64: 1, 128>}, {pipeline_mode = #tpu.pipeline_mode<synchronous>, transform_indices = @transform_4, window_bounds = array<i64: 1, 128>}, {pipeline_mode = #tpu.pipeline_mode<synchronous>, transform_indices = @transform_5, window_bounds = array<i64: 1, 1>}, {transform_indices = @transform_6, window_bounds = array<i64: 1, 1, 8000>}]} {
    %get3A = arith.constant 0 : index
    %get3A_0 = arith.constant 0 : index
    %get3A_1 = vector.load %arg1[%get3A, %get3A_0] : memref<8000x128xf32, #tpu.memory_space<vmem>>, vector<8000x128xf32>
    %get3A_2 = arith.constant 0 : index
    %get3A_3 = arith.constant 0 : index
    %get3A_4 = vector.load %arg2[%get3A_2, %get3A_3] : memref<1x128xf32, #tpu.memory_space<vmem>>, vector<1x128xf32>
    %add3A = vector.broadcast %get3A_4 : vector<1x128xf32> to vector<8000x128xf32>
    %add3A_5 = arith.addf %get3A_1, %add3A : vector<8000x128xf32>
    %max3A = arith.constant 0.000000e+00 : f32
    %max3A_6 = vector.broadcast %max3A : f32 to vector<8000x128xf32>
    %max3A_7 = arith.maximumf %add3A_5, %max3A_6 : vector<8000x128xf32>
    %get3A_8 = arith.constant 0 : index
    %get3A_9 = arith.constant 0 : index
    %get3A_10 = vector.load %arg3[%get3A_8, %get3A_9] : memref<128x128xf32, #tpu.memory_space<vmem>>, vector<128x128xf32>
    %dot_general3A = arith.constant dense<0.000000e+00> : vector<8000x128xf32>
    %dot_general3A_11 = tpu.matmul %max3A_7, %get3A_10, %dot_general3A {dimension_numbers = #tpu.dot_dimension_numbers<[1], [0], [0], [1], [0, 0, 1, 1], [], []>, transpose_lhs_hint = false} : vector<8000x128xf32>, vector<128x128xf32>, vector<8000x128xf32> -> vector<8000x128xf32>
    %get3A_12 = arith.constant 0 : index
    %get3A_13 = arith.constant 0 : index
    %get3A_14 = vector.load %arg4[%get3A_12, %get3A_13] : memref<1x128xf32, #tpu.memory_space<vmem>>, vector<1x128xf32>
    %add3A_15 = vector.broadcast %get3A_14 : vector<1x128xf32> to vector<8000x128xf32>
    %add3A_16 = arith.addf %dot_general3A_11, %add3A_15 : vector<8000x128xf32>
    %max3A_17 = arith.constant 0.000000e+00 : f32
    %max3A_18 = vector.broadcast %max3A_17 : f32 to vector<8000x128xf32>
    %max3A_19 = arith.maximumf %add3A_16, %max3A_18 : vector<8000x128xf32>
    %get3A_20 = arith.constant 0 : index
    %get3A_21 = arith.constant 0 : index
    %get3A_22 = vector.load %arg5[%get3A_20, %get3A_21] : memref<1x128xf32, #tpu.memory_space<vmem>>, vector<1x128xf32>
    %dot_general3A_23 = arith.constant dense<0.000000e+00> : vector<1x8000xf32>
    %dot_general3A_24 = tpu.matmul %get3A_22, %max3A_19, %dot_general3A_23 {dimension_numbers = #tpu.dot_dimension_numbers<[1], [1], [0], [0], [0, 0, 1, 0], [], []>, transpose_lhs_hint = false} : vector<1x128xf32>, vector<8000x128xf32>, vector<1x8000xf32> -> vector<1x8000xf32>
    %get3A_25 = arith.constant 0 : index
    %get3A_26 = arith.constant 0 : index
    %get3A_27 = vector.load %arg6[%get3A_25, %get3A_26] : memref<1x1xf32, #tpu.memory_space<vmem>>, vector<1x1xf32>
    %add3A_28 = vector.broadcast %get3A_27 : vector<1x1xf32> to vector<1x8000xf32>
    %add3A_29 = arith.addf %dot_general3A_24, %add3A_28 : vector<1x8000xf32>
    %logistic3A = arith.negf %add3A_29 : vector<1x8000xf32>
    %logistic3A_30 = math.exp %logistic3A : vector<1x8000xf32>
    %logistic3A_31 = arith.constant 1.000000e+00 : f32
    %logistic3A_32 = vector.broadcast %logistic3A_31 : f32 to vector<1x8000xf32>
    %logistic3A_33 = arith.addf %logistic3A_32, %logistic3A_30 : vector<1x8000xf32>
    %logistic3A_34 = arith.divf %logistic3A_32, %logistic3A_33 : vector<1x8000xf32>
    %reshape3A = vector.shape_cast %logistic3A_34 : vector<1x8000xf32> to vector<1x1x8000xf32>
    %swap3A = arith.constant 0 : index
    %swap3A_35 = arith.constant 0 : index
    %swap3A_36 = arith.constant 0 : index
    %swap3A_37 = vector.load %arg7[%swap3A, %swap3A_35, %swap3A_36] : memref<1x1x8000xf32, #tpu.memory_space<vmem>>, vector<1x1x8000xf32>
    tpu.vector_store %arg7[%swap3A, %swap3A_35, %swap3A_36], %reshape3A {strides = array<i32>} : memref<1x1x8000xf32, #tpu.memory_space<vmem>>, vector<1x1x8000xf32>,
    return
  }
  func.func @transform_0(%arg0: i32) -> (i32, i32) {
    %c0_i32 = arith.constant 0 : i32
    %c0_i32_0 = arith.constant 0 : i32
    return %arg0, %c0_i32 : i32, i32
  }
  func.func @transform_1(%arg0: i32) -> (i32, i32) {
    %c0_i32 = arith.constant 0 : i32
    %c0_i32_0 = arith.constant 0 : i32
    %c0_i32_1 = arith.constant 0 : i32
    return %c0_i32, %c0_i32_0 : i32, i32
  }
  func.func @transform_2(%arg0: i32) -> (i32, i32) {
    %c0_i32 = arith.constant 0 : i32
    %c0_i32_0 = arith.constant 0 : i32
    %c0_i32_1 = arith.constant 0 : i32
    return %c0_i32, %c0_i32_0 : i32, i32
  }
  func.func @transform_3(%arg0: i32) -> (i32, i32) {
    %c0_i32 = arith.constant 0 : i32
    %c0_i32_0 = arith.constant 0 : i32
    %c0_i32_1 = arith.constant 0 : i32
    return %c0_i32, %c0_i32_0 : i32, i32
  }
  func.func @transform_4(%arg0: i32) -> (i32, i32) {
    %c0_i32 = arith.constant 0 : i32
    %c0_i32_0 = arith.constant 0 : i32
    %c0_i32_1 = arith.constant 0 : i32
    return %c0_i32, %c0_i32_0 : i32, i32
  }
  func.func @transform_5(%arg0: i32) -> (i32, i32) {
    %c0_i32 = arith.constant 0 : i32
    %c0_i32_0 = arith.constant 0 : i32
    %c0_i32_1 = arith.constant 0 : i32
    return %c0_i32, %c0_i32_0 : i32, i32
  }
  func.func @transform_6(%arg0: i32) -> (i32, i32, i32) {
    %c0_i32 = arith.constant 0 : i32
    %c0_i32_0 = arith.constant 0 : i32
    %c0_i32_1 = arith.constant 0 : i32
    return %arg0, %c0_i32, %c0_i32_0 : i32, i32, i32
  }
}

module attributes {stable_mosaic.version = 14 : i64} {
  func.func @mlp_body(%arg0: i32, %arg1: memref<8000x128xf32, #tpu.memory_space<vmem>>, %arg2: memref<1x128xf32, #tpu.memory_space<vmem>>, %arg3: memref<128x128xf32, #tpu.memory_space<vmem>>, %arg4: memref<1x128xf32, #tpu.memory_space<vmem>>, %arg5: memref<1x128xf32, #tpu.memory_space<vmem>>, %arg6: memref<1x1xf32, #tpu.memory_space<vmem>>, %arg7: memref<1x1x8000xf32, #tpu.memory_space<vmem>>) attributes {dimension_semantics = [#tpu.dimension_semantics<arbitrary>], iteration_bounds = array<i64: 8>, scalar_prefetch = 0 : i64, scratch_operands = 0 : i64, tpu.core_type = #tpu.core_type<tc>, window_params = [{transform_indices = @transform_0, window_bounds = array<i64: 8000, 128>}, {pipeline_mode = #tpu.pipeline_mode<synchronous>, transform_indices = @transform_1, window_bounds = array<i64: 1, 128>}, {pipeline_mode = #tpu.pipeline_mode<synchronous>, transform_indices = @transform_2, window_bounds = array<i64: 128, 128>}, {pipeline_mode = #tpu.pipeline_mode<synchronous>, transform_indices = @transform_3, window_bounds = array<i64: 1, 128>}, {pipeline_mode = #tpu.pipeline_mode<synchronous>, transform_indices = @transform_4, window_bounds = array<i64: 1, 128>}, {pipeline_mode = #tpu.pipeline_mode<synchronous>, transform_indices = @transform_5, window_bounds = array<i64: 1, 1>}, {transform_indices = @transform_6, window_bounds = array<i64: 1, 1, 8000>}]} {
    %get3A = arith.constant 0 : index
    %get3A_0 = arith.constant 0 : index
    %get3A_1 = vector.load %arg1[%get3A, %get3A_0] : memref<8000x128xf32, #tpu.memory_space<vmem>>, vector<8000x128xf32>
    %get3A_2 = arith.constant 0 : index
    %get3A_3 = arith.constant 0 : index
    %get3A_4 = vector.load %arg2[%get3A_2, %get3A_3] : memref<1x128xf32, #tpu.memory_space<vmem>>, vector<1x128xf32>
    %add3A = vector.broadcast %get3A_4 : vector<1x128xf32> to vector<8000x128xf32>
    %add3A_5 = arith.addf %get3A_1, %add3A : vector<8000x128xf32>
    %max3A = arith.constant 0.000000e+00 : f32
    %max3A_6 = vector.broadcast %max3A : f32 to vector<8000x128xf32>
    %max3A_7 = arith.maximumf %add3A_5, %max3A_6 : vector<8000x128xf32>
    %get3A_8 = arith.constant 0 : index
    %get3A_9 = arith.constant 0 : index
    %get3A_10 = vector.load %arg3[%get3A_8, %get3A_9] : memref<128x128xf32, #tpu.memory_space<vmem>>, vector<128x128xf32>
    %dot_general3A = arith.constant dense<0.000000e+00> : vector<8000x128xf32>
    %dot_general3A_11 = tpu.matmul %max3A_7, %get3A_10, %dot_general3A {dimension_numbers = #tpu.dot_dimension_numbers<[1], [0], [0], [1], [0, 0, 1, 1], [], []>, transpose_lhs_hint = false} : vector<8000x128xf32>, vector<128x128xf32>, vector<8000x128xf32> -> vector<8000x128xf32>
    %get3A_12 = arith.constant 0 : index
    %get3A_13 = arith.constant 0 : index
    %get3A_14 = vector.load %arg4[%get3A_12, %get3A_13] : memref<1x128xf32, #tpu.memory_space<vmem>>, vector<1x128xf32>
    %add3A_15 = vector.broadcast %get3A_14 : vector<1x128xf32> to vector<8000x128xf32>
    %add3A_16 = arith.addf %dot_general3A_11, %add3A_15 : vector<8000x128xf32>
    %max3A_17 = arith.constant 0.000000e+00 : f32
    %max3A_18 = vector.broadcast %max3A_17 : f32 to vector<8000x128xf32>
    %max3A_19 = arith.maximumf %add3A_16, %max3A_18 : vector<8000x128xf32>
    %get3A_20 = arith.constant 0 : index
    %get3A_21 = arith.constant 0 : index
    %get3A_22 = vector.load %arg5[%get3A_20, %get3A_21] : memref<1x128xf32, #tpu.memory_space<vmem>>, vector<1x128xf32>
    %dot_general3A_23 = arith.constant dense<0.000000e+00> : vector<1x8000xf32>
    %dot_general3A_24 = tpu.matmul %get3A_22, %max3A_19, %dot_general3A_23 {dimension_numbers = #tpu.dot_dimension_numbers<[1], [1], [0], [0], [0, 0, 1, 0], [], []>, transpose_lhs_hint = false} : vector<1x128xf32>, vector<8000x128xf32>, vector<1x8000xf32> -> vector<1x8000xf32>
    %get3A_25 = arith.constant 0 : index
    %get3A_26 = arith.constant 0 : index
    %get3A_27 = vector.load %arg6[%get3A_25, %get3A_26] : memref<1x1xf32, #tpu.memory_space<vmem>>, vector<1x1xf32>
    %add3A_28 = vector.broadcast %get3A_27 : vector<1x1xf32> to vector<1x8000xf32>
    %add3A_29 = arith.addf %dot_general3A_24, %add3A_28 : vector<1x8000xf32>
    %logistic3A = arith.negf %add3A_29 : vector<1x8000xf32>
    %logistic3A_30 = math.exp %logistic3A : vector<1x8000xf32>
    %logistic3A_31 = arith.constant 1.000000e+00 : f32
    %logistic3A_32 = vector.broadcast %logistic3A_31 : f32 to vector<1x8000xf32>
    %logistic3A_33 = arith.addf %logistic3A_32, %logistic3A_30 : vector<1x8000xf32>
    %logistic3A_34 = arith.divf %logistic3A_32, %logistic3A_33 : vector<1x8000xf32>
    %reshape3A = vector.shape_cast %logistic3A_34 : vector<1x8000xf32> to vector<1x1x8000xf32>
    %swap3A = arith.constant 0 : index
    %swap3A_35 = arith.constant 0 : index
    %swap3A_36 = arith.constant 0 : index
    %swap3A_37 = vector.load %arg7[%swap3A, %swap3A_35, %swap3A_36] : memref<1x1x8000xf32, #tpu.memory_space<vmem>>, vector<1x1x8000xf32>
    tpu.vector_store %arg7[%swap3A, %swap3A_35, %swap3A_36], %reshape3A {strides = array<i32>} : memref<1x1x8000xf32, #tpu.memory_space<vmem>>, vector<1x1x8000xf32>,
    return
  }
  func.func @transform_0(%arg0: i32) -> (i32, i32) {
    %c0_i32 = arith.constant 0 : i32
    %c0_i32_0 = arith.constant 0 : i32
    return %arg0, %c0_i32 : i32, i32
  }
  func.func @transform_1(%arg0: i32) -> (i32, i32) {
    %c0_i32 = arith.constant 0 : i32
    %c0_i32_0 = arith.constant 0 : i32
    %c0_i32_1 = arith.constant 0 : i32
    return %c0_i32, %c0_i32_0 : i32, i32
  }
  func.func @transform_2(%arg0: i32) -> (i32, i32) {
    %c0_i32 = arith.constant 0 : i32
    %c0_i32_0 = arith.constant 0 : i32
    %c0_i32_1 = arith.constant 0 : i32
    return %c0_i32, %c0_i32_0 : i32, i32
  }
  func.func @transform_3(%arg0: i32) -> (i32, i32) {
    %c0_i32 = arith.constant 0 : i32
    %c0_i32_0 = arith.constant 0 : i32
    %c0_i32_1 = arith.constant 0 : i32
    return %c0_i32, %c0_i32_0 : i32, i32
  }
  func.func @transform_4(%arg0: i32) -> (i32, i32) {
    %c0_i32 = arith.constant 0 : i32
    %c0_i32_0 = arith.constant 0 : i32
    %c0_i32_1 = arith.constant 0 : i32
    return %c0_i32, %c0_i32_0 : i32, i32
  }
  func.func @transform_5(%arg0: i32) -> (i32, i32) {
    %c0_i32 = arith.constant 0 : i32
    %c0_i32_0 = arith.constant 0 : i32
    %c0_i32_1 = arith.constant 0 : i32
    return %c0_i32, %c0_i32_0 : i32, i32
  }
  func.func @transform_6(%arg0: i32) -> (i32, i32, i32) {
    %c0_i32 = arith.constant 0 : i32
    %c0_i32_0 = arith.constant 0 : i32
    %c0_i32_1 = arith.constant 0 : i32
    return %arg0, %c0_i32, %c0_i32_0 : i32, i32, i32
  }
}

module attributes {stable_mosaic.version = 14 : i64} {
  func.func @mlp_body(%arg0: i32, %arg1: memref<8000x128xf32, #tpu.memory_space<vmem>>, %arg2: memref<1x128xf32, #tpu.memory_space<vmem>>, %arg3: memref<128x128xf32, #tpu.memory_space<vmem>>, %arg4: memref<1x128xf32, #tpu.memory_space<vmem>>, %arg5: memref<1x128xf32, #tpu.memory_space<vmem>>, %arg6: memref<1x1xf32, #tpu.memory_space<vmem>>, %arg7: memref<1x1x8000xf32, #tpu.memory_space<vmem>>) attributes {dimension_semantics = [#tpu.dimension_semantics<arbitrary>], iteration_bounds = array<i64: 4>, scalar_prefetch = 0 : i64, scratch_operands = 0 : i64, tpu.core_type = #tpu.core_type<tc>, window_params = [{transform_indices = @transform_0, window_bounds = array<i64: 8000, 128>}, {pipeline_mode = #tpu.pipeline_mode<synchronous>, transform_indices = @transform_1, window_bounds = array<i64: 1, 128>}, {pipeline_mode = #tpu.pipeline_mode<synchronous>, transform_indices = @transform_2, window_bounds = array<i64: 128, 128>}, {pipeline_mode = #tpu.pipeline_mode<synchronous>, transform_indices = @transform_3, window_bounds = array<i64: 1, 128>}, {pipeline_mode = #tpu.pipeline_mode<synchronous>, transform_indices = @transform_4, window_bounds = array<i64: 1, 128>}, {pipeline_mode = #tpu.pipeline_mode<synchronous>, transform_indices = @transform_5, window_bounds = array<i64: 1, 1>}, {transform_indices = @transform_6, window_bounds = array<i64: 1, 1, 8000>}]} {
    %get3A = arith.constant 0 : index
    %get3A_0 = arith.constant 0 : index
    %get3A_1 = vector.load %arg1[%get3A, %get3A_0] : memref<8000x128xf32, #tpu.memory_space<vmem>>, vector<8000x128xf32>
    %get3A_2 = arith.constant 0 : index
    %get3A_3 = arith.constant 0 : index
    %get3A_4 = vector.load %arg2[%get3A_2, %get3A_3] : memref<1x128xf32, #tpu.memory_space<vmem>>, vector<1x128xf32>
    %add3A = vector.broadcast %get3A_4 : vector<1x128xf32> to vector<8000x128xf32>
    %add3A_5 = arith.addf %get3A_1, %add3A : vector<8000x128xf32>
    %max3A = arith.constant 0.000000e+00 : f32
    %max3A_6 = vector.broadcast %max3A : f32 to vector<8000x128xf32>
    %max3A_7 = arith.maximumf %add3A_5, %max3A_6 : vector<8000x128xf32>
    %get3A_8 = arith.constant 0 : index
    %get3A_9 = arith.constant 0 : index
    %get3A_10 = vector.load %arg3[%get3A_8, %get3A_9] : memref<128x128xf32, #tpu.memory_space<vmem>>, vector<128x128xf32>
    %dot_general3A = arith.constant dense<0.000000e+00> : vector<8000x128xf32>
    %dot_general3A_11 = tpu.matmul %max3A_7, %get3A_10, %dot_general3A {dimension_numbers = #tpu.dot_dimension_numbers<[1], [0], [0], [1], [0, 0, 1, 1], [], []>, transpose_lhs_hint = false} : vector<8000x128xf32>, vector<128x128xf32>, vector<8000x128xf32> -> vector<8000x128xf32>
    %get3A_12 = arith.constant 0 : index
    %get3A_13 = arith.constant 0 : index
    %get3A_14 = vector.load %arg4[%get3A_12, %get3A_13] : memref<1x128xf32, #tpu.memory_space<vmem>>, vector<1x128xf32>
    %add3A_15 = vector.broadcast %get3A_14 : vector<1x128xf32> to vector<8000x128xf32>
    %add3A_16 = arith.addf %dot_general3A_11, %add3A_15 : vector<8000x128xf32>
    %max3A_17 = arith.constant 0.000000e+00 : f32
    %max3A_18 = vector.broadcast %max3A_17 : f32 to vector<8000x128xf32>
    %max3A_19 = arith.maximumf %add3A_16, %max3A_18 : vector<8000x128xf32>
    %get3A_20 = arith.constant 0 : index
    %get3A_21 = arith.constant 0 : index
    %get3A_22 = vector.load %arg5[%get3A_20, %get3A_21] : memref<1x128xf32, #tpu.memory_space<vmem>>, vector<1x128xf32>
    %dot_general3A_23 = arith.constant dense<0.000000e+00> : vector<1x8000xf32>
    %dot_general3A_24 = tpu.matmul %get3A_22, %max3A_19, %dot_general3A_23 {dimension_numbers = #tpu.dot_dimension_numbers<[1], [1], [0], [0], [0, 0, 1, 0], [], []>, transpose_lhs_hint = false} : vector<1x128xf32>, vector<8000x128xf32>, vector<1x8000xf32> -> vector<1x8000xf32>
    %get3A_25 = arith.constant 0 : index
    %get3A_26 = arith.constant 0 : index
    %get3A_27 = vector.load %arg6[%get3A_25, %get3A_26] : memref<1x1xf32, #tpu.memory_space<vmem>>, vector<1x1xf32>
    %add3A_28 = vector.broadcast %get3A_27 : vector<1x1xf32> to vector<1x8000xf32>
    %add3A_29 = arith.addf %dot_general3A_24, %add3A_28 : vector<1x8000xf32>
    %logistic3A = arith.negf %add3A_29 : vector<1x8000xf32>
    %logistic3A_30 = math.exp %logistic3A : vector<1x8000xf32>
    %logistic3A_31 = arith.constant 1.000000e+00 : f32
    %logistic3A_32 = vector.broadcast %logistic3A_31 : f32 to vector<1x8000xf32>
    %logistic3A_33 = arith.addf %logistic3A_32, %logistic3A_30 : vector<1x8000xf32>
    %logistic3A_34 = arith.divf %logistic3A_32, %logistic3A_33 : vector<1x8000xf32>
    %reshape3A = vector.shape_cast %logistic3A_34 : vector<1x8000xf32> to vector<1x1x8000xf32>
    %swap3A = arith.constant 0 : index
    %swap3A_35 = arith.constant 0 : index
    %swap3A_36 = arith.constant 0 : index
    %swap3A_37 = vector.load %arg7[%swap3A, %swap3A_35, %swap3A_36] : memref<1x1x8000xf32, #tpu.memory_space<vmem>>, vector<1x1x8000xf32>
    tpu.vector_store %arg7[%swap3A, %swap3A_35, %swap3A_36], %reshape3A {strides = array<i32>} : memref<1x1x8000xf32, #tpu.memory_space<vmem>>, vector<1x1x8000xf32>,
    return
  }
  func.func @transform_0(%arg0: i32) -> (i32, i32) {
    %c0_i32 = arith.constant 0 : i32
    %c0_i32_0 = arith.constant 0 : i32
    return %arg0, %c0_i32 : i32, i32
  }
  func.func @transform_1(%arg0: i32) -> (i32, i32) {
    %c0_i32 = arith.constant 0 : i32
    %c0_i32_0 = arith.constant 0 : i32
    %c0_i32_1 = arith.constant 0 : i32
    return %c0_i32, %c0_i32_0 : i32, i32
  }
  func.func @transform_2(%arg0: i32) -> (i32, i32) {
    %c0_i32 = arith.constant 0 : i32
    %c0_i32_0 = arith.constant 0 : i32
    %c0_i32_1 = arith.constant 0 : i32
    return %c0_i32, %c0_i32_0 : i32, i32
  }
  func.func @transform_3(%arg0: i32) -> (i32, i32) {
    %c0_i32 = arith.constant 0 : i32
    %c0_i32_0 = arith.constant 0 : i32
    %c0_i32_1 = arith.constant 0 : i32
    return %c0_i32, %c0_i32_0 : i32, i32
  }
  func.func @transform_4(%arg0: i32) -> (i32, i32) {
    %c0_i32 = arith.constant 0 : i32
    %c0_i32_0 = arith.constant 0 : i32
    %c0_i32_1 = arith.constant 0 : i32
    return %c0_i32, %c0_i32_0 : i32, i32
  }
  func.func @transform_5(%arg0: i32) -> (i32, i32) {
    %c0_i32 = arith.constant 0 : i32
    %c0_i32_0 = arith.constant 0 : i32
    %c0_i32_1 = arith.constant 0 : i32
    return %c0_i32, %c0_i32_0 : i32, i32
  }
  func.func @transform_6(%arg0: i32) -> (i32, i32, i32) {
    %c0_i32 = arith.constant 0 : i32
    %c0_i32_0 = arith.constant 0 : i32
    %c0_i32_1 = arith.constant 0 : i32
    return %arg0, %c0_i32, %c0_i32_0 : i32, i32, i32
  }
}

module attributes {stable_mosaic.version = 14 : i64} {
  func.func @_topk_body(%arg0: memref<2500x128xf32, #tpu.memory_space<vmem>>, %arg1: memref<2500x128xf32, #tpu.memory_space<vmem>>) attributes {dimension_semantics = [], scalar_prefetch = 0 : i64, scratch_operands = 0 : i64, tpu.core_type = #tpu.core_type<tc>} {
    %get3A = arith.constant 0 : index
    %get3A_0 = arith.constant 0 : index
    %get3A_1 = vector.load %arg0[%get3A, %get3A_0] : memref<2500x128xf32, #tpu.memory_space<vmem>>, vector<2500x128xf32>
    %bitcast_convert_type3A = tpu.bitcast %get3A_1 : vector<2500x128xf32> -> vector<2500x128xi32>
    %scan3A = arith.constant 0 : i32
    %scan3A_2 = arith.constant 0 : i32
    %scan3A_3 = arith.constant 31 : i32
    %scan3A_4 = arith.addi %scan3A_2, %scan3A_3 : i32
    %scan3A_5 = arith.constant 1 : i32
    %scan3A_6 = scf.for %scan3A_31 = %scan3A_2 to %scan3A_4 step %scan3A_5 iter_args(%scan3A_32 = %scan3A) -> (i32)  : i32 {
      %sub3A_33 = arith.constant 30 : i32
      %sub3A_34 = arith.subi %sub3A_33, %scan3A_31 : i32
      %shift_left3A = arith.constant 1 : i32
      %shift_left3A_35 = arith.shli %shift_left3A, %sub3A_34 : i32
      %or3A_36 = arith.ori %scan3A_32, %shift_left3A_35 : i32
      %ge3A = vector.broadcast %or3A_36 : i32 to vector<2500x128xi32>
      %ge3A_37 = arith.cmpi sge, %bitcast_convert_type3A, %ge3A : vector<2500x128xi32>
      %convert_element_type3A_38 = arith.extui %ge3A_37 : vector<2500x128xi1> to vector<2500x128xi32>
      %reduce_sum3A_39 = vector.shape_cast %convert_element_type3A_38 : vector<2500x128xi32> to vector<1x2500x128xi32>
      %reduce_sum3A_40 = arith.constant dense<0> : vector<1xi32>
      %reduce_sum3A_41 = vector.multi_reduction <add>, %reduce_sum3A_39, %reduce_sum3A_40 [1, 2] : vector<1x2500x128xi32> to vector<1xi32>
      %reduce_sum3A_42 = vector.shape_cast %reduce_sum3A_41 : vector<1xi32> to vector<1x1x1xi32>
      %reduce_sum3A_43 = vector.extract %reduce_sum3A_42[0, 0, 0] : i32 from vector<1x1x1xi32>
      %ge3A_44 = arith.constant 32000 : i32
      %ge3A_45 = arith.cmpi sge, %reduce_sum3A_43, %ge3A_44 : i32
      %select_n3A_46 = arith.select %ge3A_45, %or3A_36, %scan3A_32 : i32
      scf.yield %select_n3A_46 : i32
    }
    %scan3A_7 = arith.constant 31 : i32
    %eq3A = vector.broadcast %scan3A_6 : i32 to vector<2500x128xi32>
    %eq3A_8 = arith.cmpi eq, %bitcast_convert_type3A, %eq3A : vector<2500x128xi32>
    %gt3A = vector.broadcast %scan3A_6 : i32 to vector<2500x128xi32>
    %gt3A_9 = arith.cmpi sgt, %bitcast_convert_type3A, %gt3A : vector<2500x128xi32>
    %convert_element_type3A = arith.extui %gt3A_9 : vector<2500x128xi1> to vector<2500x128xi32>
    %reduce_sum3A = vector.shape_cast %convert_element_type3A : vector<2500x128xi32> to vector<1x2500x128xi32>
    %reduce_sum3A_10 = arith.constant dense<0> : vector<1xi32>
    %reduce_sum3A_11 = vector.multi_reduction <add>, %reduce_sum3A, %reduce_sum3A_10 [1, 2] : vector<1x2500x128xi32> to vector<1xi32>
    %reduce_sum3A_12 = vector.shape_cast %reduce_sum3A_11 : vector<1xi32> to vector<1x1x1xi32>
    %reduce_sum3A_13 = vector.extract %reduce_sum3A_12[0, 0, 0] : i32 from vector<1x1x1xi32>
    %sub3A = arith.constant 32000 : i32
    %sub3A_14 = arith.subi %sub3A, %reduce_sum3A_13 : i32
    %iota3A = tpu.iota {dimensions = array<i32: 0>} : vector<2500x128xi32>
    %mul3A = arith.constant 128 : i32
    %mul3A_15 = vector.broadcast %mul3A : i32 to vector<2500x128xi32>
    %mul3A_16 = arith.muli %iota3A, %mul3A_15 : vector<2500x128xi32>
    %iota3A_17 = tpu.iota {dimensions = array<i32: 1>} : vector<2500x128xi32>
    %add3A = arith.addi %mul3A_16, %iota3A_17 : vector<2500x128xi32>
    %scan3A_18 = arith.constant 0 : i32
    %scan3A_19 = arith.constant 0 : i32
    %scan3A_20 = arith.constant 19 : i32
    %scan3A_21 = arith.addi %scan3A_19, %scan3A_20 : i32
    %scan3A_22 = arith.constant 1 : i32
    %scan3A_23 = scf.for %scan3A_31 = %scan3A_19 to %scan3A_21 step %scan3A_22 iter_args(%scan3A_32 = %scan3A_18) -> (i32)  : i32 {
      %sub3A_33 = arith.constant 18 : i32
      %sub3A_34 = arith.subi %sub3A_33, %scan3A_31 : i32
      %shift_left3A = arith.constant 1 : i32
      %shift_left3A_35 = arith.shli %shift_left3A, %sub3A_34 : i32
      %or3A_36 = arith.ori %scan3A_32, %shift_left3A_35 : i32
      %lt3A = vector.broadcast %or3A_36 : i32 to vector<2500x128xi32>
      %lt3A_37 = arith.cmpi slt, %add3A, %lt3A : vector<2500x128xi32>
      %and3A_38 = arith.andi %eq3A_8, %lt3A_37 : vector<2500x128xi1>
      %convert_element_type3A_39 = arith.extui %and3A_38 : vector<2500x128xi1> to vector<2500x128xi32>
      %reduce_sum3A_40 = vector.shape_cast %convert_element_type3A_39 : vector<2500x128xi32> to vector<1x2500x128xi32>
      %reduce_sum3A_41 = arith.constant dense<0> : vector<1xi32>
      %reduce_sum3A_42 = vector.multi_reduction <add>, %reduce_sum3A_40, %reduce_sum3A_41 [1, 2] : vector<1x2500x128xi32> to vector<1xi32>
      %reduce_sum3A_43 = vector.shape_cast %reduce_sum3A_42 : vector<1xi32> to vector<1x1x1xi32>
      %reduce_sum3A_44 = vector.extract %reduce_sum3A_43[0, 0, 0] : i32 from vector<1x1x1xi32>
      %sub3A_45 = arith.constant 1 : i32
      %sub3A_46 = arith.subi %sub3A_14, %sub3A_45 : i32
      %le3A_47 = arith.cmpi sle, %reduce_sum3A_44, %sub3A_46 : i32
      %select_n3A_48 = arith.select %le3A_47, %or3A_36, %scan3A_32 : i32
      scf.yield %select_n3A_48 : i32
    }
    %scan3A_24 = arith.constant 19 : i32
    %bitcast_convert_type3A_25 = arith.bitcast %scan3A_6 : i32 to f32
    %gt3A_26 = vector.broadcast %bitcast_convert_type3A_25 : f32 to vector<2500x128xf32>
    %gt3A_27 = arith.cmpf ogt, %get3A_1, %gt3A_26 : vector<2500x128xf32>
    %le3A = vector.broadcast %scan3A_23 : i32 to vector<2500x128xi32>
    %le3A_28 = arith.cmpi sle, %add3A, %le3A : vector<2500x128xi32>
    %and3A = arith.andi %eq3A_8, %le3A_28 : vector<2500x128xi1>
    %or3A = arith.ori %gt3A_27, %and3A : vector<2500x128xi1>
    %jit3A = arith.constant 0.000000e+00 : f32
    %broadcast_in_dim3A = vector.broadcast %jit3A : f32 to vector<2500x128xf32>
    %select_n3A = arith.select %or3A, %get3A_1, %broadcast_in_dim3A : vector<2500x128xi1>, vector<2500x128xf32>
    %swap3A = arith.constant 0 : index
    %swap3A_29 = arith.constant 0 : index
    %swap3A_30 = vector.load %arg1[%swap3A, %swap3A_29] : memref<2500x128xf32, #tpu.memory_space<vmem>>, vector<2500x128xf32>
    tpu.vector_store %arg1[%swap3A, %swap3A_29], %select_n3A {strides = array<i32>} : memref<2500x128xf32, #tpu.memory_space<vmem>>, vector<2500x128xf32>,
    return
  }
}

</mosaic_0001>

<sc_bundles>
// kernel: kernel.12.cloned.1.call-start
scs
__scs_entry_jumppad:
0x0: {  	(pc) =	sbr.rel $0x88, $3  }
0x1: {  	(tag) =	ssettag $0x0;
	lr =	simm.s32 $0x1  }
0x2: {  	[smem:$0x3F99] =	sst lr;
	_ =	strace $0xD0000000  }
0x3: {  	_ = 	snop  }
0x4: {  	_ = 	snop  }
0x5: {  	_ = 	snop  }
0x6: {  	_ = 	snop  }
0x7: {  	_ = 	snop  }
__scs_overlays_trampoline_lowered:
0x8: {  	[smem:$0x3FA8] =	sst s0  }
0x9: {  	[smem:$0x3FA9] =	sst s1  }
0xa: {  	[smem:$0x3FAA] =	sst s2  }
0xb: {  	[smem:$0x3FAB] =	sst s3  }
0xc: {  	[smem:$0x3FAC] =	sst s4  }
0xd: {  	[smem:$0x3FAD] =	sst s5  }
0xe: {  	[smem:$0x3FAE] =	sst s6  }
0xf: {  	[smem:$0x3FAF] =	sst s7  }
0x10: {  	[smem:$0x3FB0] =	sst s8  }
0x11: {  	[smem:$0x3FB1] =	sst s9;
	s0 =	simm.s32 @!p0 $0x0  }
0x12: {  	s1 =	sld [smem:$0x3F97];
	s0 =	simm.s32 @p0 $0x1  }
0x13: {  	[smem:$0x3FB2] =	sst s0;
	s0 =	simm.s32 @!p1 $0x0  }
0x14: {  	s2 =	sld [smem:$0x3F96];
	s0 =	simm.s32 @p1 $0x1  }
0x15: {  	[smem:$0x3FB3] =	sst s0;
	s0 =	simm.s32 @!p2 $0x0  }
0x16: {  	s3 =	sld [smem:$0x3FDB];
	s0 =	simm.s32 @p2 $0x1  }
0x17: {  	s4 =	simm.s32 $0x1BF5;
	[smem:$0x3FB5] =	sst s0  }
0x18: {  	s0 =	sld [smem:$0x3F98];
	_ =	swait.ge [sflag:s4], $0x0  }
0x19: {  	s7 =	sld [smem:$0x3F99]  }
0x1a: {  	s8 =	sadd.s32 $0xFFFFE003, lr  }
0x1b: {  	s9 =	sadd.s32 $0xFFFFFEF7, lr;
	s5 =	simm.s32 $0xFFFFFFFF;
	p2 =	slt.u32 s8, $0xFFFFF086  }
0x1c: {  	p1 =	slt.u32 s9, $0xF7A;
	s5 =	simm.s32 @!p2 $0x0  }
0x1d: {  	s5 =	simm.s32 @p1 $0x1;
	p0 =	seq.s32 s7, s2  }
0x1e: {  	s7 =	smul.u32 @!p0 $0xF7A, s2;
	p2 =	seq.s32 @!p0 s5, $0x0  }
0x1f: {  	s9 =	smul.u32 $0xF7A, s1;
	s8 =	simm.s32 @!p0 $0x1BF5;
	p2 =	por !p2, p0  }
0x20: {  	[sflag:s8] =	ssyncset.s32 @!p0 $0xFFFFF086;
	s6 =	sadd.s32 @!p0 s3, s7;
	s7 =	simm.s32 @!p0 $0x108  }
0x21: {  	s3 =	sadd.s32 s3, s9;
	s6 =	sadd.s32 @!p0 $0x88, s6;
	s7 =	simm.s32 @p2 $0x1082  }
0x22: {  	[simem:s7], [sflag:s8] =	dma.local @!p0 [hbm:s6], $0xF7A  }
0x23: {  	s9 =	sor.u32 $0xD0000000, s2;
	s6 =	simm.s32 $0x108;
	_ =	swait.ge @!p0 [sflag:s8], $0x0  }
0x24: {  	s3 =	sadd.s32 $0x88, s3;
	s6 =	simm.s32 @!p1 $0x1082;
	[sflag:s4] =	ssyncset.s32 $0xFFFFF086  }
0x25: {  	[simem:s6], [sflag:s4] =	dma.local [hbm:s3], $0xF7A  }
0x26: {  	[smem:$0x3F99] =	sst s1;
	(tag) =	ssettag s2;
	_ =	strace s9  }
0x27: {  	s1 =	sld [smem:$0x3FA9]  }
0x28: {  	s2 =	sld [smem:$0x3FAA]  }
0x29: {  	s4 =	sld [smem:$0x3FAC]  }
0x2a: {  	p0 =	seq.s32 s5, $0x0;
	s5 =	sld [smem:$0x3FAD]  }
0x2b: {  	s6 =	sld [smem:$0x3FAE]  }
0x2c: {  	s7 =	sld [smem:$0x3FAF]  }
0x2d: {  	s3 =	simm.s32 $0x108;
	s8 =	sld [smem:$0x3FB0]  }
0x2e: {  	s3 =	simm.s32 @!p0 $0x1082;
	s9 =	sld [smem:$0x3FB1]  }
0x2f: {  	lr =	sadd.s32 s0, s3;
	s0 =	sld [smem:$0x3FA8]  }
0x30: {  	s3 =	sld [smem:$0x3FAB]  }
0x31: {  	[smem:$0x3FB4] =	sst s10  }
0x32: {  	s10 =	sld [smem:$0x3FB2];
	_ =	sdelay $0x3  }
0x33: {  	p0 =	seq.s32 s10, $0x1;
	s10 =	sld [smem:$0x3FB4];
	_ =	sdelay $0x3  }
0x34: {  	[smem:$0x3FB4] =	sst s10  }
0x35: {  	s10 =	sld [smem:$0x3FB3];
	_ =	sdelay $0x3  }
0x36: {  	p1 =	seq.s32 s10, $0x1;
	s10 =	sld [smem:$0x3FB4];
	_ =	sdelay $0x3  }
0x37: {  	[smem:$0x3FB4] =	sst s10  }
0x38: {  	s10 =	sld [smem:$0x3FB5]  }
0x39: {  	_ = 	snop;
	(pc) =	sbr.ind lr, $3  }
0x3a: {  	_ = 	snop  }
0x3b: {  	_ = 	snop  }
0x3c: {  	p2 =	seq.s32 s10, $0x1;
	s10 =	sld [smem:$0x3FB4]  }
0x3d: {  	_ =	shalt  }
0x3e: {  	_ =	shalt  }
0x3f: {  	_ =	shalt  }
0x40: {  	_ =	shalt  }
0x41: {  	_ =	shalt  }
0x42: {  	_ =	shalt  }
0x43: {  	_ =	shalt  }
0x44: {  	_ =	shalt  }
0x45: {  	_ =	shalt  }
0x46: {  	_ =	shalt  }
0x47: {  	_ =	shalt  }
0x48: {  	_ =	shalt  }
0x49: {  	_ =	shalt  }
0x4a: {  	_ =	shalt  }
0x4b: {  	_ =	shalt  }
0x4c: {  	_ =	shalt  }
0x4d: {  	_ =	shalt  }
0x4e: {  	_ =	shalt  }
0x4f: {  	_ =	shalt  }
0x50: {  	_ =	shalt  }
0x51: {  	_ =	shalt  }
0x52: {  	_ =	shalt  }
0x53: {  	_ =	shalt  }
0x54: {  	_ =	shalt  }
0x55: {  	_ =	shalt  }
0x56: {  	_ =	shalt  }
0x57: {  	_ =	shalt  }
0x58: {  	_ =	shalt  }
0x59: {  	_ =	shalt  }
0x5a: {  	_ =	shalt  }
0x5b: {  	_ =	shalt  }
0x5c: {  	_ =	shalt  }
0x5d: {  	_ =	shalt  }
0x5e: {  	_ =	shalt  }
0x5f: {  	_ =	shalt  }
0x60: {  	_ =	shalt  }
0x61: {  	_ =	shalt  }
0x62: {  	_ =	shalt  }
0x63: {  	_ =	shalt  }
0x64: {  	_ =	shalt  }
0x65: {  	_ =	shalt  }
0x66: {  	_ =	shalt  }
0x67: {  	_ =	shalt  }
0x68: {  	_ =	shalt  }
0x69: {  	_ =	shalt  }
0x6a: {  	_ =	shalt  }
0x6b: {  	_ =	shalt  }
0x6c: {  	_ =	shalt  }
0x6d: {  	_ =	shalt  }
0x6e: {  	_ =	shalt  }
0x6f: {  	_ =	shalt  }
0x70: {  	_ =	shalt  }
0x71: {  	_ =	shalt  }
0x72: {  	_ =	shalt  }
0x73: {  	_ =	shalt  }
0x74: {  	_ =	shalt  }
0x75: {  	_ =	shalt  }
0x76: {  	_ =	shalt  }
0x77: {  	_ =	shalt  }
0x78: {  	_ =	shalt  }
0x79: {  	_ =	shalt  }
0x7a: {  	_ =	shalt  }
0x7b: {  	_ =	shalt  }
0x7c: {  	_ =	shalt  }
0x7d: {  	_ =	shalt  }
0x7e: {  	_ =	shalt  }
0x7f: {  	_ =	shalt  }
0x80: {  	_ =	shalt  }
0x81: {  	_ =	shalt  }
0x82: {  	_ =	shalt  }
0x83: {  	_ =	shalt  }
0x84: {  	_ =	shalt  }
0x85: {  	_ =	shalt  }
0x86: {  	_ =	shalt  }
0x87: {  	_ =	shalt  }
.Lfunc_end0:
.L_simem_size_0:
called_computation_lowered:
.L_overlay_start_0:
0x88: {  	s2 =	sld [smem:$0x3FD9]  }
0x89: {  	s3 =	sld [smem:$0x3FFE];
	_ =	sdelay $0x1  }
0x8a: {  	s1 =	srdreg.scid  }
0x8b: {  	s0 =	sand.u32 $0x1, s1  }
0x8c: {  	s17 =	sshll.u32 s0, $0xA;
	s2 =	sadd.s32 s3, s2  }
0x8d: {  	s2 =	sadd.s32 s2, s17  }
0x8e: {  	[smem:$0x3FC0] =	sst s2  }
0x8f: {  	_ = 	snop  }
0x90: {  	s2 =	sld [smem:$0x3FD0];
	(tm) =	ssettm $0x1  }
0x91: {  	s18 =	sld [smem:$0x3FFB];
	_ =	sdelay $0x3  }
0x92: {  	_ =	strace s18  }
0x93: {  	s3 =	sld [smem:$0x3FFC];
	_ =	sdelay $0x3  }
0x94: {  	_ =	strace s3  }
0x95: {  	s3 =	sld [smem:$0x3FFD];
	_ =	sdelay $0x3  }
0x96: {  	_ =	strace s3  }
0x97: {  	_ =	strace $0x8FFFFFFF  }
0x98: {  	s19 =	sld [smem:$0x3FDB];
	_ =	sdelay $0x1  }
0x99: {  	s4 =	simm.s32 $_scs_section_size  }
0x9a: {  	s5 =	simm.s32 $_size__tile_overlayer_lowered;
	s6 =	simm.s32 $_tile_overlayer_lowered  }
0x9b: {  	s22 =	simm.s32 $0x1BFF;
	s21 =	sshll.u32 s6, $0x1;
	s3 =	sadd.s32 s4, s19  }
0x9c: {  	s7 =	simm.s32 $0x0;
	s20 =	sshll.u32 s5, $0x1;
	s5 =	sadd.s32 s21, s3  }
0x9d: {  	[timem:s7], [sflag:s22] =	dma.local [hbm:s5], s20  }
0x9e: {  	_ =	swait.ge [sflag:s22], s20  }
0x9f: {  	s4 =	ssub.s32 $0x0, s20;
	[sflag:s22] =	ssyncset.done $0x0  }
0xa0: {  	[sflag:s22] =	ssyncadd.s32 s4;
	_ =	sdelay $0x1  }
0xa1: {  	s23 =	simm.s32 $0x1B8B  }
0xa2: {  	_ =	swait.ge [sflag:s23], $0x1  }
0xa3: {  	[sflag:s23] =	ssyncset.done $0x0  }
0xa4: {  	s25 =	simm.s32 $0x1B8E;
	s24 =	sld [smem:$0x3FFE];
	[sflag:s23] =	ssyncadd.s32 $0xFFFFFFFF  }
0xa5: {  	s26 =	simm.s32 $execute0_lowered;
	[smem:$0x3FD2] =	sst s25  }
0xa6: {  	s5 =	sshll.u32 s26, $0x1;
	_ =	strace $0x80000046;
	[dreg:$0x1] =	wrdreg $0xFFFFFFFF  }
0xa7: {  	s28 =	simm.s32 $_size_execute0_lowered;
	s3 =	sadd.s32 s3, s5;
	[dreg:$0x0] =	wrdreg $0x0  }
0xa8: {  	s5 =	sshll.u32 s28, $0x1;
	[dreg:$0x2] =	wrdreg s3  }
0xa9: {  	[dreg:$0x3] =	wrdreg s5  }
0xaa: {  	[dreg:$0x4] =	wrdreg $0xC0  }
0xab: {  	_ =	task [dreg:s7], $0x5FFFF  }
0xac: {  	[dreg:$0x1] =	wrdreg $0xFFFFFFFF  }
0xad: {  	[dreg:$0x0] =	wrdreg $0x60  }
0xae: {  	[dreg:$0x2] =	wrdreg s24  }
0xaf: {  	[dreg:$0x3] =	wrdreg s2  }
0xb0: {  	[dreg:$0x4] =	wrdreg $0x9  }
0xb1: {  	_ =	task.clear_ibuf [dreg:s7], $0x5FFFF;
	_ =	strace $0x90000046  }
0xb2: {  	s29 =	simm.s32 $0x9;
	_ =	strace $0x80000048  }
0xb3: {  	_ =	swait.ge [sflag:s29], $0x1  }
0xb4: {  	[sflag:s29] =	ssyncadd.s32 $0xFFFFFFFF  }
0xb5: {  	_ =	strace $0x90000048  }
0xb6: {  	_ =	sfence  }
0xb7: {  	s30 =	sld [smem:$0x0];
	_ =	sdelay $0x2  }
0xb8: {  	s31 =	sshll.u32 s1, $0xD;
	s1 =	sshrl.u32 s1, $0x2  }
0xb9: {  	s3 =	sand.u32 $0x4000, s31;
	s1 =	sadd.s32 s1, s30  }
0xba: {  	s0 =	sor.u32 s3, s0;
	s1 =	sshll.u32 s1, $0x11  }
0xbb: {  	s0 =	sor.u32 s1, s0  }
0xbc: {  	s0 =	sadd.s32 $0x8F2B, s0  }
0xbd: {  	[sflag:s0] =	ssyncadd.remote.s32 $0x1  }
0xbe: {  	_ =	sfence.sel $0xFFFF  }
0xbf: {  	[dreg:$0x0] =	wrdreg $0xFFFFFFFF;
	(pc) =	sbr.abs _section_cstart, $3  }
0xc0: {  	[dreg:$0x1] =	wrdreg $0xFFFFFFFF  }
0xc1: {  	_ =	task.clear_ibuf [dreg:s7], $0x2FFFF;
	_ =	strace $0x9FFFFFFF  }
0xc2: {  	(tm) =	ssettm $0x7FFFFFFF  }
0xc3: {  	_ =	shalt  }
tec
execute0_lowered:
.L_overlay_start_1:
0x0: {  	(tag) =	ssettag $0x1  }
0x1: {  	s5 =	rddreg [dreg:$0x0]  }
0x2: {  	s8 =	rddreg [dreg:$0x1]  }
0x3: {  	s3 =	srdreg.scid;
	s1 =	stileid.u32  }
0x4: {  	s2 =	simm.s32 $0x0;
	s13 =	simm.s32 $0x1C00;
	s14 =	simm.s32 $0x5C00  }
0x5: {  	s15 =	simm.s32 $0x100;
	s16 =	simm.s32 $0x9C00;
	s17 =	simm.s32 $0x180  }
0x6: {  	s18 =	simm.s32 $0xDC00;
	s19 =	simm.s32 $0x1;
	s20 =	simm.s32 $0x2  }
0x7: {  	s21 =	simm.s32 $0x3;
	s22 =	simm.s32 $0x4;
	s23 =	simm.s32 $0x5  }
0x8: {  	s24 =	simm.s32 $0x6;
	s25 =	simm.s32 $0x0;
	s6 =	sand.u32 $0x1, s3  }
0x9: {  	s30 =	sshll.u32 s1, $0x1;
	[smem:$0x7FF] =	sst s2;
	s3 =	sadd.s32 $0x9000, s5  }
0xa: {  	s4 =	sadd.s32 $0x30200, s5;
	s5 =	sadd.s32 $0x57400, s5;
	s11 =	sor.u32 s6, s30  }
0xb: {  	_ =	strace $0x80000047;
	s9 =	ssub.s32 $0x2, s6;
	s7 =	smul.u32 $0x1B, s11  }
.Ltmp0:
0xc: {  	s31 =	smin.u32 s11, $0xB;
	s10 =	sshrl.u32 s9, $0x1;
	(pc) =	sbr.rel .LBB2_1-.Ltmp0, $4  }
0xd: {  	p0 =	slt.u32 s11, $0xB;
	s10 =	ssub.s32 s9, s10;
	s6 =	sadd.s32 s31, s7  }
0xe: {  	s7 =	simm.s32 $0x1C;
	s10 =	smax.u32 s10, $0x1;
	s12 =	sshll.u32 s6, $0x5  }
0xf: {  	s7 =	simm.s32 @!p0 $0x1B;
	p0 =	sgt.u32 s11, $0xA;
	s8 =	sadd.s32 s8, s12  }
0x10: {  	s11 =	simm.s32 $0x7;
	s12 =	simm.s32 $0x80;
	s9 =	sadd.s32 $0x360, s8  }
.LBB2_11:
0x11: {  	s25 =	sadd.s32 $0x1, s25  }
0x12: {  	_ =	swait.ge [sflag:s23], $0x4000;
	p1 =	sne.s32 s25, s10  }
.Ltmp1:
0x13: {  	[sflag:s23] =	ssyncset.done $0x0;
	(pc) =	sbr.rel @!p1 .LBB2_12-.Ltmp1, $4  }
0x14: {  	[sflag:s23] =	ssyncadd.s32 $0xFFFFC000  }
0x15: {  	_ =	swait.ge [sflag:s24], $0x4000  }
0x16: {  	[sflag:s24] =	ssyncset.done $0x0  }
0x17: {  	[sflag:s24] =	ssyncadd.s32 $0xFFFFC000  }
.LBB2_1:
0x18: {  	[tilespmem:s2], [sflag:$0x7] =	stream.linear.gather [hbm4b:s8+s2], $0x1B00, $0x38;
	[tilespmem:$0x11C00] =	vst v63  }
0x19: {  	_ =	swait.ge [sflag:s11], $0x1B00  }
0x1a: {  	[sflag:s11] =	ssyncset.done $0x0  }
0x1b: {  	s26 =	simm.s32 @!p0 $0x0;
	s28 =	simm.s32 @!p0 $0x1B00;
	[sflag:s11] =	ssyncadd.s32 $0xFFFFE500  }
0x1c: {  	[tilespmem:s28], [sflag:$0x7] =	stream.linear.gather @!p0 [hbm4b:s9+s26], $0x100, $0x38;
	[tilespmem:$0x11C00] =	vst v63  }
0x1d: {  	s26 =	simm.s32 @!p0 $0x7  }
0x1e: {  	_ =	swait.ge @!p0 [sflag:s26], $0x100  }
0x1f: {  	[sflag:s26] =	ssyncset.done @!p0 $0x0  }
0x20: {  	[sflag:s26] =	ssyncadd.s32 @!p0 $0xFFFFFF00  }
0x21: {  	[tilespmem:s13], [sflag:$0x1] =	stream.indirect.gather [hbm4b:s3+s12], $0x80, s2, s12, $0xb8;
	[tilespmem:$0x11C00] =	vst v63  }
0x22: {  	_ = 	snop  }
0x23: {  	[tilespmem:s14], [sflag:$0x2] =	stream.indirect.gather [hbm4b:s4+s12], $0x80, s12, s12, $0xb8;
	[tilespmem:$0x11C00] =	vst v63  }
.Ltmp2:
0x24: {  	_ = 	snop;
	(pc) =	sbr.rel .LBB2_2-.Ltmp2, $4  }
0x25: {  	_ = 	snop  }
0x26: {  	[tilespmem:s16], [sflag:$0x3] =	stream.indirect.gather [hbm4b:s3+s12], $0x80, s15, s12, $0xb8;
	[tilespmem:$0x11C00] =	vst v63  }
0x27: {  	s26 =	simm.s32 $0x0  }
0x28: {  	[tilespmem:s18], [sflag:$0x4] =	stream.indirect.gather [hbm4b:s4+s12], $0x80, s17, s12, $0xb8;
	[tilespmem:$0x11C00] =	vst v63  }
.LBB2_10:
0x29: {  	s0 =	sadd.s32 $0x2, s28  }
0x2a: {  	p1 =	sge.u32 s0, s7  }
0x2b: {  	s29 =	simm.s32 @!p1 $0x5  }
0x2c: {  	_ =	swait.ge @!p1 [sflag:s29], $0x4000  }
0x2d: {  	s0 =	sshll.u32 @!p1 s0, $0x8;
	s30 =	simm.s32 @!p1 $0x1C00;
	[sflag:s29] =	ssyncset.done @!p1 $0x0  }
0x2e: {  	s0 =	sand.u32 @!p1 $0x3FFFFF00, s0;
	[sflag:s29] =	ssyncadd.s32 @!p1 $0xFFFFC000;
	s29 =	simm.s32 @!p1 $0x80  }
0x2f: {  	[tilespmem:s30], [sflag:$0x1] =	stream.indirect.gather @!p1 [hbm4b:s3+s29], $0x80, s0, s29, $0xb8;
	[tilespmem:$0x11C00] =	vst v63  }
0x30: {  	s0 =	sor.u32 @!p1 $0x80, s0;
	s30 =	simm.s32 @!p1 $0x5C00  }
0x31: {  	[tilespmem:s30], [sflag:$0x2] =	stream.indirect.gather @!p1 [hbm4b:s4+s29], $0x80, s0, s29, $0xb8;
	[tilespmem:$0x11C00] =	vst v63  }
0x32: {  	s0 =	sadd.s32 $0x3, s28  }
0x33: {  	p1 =	sge.u32 s0, s7  }
0x34: {  	s28 =	simm.s32 @!p1 $0x6  }
0x35: {  	_ =	swait.ge @!p1 [sflag:s28], $0x4000  }
0x36: {  	s0 =	sshll.u32 @!p1 s0, $0x8;
	s29 =	simm.s32 @!p1 $0x9C00;
	[sflag:s28] =	ssyncset.done @!p1 $0x0  }
0x37: {  	s0 =	sand.u32 @!p1 $0x3FFFFF00, s0;
	[sflag:s28] =	ssyncadd.s32 @!p1 $0xFFFFC000;
	s28 =	simm.s32 @!p1 $0x80  }
0x38: {  	[tilespmem:s29], [sflag:$0x3] =	stream.indirect.gather @!p1 [hbm4b:s3+s28], $0x80, s0, s28, $0xb8;
	[tilespmem:$0x11C00] =	vst v63  }
0x39: {  	s26 =	sadd.s32 $0x1, s26;
	s0 =	sor.u32 @!p1 $0x80, s0;
	s29 =	simm.s32 @!p1 $0xDC00  }
0x3a: {  	[tilespmem:s29], [sflag:$0x4] =	stream.indirect.gather @!p1 [hbm4b:s4+s28], $0x80, s0, s28, $0xb8;
	[tilespmem:$0x11C00] =	vst v63  }
0x3b: {  	p1 =	sne.s32 s26, $0xE  }
.Ltmp3:
0x3c: {  	_ = 	snop;
	(pc) =	sbr.rel @!p1 .LBB2_11-.Ltmp3, $1  }
0x3d: {  	_ =	sdelay $0x3  }
.LBB2_2:
0x3e: {  	s28 =	sshll.u32 s26, $0x1  }
0x3f: {  	p1 =	sge.u32 s28, s7  }
.Ltmp4:
0x40: {  	_ = 	snop;
	(pc) =	sbr.rel @p1 .LBB2_6-.Ltmp4, $1  }
0x41: {  	_ =	sdelay $0x3  }
0x42: {  	_ =	swait.ge [sflag:s19], $0x4000  }
0x43: {  	[sflag:s19] =	ssyncset.done $0x0  }
0x44: {  	[sflag:s19] =	ssyncadd.s32 $0xFFFFC000  }
0x45: {  	_ =	swait.ge [sflag:s20], $0x4000  }
0x46: {  	[sflag:s20] =	ssyncset.done $0x0  }
0x47: {  	s29 =	simm.s32 $0x0;
	[sflag:s20] =	ssyncadd.s32 $0xFFFFC000  }
0x48: {  	v6 =	vld [tilespmem:s29+$0x5C00]  }
0x49: {  	v7 =	vld [tilespmem:s29+$0x5C10]  }
0x4a: {  	v8 =	vld [tilespmem:s29+$0x5C20]  }
0x4b: {  	v9 =	vld [tilespmem:s29+$0x5C30]  }
0x4c: {  	v10 =	vld [tilespmem:s29+$0x5C40]  }
0x4d: {  	v11 =	vld [tilespmem:s29+$0x5C50]  }
0x4e: {  	v12 =	vld [tilespmem:s29+$0x5C60]  }
0x4f: {  	v13 =	vld [tilespmem:s29+$0x5C70]  }
0x50: {  	v14 =	vld [tilespmem:s29+$0x5C80]  }
0x51: {  	v15 =	vld [tilespmem:s29+$0x5C90]  }
0x52: {  	v5 =	vld [tilespmem:s29+$0x5CA0]  }
0x53: {  	v4 =	vld [tilespmem:s29+$0x5CB0]  }
0x54: {  	v3 =	vld [tilespmem:s29+$0x5CC0]  }
0x55: {  	v2 =	vld [tilespmem:s29+$0x5CD0]  }
0x56: {  	v1 =	vld [tilespmem:s29+$0x5CE0]  }
0x57: {  	v0 =	vld [tilespmem:s29+$0x5CF0]  }
0x58: {  	v16 =	vld [tilespmem:s29+$0x1C00]  }
0x59: {  	v17 =	vld [tilespmem:s29+$0x1C10]  }
0x5a: {  	v18 =	vld [tilespmem:s29+$0x1C20]  }
0x5b: {  	v19 =	vld [tilespmem:s29+$0x1C30]  }
0x5c: {  	v20 =	vld [tilespmem:s29+$0x1C40]  }
0x5d: {  	v60 =	vld [tilespmem:s29+$0x1C50];
	v6 =	vadd.f32 v6, v16  }
0x5e: {  	v21 =	vld [tilespmem:s29+$0x1C60];
	v7 =	vadd.f32 v7, v17  }
0x5f: {  	v61 =	vld [tilespmem:s29+$0x1C70];
	[tilespmem:s29+$0x1C00] =	vst v6;
	v6 =	vadd.f32 v8, v18  }
0x60: {  	v62 =	vld [tilespmem:s29+$0x1C80];
	[tilespmem:s29+$0x1C10] =	vst v7;
	v7 =	vadd.f32 v9, v19  }
0x61: {  	v63 =	vld [tilespmem:s29+$0x1C90];
	[tilespmem:s29+$0x1C20] =	vst v6;
	v6 =	vadd.f32 v10, v20  }
0x62: {  	v8 =	vadd.f32 v11, v60;
	[tilespmem:s29+$0x1C30] =	vst v7;
	v7 =	vld [tilespmem:s29+$0x1CA0]  }
0x63: {  	v9 =	vadd.f32 v12, v21;
	[tilespmem:s29+$0x1C40] =	vst v6;
	v6 =	vld [tilespmem:s29+$0x1CB0]  }
0x64: {  	[tilespmem:s29+$0x1C50] =	vst v8;
	v8 =	vld [tilespmem:s29+$0x1CC0];
	v10 =	vadd.f32 v13, v61  }
0x65: {  	v12 =	vadd.f32 v14, v62;
	[tilespmem:s29+$0x1C60] =	vst v9;
	v9 =	vld [tilespmem:s29+$0x1CD0]  }
0x66: {  	s30 =	simm.s32 $0x400;
	v11 =	vadd.f32 v15, v63;
	[tilespmem:s29+$0x1C70] =	vst v10;
	v10 =	vld [tilespmem:s29+$0x1CE0]  }
.LBB2_4:
0x67: {  	s31 =	sshra.s32 s30, $0x2;
	p1 =	sne.s32 s30, $0xFC00;
	[tilespmem:s29+$0x1C80] =	vst v12;
	v5 =	vadd.f32 v5, v7;
	v7 =	vld [tilespmem:s29+$0x1CF0]  }
0x68: {  	v12 =	vld [tilespmem:s31+$0x5C00];
	[tilespmem:s29+$0x1C90] =	vst v11;
	v4 =	vadd.f32 v4, v6  }
0x69: {  	v6 =	vld [tilespmem:s31+$0x5C10];
	[tilespmem:s29+$0x1CA0] =	vst v5;
	v3 =	vadd.f32 v3, v8  }
0x6a: {  	v8 =	vld [tilespmem:s31+$0x5C20];
	[tilespmem:s29+$0x1CB0] =	vst v4;
	v2 =	vadd.f32 v2, v9  }
0x6b: {  	v9 =	vld [tilespmem:s31+$0x5C30];
	[tilespmem:s29+$0x1CC0] =	vst v3;
	v1 =	vadd.f32 v1, v10  }
0x6c: {  	v10 =	vld [tilespmem:s31+$0x5C40];
	[tilespmem:s29+$0x1CD0] =	vst v2;
	v0 =	vadd.f32 v0, v7  }
0x6d: {  	v7 =	vld [tilespmem:s31+$0x5C50];
	[tilespmem:s29+$0x1CE0] =	vst v1  }
0x6e: {  	v11 =	vld [tilespmem:s31+$0x5C60];
	[tilespmem:s29+$0x1CF0] =	vst v0;
	s29 =	smov.u32 s31  }
0x6f: {  	v13 =	vld [tilespmem:s29+$0x5C70]  }
0x70: {  	v14 =	vld [tilespmem:s29+$0x5C80]  }
0x71: {  	v15 =	vld [tilespmem:s29+$0x5C90]  }
0x72: {  	v5 =	vld [tilespmem:s29+$0x5CA0]  }
0x73: {  	v4 =	vld [tilespmem:s29+$0x5CB0]  }
0x74: {  	v3 =	vld [tilespmem:s29+$0x5CC0]  }
0x75: {  	v2 =	vld [tilespmem:s29+$0x5CD0]  }
0x76: {  	v1 =	vld [tilespmem:s29+$0x5CE0]  }
0x77: {  	v0 =	vld [tilespmem:s29+$0x5CF0]  }
0x78: {  	v16 =	vld [tilespmem:s29+$0x1C00]  }
0x79: {  	v17 =	vld [tilespmem:s29+$0x1C10]  }
0x7a: {  	v18 =	vld [tilespmem:s29+$0x1C20]  }
0x7b: {  	v19 =	vld [tilespmem:s29+$0x1C30]  }
0x7c: {  	v20 =	vld [tilespmem:s29+$0x1C40]  }
0x7d: {  	v12 =	vadd.f32 v12, v16;
	v16 =	vld [tilespmem:s29+$0x1C50]  }
0x7e: {  	v6 =	vadd.f32 v6, v17;
	v17 =	vld [tilespmem:s29+$0x1C60]  }
0x7f: {  	[tilespmem:s29+$0x1C00] =	vst v12;
	v8 =	vadd.f32 v8, v18;
	v12 =	vld [tilespmem:s29+$0x1C70]  }
0x80: {  	[tilespmem:s29+$0x1C10] =	vst v6;
	v6 =	vadd.f32 v9, v19;
	v9 =	vld [tilespmem:s29+$0x1C80]  }
0x81: {  	[tilespmem:s29+$0x1C20] =	vst v8;
	v8 =	vadd.f32 v10, v20;
	v10 =	vld [tilespmem:s29+$0x1C90]  }
.Ltmp5:
0x82: {  	[tilespmem:s29+$0x1C30] =	vst v6;
	v16 =	vadd.f32 v7, v16;
	v7 =	vld [tilespmem:s29+$0x1CA0];
	(pc) =	sbr.rel @p1 .LBB2_4-.Ltmp5, $4  }
0x83: {  	[tilespmem:s29+$0x1C40] =	vst v8;
	v11 =	vadd.f32 v11, v17;
	v6 =	vld [tilespmem:s29+$0x1CB0]  }
0x84: {  	[tilespmem:s29+$0x1C50] =	vst v16;
	v13 =	vadd.f32 v13, v12;
	v8 =	vld [tilespmem:s29+$0x1CC0]  }
0x85: {  	[tilespmem:s29+$0x1C60] =	vst v11;
	v12 =	vadd.f32 v14, v9;
	v9 =	vld [tilespmem:s29+$0x1CD0]  }
0x86: {  	s30 =	sadd.s32 $0x400, s30;
	[tilespmem:s29+$0x1C70] =	vst v13;
	v11 =	vadd.f32 v15, v10;
	v10 =	vld [tilespmem:s29+$0x1CE0]  }
0x87: {  	[tilespmem:s29+$0x1C80] =	vst v12;
	v5 =	vadd.f32 v5, v7;
	v63 =	vld [tilespmem:s29+$0x1CF0]  }
0x88: {  	[tilespmem:s29+$0x1C90] =	vst v11;
	v4 =	vadd.f32 v4, v6  }
0x89: {  	[tilespmem:s29+$0x1CA0] =	vst v5;
	v3 =	vadd.f32 v3, v8  }
0x8a: {  	[tilespmem:s29+$0x1CB0] =	vst v4;
	v2 =	vadd.f32 v2, v9  }
0x8b: {  	s30 =	sadd.s32 s6, s28;
	[tilespmem:s29+$0x1CC0] =	vst v3;
	v1 =	vadd.f32 v1, v10  }
0x8c: {  	s30 =	sshll.u32 s30, $0xB;
	[tilespmem:s29+$0x1CD0] =	vst v2;
	v0 =	vadd.f32 v0, v63  }
0x8d: {  	s30 =	sand.u32 $0x1FFFF800, s30;
	[tilespmem:s29+$0x1CE0] =	vst v1  }
0x8e: {  	s31 =	sadd.s32 s5, s30;
	[tilespmem:s29+$0x1CF0] =	vst v0  }
0x8f: {  	[hbm4b:s31+s2] =	stream.linear.scatter [tilespmem:s13], [sflag:$0x5], $0x4000, $0x38;
	[tilespmem:$0x11C00] =	vst v63  }
.LBB2_6:
0x90: {  	s29 =	sor.u32 $0x1, s28  }
0x91: {  	p1 =	sge.u32 s29, s7  }
.Ltmp6:
0x92: {  	_ = 	snop;
	(pc) =	sbr.rel @p1 .LBB2_10-.Ltmp6, $1  }
0x93: {  	_ =	sdelay $0x3  }
0x94: {  	_ =	swait.ge [sflag:s21], $0x4000  }
0x95: {  	[sflag:s21] =	ssyncset.done $0x0  }
0x96: {  	[sflag:s21] =	ssyncadd.s32 $0xFFFFC000  }
0x97: {  	_ =	swait.ge [sflag:s22], $0x4000  }
0x98: {  	[sflag:s22] =	ssyncset.done $0x0  }
0x99: {  	s30 =	simm.s32 $0x0;
	[sflag:s22] =	ssyncadd.s32 $0xFFFFC000  }
0x9a: {  	v6 =	vld [tilespmem:s30+$0xDC00]  }
0x9b: {  	v7 =	vld [tilespmem:s30+$0xDC10]  }
0x9c: {  	v8 =	vld [tilespmem:s30+$0xDC20]  }
0x9d: {  	v9 =	vld [tilespmem:s30+$0xDC30]  }
0x9e: {  	v10 =	vld [tilespmem:s30+$0xDC40]  }
0x9f: {  	v11 =	vld [tilespmem:s30+$0xDC50]  }
0xa0: {  	v12 =	vld [tilespmem:s30+$0xDC60]  }
0xa1: {  	v13 =	vld [tilespmem:s30+$0xDC70]  }
0xa2: {  	v14 =	vld [tilespmem:s30+$0xDC80]  }
0xa3: {  	v15 =	vld [tilespmem:s30+$0xDC90]  }
0xa4: {  	v5 =	vld [tilespmem:s30+$0xDCA0]  }
0xa5: {  	v4 =	vld [tilespmem:s30+$0xDCB0]  }
0xa6: {  	v3 =	vld [tilespmem:s30+$0xDCC0]  }
0xa7: {  	v2 =	vld [tilespmem:s30+$0xDCD0]  }
0xa8: {  	v1 =	vld [tilespmem:s30+$0xDCE0]  }
0xa9: {  	v0 =	vld [tilespmem:s30+$0xDCF0]  }
0xaa: {  	v16 =	vld [tilespmem:s30+$0x9C00]  }
0xab: {  	v17 =	vld [tilespmem:s30+$0x9C10]  }
0xac: {  	v18 =	vld [tilespmem:s30+$0x9C20]  }
0xad: {  	v19 =	vld [tilespmem:s30+$0x9C30]  }
0xae: {  	v20 =	vld [tilespmem:s30+$0x9C40]  }
0xaf: {  	v60 =	vld [tilespmem:s30+$0x9C50];
	v6 =	vadd.f32 v6, v16  }
0xb0: {  	v21 =	vld [tilespmem:s30+$0x9C60];
	v7 =	vadd.f32 v7, v17  }
0xb1: {  	v61 =	vld [tilespmem:s30+$0x9C70];
	[tilespmem:s30+$0x9C00] =	vst v6;
	v6 =	vadd.f32 v8, v18  }
0xb2: {  	v62 =	vld [tilespmem:s30+$0x9C80];
	[tilespmem:s30+$0x9C10] =	vst v7;
	v7 =	vadd.f32 v9, v19  }
0xb3: {  	v63 =	vld [tilespmem:s30+$0x9C90];
	[tilespmem:s30+$0x9C20] =	vst v6;
	v6 =	vadd.f32 v10, v20  }
0xb4: {  	v8 =	vadd.f32 v11, v60;
	[tilespmem:s30+$0x9C30] =	vst v7;
	v7 =	vld [tilespmem:s30+$0x9CA0]  }
0xb5: {  	v9 =	vadd.f32 v12, v21;
	[tilespmem:s30+$0x9C40] =	vst v6;
	v6 =	vld [tilespmem:s30+$0x9CB0]  }
0xb6: {  	[tilespmem:s30+$0x9C50] =	vst v8;
	v8 =	vld [tilespmem:s30+$0x9CC0];
	v10 =	vadd.f32 v13, v61  }
0xb7: {  	v12 =	vadd.f32 v14, v62;
	[tilespmem:s30+$0x9C60] =	vst v9;
	v9 =	vld [tilespmem:s30+$0x9CD0]  }
0xb8: {  	s31 =	simm.s32 $0x400;
	v11 =	vadd.f32 v15, v63;
	[tilespmem:s30+$0x9C70] =	vst v10;
	v10 =	vld [tilespmem:s30+$0x9CE0]  }
.LBB2_8:
0xb9: {  	s0 =	sshra.s32 s31, $0x2;
	p1 =	sne.s32 s31, $0xFC00;
	[tilespmem:s30+$0x9C80] =	vst v12;
	v5 =	vadd.f32 v5, v7;
	v7 =	vld [tilespmem:s30+$0x9CF0]  }
0xba: {  	v12 =	vld [tilespmem:s0+$0xDC00];
	[tilespmem:s30+$0x9C90] =	vst v11;
	v4 =	vadd.f32 v4, v6  }
0xbb: {  	v6 =	vld [tilespmem:s0+$0xDC10];
	[tilespmem:s30+$0x9CA0] =	vst v5;
	v3 =	vadd.f32 v3, v8  }
0xbc: {  	v8 =	vld [tilespmem:s0+$0xDC20];
	[tilespmem:s30+$0x9CB0] =	vst v4;
	v2 =	vadd.f32 v2, v9  }
0xbd: {  	v9 =	vld [tilespmem:s0+$0xDC30];
	[tilespmem:s30+$0x9CC0] =	vst v3;
	v1 =	vadd.f32 v1, v10  }
0xbe: {  	v10 =	vld [tilespmem:s0+$0xDC40];
	[tilespmem:s30+$0x9CD0] =	vst v2;
	v0 =	vadd.f32 v0, v7  }
0xbf: {  	v7 =	vld [tilespmem:s0+$0xDC50];
	[tilespmem:s30+$0x9CE0] =	vst v1  }
0xc0: {  	v11 =	vld [tilespmem:s0+$0xDC60];
	[tilespmem:s30+$0x9CF0] =	vst v0;
	s30 =	smov.u32 s0  }
0xc1: {  	v13 =	vld [tilespmem:s30+$0xDC70]  }
0xc2: {  	v14 =	vld [tilespmem:s30+$0xDC80]  }
0xc3: {  	v15 =	vld [tilespmem:s30+$0xDC90]  }
0xc4: {  	v5 =	vld [tilespmem:s30+$0xDCA0]  }
0xc5: {  	v4 =	vld [tilespmem:s30+$0xDCB0]  }
0xc6: {  	v3 =	vld [tilespmem:s30+$0xDCC0]  }
0xc7: {  	v2 =	vld [tilespmem:s30+$0xDCD0]  }
0xc8: {  	v1 =	vld [tilespmem:s30+$0xDCE0]  }
0xc9: {  	v0 =	vld [tilespmem:s30+$0xDCF0]  }
0xca: {  	v16 =	vld [tilespmem:s30+$0x9C00]  }
0xcb: {  	v17 =	vld [tilespmem:s30+$0x9C10]  }
0xcc: {  	v18 =	vld [tilespmem:s30+$0x9C20]  }
0xcd: {  	v19 =	vld [tilespmem:s30+$0x9C30]  }
0xce: {  	v20 =	vld [tilespmem:s30+$0x9C40]  }
0xcf: {  	v12 =	vadd.f32 v12, v16;
	v16 =	vld [tilespmem:s30+$0x9C50]  }
0xd0: {  	v6 =	vadd.f32 v6, v17;
	v17 =	vld [tilespmem:s30+$0x9C60]  }
0xd1: {  	[tilespmem:s30+$0x9C00] =	vst v12;
	v8 =	vadd.f32 v8, v18;
	v12 =	vld [tilespmem:s30+$0x9C70]  }
0xd2: {  	[tilespmem:s30+$0x9C10] =	vst v6;
	v6 =	vadd.f32 v9, v19;
	v9 =	vld [tilespmem:s30+$0x9C80]  }
0xd3: {  	[tilespmem:s30+$0x9C20] =	vst v8;
	v8 =	vadd.f32 v10, v20;
	v10 =	vld [tilespmem:s30+$0x9C90]  }
.Ltmp7:
0xd4: {  	[tilespmem:s30+$0x9C30] =	vst v6;
	v16 =	vadd.f32 v7, v16;
	v7 =	vld [tilespmem:s30+$0x9CA0];
	(pc) =	sbr.rel @p1 .LBB2_8-.Ltmp7, $4  }
0xd5: {  	[tilespmem:s30+$0x9C40] =	vst v8;
	v11 =	vadd.f32 v11, v17;
	v6 =	vld [tilespmem:s30+$0x9CB0]  }
0xd6: {  	[tilespmem:s30+$0x9C50] =	vst v16;
	v13 =	vadd.f32 v13, v12;
	v8 =	vld [tilespmem:s30+$0x9CC0]  }
0xd7: {  	[tilespmem:s30+$0x9C60] =	vst v11;
	v12 =	vadd.f32 v14, v9;
	v9 =	vld [tilespmem:s30+$0x9CD0]  }
0xd8: {  	s31 =	sadd.s32 $0x400, s31;
	[tilespmem:s30+$0x9C70] =	vst v13;
	v11 =	vadd.f32 v15, v10;
	v10 =	vld [tilespmem:s30+$0x9CE0]  }
0xd9: {  	[tilespmem:s30+$0x9C80] =	vst v12;
	v5 =	vadd.f32 v5, v7;
	v63 =	vld [tilespmem:s30+$0x9CF0]  }
0xda: {  	[tilespmem:s30+$0x9C90] =	vst v11;
	v4 =	vadd.f32 v4, v6  }
0xdb: {  	[tilespmem:s30+$0x9CA0] =	vst v5;
	v3 =	vadd.f32 v3, v8  }
0xdc: {  	[tilespmem:s30+$0x9CB0] =	vst v4;
	v2 =	vadd.f32 v2, v9  }
.Ltmp8:
0xdd: {  	s0 =	sadd.s32 s6, s29;
	[tilespmem:s30+$0x9CC0] =	vst v3;
	v1 =	vadd.f32 v1, v10;
	(pc) =	sbr.rel .LBB2_10-.Ltmp8, $4  }
0xde: {  	s0 =	sshll.u32 s0, $0xB;
	[tilespmem:s30+$0x9CD0] =	vst v2;
	v0 =	vadd.f32 v0, v63  }
0xdf: {  	s0 =	sand.u32 $0x1FFFF800, s0;
	[tilespmem:s30+$0x9CE0] =	vst v1  }
0xe0: {  	s0 =	sadd.s32 s5, s0;
	[tilespmem:s30+$0x9CF0] =	vst v0  }
0xe1: {  	[hbm4b:s0+s2] =	stream.linear.scatter [tilespmem:s16], [sflag:$0x6], $0x4000, $0x38;
	[tilespmem:$0x11C00] =	vst v63  }
.LBB2_12:
0xe2: {  	_ =	sfence.sel $0x180000  }
0xe3: {  	[bflag:$0x0] =	sbarrier.arrive $0xFFFF  }
0xe4: {  	_ =	strace $0x90000047  }
0xe5: {  	[bflag:$0x2] =	sbarrier.arrive $0xFFFF  }
0xe6: {  	p0 =	sne.s32 s1, $0x0;
	s0 =	rddreg [dreg:$0x2]  }
0xe7: {  	s0 =	sadd.s32 @!p0 $0x100000, s0  }
0xe8: {  	[sflag:s0] =	ssyncadd.tile.s32 @!p0 $0x1;
	_ =	shalt  }
.Lfunc_end2:
_tile_overlayer_lowered:
.L_overlay_start_2:
0xe9: {  	(tag) =	ssettag $0x2  }
0xea: {  	s0 =	rddreg [dreg:$0x0];
	s2 =	stileid.u32  }
0xeb: {  	s1 =	rddreg [dreg:$0x1];
	p0 =	sne.s32 s2, $0x0  }
0xec: {  	s3 =	rddreg [dreg:$0x2];
	[bflag:$0x3] =	sbarrier.arrive $0xFFFF;
	s2 =	simm.s32 @!p0 $0x1C07  }
0xed: {  	[timem:s3], [sflag:s2] =	dma.local @!p0 [hbm:s0], s1  }
0xee: {  	s0 =	simm.s32 @!p0 $0x7  }
0xef: {  	_ =	swait.ge @!p0 [sflag:s0], s1  }
0xf0: {  	s1 =	ssub.s32 @!p0 $0x0, s1;
	[sflag:s0] =	ssyncset.done @!p0 $0x0  }
0xf1: {  	[sflag:s0] =	ssyncadd.s32 @!p0 s1  }
0xf2: {  	[bflag:$0x3] =	sbarrier.arrive $0xFFFF  }
0xf3: {  	_ =	shalt  }

// kernel: kernel.15.cloned.1.call-start
scs
__scs_entry_jumppad:
0x0: {  	(pc) =	sbr.rel $0x88, $3  }
0x1: {  	(tag) =	ssettag $0x0;
	lr =	simm.s32 $0x1  }
0x2: {  	[smem:$0x3F99] =	sst lr;
	_ =	strace $0xD0000000  }
0x3: {  	_ = 	snop  }
0x4: {  	_ = 	snop  }
0x5: {  	_ = 	snop  }
0x6: {  	_ = 	snop  }
0x7: {  	_ = 	snop  }
__scs_overlays_trampoline_lowered:
0x8: {  	[smem:$0x3FA8] =	sst s0  }
0x9: {  	[smem:$0x3FA9] =	sst s1  }
0xa: {  	[smem:$0x3FAA] =	sst s2  }
0xb: {  	[smem:$0x3FAB] =	sst s3  }
0xc: {  	[smem:$0x3FAC] =	sst s4  }
0xd: {  	[smem:$0x3FAD] =	sst s5  }
0xe: {  	[smem:$0x3FAE] =	sst s6  }
0xf: {  	[smem:$0x3FAF] =	sst s7  }
0x10: {  	[smem:$0x3FB0] =	sst s8  }
0x11: {  	[smem:$0x3FB1] =	sst s9;
	s0 =	simm.s32 @!p0 $0x0  }
0x12: {  	s1 =	sld [smem:$0x3F97];
	s0 =	simm.s32 @p0 $0x1  }
0x13: {  	[smem:$0x3FB2] =	sst s0;
	s0 =	simm.s32 @!p1 $0x0  }
0x14: {  	s2 =	sld [smem:$0x3F96];
	s0 =	simm.s32 @p1 $0x1  }
0x15: {  	[smem:$0x3FB3] =	sst s0;
	s0 =	simm.s32 @!p2 $0x0  }
0x16: {  	s3 =	sld [smem:$0x3FDB];
	s0 =	simm.s32 @p2 $0x1  }
0x17: {  	s4 =	simm.s32 $0x1BF5;
	[smem:$0x3FB5] =	sst s0  }
0x18: {  	s0 =	sld [smem:$0x3F98];
	_ =	swait.ge [sflag:s4], $0x0  }
0x19: {  	s7 =	sld [smem:$0x3F99]  }
0x1a: {  	s8 =	sadd.s32 $0xFFFFE003, lr  }
0x1b: {  	s9 =	sadd.s32 $0xFFFFFEF7, lr;
	s5 =	simm.s32 $0xFFFFFFFF;
	p2 =	slt.u32 s8, $0xFFFFF086  }
0x1c: {  	p1 =	slt.u32 s9, $0xF7A;
	s5 =	simm.s32 @!p2 $0x0  }
0x1d: {  	s5 =	simm.s32 @p1 $0x1;
	p0 =	seq.s32 s7, s2  }
0x1e: {  	s7 =	smul.u32 @!p0 $0xF7A, s2;
	p2 =	seq.s32 @!p0 s5, $0x0  }
0x1f: {  	s9 =	smul.u32 $0xF7A, s1;
	s8 =	simm.s32 @!p0 $0x1BF5;
	p2 =	por !p2, p0  }
0x20: {  	[sflag:s8] =	ssyncset.s32 @!p0 $0xFFFFF086;
	s6 =	sadd.s32 @!p0 s3, s7;
	s7 =	simm.s32 @!p0 $0x108  }
0x21: {  	s3 =	sadd.s32 s3, s9;
	s6 =	sadd.s32 @!p0 $0x88, s6;
	s7 =	simm.s32 @p2 $0x1082  }
0x22: {  	[simem:s7], [sflag:s8] =	dma.local @!p0 [hbm:s6], $0xF7A  }
0x23: {  	s9 =	sor.u32 $0xD0000000, s2;
	s6 =	simm.s32 $0x108;
	_ =	swait.ge @!p0 [sflag:s8], $0x0  }
0x24: {  	s3 =	sadd.s32 $0x88, s3;
	s6 =	simm.s32 @!p1 $0x1082;
	[sflag:s4] =	ssyncset.s32 $0xFFFFF086  }
0x25: {  	[simem:s6], [sflag:s4] =	dma.local [hbm:s3], $0xF7A  }
0x26: {  	[smem:$0x3F99] =	sst s1;
	(tag) =	ssettag s2;
	_ =	strace s9  }
0x27: {  	s1 =	sld [smem:$0x3FA9]  }
0x28: {  	s2 =	sld [smem:$0x3FAA]  }
0x29: {  	s4 =	sld [smem:$0x3FAC]  }
0x2a: {  	p0 =	seq.s32 s5, $0x0;
	s5 =	sld [smem:$0x3FAD]  }
0x2b: {  	s6 =	sld [smem:$0x3FAE]  }
0x2c: {  	s7 =	sld [smem:$0x3FAF]  }
0x2d: {  	s3 =	simm.s32 $0x108;
	s8 =	sld [smem:$0x3FB0]  }
0x2e: {  	s3 =	simm.s32 @!p0 $0x1082;
	s9 =	sld [smem:$0x3FB1]  }
0x2f: {  	lr =	sadd.s32 s0, s3;
	s0 =	sld [smem:$0x3FA8]  }
0x30: {  	s3 =	sld [smem:$0x3FAB]  }
0x31: {  	[smem:$0x3FB4] =	sst s10  }
0x32: {  	s10 =	sld [smem:$0x3FB2];
	_ =	sdelay $0x3  }
0x33: {  	p0 =	seq.s32 s10, $0x1;
	s10 =	sld [smem:$0x3FB4];
	_ =	sdelay $0x3  }
0x34: {  	[smem:$0x3FB4] =	sst s10  }
0x35: {  	s10 =	sld [smem:$0x3FB3];
	_ =	sdelay $0x3  }
0x36: {  	p1 =	seq.s32 s10, $0x1;
	s10 =	sld [smem:$0x3FB4];
	_ =	sdelay $0x3  }
0x37: {  	[smem:$0x3FB4] =	sst s10  }
0x38: {  	s10 =	sld [smem:$0x3FB5]  }
0x39: {  	_ = 	snop;
	(pc) =	sbr.ind lr, $3  }
0x3a: {  	_ = 	snop  }
0x3b: {  	_ = 	snop  }
0x3c: {  	p2 =	seq.s32 s10, $0x1;
	s10 =	sld [smem:$0x3FB4]  }
0x3d: {  	_ =	shalt  }
0x3e: {  	_ =	shalt  }
0x3f: {  	_ =	shalt  }
0x40: {  	_ =	shalt  }
0x41: {  	_ =	shalt  }
0x42: {  	_ =	shalt  }
0x43: {  	_ =	shalt  }
0x44: {  	_ =	shalt  }
0x45: {  	_ =	shalt  }
0x46: {  	_ =	shalt  }
0x47: {  	_ =	shalt  }
0x48: {  	_ =	shalt  }
0x49: {  	_ =	shalt  }
0x4a: {  	_ =	shalt  }
0x4b: {  	_ =	shalt  }
0x4c: {  	_ =	shalt  }
0x4d: {  	_ =	shalt  }
0x4e: {  	_ =	shalt  }
0x4f: {  	_ =	shalt  }
0x50: {  	_ =	shalt  }
0x51: {  	_ =	shalt  }
0x52: {  	_ =	shalt  }
0x53: {  	_ =	shalt  }
0x54: {  	_ =	shalt  }
0x55: {  	_ =	shalt  }
0x56: {  	_ =	shalt  }
0x57: {  	_ =	shalt  }
0x58: {  	_ =	shalt  }
0x59: {  	_ =	shalt  }
0x5a: {  	_ =	shalt  }
0x5b: {  	_ =	shalt  }
0x5c: {  	_ =	shalt  }
0x5d: {  	_ =	shalt  }
0x5e: {  	_ =	shalt  }
0x5f: {  	_ =	shalt  }
0x60: {  	_ =	shalt  }
0x61: {  	_ =	shalt  }
0x62: {  	_ =	shalt  }
0x63: {  	_ =	shalt  }
0x64: {  	_ =	shalt  }
0x65: {  	_ =	shalt  }
0x66: {  	_ =	shalt  }
0x67: {  	_ =	shalt  }
0x68: {  	_ =	shalt  }
0x69: {  	_ =	shalt  }
0x6a: {  	_ =	shalt  }
0x6b: {  	_ =	shalt  }
0x6c: {  	_ =	shalt  }
0x6d: {  	_ =	shalt  }
0x6e: {  	_ =	shalt  }
0x6f: {  	_ =	shalt  }
0x70: {  	_ =	shalt  }
0x71: {  	_ =	shalt  }
0x72: {  	_ =	shalt  }
0x73: {  	_ =	shalt  }
0x74: {  	_ =	shalt  }
0x75: {  	_ =	shalt  }
0x76: {  	_ =	shalt  }
0x77: {  	_ =	shalt  }
0x78: {  	_ =	shalt  }
0x79: {  	_ =	shalt  }
0x7a: {  	_ =	shalt  }
0x7b: {  	_ =	shalt  }
0x7c: {  	_ =	shalt  }
0x7d: {  	_ =	shalt  }
0x7e: {  	_ =	shalt  }
0x7f: {  	_ =	shalt  }
0x80: {  	_ =	shalt  }
0x81: {  	_ =	shalt  }
0x82: {  	_ =	shalt  }
0x83: {  	_ =	shalt  }
0x84: {  	_ =	shalt  }
0x85: {  	_ =	shalt  }
0x86: {  	_ =	shalt  }
0x87: {  	_ =	shalt  }
.Lfunc_end0:
.L_simem_size_0:
called_computation.1_lowered:
.L_overlay_start_0:
0x88: {  	s2 =	sld [smem:$0x3FD9]  }
0x89: {  	s3 =	sld [smem:$0x3FFE];
	_ =	sdelay $0x1  }
0x8a: {  	s1 =	srdreg.scid  }
0x8b: {  	s0 =	sand.u32 $0x1, s1  }
0x8c: {  	s17 =	sshll.u32 s0, $0xA;
	s2 =	sadd.s32 s3, s2  }
0x8d: {  	s2 =	sadd.s32 s2, s17  }
0x8e: {  	[smem:$0x3FC0] =	sst s2  }
0x8f: {  	_ = 	snop  }
0x90: {  	(tm) =	ssettm $0x1  }
0x91: {  	s18 =	sld [smem:$0x3FFB];
	_ =	sdelay $0x3  }
0x92: {  	_ =	strace s18  }
0x93: {  	s2 =	sld [smem:$0x3FFC];
	_ =	sdelay $0x3  }
0x94: {  	_ =	strace s2  }
0x95: {  	s2 =	sld [smem:$0x3FFD];
	_ =	sdelay $0x3  }
0x96: {  	_ =	strace s2  }
0x97: {  	_ =	strace $0x8FFFFFFF  }
0x98: {  	s19 =	sld [smem:$0x3FDB];
	_ =	sdelay $0x1  }
0x99: {  	s20 =	simm.s32 $_scs_section_size  }
0x9a: {  	s4 =	simm.s32 $_size__tile_overlayer_lowered;
	s5 =	simm.s32 $_tile_overlayer_lowered  }
0x9b: {  	s6 =	simm.s32 $0x1BFF;
	s21 =	sshll.u32 s5, $0x1;
	s3 =	sadd.s32 s20, s19  }
0x9c: {  	s22 =	simm.s32 $0x0;
	s4 =	sshll.u32 s4, $0x1;
	s5 =	sadd.s32 s21, s3  }
0x9d: {  	[timem:s22], [sflag:s6] =	dma.local [hbm:s5], s4  }
0x9e: {  	_ =	swait.ge [sflag:s6], s4  }
0x9f: {  	s4 =	ssub.s32 $0x0, s4;
	[sflag:s6] =	ssyncset.done $0x0  }
0xa0: {  	[sflag:s6] =	ssyncadd.s32 s4;
	_ =	sdelay $0x1  }
0xa1: {  	s23 =	simm.s32 $0x1B8B  }
0xa2: {  	_ =	swait.ge [sflag:s23], $0x1  }
0xa3: {  	[sflag:s23] =	ssyncset.done $0x0  }
0xa4: {  	[sflag:s23] =	ssyncadd.s32 $0xFFFFFFFF  }
0xa5: {  	s4 =	sld [smem:$0x0]  }
0xa6: {  	s5 =	sand.u32 $0xFFFFFFFE, s1  }
0xa7: {  	p0 =	sne.s32 s1, s5  }
0xa8: {  	s5 =	sshll.u32 @p0 s5, $0xE  }
0xa9: {  	s5 =	sadd.s32 @p0 $0x11B8D, s5;
	s6 =	sshll.u32 @p0 s4, $0x11  }
0xaa: {  	s5 =	sor.u32 @p0 s6, s5  }
0xab: {  	[sflag:s5] =	ssyncadd.remote.s32 @p0 $0x1;
	_ =	sdelay $0x1  }
0xac: {  	s5 =	simm.s32 @p0 $0x1B8D  }
0xad: {  	_ =	swait.eq @p0 [sflag:s5], $0x1  }
0xae: {  	[sflag:s5] =	ssyncadd.s32 @p0 $0xFFFFFFFF  }
0xaf: {  	s6 =	sshll.u32 @!p0 s1, $0xE  }
0xb0: {  	s6 =	sor.u32 @!p0 $0x4000, s6;
	s5 =	simm.s32 @!p0 $0x1B8D  }
0xb1: {  	s4 =	sshll.u32 @!p0 s4, $0x11;
	s6 =	sadd.s32 @!p0 $0x11B8D, s6;
	_ =	swait.eq @!p0 [sflag:s5], $0x1  }
0xb2: {  	s4 =	sor.u32 @!p0 s4, s6;
	[sflag:s5] =	ssyncadd.s32 @!p0 $0xFFFFFFFF  }
0xb3: {  	s25 =	simm.s32 $0x1B8E;
	s24 =	sld [smem:$0x3FFE];
	[sflag:s4] =	ssyncadd.remote.s32 @!p0 $0x1  }
0xb4: {  	s26 =	simm.s32 $execute0_lowered;
	[smem:$0x3FD2] =	sst s25  }
0xb5: {  	s5 =	sshll.u32 s26, $0x1;
	_ =	strace $0x80000049;
	[dreg:$0x1] =	wrdreg $0xFFFFFFFF  }
0xb6: {  	s28 =	simm.s32 $_size_execute0_lowered;
	s3 =	sadd.s32 s3, s5;
	[dreg:$0x0] =	wrdreg $0x0  }
0xb7: {  	s5 =	sshll.u32 s28, $0x1;
	[dreg:$0x2] =	wrdreg s3  }
0xb8: {  	[dreg:$0x3] =	wrdreg s5  }
0xb9: {  	[dreg:$0x4] =	wrdreg $0xC0  }
0xba: {  	_ =	task [dreg:s22], $0x5FFFF  }
0xbb: {  	[dreg:$0x1] =	wrdreg $0xFFFFFFFF  }
0xbc: {  	[dreg:$0x0] =	wrdreg $0x60  }
0xbd: {  	[dreg:$0x2] =	wrdreg s24  }
0xbe: {  	[dreg:$0x3] =	wrdreg $0xA  }
0xbf: {  	_ =	task.clear_ibuf [dreg:s22], $0x4FFFF;
	_ =	strace $0x90000049  }
0xc0: {  	s29 =	simm.s32 $0xA;
	_ =	strace $0x8000004B  }
0xc1: {  	_ =	swait.ge [sflag:s29], $0x1  }
0xc2: {  	[sflag:s29] =	ssyncadd.s32 $0xFFFFFFFF  }
0xc3: {  	_ =	strace $0x9000004B  }
0xc4: {  	_ =	sfence  }
0xc5: {  	s30 =	sld [smem:$0x0];
	_ =	sdelay $0x2  }
0xc6: {  	s31 =	sshll.u32 s1, $0xD;
	s1 =	sshrl.u32 s1, $0x2  }
0xc7: {  	s4 =	sand.u32 $0x4000, s31;
	s1 =	sadd.s32 s1, s30  }
0xc8: {  	s0 =	sor.u32 s4, s0;
	s1 =	sshll.u32 s1, $0x11  }
0xc9: {  	s0 =	sor.u32 s1, s0  }
0xca: {  	s0 =	sadd.s32 $0x8F2B, s0  }
0xcb: {  	[sflag:s0] =	ssyncadd.remote.s32 $0x1  }
0xcc: {  	_ =	sfence.sel $0xFFFF  }
0xcd: {  	[dreg:$0x0] =	wrdreg $0xFFFFFFFF;
	(pc) =	sbr.abs _section_cstart, $3  }
0xce: {  	[dreg:$0x1] =	wrdreg $0xFFFFFFFF  }
0xcf: {  	_ =	task.clear_ibuf [dreg:s22], $0x2FFFF;
	_ =	strace $0x9FFFFFFF  }
0xd0: {  	(tm) =	ssettm $0x7FFFFFFF  }
0xd1: {  	_ =	shalt  }
tec
execute0_lowered:
.L_overlay_start_1:
0x0: {  	(tag) =	ssettag $0x1  }
0x1: {  	s1 =	srdreg.scid  }
0x2: {  	s0 =	stileid.u32;
	s6 =	rddreg [dreg:$0x0];
	s2 =	simm.s32 $0x0  }
0x3: {  	s12 =	simm.s32 $0x80;
	s13 =	simm.s32 $0x1C00;
	s14 =	simm.s32 $0x5C00  }
0x4: {  	s15 =	simm.s32 $0x100;
	s16 =	simm.s32 $0x9C00;
	s17 =	simm.s32 $0x180  }
0x5: {  	s18 =	simm.s32 $0xDC00;
	s19 =	simm.s32 $0x1;
	s20 =	simm.s32 $0x2  }
0x6: {  	s21 =	simm.s32 $0x3;
	s22 =	simm.s32 $0x4;
	s23 =	simm.s32 $0x5  }
0x7: {  	s24 =	simm.s32 $0x6;
	s25 =	simm.s32 $0x0;
	s7 =	sand.u32 $0x1, s1  }
0x8: {  	s30 =	sshll.u32 s0, $0x1;
	[smem:$0x7FF] =	sst s2;
	s5 =	sadd.s32 $0x30200, s6  }
0x9: {  	s11 =	sor.u32 s7, s30;
	_ =	strace $0x8000004A;
	s31 =	ssub.s32 $0x2, s7  }
0xa: {  	s7 =	simm.s32 $0x1C;
	s3 =	smul.u32 $0x1B, s11;
	s4 =	smin.u32 s11, $0xB  }
.Ltmp0:
0xb: {  	s10 =	sshrl.u32 s31, $0x1;
	p0 =	slt.u32 s11, $0xB;
	(pc) =	sbr.rel .LBB2_1-.Ltmp0, $4  }
0xc: {  	s10 =	ssub.s32 s31, s10;
	s7 =	simm.s32 @!p0 $0x1B;
	s3 =	sadd.s32 s4, s3  }
0xd: {  	p0 =	sgt.u32 s11, $0xA;
	s11 =	simm.s32 $0x7;
	s8 =	sshll.u32 s3, $0x5  }
0xe: {  	s4 =	sadd.s32 $0x9000, s6;
	s10 =	smax.u32 s10, $0x1;
	s9 =	sadd.s32 s8, s6  }
0xf: {  	s6 =	sadd.s32 $0x20CC00, s6;
	s8 =	sadd.s32 $0x2200, s9;
	s9 =	sadd.s32 $0x2560, s9  }
.LBB2_11:
0x10: {  	s25 =	sadd.s32 $0x1, s25  }
0x11: {  	_ =	swait.ge [sflag:s23], $0x4000;
	p1 =	sne.s32 s25, s10  }
.Ltmp1:
0x12: {  	[sflag:s23] =	ssyncset.done $0x0;
	(pc) =	sbr.rel @!p1 .LBB2_12-.Ltmp1, $4  }
0x13: {  	[sflag:s23] =	ssyncadd.s32 $0xFFFFC000  }
0x14: {  	_ =	swait.ge [sflag:s24], $0x4000  }
0x15: {  	[sflag:s24] =	ssyncset.done $0x0  }
0x16: {  	[sflag:s24] =	ssyncadd.s32 $0xFFFFC000  }
.LBB2_1:
0x17: {  	[tilespmem:s2], [sflag:$0x7] =	stream.linear.gather [hbm4b:s8+s2], $0x1B00, $0x38;
	[tilespmem:$0x11C00] =	vst v63  }
0x18: {  	_ =	swait.ge [sflag:s11], $0x1B00  }
0x19: {  	[sflag:s11] =	ssyncset.done $0x0  }
0x1a: {  	s26 =	simm.s32 @!p0 $0x0;
	s28 =	simm.s32 @!p0 $0x1B00;
	[sflag:s11] =	ssyncadd.s32 $0xFFFFE500  }
0x1b: {  	[tilespmem:s28], [sflag:$0x7] =	stream.linear.gather @!p0 [hbm4b:s9+s26], $0x100, $0x38;
	[tilespmem:$0x11C00] =	vst v63  }
0x1c: {  	s26 =	simm.s32 @!p0 $0x7  }
0x1d: {  	_ =	swait.ge @!p0 [sflag:s26], $0x100  }
0x1e: {  	[sflag:s26] =	ssyncset.done @!p0 $0x0  }
0x1f: {  	[sflag:s26] =	ssyncadd.s32 @!p0 $0xFFFFFF00  }
0x20: {  	[tilespmem:s13], [sflag:$0x1] =	stream.indirect.gather [hbm4b:s4+s12], $0x80, s2, s12, $0xb8;
	[tilespmem:$0x11C00] =	vst v63  }
0x21: {  	_ = 	snop  }
0x22: {  	[tilespmem:s14], [sflag:$0x2] =	stream.indirect.gather [hbm4b:s5+s12], $0x80, s12, s12, $0xb8;
	[tilespmem:$0x11C00] =	vst v63  }
.Ltmp2:
0x23: {  	_ = 	snop;
	(pc) =	sbr.rel .LBB2_2-.Ltmp2, $4  }
0x24: {  	_ = 	snop  }
0x25: {  	[tilespmem:s16], [sflag:$0x3] =	stream.indirect.gather [hbm4b:s4+s12], $0x80, s15, s12, $0xb8;
	[tilespmem:$0x11C00] =	vst v63  }
0x26: {  	s26 =	simm.s32 $0x0  }
0x27: {  	[tilespmem:s18], [sflag:$0x4] =	stream.indirect.gather [hbm4b:s5+s12], $0x80, s17, s12, $0xb8;
	[tilespmem:$0x11C00] =	vst v63  }
.LBB2_10:
0x28: {  	s1 =	sadd.s32 $0x2, s28  }
0x29: {  	p1 =	sge.u32 s1, s7  }
0x2a: {  	s29 =	simm.s32 @!p1 $0x5  }
0x2b: {  	_ =	swait.ge @!p1 [sflag:s29], $0x4000  }
0x2c: {  	s1 =	sshll.u32 @!p1 s1, $0x8;
	s30 =	simm.s32 @!p1 $0x1C00;
	[sflag:s29] =	ssyncset.done @!p1 $0x0  }
0x2d: {  	s1 =	sand.u32 @!p1 $0x3FFFFF00, s1;
	[sflag:s29] =	ssyncadd.s32 @!p1 $0xFFFFC000;
	s29 =	simm.s32 @!p1 $0x80  }
0x2e: {  	[tilespmem:s30], [sflag:$0x1] =	stream.indirect.gather @!p1 [hbm4b:s4+s29], $0x80, s1, s29, $0xb8;
	[tilespmem:$0x11C00] =	vst v63  }
0x2f: {  	s1 =	sor.u32 @!p1 $0x80, s1;
	s30 =	simm.s32 @!p1 $0x5C00  }
0x30: {  	[tilespmem:s30], [sflag:$0x2] =	stream.indirect.gather @!p1 [hbm4b:s5+s29], $0x80, s1, s29, $0xb8;
	[tilespmem:$0x11C00] =	vst v63  }
0x31: {  	s1 =	sadd.s32 $0x3, s28  }
0x32: {  	p1 =	sge.u32 s1, s7  }
0x33: {  	s28 =	simm.s32 @!p1 $0x6  }
0x34: {  	_ =	swait.ge @!p1 [sflag:s28], $0x4000  }
0x35: {  	s1 =	sshll.u32 @!p1 s1, $0x8;
	s29 =	simm.s32 @!p1 $0x9C00;
	[sflag:s28] =	ssyncset.done @!p1 $0x0  }
0x36: {  	s1 =	sand.u32 @!p1 $0x3FFFFF00, s1;
	[sflag:s28] =	ssyncadd.s32 @!p1 $0xFFFFC000;
	s28 =	simm.s32 @!p1 $0x80  }
0x37: {  	[tilespmem:s29], [sflag:$0x3] =	stream.indirect.gather @!p1 [hbm4b:s4+s28], $0x80, s1, s28, $0xb8;
	[tilespmem:$0x11C00] =	vst v63  }
0x38: {  	s26 =	sadd.s32 $0x1, s26;
	s1 =	sor.u32 @!p1 $0x80, s1;
	s29 =	simm.s32 @!p1 $0xDC00  }
0x39: {  	[tilespmem:s29], [sflag:$0x4] =	stream.indirect.gather @!p1 [hbm4b:s5+s28], $0x80, s1, s28, $0xb8;
	[tilespmem:$0x11C00] =	vst v63  }
0x3a: {  	p1 =	sne.s32 s26, $0xE  }
.Ltmp3:
0x3b: {  	_ = 	snop;
	(pc) =	sbr.rel @!p1 .LBB2_11-.Ltmp3, $1  }
0x3c: {  	_ =	sdelay $0x3  }
.LBB2_2:
0x3d: {  	s28 =	sshll.u32 s26, $0x1  }
0x3e: {  	p1 =	sge.u32 s28, s7  }
.Ltmp4:
0x3f: {  	_ = 	snop;
	(pc) =	sbr.rel @p1 .LBB2_6-.Ltmp4, $1  }
0x40: {  	_ =	sdelay $0x3  }
0x41: {  	_ =	swait.ge [sflag:s19], $0x4000  }
0x42: {  	[sflag:s19] =	ssyncset.done $0x0  }
0x43: {  	[sflag:s19] =	ssyncadd.s32 $0xFFFFC000  }
0x44: {  	_ =	swait.ge [sflag:s20], $0x4000  }
0x45: {  	[sflag:s20] =	ssyncset.done $0x0  }
0x46: {  	s29 =	simm.s32 $0x0;
	[sflag:s20] =	ssyncadd.s32 $0xFFFFC000  }
0x47: {  	v6 =	vld [tilespmem:s29+$0x5C00]  }
0x48: {  	v7 =	vld [tilespmem:s29+$0x5C10]  }
0x49: {  	v8 =	vld [tilespmem:s29+$0x5C20]  }
0x4a: {  	v9 =	vld [tilespmem:s29+$0x5C30]  }
0x4b: {  	v10 =	vld [tilespmem:s29+$0x5C40]  }
0x4c: {  	v11 =	vld [tilespmem:s29+$0x5C50]  }
0x4d: {  	v12 =	vld [tilespmem:s29+$0x5C60]  }
0x4e: {  	v13 =	vld [tilespmem:s29+$0x5C70]  }
0x4f: {  	v14 =	vld [tilespmem:s29+$0x5C80]  }
0x50: {  	v15 =	vld [tilespmem:s29+$0x5C90]  }
0x51: {  	v5 =	vld [tilespmem:s29+$0x5CA0]  }
0x52: {  	v4 =	vld [tilespmem:s29+$0x5CB0]  }
0x53: {  	v3 =	vld [tilespmem:s29+$0x5CC0]  }
0x54: {  	v2 =	vld [tilespmem:s29+$0x5CD0]  }
0x55: {  	v1 =	vld [tilespmem:s29+$0x5CE0]  }
0x56: {  	v0 =	vld [tilespmem:s29+$0x5CF0]  }
0x57: {  	v16 =	vld [tilespmem:s29+$0x1C00]  }
0x58: {  	v17 =	vld [tilespmem:s29+$0x1C10]  }
0x59: {  	v18 =	vld [tilespmem:s29+$0x1C20]  }
0x5a: {  	v19 =	vld [tilespmem:s29+$0x1C30]  }
0x5b: {  	v20 =	vld [tilespmem:s29+$0x1C40]  }
0x5c: {  	v60 =	vld [tilespmem:s29+$0x1C50];
	v6 =	vadd.f32 v6, v16  }
0x5d: {  	v21 =	vld [tilespmem:s29+$0x1C60];
	v7 =	vadd.f32 v7, v17  }
0x5e: {  	v61 =	vld [tilespmem:s29+$0x1C70];
	[tilespmem:s29+$0x1C00] =	vst v6;
	v6 =	vadd.f32 v8, v18  }
0x5f: {  	v62 =	vld [tilespmem:s29+$0x1C80];
	[tilespmem:s29+$0x1C10] =	vst v7;
	v7 =	vadd.f32 v9, v19  }
0x60: {  	v63 =	vld [tilespmem:s29+$0x1C90];
	[tilespmem:s29+$0x1C20] =	vst v6;
	v6 =	vadd.f32 v10, v20  }
0x61: {  	v8 =	vadd.f32 v11, v60;
	[tilespmem:s29+$0x1C30] =	vst v7;
	v7 =	vld [tilespmem:s29+$0x1CA0]  }
0x62: {  	v9 =	vadd.f32 v12, v21;
	[tilespmem:s29+$0x1C40] =	vst v6;
	v6 =	vld [tilespmem:s29+$0x1CB0]  }
0x63: {  	[tilespmem:s29+$0x1C50] =	vst v8;
	v8 =	vld [tilespmem:s29+$0x1CC0];
	v10 =	vadd.f32 v13, v61  }
0x64: {  	v12 =	vadd.f32 v14, v62;
	[tilespmem:s29+$0x1C60] =	vst v9;
	v9 =	vld [tilespmem:s29+$0x1CD0]  }
0x65: {  	s30 =	simm.s32 $0x400;
	v11 =	vadd.f32 v15, v63;
	[tilespmem:s29+$0x1C70] =	vst v10;
	v10 =	vld [tilespmem:s29+$0x1CE0]  }
.LBB2_4:
0x66: {  	s31 =	sshra.s32 s30, $0x2;
	p1 =	sne.s32 s30, $0xFC00;
	[tilespmem:s29+$0x1C80] =	vst v12;
	v5 =	vadd.f32 v5, v7;
	v7 =	vld [tilespmem:s29+$0x1CF0]  }
0x67: {  	v12 =	vld [tilespmem:s31+$0x5C00];
	[tilespmem:s29+$0x1C90] =	vst v11;
	v4 =	vadd.f32 v4, v6  }
0x68: {  	v6 =	vld [tilespmem:s31+$0x5C10];
	[tilespmem:s29+$0x1CA0] =	vst v5;
	v3 =	vadd.f32 v3, v8  }
0x69: {  	v8 =	vld [tilespmem:s31+$0x5C20];
	[tilespmem:s29+$0x1CB0] =	vst v4;
	v2 =	vadd.f32 v2, v9  }
0x6a: {  	v9 =	vld [tilespmem:s31+$0x5C30];
	[tilespmem:s29+$0x1CC0] =	vst v3;
	v1 =	vadd.f32 v1, v10  }
0x6b: {  	v10 =	vld [tilespmem:s31+$0x5C40];
	[tilespmem:s29+$0x1CD0] =	vst v2;
	v0 =	vadd.f32 v0, v7  }
0x6c: {  	v7 =	vld [tilespmem:s31+$0x5C50];
	[tilespmem:s29+$0x1CE0] =	vst v1  }
0x6d: {  	v11 =	vld [tilespmem:s31+$0x5C60];
	[tilespmem:s29+$0x1CF0] =	vst v0;
	s29 =	smov.u32 s31  }
0x6e: {  	v13 =	vld [tilespmem:s29+$0x5C70]  }
0x6f: {  	v14 =	vld [tilespmem:s29+$0x5C80]  }
0x70: {  	v15 =	vld [tilespmem:s29+$0x5C90]  }
0x71: {  	v5 =	vld [tilespmem:s29+$0x5CA0]  }
0x72: {  	v4 =	vld [tilespmem:s29+$0x5CB0]  }
0x73: {  	v3 =	vld [tilespmem:s29+$0x5CC0]  }
0x74: {  	v2 =	vld [tilespmem:s29+$0x5CD0]  }
0x75: {  	v1 =	vld [tilespmem:s29+$0x5CE0]  }
0x76: {  	v0 =	vld [tilespmem:s29+$0x5CF0]  }
0x77: {  	v16 =	vld [tilespmem:s29+$0x1C00]  }
0x78: {  	v17 =	vld [tilespmem:s29+$0x1C10]  }
0x79: {  	v18 =	vld [tilespmem:s29+$0x1C20]  }
0x7a: {  	v19 =	vld [tilespmem:s29+$0x1C30]  }
0x7b: {  	v20 =	vld [tilespmem:s29+$0x1C40]  }
0x7c: {  	v12 =	vadd.f32 v12, v16;
	v16 =	vld [tilespmem:s29+$0x1C50]  }
0x7d: {  	v6 =	vadd.f32 v6, v17;
	v17 =	vld [tilespmem:s29+$0x1C60]  }
0x7e: {  	[tilespmem:s29+$0x1C00] =	vst v12;
	v8 =	vadd.f32 v8, v18;
	v12 =	vld [tilespmem:s29+$0x1C70]  }
0x7f: {  	[tilespmem:s29+$0x1C10] =	vst v6;
	v6 =	vadd.f32 v9, v19;
	v9 =	vld [tilespmem:s29+$0x1C80]  }
0x80: {  	[tilespmem:s29+$0x1C20] =	vst v8;
	v8 =	vadd.f32 v10, v20;
	v10 =	vld [tilespmem:s29+$0x1C90]  }
.Ltmp5:
0x81: {  	[tilespmem:s29+$0x1C30] =	vst v6;
	v16 =	vadd.f32 v7, v16;
	v7 =	vld [tilespmem:s29+$0x1CA0];
	(pc) =	sbr.rel @p1 .LBB2_4-.Ltmp5, $4  }
0x82: {  	[tilespmem:s29+$0x1C40] =	vst v8;
	v11 =	vadd.f32 v11, v17;
	v6 =	vld [tilespmem:s29+$0x1CB0]  }
0x83: {  	[tilespmem:s29+$0x1C50] =	vst v16;
	v13 =	vadd.f32 v13, v12;
	v8 =	vld [tilespmem:s29+$0x1CC0]  }
0x84: {  	[tilespmem:s29+$0x1C60] =	vst v11;
	v12 =	vadd.f32 v14, v9;
	v9 =	vld [tilespmem:s29+$0x1CD0]  }
0x85: {  	s30 =	sadd.s32 $0x400, s30;
	[tilespmem:s29+$0x1C70] =	vst v13;
	v11 =	vadd.f32 v15, v10;
	v10 =	vld [tilespmem:s29+$0x1CE0]  }
0x86: {  	[tilespmem:s29+$0x1C80] =	vst v12;
	v5 =	vadd.f32 v5, v7;
	v63 =	vld [tilespmem:s29+$0x1CF0]  }
0x87: {  	[tilespmem:s29+$0x1C90] =	vst v11;
	v4 =	vadd.f32 v4, v6  }
0x88: {  	[tilespmem:s29+$0x1CA0] =	vst v5;
	v3 =	vadd.f32 v3, v8  }
0x89: {  	[tilespmem:s29+$0x1CB0] =	vst v4;
	v2 =	vadd.f32 v2, v9  }
0x8a: {  	s30 =	sadd.s32 s3, s28;
	[tilespmem:s29+$0x1CC0] =	vst v3;
	v1 =	vadd.f32 v1, v10  }
0x8b: {  	s30 =	sshll.u32 s30, $0xB;
	[tilespmem:s29+$0x1CD0] =	vst v2;
	v0 =	vadd.f32 v0, v63  }
0x8c: {  	s30 =	sand.u32 $0x1FFFF800, s30;
	[tilespmem:s29+$0x1CE0] =	vst v1  }
0x8d: {  	s31 =	sadd.s32 s6, s30;
	[tilespmem:s29+$0x1CF0] =	vst v0  }
0x8e: {  	[hbm4b:s31+s2] =	stream.linear.scatter [tilespmem:s13], [sflag:$0x5], $0x4000, $0x38;
	[tilespmem:$0x11C00] =	vst v63  }
.LBB2_6:
0x8f: {  	s29 =	sor.u32 $0x1, s28  }
0x90: {  	p1 =	sge.u32 s29, s7  }
.Ltmp6:
0x91: {  	_ = 	snop;
	(pc) =	sbr.rel @p1 .LBB2_10-.Ltmp6, $1  }
0x92: {  	_ =	sdelay $0x3  }
0x93: {  	_ =	swait.ge [sflag:s21], $0x4000  }
0x94: {  	[sflag:s21] =	ssyncset.done $0x0  }
0x95: {  	[sflag:s21] =	ssyncadd.s32 $0xFFFFC000  }
0x96: {  	_ =	swait.ge [sflag:s22], $0x4000  }
0x97: {  	[sflag:s22] =	ssyncset.done $0x0  }
0x98: {  	s30 =	simm.s32 $0x0;
	[sflag:s22] =	ssyncadd.s32 $0xFFFFC000  }
0x99: {  	v6 =	vld [tilespmem:s30+$0xDC00]  }
0x9a: {  	v7 =	vld [tilespmem:s30+$0xDC10]  }
0x9b: {  	v8 =	vld [tilespmem:s30+$0xDC20]  }
0x9c: {  	v9 =	vld [tilespmem:s30+$0xDC30]  }
0x9d: {  	v10 =	vld [tilespmem:s30+$0xDC40]  }
0x9e: {  	v11 =	vld [tilespmem:s30+$0xDC50]  }
0x9f: {  	v12 =	vld [tilespmem:s30+$0xDC60]  }
0xa0: {  	v13 =	vld [tilespmem:s30+$0xDC70]  }
0xa1: {  	v14 =	vld [tilespmem:s30+$0xDC80]  }
0xa2: {  	v15 =	vld [tilespmem:s30+$0xDC90]  }
0xa3: {  	v5 =	vld [tilespmem:s30+$0xDCA0]  }
0xa4: {  	v4 =	vld [tilespmem:s30+$0xDCB0]  }
0xa5: {  	v3 =	vld [tilespmem:s30+$0xDCC0]  }
0xa6: {  	v2 =	vld [tilespmem:s30+$0xDCD0]  }
0xa7: {  	v1 =	vld [tilespmem:s30+$0xDCE0]  }
0xa8: {  	v0 =	vld [tilespmem:s30+$0xDCF0]  }
0xa9: {  	v16 =	vld [tilespmem:s30+$0x9C00]  }
0xaa: {  	v17 =	vld [tilespmem:s30+$0x9C10]  }
0xab: {  	v18 =	vld [tilespmem:s30+$0x9C20]  }
0xac: {  	v19 =	vld [tilespmem:s30+$0x9C30]  }
0xad: {  	v20 =	vld [tilespmem:s30+$0x9C40]  }
0xae: {  	v60 =	vld [tilespmem:s30+$0x9C50];
	v6 =	vadd.f32 v6, v16  }
0xaf: {  	v21 =	vld [tilespmem:s30+$0x9C60];
	v7 =	vadd.f32 v7, v17  }
0xb0: {  	v61 =	vld [tilespmem:s30+$0x9C70];
	[tilespmem:s30+$0x9C00] =	vst v6;
	v6 =	vadd.f32 v8, v18  }
0xb1: {  	v62 =	vld [tilespmem:s30+$0x9C80];
	[tilespmem:s30+$0x9C10] =	vst v7;
	v7 =	vadd.f32 v9, v19  }
0xb2: {  	v63 =	vld [tilespmem:s30+$0x9C90];
	[tilespmem:s30+$0x9C20] =	vst v6;
	v6 =	vadd.f32 v10, v20  }
0xb3: {  	v8 =	vadd.f32 v11, v60;
	[tilespmem:s30+$0x9C30] =	vst v7;
	v7 =	vld [tilespmem:s30+$0x9CA0]  }
0xb4: {  	v9 =	vadd.f32 v12, v21;
	[tilespmem:s30+$0x9C40] =	vst v6;
	v6 =	vld [tilespmem:s30+$0x9CB0]  }
0xb5: {  	[tilespmem:s30+$0x9C50] =	vst v8;
	v8 =	vld [tilespmem:s30+$0x9CC0];
	v10 =	vadd.f32 v13, v61  }
0xb6: {  	v12 =	vadd.f32 v14, v62;
	[tilespmem:s30+$0x9C60] =	vst v9;
	v9 =	vld [tilespmem:s30+$0x9CD0]  }
0xb7: {  	s31 =	simm.s32 $0x400;
	v11 =	vadd.f32 v15, v63;
	[tilespmem:s30+$0x9C70] =	vst v10;
	v10 =	vld [tilespmem:s30+$0x9CE0]  }
.LBB2_8:
0xb8: {  	s1 =	sshra.s32 s31, $0x2;
	p1 =	sne.s32 s31, $0xFC00;
	[tilespmem:s30+$0x9C80] =	vst v12;
	v5 =	vadd.f32 v5, v7;
	v7 =	vld [tilespmem:s30+$0x9CF0]  }
0xb9: {  	v12 =	vld [tilespmem:s1+$0xDC00];
	[tilespmem:s30+$0x9C90] =	vst v11;
	v4 =	vadd.f32 v4, v6  }
0xba: {  	v6 =	vld [tilespmem:s1+$0xDC10];
	[tilespmem:s30+$0x9CA0] =	vst v5;
	v3 =	vadd.f32 v3, v8  }
0xbb: {  	v8 =	vld [tilespmem:s1+$0xDC20];
	[tilespmem:s30+$0x9CB0] =	vst v4;
	v2 =	vadd.f32 v2, v9  }
0xbc: {  	v9 =	vld [tilespmem:s1+$0xDC30];
	[tilespmem:s30+$0x9CC0] =	vst v3;
	v1 =	vadd.f32 v1, v10  }
0xbd: {  	v10 =	vld [tilespmem:s1+$0xDC40];
	[tilespmem:s30+$0x9CD0] =	vst v2;
	v0 =	vadd.f32 v0, v7  }
0xbe: {  	v7 =	vld [tilespmem:s1+$0xDC50];
	[tilespmem:s30+$0x9CE0] =	vst v1  }
0xbf: {  	v11 =	vld [tilespmem:s1+$0xDC60];
	[tilespmem:s30+$0x9CF0] =	vst v0;
	s30 =	smov.u32 s1  }
0xc0: {  	v13 =	vld [tilespmem:s30+$0xDC70]  }
0xc1: {  	v14 =	vld [tilespmem:s30+$0xDC80]  }
0xc2: {  	v15 =	vld [tilespmem:s30+$0xDC90]  }
0xc3: {  	v5 =	vld [tilespmem:s30+$0xDCA0]  }
0xc4: {  	v4 =	vld [tilespmem:s30+$0xDCB0]  }
0xc5: {  	v3 =	vld [tilespmem:s30+$0xDCC0]  }
0xc6: {  	v2 =	vld [tilespmem:s30+$0xDCD0]  }
0xc7: {  	v1 =	vld [tilespmem:s30+$0xDCE0]  }
0xc8: {  	v0 =	vld [tilespmem:s30+$0xDCF0]  }
0xc9: {  	v16 =	vld [tilespmem:s30+$0x9C00]  }
0xca: {  	v17 =	vld [tilespmem:s30+$0x9C10]  }
0xcb: {  	v18 =	vld [tilespmem:s30+$0x9C20]  }
0xcc: {  	v19 =	vld [tilespmem:s30+$0x9C30]  }
0xcd: {  	v20 =	vld [tilespmem:s30+$0x9C40]  }
0xce: {  	v12 =	vadd.f32 v12, v16;
	v16 =	vld [tilespmem:s30+$0x9C50]  }
0xcf: {  	v6 =	vadd.f32 v6, v17;
	v17 =	vld [tilespmem:s30+$0x9C60]  }
0xd0: {  	[tilespmem:s30+$0x9C00] =	vst v12;
	v8 =	vadd.f32 v8, v18;
	v12 =	vld [tilespmem:s30+$0x9C70]  }
0xd1: {  	[tilespmem:s30+$0x9C10] =	vst v6;
	v6 =	vadd.f32 v9, v19;
	v9 =	vld [tilespmem:s30+$0x9C80]  }
0xd2: {  	[tilespmem:s30+$0x9C20] =	vst v8;
	v8 =	vadd.f32 v10, v20;
	v10 =	vld [tilespmem:s30+$0x9C90]  }
.Ltmp7:
0xd3: {  	[tilespmem:s30+$0x9C30] =	vst v6;
	v16 =	vadd.f32 v7, v16;
	v7 =	vld [tilespmem:s30+$0x9CA0];
	(pc) =	sbr.rel @p1 .LBB2_8-.Ltmp7, $4  }
0xd4: {  	[tilespmem:s30+$0x9C40] =	vst v8;
	v11 =	vadd.f32 v11, v17;
	v6 =	vld [tilespmem:s30+$0x9CB0]  }
0xd5: {  	[tilespmem:s30+$0x9C50] =	vst v16;
	v13 =	vadd.f32 v13, v12;
	v8 =	vld [tilespmem:s30+$0x9CC0]  }
0xd6: {  	[tilespmem:s30+$0x9C60] =	vst v11;
	v12 =	vadd.f32 v14, v9;
	v9 =	vld [tilespmem:s30+$0x9CD0]  }
0xd7: {  	s31 =	sadd.s32 $0x400, s31;
	[tilespmem:s30+$0x9C70] =	vst v13;
	v11 =	vadd.f32 v15, v10;
	v10 =	vld [tilespmem:s30+$0x9CE0]  }
0xd8: {  	[tilespmem:s30+$0x9C80] =	vst v12;
	v5 =	vadd.f32 v5, v7;
	v63 =	vld [tilespmem:s30+$0x9CF0]  }
0xd9: {  	[tilespmem:s30+$0x9C90] =	vst v11;
	v4 =	vadd.f32 v4, v6  }
0xda: {  	[tilespmem:s30+$0x9CA0] =	vst v5;
	v3 =	vadd.f32 v3, v8  }
0xdb: {  	[tilespmem:s30+$0x9CB0] =	vst v4;
	v2 =	vadd.f32 v2, v9  }
.Ltmp8:
0xdc: {  	s1 =	sadd.s32 s3, s29;
	[tilespmem:s30+$0x9CC0] =	vst v3;
	v1 =	vadd.f32 v1, v10;
	(pc) =	sbr.rel .LBB2_10-.Ltmp8, $4  }
0xdd: {  	s1 =	sshll.u32 s1, $0xB;
	[tilespmem:s30+$0x9CD0] =	vst v2;
	v0 =	vadd.f32 v0, v63  }
0xde: {  	s1 =	sand.u32 $0x1FFFF800, s1;
	[tilespmem:s30+$0x9CE0] =	vst v1  }
0xdf: {  	s1 =	sadd.s32 s6, s1;
	[tilespmem:s30+$0x9CF0] =	vst v0  }
0xe0: {  	[hbm4b:s1+s2] =	stream.linear.scatter [tilespmem:s16], [sflag:$0x6], $0x4000, $0x38;
	[tilespmem:$0x11C00] =	vst v63  }
.LBB2_12:
0xe1: {  	_ =	sfence.sel $0x180000  }
0xe2: {  	[bflag:$0x0] =	sbarrier.arrive $0xFFFF  }
0xe3: {  	_ =	strace $0x9000004A  }
0xe4: {  	[bflag:$0x2] =	sbarrier.arrive $0xFFFF  }
0xe5: {  	p0 =	sne.s32 s0, $0x0;
	s0 =	rddreg [dreg:$0x1]  }
0xe6: {  	s0 =	sadd.s32 @!p0 $0x100000, s0  }
0xe7: {  	[sflag:s0] =	ssyncadd.tile.s32 @!p0 $0x1;
	_ =	shalt  }
.Lfunc_end2:
_tile_overlayer_lowered:
.L_overlay_start_2:
0xe8: {  	(tag) =	ssettag $0x2  }
0xe9: {  	s0 =	rddreg [dreg:$0x0];
	s2 =	stileid.u32  }
0xea: {  	s1 =	rddreg [dreg:$0x1];
	p0 =	sne.s32 s2, $0x0  }
0xeb: {  	s3 =	rddreg [dreg:$0x2];
	[bflag:$0x3] =	sbarrier.arrive $0xFFFF;
	s2 =	simm.s32 @!p0 $0x1C07  }
0xec: {  	[timem:s3], [sflag:s2] =	dma.local @!p0 [hbm:s0], s1  }
0xed: {  	s0 =	simm.s32 @!p0 $0x7  }
0xee: {  	_ =	swait.ge @!p0 [sflag:s0], s1  }
0xef: {  	s1 =	ssub.s32 @!p0 $0x0, s1;
	[sflag:s0] =	ssyncset.done @!p0 $0x0  }
0xf0: {  	[sflag:s0] =	ssyncadd.s32 @!p0 s1  }
0xf1: {  	[bflag:$0x3] =	sbarrier.arrive $0xFFFF  }
0xf2: {  	_ =	shalt  }

// kernel: kernel.18.cloned.1.call-start
scs
__scs_entry_jumppad:
0x0: {  	(pc) =	sbr.rel $0x88, $3  }
0x1: {  	(tag) =	ssettag $0x0;
	lr =	simm.s32 $0x1  }
0x2: {  	[smem:$0x3F99] =	sst lr;
	_ =	strace $0xD0000000  }
0x3: {  	_ = 	snop  }
0x4: {  	_ = 	snop  }
0x5: {  	_ = 	snop  }
0x6: {  	_ = 	snop  }
0x7: {  	_ = 	snop  }
__scs_overlays_trampoline_lowered:
0x8: {  	[smem:$0x3FA8] =	sst s0  }
0x9: {  	[smem:$0x3FA9] =	sst s1  }
0xa: {  	[smem:$0x3FAA] =	sst s2  }
0xb: {  	[smem:$0x3FAB] =	sst s3  }
0xc: {  	[smem:$0x3FAC] =	sst s4  }
0xd: {  	[smem:$0x3FAD] =	sst s5  }
0xe: {  	[smem:$0x3FAE] =	sst s6  }
0xf: {  	[smem:$0x3FAF] =	sst s7  }
0x10: {  	[smem:$0x3FB0] =	sst s8  }
0x11: {  	[smem:$0x3FB1] =	sst s9;
	s0 =	simm.s32 @!p0 $0x0  }
0x12: {  	s1 =	sld [smem:$0x3F97];
	s0 =	simm.s32 @p0 $0x1  }
0x13: {  	[smem:$0x3FB2] =	sst s0;
	s0 =	simm.s32 @!p1 $0x0  }
0x14: {  	s2 =	sld [smem:$0x3F96];
	s0 =	simm.s32 @p1 $0x1  }
0x15: {  	[smem:$0x3FB3] =	sst s0;
	s0 =	simm.s32 @!p2 $0x0  }
0x16: {  	s3 =	sld [smem:$0x3FDB];
	s0 =	simm.s32 @p2 $0x1  }
0x17: {  	s4 =	simm.s32 $0x1BF5;
	[smem:$0x3FB5] =	sst s0  }
0x18: {  	s0 =	sld [smem:$0x3F98];
	_ =	swait.ge [sflag:s4], $0x0  }
0x19: {  	s7 =	sld [smem:$0x3F99]  }
0x1a: {  	s8 =	sadd.s32 $0xFFFFE003, lr  }
0x1b: {  	s9 =	sadd.s32 $0xFFFFFEF7, lr;
	s5 =	simm.s32 $0xFFFFFFFF;
	p2 =	slt.u32 s8, $0xFFFFF086  }
0x1c: {  	p1 =	slt.u32 s9, $0xF7A;
	s5 =	simm.s32 @!p2 $0x0  }
0x1d: {  	s5 =	simm.s32 @p1 $0x1;
	p0 =	seq.s32 s7, s2  }
0x1e: {  	s7 =	smul.u32 @!p0 $0xF7A, s2;
	p2 =	seq.s32 @!p0 s5, $0x0  }
0x1f: {  	s9 =	smul.u32 $0xF7A, s1;
	s8 =	simm.s32 @!p0 $0x1BF5;
	p2 =	por !p2, p0  }
0x20: {  	[sflag:s8] =	ssyncset.s32 @!p0 $0xFFFFF086;
	s6 =	sadd.s32 @!p0 s3, s7;
	s7 =	simm.s32 @!p0 $0x108  }
0x21: {  	s3 =	sadd.s32 s3, s9;
	s6 =	sadd.s32 @!p0 $0x88, s6;
	s7 =	simm.s32 @p2 $0x1082  }
0x22: {  	[simem:s7], [sflag:s8] =	dma.local @!p0 [hbm:s6], $0xF7A  }
0x23: {  	s9 =	sor.u32 $0xD0000000, s2;
	s6 =	simm.s32 $0x108;
	_ =	swait.ge @!p0 [sflag:s8], $0x0  }
0x24: {  	s3 =	sadd.s32 $0x88, s3;
	s6 =	simm.s32 @!p1 $0x1082;
	[sflag:s4] =	ssyncset.s32 $0xFFFFF086  }
0x25: {  	[simem:s6], [sflag:s4] =	dma.local [hbm:s3], $0xF7A  }
0x26: {  	[smem:$0x3F99] =	sst s1;
	(tag) =	ssettag s2;
	_ =	strace s9  }
0x27: {  	s1 =	sld [smem:$0x3FA9]  }
0x28: {  	s2 =	sld [smem:$0x3FAA]  }
0x29: {  	s4 =	sld [smem:$0x3FAC]  }
0x2a: {  	p0 =	seq.s32 s5, $0x0;
	s5 =	sld [smem:$0x3FAD]  }
0x2b: {  	s6 =	sld [smem:$0x3FAE]  }
0x2c: {  	s7 =	sld [smem:$0x3FAF]  }
0x2d: {  	s3 =	simm.s32 $0x108;
	s8 =	sld [smem:$0x3FB0]  }
0x2e: {  	s3 =	simm.s32 @!p0 $0x1082;
	s9 =	sld [smem:$0x3FB1]  }
0x2f: {  	lr =	sadd.s32 s0, s3;
	s0 =	sld [smem:$0x3FA8]  }
0x30: {  	s3 =	sld [smem:$0x3FAB]  }
0x31: {  	[smem:$0x3FB4] =	sst s10  }
0x32: {  	s10 =	sld [smem:$0x3FB2];
	_ =	sdelay $0x3  }
0x33: {  	p0 =	seq.s32 s10, $0x1;
	s10 =	sld [smem:$0x3FB4];
	_ =	sdelay $0x3  }
0x34: {  	[smem:$0x3FB4] =	sst s10  }
0x35: {  	s10 =	sld [smem:$0x3FB3];
	_ =	sdelay $0x3  }
0x36: {  	p1 =	seq.s32 s10, $0x1;
	s10 =	sld [smem:$0x3FB4];
	_ =	sdelay $0x3  }
0x37: {  	[smem:$0x3FB4] =	sst s10  }
0x38: {  	s10 =	sld [smem:$0x3FB5]  }
0x39: {  	_ = 	snop;
	(pc) =	sbr.ind lr, $3  }
0x3a: {  	_ = 	snop  }
0x3b: {  	_ = 	snop  }
0x3c: {  	p2 =	seq.s32 s10, $0x1;
	s10 =	sld [smem:$0x3FB4]  }
0x3d: {  	_ =	shalt  }
0x3e: {  	_ =	shalt  }
0x3f: {  	_ =	shalt  }
0x40: {  	_ =	shalt  }
0x41: {  	_ =	shalt  }
0x42: {  	_ =	shalt  }
0x43: {  	_ =	shalt  }
0x44: {  	_ =	shalt  }
0x45: {  	_ =	shalt  }
0x46: {  	_ =	shalt  }
0x47: {  	_ =	shalt  }
0x48: {  	_ =	shalt  }
0x49: {  	_ =	shalt  }
0x4a: {  	_ =	shalt  }
0x4b: {  	_ =	shalt  }
0x4c: {  	_ =	shalt  }
0x4d: {  	_ =	shalt  }
0x4e: {  	_ =	shalt  }
0x4f: {  	_ =	shalt  }
0x50: {  	_ =	shalt  }
0x51: {  	_ =	shalt  }
0x52: {  	_ =	shalt  }
0x53: {  	_ =	shalt  }
0x54: {  	_ =	shalt  }
0x55: {  	_ =	shalt  }
0x56: {  	_ =	shalt  }
0x57: {  	_ =	shalt  }
0x58: {  	_ =	shalt  }
0x59: {  	_ =	shalt  }
0x5a: {  	_ =	shalt  }
0x5b: {  	_ =	shalt  }
0x5c: {  	_ =	shalt  }
0x5d: {  	_ =	shalt  }
0x5e: {  	_ =	shalt  }
0x5f: {  	_ =	shalt  }
0x60: {  	_ =	shalt  }
0x61: {  	_ =	shalt  }
0x62: {  	_ =	shalt  }
0x63: {  	_ =	shalt  }
0x64: {  	_ =	shalt  }
0x65: {  	_ =	shalt  }
0x66: {  	_ =	shalt  }
0x67: {  	_ =	shalt  }
0x68: {  	_ =	shalt  }
0x69: {  	_ =	shalt  }
0x6a: {  	_ =	shalt  }
0x6b: {  	_ =	shalt  }
0x6c: {  	_ =	shalt  }
0x6d: {  	_ =	shalt  }
0x6e: {  	_ =	shalt  }
0x6f: {  	_ =	shalt  }
0x70: {  	_ =	shalt  }
0x71: {  	_ =	shalt  }
0x72: {  	_ =	shalt  }
0x73: {  	_ =	shalt  }
0x74: {  	_ =	shalt  }
0x75: {  	_ =	shalt  }
0x76: {  	_ =	shalt  }
0x77: {  	_ =	shalt  }
0x78: {  	_ =	shalt  }
0x79: {  	_ =	shalt  }
0x7a: {  	_ =	shalt  }
0x7b: {  	_ =	shalt  }
0x7c: {  	_ =	shalt  }
0x7d: {  	_ =	shalt  }
0x7e: {  	_ =	shalt  }
0x7f: {  	_ =	shalt  }
0x80: {  	_ =	shalt  }
0x81: {  	_ =	shalt  }
0x82: {  	_ =	shalt  }
0x83: {  	_ =	shalt  }
0x84: {  	_ =	shalt  }
0x85: {  	_ =	shalt  }
0x86: {  	_ =	shalt  }
0x87: {  	_ =	shalt  }
.Lfunc_end0:
.L_simem_size_0:
called_computation.2_lowered:
.L_overlay_start_0:
0x88: {  	s2 =	sld [smem:$0x3FD9]  }
0x89: {  	s3 =	sld [smem:$0x3FFE];
	_ =	sdelay $0x1  }
0x8a: {  	s1 =	srdreg.scid  }
0x8b: {  	s0 =	sand.u32 $0x1, s1  }
0x8c: {  	s17 =	sshll.u32 s0, $0xA;
	s2 =	sadd.s32 s3, s2  }
0x8d: {  	s2 =	sadd.s32 s2, s17  }
0x8e: {  	[smem:$0x3FC0] =	sst s2  }
0x8f: {  	_ = 	snop  }
0x90: {  	(tm) =	ssettm $0x1  }
0x91: {  	s18 =	sld [smem:$0x3FFB];
	_ =	sdelay $0x3  }
0x92: {  	_ =	strace s18  }
0x93: {  	s2 =	sld [smem:$0x3FFC];
	_ =	sdelay $0x3  }
0x94: {  	_ =	strace s2  }
0x95: {  	s2 =	sld [smem:$0x3FFD];
	_ =	sdelay $0x3  }
0x96: {  	_ =	strace s2  }
0x97: {  	_ =	strace $0x8FFFFFFF  }
0x98: {  	s19 =	sld [smem:$0x3FDB];
	_ =	sdelay $0x1  }
0x99: {  	s20 =	simm.s32 $_scs_section_size  }
0x9a: {  	s4 =	simm.s32 $_size__tile_overlayer_lowered;
	s5 =	simm.s32 $_tile_overlayer_lowered  }
0x9b: {  	s6 =	simm.s32 $0x1BFF;
	s21 =	sshll.u32 s5, $0x1;
	s3 =	sadd.s32 s20, s19  }
0x9c: {  	s22 =	simm.s32 $0x0;
	s4 =	sshll.u32 s4, $0x1;
	s5 =	sadd.s32 s21, s3  }
0x9d: {  	[timem:s22], [sflag:s6] =	dma.local [hbm:s5], s4  }
0x9e: {  	_ =	swait.ge [sflag:s6], s4  }
0x9f: {  	s4 =	ssub.s32 $0x0, s4;
	[sflag:s6] =	ssyncset.done $0x0  }
0xa0: {  	[sflag:s6] =	ssyncadd.s32 s4;
	_ =	sdelay $0x1  }
0xa1: {  	s23 =	simm.s32 $0x1B8B  }
0xa2: {  	_ =	swait.ge [sflag:s23], $0x1  }
0xa3: {  	[sflag:s23] =	ssyncset.done $0x0  }
0xa4: {  	[sflag:s23] =	ssyncadd.s32 $0xFFFFFFFF  }
0xa5: {  	s4 =	sld [smem:$0x0]  }
0xa6: {  	s5 =	sand.u32 $0xFFFFFFFE, s1  }
0xa7: {  	p0 =	sne.s32 s1, s5  }
0xa8: {  	s5 =	sshll.u32 @p0 s5, $0xE  }
0xa9: {  	s5 =	sadd.s32 @p0 $0x11B8D, s5;
	s6 =	sshll.u32 @p0 s4, $0x11  }
0xaa: {  	s5 =	sor.u32 @p0 s6, s5  }
0xab: {  	[sflag:s5] =	ssyncadd.remote.s32 @p0 $0x1;
	_ =	sdelay $0x1  }
0xac: {  	s5 =	simm.s32 @p0 $0x1B8D  }
0xad: {  	_ =	swait.eq @p0 [sflag:s5], $0x1  }
0xae: {  	[sflag:s5] =	ssyncadd.s32 @p0 $0xFFFFFFFF  }
0xaf: {  	s6 =	sshll.u32 @!p0 s1, $0xE  }
0xb0: {  	s6 =	sor.u32 @!p0 $0x4000, s6;
	s5 =	simm.s32 @!p0 $0x1B8D  }
0xb1: {  	s4 =	sshll.u32 @!p0 s4, $0x11;
	s6 =	sadd.s32 @!p0 $0x11B8D, s6;
	_ =	swait.eq @!p0 [sflag:s5], $0x1  }
0xb2: {  	s4 =	sor.u32 @!p0 s4, s6;
	[sflag:s5] =	ssyncadd.s32 @!p0 $0xFFFFFFFF  }
0xb3: {  	s25 =	simm.s32 $0x1B8E;
	s24 =	sld [smem:$0x3FFE];
	[sflag:s4] =	ssyncadd.remote.s32 @!p0 $0x1  }
0xb4: {  	s26 =	simm.s32 $execute0_lowered;
	[smem:$0x3FD2] =	sst s25  }
0xb5: {  	s5 =	sshll.u32 s26, $0x1;
	_ =	strace $0x8000004C;
	[dreg:$0x1] =	wrdreg $0xFFFFFFFF  }
0xb6: {  	s28 =	simm.s32 $_size_execute0_lowered;
	s3 =	sadd.s32 s3, s5;
	[dreg:$0x0] =	wrdreg $0x0  }
0xb7: {  	s5 =	sshll.u32 s28, $0x1;
	[dreg:$0x2] =	wrdreg s3  }
0xb8: {  	[dreg:$0x3] =	wrdreg s5  }
0xb9: {  	[dreg:$0x4] =	wrdreg $0xC0  }
0xba: {  	_ =	task [dreg:s22], $0x5FFFF  }
0xbb: {  	[dreg:$0x1] =	wrdreg $0xFFFFFFFF  }
0xbc: {  	[dreg:$0x0] =	wrdreg $0x60  }
0xbd: {  	[dreg:$0x2] =	wrdreg s24  }
0xbe: {  	[dreg:$0x3] =	wrdreg $0xB  }
0xbf: {  	_ =	task.clear_ibuf [dreg:s22], $0x4FFFF;
	_ =	strace $0x9000004C  }
0xc0: {  	s29 =	simm.s32 $0xB;
	_ =	strace $0x8000004E  }
0xc1: {  	_ =	swait.ge [sflag:s29], $0x1  }
0xc2: {  	[sflag:s29] =	ssyncadd.s32 $0xFFFFFFFF  }
0xc3: {  	_ =	strace $0x9000004E  }
0xc4: {  	_ =	sfence  }
0xc5: {  	s30 =	sld [smem:$0x0];
	_ =	sdelay $0x2  }
0xc6: {  	s31 =	sshll.u32 s1, $0xD;
	s1 =	sshrl.u32 s1, $0x2  }
0xc7: {  	s4 =	sand.u32 $0x4000, s31;
	s1 =	sadd.s32 s1, s30  }
0xc8: {  	s0 =	sor.u32 s4, s0;
	s1 =	sshll.u32 s1, $0x11  }
0xc9: {  	s0 =	sor.u32 s1, s0  }
0xca: {  	s0 =	sadd.s32 $0x8F2B, s0  }
0xcb: {  	[sflag:s0] =	ssyncadd.remote.s32 $0x1  }
0xcc: {  	_ =	sfence.sel $0xFFFF  }
0xcd: {  	[dreg:$0x0] =	wrdreg $0xFFFFFFFF;
	(pc) =	sbr.abs _section_cstart, $3  }
0xce: {  	[dreg:$0x1] =	wrdreg $0xFFFFFFFF  }
0xcf: {  	_ =	task.clear_ibuf [dreg:s22], $0x2FFFF;
	_ =	strace $0x9FFFFFFF  }
0xd0: {  	(tm) =	ssettm $0x7FFFFFFF  }
0xd1: {  	_ =	shalt  }
tec
execute0_lowered:
.L_overlay_start_1:
0x0: {  	(tag) =	ssettag $0x1  }
0x1: {  	s1 =	srdreg.scid  }
0x2: {  	s0 =	stileid.u32;
	s6 =	rddreg [dreg:$0x0];
	s2 =	simm.s32 $0x0  }
0x3: {  	s11 =	simm.s32 $0x7;
	s12 =	simm.s32 $0x80;
	s13 =	simm.s32 $0x1000  }
0x4: {  	s14 =	simm.s32 $0x5000;
	s15 =	simm.s32 $0x100;
	s16 =	simm.s32 $0x9000  }
0x5: {  	s17 =	simm.s32 $0x180;
	s18 =	simm.s32 $0xD000;
	s19 =	simm.s32 $0x1  }
0x6: {  	s20 =	simm.s32 $0x2;
	s21 =	simm.s32 $0x3;
	s22 =	simm.s32 $0x4  }
0x7: {  	s23 =	simm.s32 $0x5;
	s24 =	simm.s32 $0x6;
	s25 =	simm.s32 $0x0  }
0x8: {  	s7 =	sand.u32 $0x1, s1;
	s30 =	sshll.u32 s0, $0x1;
	[smem:$0x7FF] =	sst s2  }
0x9: {  	s5 =	sadd.s32 $0x30200, s6;
	p0 =	slt.u32 s0, $0xA;
	s3 =	sor.u32 s7, s30  }
0xa: {  	_ =	strace $0x8000004D;
	s31 =	ssub.s32 $0x2, s7;
	s4 =	smul.u32 $0xF, s3  }
.Ltmp0:
0xb: {  	s7 =	simm.s32 $0x10;
	s3 =	smin.u32 s3, $0x14;
	(pc) =	sbr.rel .LBB2_1-.Ltmp0, $4  }
0xc: {  	s10 =	sshrl.u32 s31, $0x1;
	s7 =	simm.s32 @!p0 $0xF;
	s3 =	sadd.s32 s3, s4  }
0xd: {  	p0 =	sgt.u32 s0, $0x9;
	s10 =	ssub.s32 s31, s10;
	s8 =	sshll.u32 s3, $0x5  }
0xe: {  	s4 =	sadd.s32 $0x9000, s6;
	s9 =	sadd.s32 s8, s6;
	s6 =	sadd.s32 $0x3C6400, s6  }
0xf: {  	s10 =	smax.u32 s10, $0x1;
	s8 =	sadd.s32 $0x3C2400, s9;
	s9 =	sadd.s32 $0x3C25E0, s9  }
.LBB2_11:
0x10: {  	s25 =	sadd.s32 $0x1, s25  }
0x11: {  	_ =	swait.ge [sflag:s23], $0x4000;
	p1 =	sne.s32 s25, s10  }
.Ltmp1:
0x12: {  	[sflag:s23] =	ssyncset.done $0x0;
	(pc) =	sbr.rel @!p1 .LBB2_12-.Ltmp1, $4  }
0x13: {  	[sflag:s23] =	ssyncadd.s32 $0xFFFFC000  }
0x14: {  	_ =	swait.ge [sflag:s24], $0x4000  }
0x15: {  	[sflag:s24] =	ssyncset.done $0x0  }
0x16: {  	[sflag:s24] =	ssyncadd.s32 $0xFFFFC000  }
.LBB2_1:
0x17: {  	[tilespmem:s2], [sflag:$0x7] =	stream.linear.gather [hbm4b:s8+s2], $0xF00, $0x38;
	[tilespmem:$0x11000] =	vst v63  }
0x18: {  	_ =	swait.ge [sflag:s11], $0xF00  }
0x19: {  	[sflag:s11] =	ssyncset.done $0x0  }
0x1a: {  	s26 =	simm.s32 @!p0 $0x0;
	s28 =	simm.s32 @!p0 $0xF00;
	[sflag:s11] =	ssyncadd.s32 $0xFFFFF100  }
0x1b: {  	[tilespmem:s28], [sflag:$0x7] =	stream.linear.gather @!p0 [hbm4b:s9+s26], $0x100, $0x38;
	[tilespmem:$0x11000] =	vst v63  }
0x1c: {  	s26 =	simm.s32 @!p0 $0x7  }
0x1d: {  	_ =	swait.ge @!p0 [sflag:s26], $0x100  }
0x1e: {  	[sflag:s26] =	ssyncset.done @!p0 $0x0  }
0x1f: {  	[sflag:s26] =	ssyncadd.s32 @!p0 $0xFFFFFF00  }
0x20: {  	[tilespmem:s13], [sflag:$0x1] =	stream.indirect.gather [hbm4b:s4+s12], $0x80, s2, s12, $0xb8;
	[tilespmem:$0x11000] =	vst v63  }
0x21: {  	_ = 	snop  }
0x22: {  	[tilespmem:s14], [sflag:$0x2] =	stream.indirect.gather [hbm4b:s5+s12], $0x80, s12, s12, $0xb8;
	[tilespmem:$0x11000] =	vst v63  }
.Ltmp2:
0x23: {  	_ = 	snop;
	(pc) =	sbr.rel .LBB2_2-.Ltmp2, $4  }
0x24: {  	_ = 	snop  }
0x25: {  	[tilespmem:s16], [sflag:$0x3] =	stream.indirect.gather [hbm4b:s4+s12], $0x80, s15, s12, $0xb8;
	[tilespmem:$0x11000] =	vst v63  }
0x26: {  	s26 =	simm.s32 $0x0  }
0x27: {  	[tilespmem:s18], [sflag:$0x4] =	stream.indirect.gather [hbm4b:s5+s12], $0x80, s17, s12, $0xb8;
	[tilespmem:$0x11000] =	vst v63  }
.LBB2_10:
0x28: {  	s1 =	sadd.s32 $0x2, s28  }
0x29: {  	p1 =	sge.u32 s1, s7  }
0x2a: {  	s29 =	simm.s32 @!p1 $0x5  }
0x2b: {  	_ =	swait.ge @!p1 [sflag:s29], $0x4000  }
0x2c: {  	s1 =	sshll.u32 @!p1 s1, $0x8;
	s30 =	simm.s32 @!p1 $0x1000;
	[sflag:s29] =	ssyncset.done @!p1 $0x0  }
0x2d: {  	s1 =	sand.u32 @!p1 $0x3FFFFF00, s1;
	[sflag:s29] =	ssyncadd.s32 @!p1 $0xFFFFC000;
	s29 =	simm.s32 @!p1 $0x80  }
0x2e: {  	[tilespmem:s30], [sflag:$0x1] =	stream.indirect.gather @!p1 [hbm4b:s4+s29], $0x80, s1, s29, $0xb8;
	[tilespmem:$0x11000] =	vst v63  }
0x2f: {  	s1 =	sor.u32 @!p1 $0x80, s1;
	s30 =	simm.s32 @!p1 $0x5000  }
0x30: {  	[tilespmem:s30], [sflag:$0x2] =	stream.indirect.gather @!p1 [hbm4b:s5+s29], $0x80, s1, s29, $0xb8;
	[tilespmem:$0x11000] =	vst v63  }
0x31: {  	s1 =	sadd.s32 $0x3, s28  }
0x32: {  	p1 =	sge.u32 s1, s7  }
0x33: {  	s28 =	simm.s32 @!p1 $0x6  }
0x34: {  	_ =	swait.ge @!p1 [sflag:s28], $0x4000  }
0x35: {  	s1 =	sshll.u32 @!p1 s1, $0x8;
	s29 =	simm.s32 @!p1 $0x9000;
	[sflag:s28] =	ssyncset.done @!p1 $0x0  }
0x36: {  	s1 =	sand.u32 @!p1 $0x3FFFFF00, s1;
	[sflag:s28] =	ssyncadd.s32 @!p1 $0xFFFFC000;
	s28 =	simm.s32 @!p1 $0x80  }
0x37: {  	[tilespmem:s29], [sflag:$0x3] =	stream.indirect.gather @!p1 [hbm4b:s4+s28], $0x80, s1, s28, $0xb8;
	[tilespmem:$0x11000] =	vst v63  }
0x38: {  	s26 =	sadd.s32 $0x1, s26;
	s1 =	sor.u32 @!p1 $0x80, s1;
	s29 =	simm.s32 @!p1 $0xD000  }
0x39: {  	[tilespmem:s29], [sflag:$0x4] =	stream.indirect.gather @!p1 [hbm4b:s5+s28], $0x80, s1, s28, $0xb8;
	[tilespmem:$0x11000] =	vst v63  }
0x3a: {  	p1 =	sne.s32 s26, $0x8  }
.Ltmp3:
0x3b: {  	_ = 	snop;
	(pc) =	sbr.rel @!p1 .LBB2_11-.Ltmp3, $1  }
0x3c: {  	_ =	sdelay $0x3  }
.LBB2_2:
0x3d: {  	s28 =	sshll.u32 s26, $0x1  }
0x3e: {  	p1 =	sge.u32 s28, s7  }
.Ltmp4:
0x3f: {  	_ = 	snop;
	(pc) =	sbr.rel @p1 .LBB2_6-.Ltmp4, $1  }
0x40: {  	_ =	sdelay $0x3  }
0x41: {  	_ =	swait.ge [sflag:s19], $0x4000  }
0x42: {  	[sflag:s19] =	ssyncset.done $0x0  }
0x43: {  	[sflag:s19] =	ssyncadd.s32 $0xFFFFC000  }
0x44: {  	_ =	swait.ge [sflag:s20], $0x4000  }
0x45: {  	[sflag:s20] =	ssyncset.done $0x0  }
0x46: {  	s29 =	simm.s32 $0x0;
	[sflag:s20] =	ssyncadd.s32 $0xFFFFC000  }
0x47: {  	v6 =	vld [tilespmem:s29+$0x5000]  }
0x48: {  	v7 =	vld [tilespmem:s29+$0x5010]  }
0x49: {  	v8 =	vld [tilespmem:s29+$0x5020]  }
0x4a: {  	v9 =	vld [tilespmem:s29+$0x5030]  }
0x4b: {  	v10 =	vld [tilespmem:s29+$0x5040]  }
0x4c: {  	v11 =	vld [tilespmem:s29+$0x5050]  }
0x4d: {  	v12 =	vld [tilespmem:s29+$0x5060]  }
0x4e: {  	v13 =	vld [tilespmem:s29+$0x5070]  }
0x4f: {  	v14 =	vld [tilespmem:s29+$0x5080]  }
0x50: {  	v15 =	vld [tilespmem:s29+$0x5090]  }
0x51: {  	v5 =	vld [tilespmem:s29+$0x50A0]  }
0x52: {  	v4 =	vld [tilespmem:s29+$0x50B0]  }
0x53: {  	v3 =	vld [tilespmem:s29+$0x50C0]  }
0x54: {  	v2 =	vld [tilespmem:s29+$0x50D0]  }
0x55: {  	v1 =	vld [tilespmem:s29+$0x50E0]  }
0x56: {  	v0 =	vld [tilespmem:s29+$0x50F0]  }
0x57: {  	v16 =	vld [tilespmem:s29+$0x1000]  }
0x58: {  	v17 =	vld [tilespmem:s29+$0x1010]  }
0x59: {  	v18 =	vld [tilespmem:s29+$0x1020]  }
0x5a: {  	v19 =	vld [tilespmem:s29+$0x1030]  }
0x5b: {  	v20 =	vld [tilespmem:s29+$0x1040]  }
0x5c: {  	v60 =	vld [tilespmem:s29+$0x1050];
	v6 =	vadd.f32 v6, v16  }
0x5d: {  	v21 =	vld [tilespmem:s29+$0x1060];
	v7 =	vadd.f32 v7, v17  }
0x5e: {  	v61 =	vld [tilespmem:s29+$0x1070];
	[tilespmem:s29+$0x1000] =	vst v6;
	v6 =	vadd.f32 v8, v18  }
0x5f: {  	v62 =	vld [tilespmem:s29+$0x1080];
	[tilespmem:s29+$0x1010] =	vst v7;
	v7 =	vadd.f32 v9, v19  }
0x60: {  	v63 =	vld [tilespmem:s29+$0x1090];
	[tilespmem:s29+$0x1020] =	vst v6;
	v6 =	vadd.f32 v10, v20  }
0x61: {  	v8 =	vadd.f32 v11, v60;
	[tilespmem:s29+$0x1030] =	vst v7;
	v7 =	vld [tilespmem:s29+$0x10A0]  }
0x62: {  	v9 =	vadd.f32 v12, v21;
	[tilespmem:s29+$0x1040] =	vst v6;
	v6 =	vld [tilespmem:s29+$0x10B0]  }
0x63: {  	[tilespmem:s29+$0x1050] =	vst v8;
	v8 =	vld [tilespmem:s29+$0x10C0];
	v10 =	vadd.f32 v13, v61  }
0x64: {  	v12 =	vadd.f32 v14, v62;
	[tilespmem:s29+$0x1060] =	vst v9;
	v9 =	vld [tilespmem:s29+$0x10D0]  }
0x65: {  	s30 =	simm.s32 $0x400;
	v11 =	vadd.f32 v15, v63;
	[tilespmem:s29+$0x1070] =	vst v10;
	v10 =	vld [tilespmem:s29+$0x10E0]  }
.LBB2_4:
0x66: {  	s31 =	sshra.s32 s30, $0x2;
	p1 =	sne.s32 s30, $0xFC00;
	[tilespmem:s29+$0x1080] =	vst v12;
	v5 =	vadd.f32 v5, v7;
	v7 =	vld [tilespmem:s29+$0x10F0]  }
0x67: {  	v12 =	vld [tilespmem:s31+$0x5000];
	[tilespmem:s29+$0x1090] =	vst v11;
	v4 =	vadd.f32 v4, v6  }
0x68: {  	v6 =	vld [tilespmem:s31+$0x5010];
	[tilespmem:s29+$0x10A0] =	vst v5;
	v3 =	vadd.f32 v3, v8  }
0x69: {  	v8 =	vld [tilespmem:s31+$0x5020];
	[tilespmem:s29+$0x10B0] =	vst v4;
	v2 =	vadd.f32 v2, v9  }
0x6a: {  	v9 =	vld [tilespmem:s31+$0x5030];
	[tilespmem:s29+$0x10C0] =	vst v3;
	v1 =	vadd.f32 v1, v10  }
0x6b: {  	v10 =	vld [tilespmem:s31+$0x5040];
	[tilespmem:s29+$0x10D0] =	vst v2;
	v0 =	vadd.f32 v0, v7  }
0x6c: {  	v7 =	vld [tilespmem:s31+$0x5050];
	[tilespmem:s29+$0x10E0] =	vst v1  }
0x6d: {  	v11 =	vld [tilespmem:s31+$0x5060];
	[tilespmem:s29+$0x10F0] =	vst v0;
	s29 =	smov.u32 s31  }
0x6e: {  	v13 =	vld [tilespmem:s29+$0x5070]  }
0x6f: {  	v14 =	vld [tilespmem:s29+$0x5080]  }
0x70: {  	v15 =	vld [tilespmem:s29+$0x5090]  }
0x71: {  	v5 =	vld [tilespmem:s29+$0x50A0]  }
0x72: {  	v4 =	vld [tilespmem:s29+$0x50B0]  }
0x73: {  	v3 =	vld [tilespmem:s29+$0x50C0]  }
0x74: {  	v2 =	vld [tilespmem:s29+$0x50D0]  }
0x75: {  	v1 =	vld [tilespmem:s29+$0x50E0]  }
0x76: {  	v0 =	vld [tilespmem:s29+$0x50F0]  }
0x77: {  	v16 =	vld [tilespmem:s29+$0x1000]  }
0x78: {  	v17 =	vld [tilespmem:s29+$0x1010]  }
0x79: {  	v18 =	vld [tilespmem:s29+$0x1020]  }
0x7a: {  	v19 =	vld [tilespmem:s29+$0x1030]  }
0x7b: {  	v20 =	vld [tilespmem:s29+$0x1040]  }
0x7c: {  	v12 =	vadd.f32 v12, v16;
	v16 =	vld [tilespmem:s29+$0x1050]  }
0x7d: {  	v6 =	vadd.f32 v6, v17;
	v17 =	vld [tilespmem:s29+$0x1060]  }
0x7e: {  	[tilespmem:s29+$0x1000] =	vst v12;
	v8 =	vadd.f32 v8, v18;
	v12 =	vld [tilespmem:s29+$0x1070]  }
0x7f: {  	[tilespmem:s29+$0x1010] =	vst v6;
	v6 =	vadd.f32 v9, v19;
	v9 =	vld [tilespmem:s29+$0x1080]  }
0x80: {  	[tilespmem:s29+$0x1020] =	vst v8;
	v8 =	vadd.f32 v10, v20;
	v10 =	vld [tilespmem:s29+$0x1090]  }
.Ltmp5:
0x81: {  	[tilespmem:s29+$0x1030] =	vst v6;
	v16 =	vadd.f32 v7, v16;
	v7 =	vld [tilespmem:s29+$0x10A0];
	(pc) =	sbr.rel @p1 .LBB2_4-.Ltmp5, $4  }
0x82: {  	[tilespmem:s29+$0x1040] =	vst v8;
	v11 =	vadd.f32 v11, v17;
	v6 =	vld [tilespmem:s29+$0x10B0]  }
0x83: {  	[tilespmem:s29+$0x1050] =	vst v16;
	v13 =	vadd.f32 v13, v12;
	v8 =	vld [tilespmem:s29+$0x10C0]  }
0x84: {  	[tilespmem:s29+$0x1060] =	vst v11;
	v12 =	vadd.f32 v14, v9;
	v9 =	vld [tilespmem:s29+$0x10D0]  }
0x85: {  	s30 =	sadd.s32 $0x400, s30;
	[tilespmem:s29+$0x1070] =	vst v13;
	v11 =	vadd.f32 v15, v10;
	v10 =	vld [tilespmem:s29+$0x10E0]  }
0x86: {  	[tilespmem:s29+$0x1080] =	vst v12;
	v5 =	vadd.f32 v5, v7;
	v63 =	vld [tilespmem:s29+$0x10F0]  }
0x87: {  	[tilespmem:s29+$0x1090] =	vst v11;
	v4 =	vadd.f32 v4, v6  }
0x88: {  	[tilespmem:s29+$0x10A0] =	vst v5;
	v3 =	vadd.f32 v3, v8  }
0x89: {  	[tilespmem:s29+$0x10B0] =	vst v4;
	v2 =	vadd.f32 v2, v9  }
0x8a: {  	s30 =	sadd.s32 s3, s28;
	[tilespmem:s29+$0x10C0] =	vst v3;
	v1 =	vadd.f32 v1, v10  }
0x8b: {  	s30 =	sshll.u32 s30, $0xB;
	[tilespmem:s29+$0x10D0] =	vst v2;
	v0 =	vadd.f32 v0, v63  }
0x8c: {  	s30 =	sand.u32 $0x1FFFF800, s30;
	[tilespmem:s29+$0x10E0] =	vst v1  }
0x8d: {  	s31 =	sadd.s32 s6, s30;
	[tilespmem:s29+$0x10F0] =	vst v0  }
0x8e: {  	[hbm4b:s31+s2] =	stream.linear.scatter [tilespmem:s13], [sflag:$0x5], $0x4000, $0x38;
	[tilespmem:$0x11000] =	vst v63  }
.LBB2_6:
0x8f: {  	s29 =	sor.u32 $0x1, s28  }
0x90: {  	p1 =	sge.u32 s29, s7  }
.Ltmp6:
0x91: {  	_ = 	snop;
	(pc) =	sbr.rel @p1 .LBB2_10-.Ltmp6, $1  }
0x92: {  	_ =	sdelay $0x3  }
0x93: {  	_ =	swait.ge [sflag:s21], $0x4000  }
0x94: {  	[sflag:s21] =	ssyncset.done $0x0  }
0x95: {  	[sflag:s21] =	ssyncadd.s32 $0xFFFFC000  }
0x96: {  	_ =	swait.ge [sflag:s22], $0x4000  }
0x97: {  	[sflag:s22] =	ssyncset.done $0x0  }
0x98: {  	s30 =	simm.s32 $0x0;
	[sflag:s22] =	ssyncadd.s32 $0xFFFFC000  }
0x99: {  	v6 =	vld [tilespmem:s30+$0xD000]  }
0x9a: {  	v7 =	vld [tilespmem:s30+$0xD010]  }
0x9b: {  	v8 =	vld [tilespmem:s30+$0xD020]  }
0x9c: {  	v9 =	vld [tilespmem:s30+$0xD030]  }
0x9d: {  	v10 =	vld [tilespmem:s30+$0xD040]  }
0x9e: {  	v11 =	vld [tilespmem:s30+$0xD050]  }
0x9f: {  	v12 =	vld [tilespmem:s30+$0xD060]  }
0xa0: {  	v13 =	vld [tilespmem:s30+$0xD070]  }
0xa1: {  	v14 =	vld [tilespmem:s30+$0xD080]  }
0xa2: {  	v15 =	vld [tilespmem:s30+$0xD090]  }
0xa3: {  	v5 =	vld [tilespmem:s30+$0xD0A0]  }
0xa4: {  	v4 =	vld [tilespmem:s30+$0xD0B0]  }
0xa5: {  	v3 =	vld [tilespmem:s30+$0xD0C0]  }
0xa6: {  	v2 =	vld [tilespmem:s30+$0xD0D0]  }
0xa7: {  	v1 =	vld [tilespmem:s30+$0xD0E0]  }
0xa8: {  	v0 =	vld [tilespmem:s30+$0xD0F0]  }
0xa9: {  	v16 =	vld [tilespmem:s30+$0x9000]  }
0xaa: {  	v17 =	vld [tilespmem:s30+$0x9010]  }
0xab: {  	v18 =	vld [tilespmem:s30+$0x9020]  }
0xac: {  	v19 =	vld [tilespmem:s30+$0x9030]  }
0xad: {  	v20 =	vld [tilespmem:s30+$0x9040]  }
0xae: {  	v60 =	vld [tilespmem:s30+$0x9050];
	v6 =	vadd.f32 v6, v16  }
0xaf: {  	v21 =	vld [tilespmem:s30+$0x9060];
	v7 =	vadd.f32 v7, v17  }
0xb0: {  	v61 =	vld [tilespmem:s30+$0x9070];
	[tilespmem:s30+$0x9000] =	vst v6;
	v6 =	vadd.f32 v8, v18  }
0xb1: {  	v62 =	vld [tilespmem:s30+$0x9080];
	[tilespmem:s30+$0x9010] =	vst v7;
	v7 =	vadd.f32 v9, v19  }
0xb2: {  	v63 =	vld [tilespmem:s30+$0x9090];
	[tilespmem:s30+$0x9020] =	vst v6;
	v6 =	vadd.f32 v10, v20  }
0xb3: {  	v8 =	vadd.f32 v11, v60;
	[tilespmem:s30+$0x9030] =	vst v7;
	v7 =	vld [tilespmem:s30+$0x90A0]  }
0xb4: {  	v9 =	vadd.f32 v12, v21;
	[tilespmem:s30+$0x9040] =	vst v6;
	v6 =	vld [tilespmem:s30+$0x90B0]  }
0xb5: {  	[tilespmem:s30+$0x9050] =	vst v8;
	v8 =	vld [tilespmem:s30+$0x90C0];
	v10 =	vadd.f32 v13, v61  }
0xb6: {  	v12 =	vadd.f32 v14, v62;
	[tilespmem:s30+$0x9060] =	vst v9;
	v9 =	vld [tilespmem:s30+$0x90D0]  }
0xb7: {  	s31 =	simm.s32 $0x400;
	v11 =	vadd.f32 v15, v63;
	[tilespmem:s30+$0x9070] =	vst v10;
	v10 =	vld [tilespmem:s30+$0x90E0]  }
.LBB2_8:
0xb8: {  	s1 =	sshra.s32 s31, $0x2;
	p1 =	sne.s32 s31, $0xFC00;
	[tilespmem:s30+$0x9080] =	vst v12;
	v5 =	vadd.f32 v5, v7;
	v7 =	vld [tilespmem:s30+$0x90F0]  }
0xb9: {  	v12 =	vld [tilespmem:s1+$0xD000];
	[tilespmem:s30+$0x9090] =	vst v11;
	v4 =	vadd.f32 v4, v6  }
0xba: {  	v6 =	vld [tilespmem:s1+$0xD010];
	[tilespmem:s30+$0x90A0] =	vst v5;
	v3 =	vadd.f32 v3, v8  }
0xbb: {  	v8 =	vld [tilespmem:s1+$0xD020];
	[tilespmem:s30+$0x90B0] =	vst v4;
	v2 =	vadd.f32 v2, v9  }
0xbc: {  	v9 =	vld [tilespmem:s1+$0xD030];
	[tilespmem:s30+$0x90C0] =	vst v3;
	v1 =	vadd.f32 v1, v10  }
0xbd: {  	v10 =	vld [tilespmem:s1+$0xD040];
	[tilespmem:s30+$0x90D0] =	vst v2;
	v0 =	vadd.f32 v0, v7  }
0xbe: {  	v7 =	vld [tilespmem:s1+$0xD050];
	[tilespmem:s30+$0x90E0] =	vst v1  }
0xbf: {  	v11 =	vld [tilespmem:s1+$0xD060];
	[tilespmem:s30+$0x90F0] =	vst v0;
	s30 =	smov.u32 s1  }
0xc0: {  	v13 =	vld [tilespmem:s30+$0xD070]  }
0xc1: {  	v14 =	vld [tilespmem:s30+$0xD080]  }
0xc2: {  	v15 =	vld [tilespmem:s30+$0xD090]  }
0xc3: {  	v5 =	vld [tilespmem:s30+$0xD0A0]  }
0xc4: {  	v4 =	vld [tilespmem:s30+$0xD0B0]  }
0xc5: {  	v3 =	vld [tilespmem:s30+$0xD0C0]  }
0xc6: {  	v2 =	vld [tilespmem:s30+$0xD0D0]  }
0xc7: {  	v1 =	vld [tilespmem:s30+$0xD0E0]  }
0xc8: {  	v0 =	vld [tilespmem:s30+$0xD0F0]  }
0xc9: {  	v16 =	vld [tilespmem:s30+$0x9000]  }
0xca: {  	v17 =	vld [tilespmem:s30+$0x9010]  }
0xcb: {  	v18 =	vld [tilespmem:s30+$0x9020]  }
0xcc: {  	v19 =	vld [tilespmem:s30+$0x9030]  }
0xcd: {  	v20 =	vld [tilespmem:s30+$0x9040]  }
0xce: {  	v12 =	vadd.f32 v12, v16;
	v16 =	vld [tilespmem:s30+$0x9050]  }
0xcf: {  	v6 =	vadd.f32 v6, v17;
	v17 =	vld [tilespmem:s30+$0x9060]  }
0xd0: {  	[tilespmem:s30+$0x9000] =	vst v12;
	v8 =	vadd.f32 v8, v18;
	v12 =	vld [tilespmem:s30+$0x9070]  }
0xd1: {  	[tilespmem:s30+$0x9010] =	vst v6;
	v6 =	vadd.f32 v9, v19;
	v9 =	vld [tilespmem:s30+$0x9080]  }
0xd2: {  	[tilespmem:s30+$0x9020] =	vst v8;
	v8 =	vadd.f32 v10, v20;
	v10 =	vld [tilespmem:s30+$0x9090]  }
.Ltmp7:
0xd3: {  	[tilespmem:s30+$0x9030] =	vst v6;
	v16 =	vadd.f32 v7, v16;
	v7 =	vld [tilespmem:s30+$0x90A0];
	(pc) =	sbr.rel @p1 .LBB2_8-.Ltmp7, $4  }
0xd4: {  	[tilespmem:s30+$0x9040] =	vst v8;
	v11 =	vadd.f32 v11, v17;
	v6 =	vld [tilespmem:s30+$0x90B0]  }
0xd5: {  	[tilespmem:s30+$0x9050] =	vst v16;
	v13 =	vadd.f32 v13, v12;
	v8 =	vld [tilespmem:s30+$0x90C0]  }
0xd6: {  	[tilespmem:s30+$0x9060] =	vst v11;
	v12 =	vadd.f32 v14, v9;
	v9 =	vld [tilespmem:s30+$0x90D0]  }
0xd7: {  	s31 =	sadd.s32 $0x400, s31;
	[tilespmem:s30+$0x9070] =	vst v13;
	v11 =	vadd.f32 v15, v10;
	v10 =	vld [tilespmem:s30+$0x90E0]  }
0xd8: {  	[tilespmem:s30+$0x9080] =	vst v12;
	v5 =	vadd.f32 v5, v7;
	v63 =	vld [tilespmem:s30+$0x90F0]  }
0xd9: {  	[tilespmem:s30+$0x9090] =	vst v11;
	v4 =	vadd.f32 v4, v6  }
0xda: {  	[tilespmem:s30+$0x90A0] =	vst v5;
	v3 =	vadd.f32 v3, v8  }
0xdb: {  	[tilespmem:s30+$0x90B0] =	vst v4;
	v2 =	vadd.f32 v2, v9  }
.Ltmp8:
0xdc: {  	s1 =	sadd.s32 s3, s29;
	[tilespmem:s30+$0x90C0] =	vst v3;
	v1 =	vadd.f32 v1, v10;
	(pc) =	sbr.rel .LBB2_10-.Ltmp8, $4  }
0xdd: {  	s1 =	sshll.u32 s1, $0xB;
	[tilespmem:s30+$0x90D0] =	vst v2;
	v0 =	vadd.f32 v0, v63  }
0xde: {  	s1 =	sand.u32 $0x1FFFF800, s1;
	[tilespmem:s30+$0x90E0] =	vst v1  }
0xdf: {  	s1 =	sadd.s32 s6, s1;
	[tilespmem:s30+$0x90F0] =	vst v0  }
0xe0: {  	[hbm4b:s1+s2] =	stream.linear.scatter [tilespmem:s16], [sflag:$0x6], $0x4000, $0x38;
	[tilespmem:$0x11000] =	vst v63  }
.LBB2_12:
0xe1: {  	_ =	sfence.sel $0x180000  }
0xe2: {  	[bflag:$0x0] =	sbarrier.arrive $0xFFFF  }
0xe3: {  	_ =	strace $0x9000004D  }
0xe4: {  	[bflag:$0x2] =	sbarrier.arrive $0xFFFF  }
0xe5: {  	p0 =	sne.s32 s0, $0x0;
	s0 =	rddreg [dreg:$0x1]  }
0xe6: {  	s0 =	sadd.s32 @!p0 $0x100000, s0  }
0xe7: {  	[sflag:s0] =	ssyncadd.tile.s32 @!p0 $0x1;
	_ =	shalt  }
.Lfunc_end2:
_tile_overlayer_lowered:
.L_overlay_start_2:
0xe8: {  	(tag) =	ssettag $0x2  }
0xe9: {  	s0 =	rddreg [dreg:$0x0];
	s2 =	stileid.u32  }
0xea: {  	s1 =	rddreg [dreg:$0x1];
	p0 =	sne.s32 s2, $0x0  }
0xeb: {  	s3 =	rddreg [dreg:$0x2];
	[bflag:$0x3] =	sbarrier.arrive $0xFFFF;
	s2 =	simm.s32 @!p0 $0x1C07  }
0xec: {  	[timem:s3], [sflag:s2] =	dma.local @!p0 [hbm:s0], s1  }
0xed: {  	s0 =	simm.s32 @!p0 $0x7  }
0xee: {  	_ =	swait.ge @!p0 [sflag:s0], s1  }
0xef: {  	s1 =	ssub.s32 @!p0 $0x0, s1;
	[sflag:s0] =	ssyncset.done @!p0 $0x0  }
0xf0: {  	[sflag:s0] =	ssyncadd.s32 @!p0 s1  }
0xf1: {  	[bflag:$0x3] =	sbarrier.arrive $0xFFFF  }
0xf2: {  	_ =	shalt  }

// kernel: kernel.21.cloned.1.call-start
scs
__scs_entry_jumppad:
0x0: {  	(pc) =	sbr.rel $0x88, $3  }
0x1: {  	(tag) =	ssettag $0x0;
	lr =	simm.s32 $0x1  }
0x2: {  	[smem:$0x3F99] =	sst lr;
	_ =	strace $0xD0000000  }
0x3: {  	_ = 	snop  }
0x4: {  	_ = 	snop  }
0x5: {  	_ = 	snop  }
0x6: {  	_ = 	snop  }
0x7: {  	_ = 	snop  }
__scs_overlays_trampoline_lowered:
0x8: {  	[smem:$0x3FA8] =	sst s0  }
0x9: {  	[smem:$0x3FA9] =	sst s1  }
0xa: {  	[smem:$0x3FAA] =	sst s2  }
0xb: {  	[smem:$0x3FAB] =	sst s3  }
0xc: {  	[smem:$0x3FAC] =	sst s4  }
0xd: {  	[smem:$0x3FAD] =	sst s5  }
0xe: {  	[smem:$0x3FAE] =	sst s6  }
0xf: {  	[smem:$0x3FAF] =	sst s7  }
0x10: {  	[smem:$0x3FB0] =	sst s8  }
0x11: {  	[smem:$0x3FB1] =	sst s9;
	s0 =	simm.s32 @!p0 $0x0  }
0x12: {  	s1 =	sld [smem:$0x3F97];
	s0 =	simm.s32 @p0 $0x1  }
0x13: {  	[smem:$0x3FB2] =	sst s0;
	s0 =	simm.s32 @!p1 $0x0  }
0x14: {  	s2 =	sld [smem:$0x3F96];
	s0 =	simm.s32 @p1 $0x1  }
0x15: {  	[smem:$0x3FB3] =	sst s0;
	s0 =	simm.s32 @!p2 $0x0  }
0x16: {  	s3 =	sld [smem:$0x3FDB];
	s0 =	simm.s32 @p2 $0x1  }
0x17: {  	s4 =	simm.s32 $0x1BF5;
	[smem:$0x3FB5] =	sst s0  }
0x18: {  	s0 =	sld [smem:$0x3F98];
	_ =	swait.ge [sflag:s4], $0x0  }
0x19: {  	s7 =	sld [smem:$0x3F99]  }
0x1a: {  	s8 =	sadd.s32 $0xFFFFE003, lr  }
0x1b: {  	s9 =	sadd.s32 $0xFFFFFEF7, lr;
	s5 =	simm.s32 $0xFFFFFFFF;
	p2 =	slt.u32 s8, $0xFFFFF086  }
0x1c: {  	p1 =	slt.u32 s9, $0xF7A;
	s5 =	simm.s32 @!p2 $0x0  }
0x1d: {  	s5 =	simm.s32 @p1 $0x1;
	p0 =	seq.s32 s7, s2  }
0x1e: {  	s7 =	smul.u32 @!p0 $0xF7A, s2;
	p2 =	seq.s32 @!p0 s5, $0x0  }
0x1f: {  	s9 =	smul.u32 $0xF7A, s1;
	s8 =	simm.s32 @!p0 $0x1BF5;
	p2 =	por !p2, p0  }
0x20: {  	[sflag:s8] =	ssyncset.s32 @!p0 $0xFFFFF086;
	s6 =	sadd.s32 @!p0 s3, s7;
	s7 =	simm.s32 @!p0 $0x108  }
0x21: {  	s3 =	sadd.s32 s3, s9;
	s6 =	sadd.s32 @!p0 $0x88, s6;
	s7 =	simm.s32 @p2 $0x1082  }
0x22: {  	[simem:s7], [sflag:s8] =	dma.local @!p0 [hbm:s6], $0xF7A  }
0x23: {  	s9 =	sor.u32 $0xD0000000, s2;
	s6 =	simm.s32 $0x108;
	_ =	swait.ge @!p0 [sflag:s8], $0x0  }
0x24: {  	s3 =	sadd.s32 $0x88, s3;
	s6 =	simm.s32 @!p1 $0x1082;
	[sflag:s4] =	ssyncset.s32 $0xFFFFF086  }
0x25: {  	[simem:s6], [sflag:s4] =	dma.local [hbm:s3], $0xF7A  }
0x26: {  	[smem:$0x3F99] =	sst s1;
	(tag) =	ssettag s2;
	_ =	strace s9  }
0x27: {  	s1 =	sld [smem:$0x3FA9]  }
0x28: {  	s2 =	sld [smem:$0x3FAA]  }
0x29: {  	s4 =	sld [smem:$0x3FAC]  }
0x2a: {  	p0 =	seq.s32 s5, $0x0;
	s5 =	sld [smem:$0x3FAD]  }
0x2b: {  	s6 =	sld [smem:$0x3FAE]  }
0x2c: {  	s7 =	sld [smem:$0x3FAF]  }
0x2d: {  	s3 =	simm.s32 $0x108;
	s8 =	sld [smem:$0x3FB0]  }
0x2e: {  	s3 =	simm.s32 @!p0 $0x1082;
	s9 =	sld [smem:$0x3FB1]  }
0x2f: {  	lr =	sadd.s32 s0, s3;
	s0 =	sld [smem:$0x3FA8]  }
0x30: {  	s3 =	sld [smem:$0x3FAB]  }
0x31: {  	[smem:$0x3FB4] =	sst s10  }
0x32: {  	s10 =	sld [smem:$0x3FB2];
	_ =	sdelay $0x3  }
0x33: {  	p0 =	seq.s32 s10, $0x1;
	s10 =	sld [smem:$0x3FB4];
	_ =	sdelay $0x3  }
0x34: {  	[smem:$0x3FB4] =	sst s10  }
0x35: {  	s10 =	sld [smem:$0x3FB3];
	_ =	sdelay $0x3  }
0x36: {  	p1 =	seq.s32 s10, $0x1;
	s10 =	sld [smem:$0x3FB4];
	_ =	sdelay $0x3  }
0x37: {  	[smem:$0x3FB4] =	sst s10  }
0x38: {  	s10 =	sld [smem:$0x3FB5]  }
0x39: {  	_ = 	snop;
	(pc) =	sbr.ind lr, $3  }
0x3a: {  	_ = 	snop  }
0x3b: {  	_ = 	snop  }
0x3c: {  	p2 =	seq.s32 s10, $0x1;
	s10 =	sld [smem:$0x3FB4]  }
0x3d: {  	_ =	shalt  }
0x3e: {  	_ =	shalt  }
0x3f: {  	_ =	shalt  }
0x40: {  	_ =	shalt  }
0x41: {  	_ =	shalt  }
0x42: {  	_ =	shalt  }
0x43: {  	_ =	shalt  }
0x44: {  	_ =	shalt  }
0x45: {  	_ =	shalt  }
0x46: {  	_ =	shalt  }
0x47: {  	_ =	shalt  }
0x48: {  	_ =	shalt  }
0x49: {  	_ =	shalt  }
0x4a: {  	_ =	shalt  }
0x4b: {  	_ =	shalt  }
0x4c: {  	_ =	shalt  }
0x4d: {  	_ =	shalt  }
0x4e: {  	_ =	shalt  }
0x4f: {  	_ =	shalt  }
0x50: {  	_ =	shalt  }
0x51: {  	_ =	shalt  }
0x52: {  	_ =	shalt  }
0x53: {  	_ =	shalt  }
0x54: {  	_ =	shalt  }
0x55: {  	_ =	shalt  }
0x56: {  	_ =	shalt  }
0x57: {  	_ =	shalt  }
0x58: {  	_ =	shalt  }
0x59: {  	_ =	shalt  }
0x5a: {  	_ =	shalt  }
0x5b: {  	_ =	shalt  }
0x5c: {  	_ =	shalt  }
0x5d: {  	_ =	shalt  }
0x5e: {  	_ =	shalt  }
0x5f: {  	_ =	shalt  }
0x60: {  	_ =	shalt  }
0x61: {  	_ =	shalt  }
0x62: {  	_ =	shalt  }
0x63: {  	_ =	shalt  }
0x64: {  	_ =	shalt  }
0x65: {  	_ =	shalt  }
0x66: {  	_ =	shalt  }
0x67: {  	_ =	shalt  }
0x68: {  	_ =	shalt  }
0x69: {  	_ =	shalt  }
0x6a: {  	_ =	shalt  }
0x6b: {  	_ =	shalt  }
0x6c: {  	_ =	shalt  }
0x6d: {  	_ =	shalt  }
0x6e: {  	_ =	shalt  }
0x6f: {  	_ =	shalt  }
0x70: {  	_ =	shalt  }
0x71: {  	_ =	shalt  }
0x72: {  	_ =	shalt  }
0x73: {  	_ =	shalt  }
0x74: {  	_ =	shalt  }
0x75: {  	_ =	shalt  }
0x76: {  	_ =	shalt  }
0x77: {  	_ =	shalt  }
0x78: {  	_ =	shalt  }
0x79: {  	_ =	shalt  }
0x7a: {  	_ =	shalt  }
0x7b: {  	_ =	shalt  }
0x7c: {  	_ =	shalt  }
0x7d: {  	_ =	shalt  }
0x7e: {  	_ =	shalt  }
0x7f: {  	_ =	shalt  }
0x80: {  	_ =	shalt  }
0x81: {  	_ =	shalt  }
0x82: {  	_ =	shalt  }
0x83: {  	_ =	shalt  }
0x84: {  	_ =	shalt  }
0x85: {  	_ =	shalt  }
0x86: {  	_ =	shalt  }
0x87: {  	_ =	shalt  }
.Lfunc_end0:
.L_simem_size_0:
called_computation.3_lowered:
.L_overlay_start_0:
0x88: {  	s2 =	sld [smem:$0x3FD9]  }
0x89: {  	s3 =	sld [smem:$0x3FFE];
	_ =	sdelay $0x1  }
0x8a: {  	s1 =	srdreg.scid  }
0x8b: {  	s0 =	sand.u32 $0x1, s1  }
0x8c: {  	s17 =	sshll.u32 s0, $0xA;
	s2 =	sadd.s32 s3, s2  }
0x8d: {  	s2 =	sadd.s32 s2, s17  }
0x8e: {  	[smem:$0x3FC0] =	sst s2  }
0x8f: {  	_ = 	snop  }
0x90: {  	(tm) =	ssettm $0x1  }
0x91: {  	s18 =	sld [smem:$0x3FFB];
	_ =	sdelay $0x3  }
0x92: {  	_ =	strace s18  }
0x93: {  	s2 =	sld [smem:$0x3FFC];
	_ =	sdelay $0x3  }
0x94: {  	_ =	strace s2  }
0x95: {  	s2 =	sld [smem:$0x3FFD];
	_ =	sdelay $0x3  }
0x96: {  	_ =	strace s2  }
0x97: {  	_ =	strace $0x8FFFFFFF  }
0x98: {  	s19 =	sld [smem:$0x3FDB];
	_ =	sdelay $0x1  }
0x99: {  	s20 =	simm.s32 $_scs_section_size  }
0x9a: {  	s4 =	simm.s32 $_size__tile_overlayer_lowered;
	s5 =	simm.s32 $_tile_overlayer_lowered  }
0x9b: {  	s6 =	simm.s32 $0x1BFF;
	s21 =	sshll.u32 s5, $0x1;
	s3 =	sadd.s32 s20, s19  }
0x9c: {  	s22 =	simm.s32 $0x0;
	s4 =	sshll.u32 s4, $0x1;
	s5 =	sadd.s32 s21, s3  }
0x9d: {  	[timem:s22], [sflag:s6] =	dma.local [hbm:s5], s4  }
0x9e: {  	_ =	swait.ge [sflag:s6], s4  }
0x9f: {  	s4 =	ssub.s32 $0x0, s4;
	[sflag:s6] =	ssyncset.done $0x0  }
0xa0: {  	[sflag:s6] =	ssyncadd.s32 s4;
	_ =	sdelay $0x1  }
0xa1: {  	s23 =	simm.s32 $0x1B8B  }
0xa2: {  	_ =	swait.ge [sflag:s23], $0x1  }
0xa3: {  	[sflag:s23] =	ssyncset.done $0x0  }
0xa4: {  	[sflag:s23] =	ssyncadd.s32 $0xFFFFFFFF  }
0xa5: {  	s4 =	sld [smem:$0x0]  }
0xa6: {  	s5 =	sand.u32 $0xFFFFFFFE, s1  }
0xa7: {  	p0 =	sne.s32 s1, s5  }
0xa8: {  	s5 =	sshll.u32 @p0 s5, $0xE  }
0xa9: {  	s5 =	sadd.s32 @p0 $0x11B8D, s5;
	s6 =	sshll.u32 @p0 s4, $0x11  }
0xaa: {  	s5 =	sor.u32 @p0 s6, s5  }
0xab: {  	[sflag:s5] =	ssyncadd.remote.s32 @p0 $0x1;
	_ =	sdelay $0x1  }
0xac: {  	s5 =	simm.s32 @p0 $0x1B8D  }
0xad: {  	_ =	swait.eq @p0 [sflag:s5], $0x1  }
0xae: {  	[sflag:s5] =	ssyncadd.s32 @p0 $0xFFFFFFFF  }
0xaf: {  	s6 =	sshll.u32 @!p0 s1, $0xE  }
0xb0: {  	s6 =	sor.u32 @!p0 $0x4000, s6;
	s5 =	simm.s32 @!p0 $0x1B8D  }
0xb1: {  	s4 =	sshll.u32 @!p0 s4, $0x11;
	s6 =	sadd.s32 @!p0 $0x11B8D, s6;
	_ =	swait.eq @!p0 [sflag:s5], $0x1  }
0xb2: {  	s4 =	sor.u32 @!p0 s4, s6;
	[sflag:s5] =	ssyncadd.s32 @!p0 $0xFFFFFFFF  }
0xb3: {  	s25 =	simm.s32 $0x1B8E;
	s24 =	sld [smem:$0x3FFE];
	[sflag:s4] =	ssyncadd.remote.s32 @!p0 $0x1  }
0xb4: {  	s26 =	simm.s32 $execute0_lowered;
	[smem:$0x3FD2] =	sst s25  }
0xb5: {  	s5 =	sshll.u32 s26, $0x1;
	_ =	strace $0x8000004F;
	[dreg:$0x1] =	wrdreg $0xFFFFFFFF  }
0xb6: {  	s28 =	simm.s32 $_size_execute0_lowered;
	s3 =	sadd.s32 s3, s5;
	[dreg:$0x0] =	wrdreg $0x0  }
0xb7: {  	s5 =	sshll.u32 s28, $0x1;
	[dreg:$0x2] =	wrdreg s3  }
0xb8: {  	[dreg:$0x3] =	wrdreg s5  }
0xb9: {  	[dreg:$0x4] =	wrdreg $0xC0  }
0xba: {  	_ =	task [dreg:s22], $0x5FFFF  }
0xbb: {  	[dreg:$0x1] =	wrdreg $0xFFFFFFFF  }
0xbc: {  	[dreg:$0x0] =	wrdreg $0x60  }
0xbd: {  	[dreg:$0x2] =	wrdreg s24  }
0xbe: {  	[dreg:$0x3] =	wrdreg $0xC  }
0xbf: {  	_ =	task.clear_ibuf [dreg:s22], $0x4FFFF;
	_ =	strace $0x9000004F  }
0xc0: {  	s29 =	simm.s32 $0xC;
	_ =	strace $0x80000051  }
0xc1: {  	_ =	swait.ge [sflag:s29], $0x1  }
0xc2: {  	[sflag:s29] =	ssyncadd.s32 $0xFFFFFFFF  }
0xc3: {  	_ =	strace $0x90000051  }
0xc4: {  	_ =	sfence  }
0xc5: {  	s30 =	sld [smem:$0x0];
	_ =	sdelay $0x2  }
0xc6: {  	s31 =	sshll.u32 s1, $0xD;
	s1 =	sshrl.u32 s1, $0x2  }
0xc7: {  	s4 =	sand.u32 $0x4000, s31;
	s1 =	sadd.s32 s1, s30  }
0xc8: {  	s0 =	sor.u32 s4, s0;
	s1 =	sshll.u32 s1, $0x11  }
0xc9: {  	s0 =	sor.u32 s1, s0  }
0xca: {  	s0 =	sadd.s32 $0x8F2B, s0  }
0xcb: {  	[sflag:s0] =	ssyncadd.remote.s32 $0x1  }
0xcc: {  	_ =	sfence.sel $0xFFFF  }
0xcd: {  	[dreg:$0x0] =	wrdreg $0xFFFFFFFF;
	(pc) =	sbr.abs _section_cstart, $3  }
0xce: {  	[dreg:$0x1] =	wrdreg $0xFFFFFFFF  }
0xcf: {  	_ =	task.clear_ibuf [dreg:s22], $0x2FFFF;
	_ =	strace $0x9FFFFFFF  }
0xd0: {  	(tm) =	ssettm $0x7FFFFFFF  }
0xd1: {  	_ =	shalt  }
tec
execute0_lowered:
.L_overlay_start_1:
0x0: {  	(tag) =	ssettag $0x1  }
0x1: {  	s1 =	srdreg.scid  }
0x2: {  	s0 =	stileid.u32;
	s6 =	rddreg [dreg:$0x0];
	s2 =	simm.s32 $0x0  }
0x3: {  	s11 =	simm.s32 $0x7;
	s12 =	simm.s32 $0x80;
	s13 =	simm.s32 $0x800  }
0x4: {  	s14 =	simm.s32 $0x4800;
	s15 =	simm.s32 $0x100;
	s16 =	simm.s32 $0x8800  }
0x5: {  	s17 =	simm.s32 $0x180;
	s18 =	simm.s32 $0xC800;
	s19 =	simm.s32 $0x1  }
0x6: {  	s20 =	simm.s32 $0x2;
	s21 =	simm.s32 $0x3;
	s22 =	simm.s32 $0x4  }
0x7: {  	s23 =	simm.s32 $0x5;
	s24 =	simm.s32 $0x6;
	s25 =	simm.s32 $0x0  }
0x8: {  	s7 =	sand.u32 $0x1, s1;
	s30 =	sshll.u32 s0, $0x1;
	[smem:$0x7FF] =	sst s2  }
0x9: {  	s5 =	sadd.s32 $0x30200, s6;
	p0 =	slt.u32 s0, $0xD;
	s3 =	sor.u32 s7, s30  }
0xa: {  	_ =	strace $0x80000050;
	s31 =	ssub.s32 $0x2, s7;
	s4 =	smul.u32 $0x7, s3  }
.Ltmp0:
0xb: {  	s7 =	simm.s32 $0x8;
	s3 =	smin.u32 s3, $0x1A;
	(pc) =	sbr.rel .LBB2_1-.Ltmp0, $4  }
0xc: {  	s10 =	sshrl.u32 s31, $0x1;
	s7 =	simm.s32 @!p0 $0x7;
	s3 =	sadd.s32 s3, s4  }
0xd: {  	p0 =	sgt.u32 s0, $0xC;
	s10 =	ssub.s32 s31, s10;
	s8 =	sshll.u32 s3, $0x5  }
0xe: {  	s4 =	sadd.s32 $0x9000, s6;
	s9 =	sadd.s32 s8, s6;
	s6 =	sadd.s32 $0x4C2400, s6  }
0xf: {  	s10 =	smax.u32 s10, $0x1;
	s8 =	sadd.s32 $0x4C0400, s9;
	s9 =	sadd.s32 $0x4C04E0, s9  }
.LBB2_11:
0x10: {  	s25 =	sadd.s32 $0x1, s25  }
0x11: {  	_ =	swait.ge [sflag:s23], $0x4000;
	p1 =	sne.s32 s25, s10  }
.Ltmp1:
0x12: {  	[sflag:s23] =	ssyncset.done $0x0;
	(pc) =	sbr.rel @!p1 .LBB2_12-.Ltmp1, $4  }
0x13: {  	[sflag:s23] =	ssyncadd.s32 $0xFFFFC000  }
0x14: {  	_ =	swait.ge [sflag:s24], $0x4000  }
0x15: {  	[sflag:s24] =	ssyncset.done $0x0  }
0x16: {  	[sflag:s24] =	ssyncadd.s32 $0xFFFFC000  }
.LBB2_1:
0x17: {  	[tilespmem:s2], [sflag:$0x7] =	stream.linear.gather [hbm4b:s8+s2], $0x700, $0x38;
	[tilespmem:$0x10800] =	vst v63  }
0x18: {  	_ =	swait.ge [sflag:s11], $0x700  }
0x19: {  	[sflag:s11] =	ssyncset.done $0x0  }
0x1a: {  	s26 =	simm.s32 @!p0 $0x0;
	s28 =	simm.s32 @!p0 $0x700;
	[sflag:s11] =	ssyncadd.s32 $0xFFFFF900  }
0x1b: {  	[tilespmem:s28], [sflag:$0x7] =	stream.linear.gather @!p0 [hbm4b:s9+s26], $0x100, $0x38;
	[tilespmem:$0x10800] =	vst v63  }
0x1c: {  	s26 =	simm.s32 @!p0 $0x7  }
0x1d: {  	_ =	swait.ge @!p0 [sflag:s26], $0x100  }
0x1e: {  	[sflag:s26] =	ssyncset.done @!p0 $0x0  }
0x1f: {  	[sflag:s26] =	ssyncadd.s32 @!p0 $0xFFFFFF00  }
0x20: {  	[tilespmem:s13], [sflag:$0x1] =	stream.indirect.gather [hbm4b:s4+s12], $0x80, s2, s12, $0xb8;
	[tilespmem:$0x10800] =	vst v63  }
0x21: {  	_ = 	snop  }
0x22: {  	[tilespmem:s14], [sflag:$0x2] =	stream.indirect.gather [hbm4b:s5+s12], $0x80, s12, s12, $0xb8;
	[tilespmem:$0x10800] =	vst v63  }
.Ltmp2:
0x23: {  	_ = 	snop;
	(pc) =	sbr.rel .LBB2_2-.Ltmp2, $4  }
0x24: {  	_ = 	snop  }
0x25: {  	[tilespmem:s16], [sflag:$0x3] =	stream.indirect.gather [hbm4b:s4+s12], $0x80, s15, s12, $0xb8;
	[tilespmem:$0x10800] =	vst v63  }
0x26: {  	s26 =	simm.s32 $0x0  }
0x27: {  	[tilespmem:s18], [sflag:$0x4] =	stream.indirect.gather [hbm4b:s5+s12], $0x80, s17, s12, $0xb8;
	[tilespmem:$0x10800] =	vst v63  }
.LBB2_10:
0x28: {  	s1 =	sadd.s32 $0x2, s28  }
0x29: {  	p1 =	sge.u32 s1, s7  }
0x2a: {  	s29 =	simm.s32 @!p1 $0x5  }
0x2b: {  	_ =	swait.ge @!p1 [sflag:s29], $0x4000  }
0x2c: {  	s1 =	sshll.u32 @!p1 s1, $0x8;
	s30 =	simm.s32 @!p1 $0x800;
	[sflag:s29] =	ssyncset.done @!p1 $0x0  }
0x2d: {  	s1 =	sand.u32 @!p1 $0x3FFFFF00, s1;
	[sflag:s29] =	ssyncadd.s32 @!p1 $0xFFFFC000;
	s29 =	simm.s32 @!p1 $0x80  }
0x2e: {  	[tilespmem:s30], [sflag:$0x1] =	stream.indirect.gather @!p1 [hbm4b:s4+s29], $0x80, s1, s29, $0xb8;
	[tilespmem:$0x10800] =	vst v63  }
0x2f: {  	s1 =	sor.u32 @!p1 $0x80, s1;
	s30 =	simm.s32 @!p1 $0x4800  }
0x30: {  	[tilespmem:s30], [sflag:$0x2] =	stream.indirect.gather @!p1 [hbm4b:s5+s29], $0x80, s1, s29, $0xb8;
	[tilespmem:$0x10800] =	vst v63  }
0x31: {  	s1 =	sadd.s32 $0x3, s28  }
0x32: {  	p1 =	sge.u32 s1, s7  }
0x33: {  	s28 =	simm.s32 @!p1 $0x6  }
0x34: {  	_ =	swait.ge @!p1 [sflag:s28], $0x4000  }
0x35: {  	s1 =	sshll.u32 @!p1 s1, $0x8;
	s29 =	simm.s32 @!p1 $0x8800;
	[sflag:s28] =	ssyncset.done @!p1 $0x0  }
0x36: {  	s1 =	sand.u32 @!p1 $0x3FFFFF00, s1;
	[sflag:s28] =	ssyncadd.s32 @!p1 $0xFFFFC000;
	s28 =	simm.s32 @!p1 $0x80  }
0x37: {  	[tilespmem:s29], [sflag:$0x3] =	stream.indirect.gather @!p1 [hbm4b:s4+s28], $0x80, s1, s28, $0xb8;
	[tilespmem:$0x10800] =	vst v63  }
0x38: {  	s26 =	sadd.s32 $0x1, s26;
	s1 =	sor.u32 @!p1 $0x80, s1;
	s29 =	simm.s32 @!p1 $0xC800  }
0x39: {  	[tilespmem:s29], [sflag:$0x4] =	stream.indirect.gather @!p1 [hbm4b:s5+s28], $0x80, s1, s28, $0xb8;
	[tilespmem:$0x10800] =	vst v63  }
0x3a: {  	p1 =	sne.s32 s26, $0x4  }
.Ltmp3:
0x3b: {  	_ = 	snop;
	(pc) =	sbr.rel @!p1 .LBB2_11-.Ltmp3, $1  }
0x3c: {  	_ =	sdelay $0x3  }
.LBB2_2:
0x3d: {  	s28 =	sshll.u32 s26, $0x1  }
0x3e: {  	p1 =	sge.u32 s28, s7  }
.Ltmp4:
0x3f: {  	_ = 	snop;
	(pc) =	sbr.rel @p1 .LBB2_6-.Ltmp4, $1  }
0x40: {  	_ =	sdelay $0x3  }
0x41: {  	_ =	swait.ge [sflag:s19], $0x4000  }
0x42: {  	[sflag:s19] =	ssyncset.done $0x0  }
0x43: {  	[sflag:s19] =	ssyncadd.s32 $0xFFFFC000  }
0x44: {  	_ =	swait.ge [sflag:s20], $0x4000  }
0x45: {  	[sflag:s20] =	ssyncset.done $0x0  }
0x46: {  	s29 =	simm.s32 $0x0;
	[sflag:s20] =	ssyncadd.s32 $0xFFFFC000  }
0x47: {  	v6 =	vld [tilespmem:s29+$0x4800]  }
0x48: {  	v7 =	vld [tilespmem:s29+$0x4810]  }
0x49: {  	v8 =	vld [tilespmem:s29+$0x4820]  }
0x4a: {  	v9 =	vld [tilespmem:s29+$0x4830]  }
0x4b: {  	v10 =	vld [tilespmem:s29+$0x4840]  }
0x4c: {  	v11 =	vld [tilespmem:s29+$0x4850]  }
0x4d: {  	v12 =	vld [tilespmem:s29+$0x4860]  }
0x4e: {  	v13 =	vld [tilespmem:s29+$0x4870]  }
0x4f: {  	v14 =	vld [tilespmem:s29+$0x4880]  }
0x50: {  	v15 =	vld [tilespmem:s29+$0x4890]  }
0x51: {  	v5 =	vld [tilespmem:s29+$0x48A0]  }
0x52: {  	v4 =	vld [tilespmem:s29+$0x48B0]  }
0x53: {  	v3 =	vld [tilespmem:s29+$0x48C0]  }
0x54: {  	v2 =	vld [tilespmem:s29+$0x48D0]  }
0x55: {  	v1 =	vld [tilespmem:s29+$0x48E0]  }
0x56: {  	v0 =	vld [tilespmem:s29+$0x48F0]  }
0x57: {  	v16 =	vld [tilespmem:s29+$0x800]  }
0x58: {  	v17 =	vld [tilespmem:s29+$0x810]  }
0x59: {  	v18 =	vld [tilespmem:s29+$0x820]  }
0x5a: {  	v19 =	vld [tilespmem:s29+$0x830]  }
0x5b: {  	v20 =	vld [tilespmem:s29+$0x840]  }
0x5c: {  	v60 =	vld [tilespmem:s29+$0x850];
	v6 =	vadd.f32 v6, v16  }
0x5d: {  	v21 =	vld [tilespmem:s29+$0x860];
	v7 =	vadd.f32 v7, v17  }
0x5e: {  	v61 =	vld [tilespmem:s29+$0x870];
	[tilespmem:s29+$0x800] =	vst v6;
	v6 =	vadd.f32 v8, v18  }
0x5f: {  	v62 =	vld [tilespmem:s29+$0x880];
	[tilespmem:s29+$0x810] =	vst v7;
	v7 =	vadd.f32 v9, v19  }
0x60: {  	v63 =	vld [tilespmem:s29+$0x890];
	[tilespmem:s29+$0x820] =	vst v6;
	v6 =	vadd.f32 v10, v20  }
0x61: {  	v8 =	vadd.f32 v11, v60;
	[tilespmem:s29+$0x830] =	vst v7;
	v7 =	vld [tilespmem:s29+$0x8A0]  }
0x62: {  	v9 =	vadd.f32 v12, v21;
	[tilespmem:s29+$0x840] =	vst v6;
	v6 =	vld [tilespmem:s29+$0x8B0]  }
0x63: {  	[tilespmem:s29+$0x850] =	vst v8;
	v8 =	vld [tilespmem:s29+$0x8C0];
	v10 =	vadd.f32 v13, v61  }
0x64: {  	v12 =	vadd.f32 v14, v62;
	[tilespmem:s29+$0x860] =	vst v9;
	v9 =	vld [tilespmem:s29+$0x8D0]  }
0x65: {  	s30 =	simm.s32 $0x400;
	v11 =	vadd.f32 v15, v63;
	[tilespmem:s29+$0x870] =	vst v10;
	v10 =	vld [tilespmem:s29+$0x8E0]  }
.LBB2_4:
0x66: {  	s31 =	sshra.s32 s30, $0x2;
	p1 =	sne.s32 s30, $0xFC00;
	[tilespmem:s29+$0x880] =	vst v12;
	v5 =	vadd.f32 v5, v7;
	v7 =	vld [tilespmem:s29+$0x8F0]  }
0x67: {  	v12 =	vld [tilespmem:s31+$0x4800];
	[tilespmem:s29+$0x890] =	vst v11;
	v4 =	vadd.f32 v4, v6  }
0x68: {  	v6 =	vld [tilespmem:s31+$0x4810];
	[tilespmem:s29+$0x8A0] =	vst v5;
	v3 =	vadd.f32 v3, v8  }
0x69: {  	v8 =	vld [tilespmem:s31+$0x4820];
	[tilespmem:s29+$0x8B0] =	vst v4;
	v2 =	vadd.f32 v2, v9  }
0x6a: {  	v9 =	vld [tilespmem:s31+$0x4830];
	[tilespmem:s29+$0x8C0] =	vst v3;
	v1 =	vadd.f32 v1, v10  }
0x6b: {  	v10 =	vld [tilespmem:s31+$0x4840];
	[tilespmem:s29+$0x8D0] =	vst v2;
	v0 =	vadd.f32 v0, v7  }
0x6c: {  	v7 =	vld [tilespmem:s31+$0x4850];
	[tilespmem:s29+$0x8E0] =	vst v1  }
0x6d: {  	v11 =	vld [tilespmem:s31+$0x4860];
	[tilespmem:s29+$0x8F0] =	vst v0;
	s29 =	smov.u32 s31  }
0x6e: {  	v13 =	vld [tilespmem:s29+$0x4870]  }
0x6f: {  	v14 =	vld [tilespmem:s29+$0x4880]  }
0x70: {  	v15 =	vld [tilespmem:s29+$0x4890]  }
0x71: {  	v5 =	vld [tilespmem:s29+$0x48A0]  }
0x72: {  	v4 =	vld [tilespmem:s29+$0x48B0]  }
0x73: {  	v3 =	vld [tilespmem:s29+$0x48C0]  }
0x74: {  	v2 =	vld [tilespmem:s29+$0x48D0]  }
0x75: {  	v1 =	vld [tilespmem:s29+$0x48E0]  }
0x76: {  	v0 =	vld [tilespmem:s29+$0x48F0]  }
0x77: {  	v16 =	vld [tilespmem:s29+$0x800]  }
0x78: {  	v17 =	vld [tilespmem:s29+$0x810]  }
0x79: {  	v18 =	vld [tilespmem:s29+$0x820]  }
0x7a: {  	v19 =	vld [tilespmem:s29+$0x830]  }
0x7b: {  	v20 =	vld [tilespmem:s29+$0x840]  }
0x7c: {  	v12 =	vadd.f32 v12, v16;
	v16 =	vld [tilespmem:s29+$0x850]  }
0x7d: {  	v6 =	vadd.f32 v6, v17;
	v17 =	vld [tilespmem:s29+$0x860]  }
0x7e: {  	[tilespmem:s29+$0x800] =	vst v12;
	v8 =	vadd.f32 v8, v18;
	v12 =	vld [tilespmem:s29+$0x870]  }
0x7f: {  	[tilespmem:s29+$0x810] =	vst v6;
	v6 =	vadd.f32 v9, v19;
	v9 =	vld [tilespmem:s29+$0x880]  }
0x80: {  	[tilespmem:s29+$0x820] =	vst v8;
	v8 =	vadd.f32 v10, v20;
	v10 =	vld [tilespmem:s29+$0x890]  }
.Ltmp5:
0x81: {  	[tilespmem:s29+$0x830] =	vst v6;
	v16 =	vadd.f32 v7, v16;
	v7 =	vld [tilespmem:s29+$0x8A0];
	(pc) =	sbr.rel @p1 .LBB2_4-.Ltmp5, $4  }
0x82: {  	[tilespmem:s29+$0x840] =	vst v8;
	v11 =	vadd.f32 v11, v17;
	v6 =	vld [tilespmem:s29+$0x8B0]  }
0x83: {  	[tilespmem:s29+$0x850] =	vst v16;
	v13 =	vadd.f32 v13, v12;
	v8 =	vld [tilespmem:s29+$0x8C0]  }
0x84: {  	[tilespmem:s29+$0x860] =	vst v11;
	v12 =	vadd.f32 v14, v9;
	v9 =	vld [tilespmem:s29+$0x8D0]  }
0x85: {  	s30 =	sadd.s32 $0x400, s30;
	[tilespmem:s29+$0x870] =	vst v13;
	v11 =	vadd.f32 v15, v10;
	v10 =	vld [tilespmem:s29+$0x8E0]  }
0x86: {  	[tilespmem:s29+$0x880] =	vst v12;
	v5 =	vadd.f32 v5, v7;
	v63 =	vld [tilespmem:s29+$0x8F0]  }
0x87: {  	[tilespmem:s29+$0x890] =	vst v11;
	v4 =	vadd.f32 v4, v6  }
0x88: {  	[tilespmem:s29+$0x8A0] =	vst v5;
	v3 =	vadd.f32 v3, v8  }
0x89: {  	[tilespmem:s29+$0x8B0] =	vst v4;
	v2 =	vadd.f32 v2, v9  }
0x8a: {  	s30 =	sadd.s32 s3, s28;
	[tilespmem:s29+$0x8C0] =	vst v3;
	v1 =	vadd.f32 v1, v10  }
0x8b: {  	s30 =	sshll.u32 s30, $0xB;
	[tilespmem:s29+$0x8D0] =	vst v2;
	v0 =	vadd.f32 v0, v63  }
0x8c: {  	s30 =	sand.u32 $0x1FFFF800, s30;
	[tilespmem:s29+$0x8E0] =	vst v1  }
0x8d: {  	s31 =	sadd.s32 s6, s30;
	[tilespmem:s29+$0x8F0] =	vst v0  }
0x8e: {  	[hbm4b:s31+s2] =	stream.linear.scatter [tilespmem:s13], [sflag:$0x5], $0x4000, $0x38;
	[tilespmem:$0x10800] =	vst v63  }
.LBB2_6:
0x8f: {  	s29 =	sor.u32 $0x1, s28  }
0x90: {  	p1 =	sge.u32 s29, s7  }
.Ltmp6:
0x91: {  	_ = 	snop;
	(pc) =	sbr.rel @p1 .LBB2_10-.Ltmp6, $1  }
0x92: {  	_ =	sdelay $0x3  }
0x93: {  	_ =	swait.ge [sflag:s21], $0x4000  }
0x94: {  	[sflag:s21] =	ssyncset.done $0x0  }
0x95: {  	[sflag:s21] =	ssyncadd.s32 $0xFFFFC000  }
0x96: {  	_ =	swait.ge [sflag:s22], $0x4000  }
0x97: {  	[sflag:s22] =	ssyncset.done $0x0  }
0x98: {  	s30 =	simm.s32 $0x0;
	[sflag:s22] =	ssyncadd.s32 $0xFFFFC000  }
0x99: {  	v6 =	vld [tilespmem:s30+$0xC800]  }
0x9a: {  	v7 =	vld [tilespmem:s30+$0xC810]  }
0x9b: {  	v8 =	vld [tilespmem:s30+$0xC820]  }
0x9c: {  	v9 =	vld [tilespmem:s30+$0xC830]  }
0x9d: {  	v10 =	vld [tilespmem:s30+$0xC840]  }
0x9e: {  	v11 =	vld [tilespmem:s30+$0xC850]  }
0x9f: {  	v12 =	vld [tilespmem:s30+$0xC860]  }
0xa0: {  	v13 =	vld [tilespmem:s30+$0xC870]  }
0xa1: {  	v14 =	vld [tilespmem:s30+$0xC880]  }
0xa2: {  	v15 =	vld [tilespmem:s30+$0xC890]  }
0xa3: {  	v5 =	vld [tilespmem:s30+$0xC8A0]  }
0xa4: {  	v4 =	vld [tilespmem:s30+$0xC8B0]  }
0xa5: {  	v3 =	vld [tilespmem:s30+$0xC8C0]  }
0xa6: {  	v2 =	vld [tilespmem:s30+$0xC8D0]  }
0xa7: {  	v1 =	vld [tilespmem:s30+$0xC8E0]  }
0xa8: {  	v0 =	vld [tilespmem:s30+$0xC8F0]  }
0xa9: {  	v16 =	vld [tilespmem:s30+$0x8800]  }
0xaa: {  	v17 =	vld [tilespmem:s30+$0x8810]  }
0xab: {  	v18 =	vld [tilespmem:s30+$0x8820]  }
0xac: {  	v19 =	vld [tilespmem:s30+$0x8830]  }
0xad: {  	v20 =	vld [tilespmem:s30+$0x8840]  }
0xae: {  	v60 =	vld [tilespmem:s30+$0x8850];
	v6 =	vadd.f32 v6, v16  }
0xaf: {  	v21 =	vld [tilespmem:s30+$0x8860];
	v7 =	vadd.f32 v7, v17  }
0xb0: {  	v61 =	vld [tilespmem:s30+$0x8870];
	[tilespmem:s30+$0x8800] =	vst v6;
	v6 =	vadd.f32 v8, v18  }
0xb1: {  	v62 =	vld [tilespmem:s30+$0x8880];
	[tilespmem:s30+$0x8810] =	vst v7;
	v7 =	vadd.f32 v9, v19  }
0xb2: {  	v63 =	vld [tilespmem:s30+$0x8890];
	[tilespmem:s30+$0x8820] =	vst v6;
	v6 =	vadd.f32 v10, v20  }
0xb3: {  	v8 =	vadd.f32 v11, v60;
	[tilespmem:s30+$0x8830] =	vst v7;
	v7 =	vld [tilespmem:s30+$0x88A0]  }
0xb4: {  	v9 =	vadd.f32 v12, v21;
	[tilespmem:s30+$0x8840] =	vst v6;
	v6 =	vld [tilespmem:s30+$0x88B0]  }
0xb5: {  	[tilespmem:s30+$0x8850] =	vst v8;
	v8 =	vld [tilespmem:s30+$0x88C0];
	v10 =	vadd.f32 v13, v61  }
0xb6: {  	v12 =	vadd.f32 v14, v62;
	[tilespmem:s30+$0x8860] =	vst v9;
	v9 =	vld [tilespmem:s30+$0x88D0]  }
0xb7: {  	s31 =	simm.s32 $0x400;
	v11 =	vadd.f32 v15, v63;
	[tilespmem:s30+$0x8870] =	vst v10;
	v10 =	vld [tilespmem:s30+$0x88E0]  }
.LBB2_8:
0xb8: {  	s1 =	sshra.s32 s31, $0x2;
	p1 =	sne.s32 s31, $0xFC00;
	[tilespmem:s30+$0x8880] =	vst v12;
	v5 =	vadd.f32 v5, v7;
	v7 =	vld [tilespmem:s30+$0x88F0]  }
0xb9: {  	v12 =	vld [tilespmem:s1+$0xC800];
	[tilespmem:s30+$0x8890] =	vst v11;
	v4 =	vadd.f32 v4, v6  }
0xba: {  	v6 =	vld [tilespmem:s1+$0xC810];
	[tilespmem:s30+$0x88A0] =	vst v5;
	v3 =	vadd.f32 v3, v8  }
0xbb: {  	v8 =	vld [tilespmem:s1+$0xC820];
	[tilespmem:s30+$0x88B0] =	vst v4;
	v2 =	vadd.f32 v2, v9  }
0xbc: {  	v9 =	vld [tilespmem:s1+$0xC830];
	[tilespmem:s30+$0x88C0] =	vst v3;
	v1 =	vadd.f32 v1, v10  }
0xbd: {  	v10 =	vld [tilespmem:s1+$0xC840];
	[tilespmem:s30+$0x88D0] =	vst v2;
	v0 =	vadd.f32 v0, v7  }
0xbe: {  	v7 =	vld [tilespmem:s1+$0xC850];
	[tilespmem:s30+$0x88E0] =	vst v1  }
0xbf: {  	v11 =	vld [tilespmem:s1+$0xC860];
	[tilespmem:s30+$0x88F0] =	vst v0;
	s30 =	smov.u32 s1  }
0xc0: {  	v13 =	vld [tilespmem:s30+$0xC870]  }
0xc1: {  	v14 =	vld [tilespmem:s30+$0xC880]  }
0xc2: {  	v15 =	vld [tilespmem:s30+$0xC890]  }
0xc3: {  	v5 =	vld [tilespmem:s30+$0xC8A0]  }
0xc4: {  	v4 =	vld [tilespmem:s30+$0xC8B0]  }
0xc5: {  	v3 =	vld [tilespmem:s30+$0xC8C0]  }
0xc6: {  	v2 =	vld [tilespmem:s30+$0xC8D0]  }
0xc7: {  	v1 =	vld [tilespmem:s30+$0xC8E0]  }
0xc8: {  	v0 =	vld [tilespmem:s30+$0xC8F0]  }
0xc9: {  	v16 =	vld [tilespmem:s30+$0x8800]  }
0xca: {  	v17 =	vld [tilespmem:s30+$0x8810]  }
0xcb: {  	v18 =	vld [tilespmem:s30+$0x8820]  }
0xcc: {  	v19 =	vld [tilespmem:s30+$0x8830]  }
0xcd: {  	v20 =	vld [tilespmem:s30+$0x8840]  }
0xce: {  	v12 =	vadd.f32 v12, v16;
	v16 =	vld [tilespmem:s30+$0x8850]  }
0xcf: {  	v6 =	vadd.f32 v6, v17;
	v17 =	vld [tilespmem:s30+$0x8860]  }
0xd0: {  	[tilespmem:s30+$0x8800] =	vst v12;
	v8 =	vadd.f32 v8, v18;
	v12 =	vld [tilespmem:s30+$0x8870]  }
0xd1: {  	[tilespmem:s30+$0x8810] =	vst v6;
	v6 =	vadd.f32 v9, v19;
	v9 =	vld [tilespmem:s30+$0x8880]  }
0xd2: {  	[tilespmem:s30+$0x8820] =	vst v8;
	v8 =	vadd.f32 v10, v20;
	v10 =	vld [tilespmem:s30+$0x8890]  }
.Ltmp7:
0xd3: {  	[tilespmem:s30+$0x8830] =	vst v6;
	v16 =	vadd.f32 v7, v16;
	v7 =	vld [tilespmem:s30+$0x88A0];
	(pc) =	sbr.rel @p1 .LBB2_8-.Ltmp7, $4  }
0xd4: {  	[tilespmem:s30+$0x8840] =	vst v8;
	v11 =	vadd.f32 v11, v17;
	v6 =	vld [tilespmem:s30+$0x88B0]  }
0xd5: {  	[tilespmem:s30+$0x8850] =	vst v16;
	v13 =	vadd.f32 v13, v12;
	v8 =	vld [tilespmem:s30+$0x88C0]  }
0xd6: {  	[tilespmem:s30+$0x8860] =	vst v11;
	v12 =	vadd.f32 v14, v9;
	v9 =	vld [tilespmem:s30+$0x88D0]  }
0xd7: {  	s31 =	sadd.s32 $0x400, s31;
	[tilespmem:s30+$0x8870] =	vst v13;
	v11 =	vadd.f32 v15, v10;
	v10 =	vld [tilespmem:s30+$0x88E0]  }
0xd8: {  	[tilespmem:s30+$0x8880] =	vst v12;
	v5 =	vadd.f32 v5, v7;
	v63 =	vld [tilespmem:s30+$0x88F0]  }
0xd9: {  	[tilespmem:s30+$0x8890] =	vst v11;
	v4 =	vadd.f32 v4, v6  }
0xda: {  	[tilespmem:s30+$0x88A0] =	vst v5;
	v3 =	vadd.f32 v3, v8  }
0xdb: {  	[tilespmem:s30+$0x88B0] =	vst v4;
	v2 =	vadd.f32 v2, v9  }
.Ltmp8:
0xdc: {  	s1 =	sadd.s32 s3, s29;
	[tilespmem:s30+$0x88C0] =	vst v3;
	v1 =	vadd.f32 v1, v10;
	(pc) =	sbr.rel .LBB2_10-.Ltmp8, $4  }
0xdd: {  	s1 =	sshll.u32 s1, $0xB;
	[tilespmem:s30+$0x88D0] =	vst v2;
	v0 =	vadd.f32 v0, v63  }
0xde: {  	s1 =	sand.u32 $0x1FFFF800, s1;
	[tilespmem:s30+$0x88E0] =	vst v1  }
0xdf: {  	s1 =	sadd.s32 s6, s1;
	[tilespmem:s30+$0x88F0] =	vst v0  }
0xe0: {  	[hbm4b:s1+s2] =	stream.linear.scatter [tilespmem:s16], [sflag:$0x6], $0x4000, $0x38;
	[tilespmem:$0x10800] =	vst v63  }
.LBB2_12:
0xe1: {  	_ =	sfence.sel $0x180000  }
0xe2: {  	[bflag:$0x0] =	sbarrier.arrive $0xFFFF  }
0xe3: {  	_ =	strace $0x90000050  }
0xe4: {  	[bflag:$0x2] =	sbarrier.arrive $0xFFFF  }
0xe5: {  	p0 =	sne.s32 s0, $0x0;
	s0 =	rddreg [dreg:$0x1]  }
0xe6: {  	s0 =	sadd.s32 @!p0 $0x100000, s0  }
0xe7: {  	[sflag:s0] =	ssyncadd.tile.s32 @!p0 $0x1;
	_ =	shalt  }
.Lfunc_end2:
_tile_overlayer_lowered:
.L_overlay_start_2:
0xe8: {  	(tag) =	ssettag $0x2  }
0xe9: {  	s0 =	rddreg [dreg:$0x0];
	s2 =	stileid.u32  }
0xea: {  	s1 =	rddreg [dreg:$0x1];
	p0 =	sne.s32 s2, $0x0  }
0xeb: {  	s3 =	rddreg [dreg:$0x2];
	[bflag:$0x3] =	sbarrier.arrive $0xFFFF;
	s2 =	simm.s32 @!p0 $0x1C07  }
0xec: {  	[timem:s3], [sflag:s2] =	dma.local @!p0 [hbm:s0], s1  }
0xed: {  	s0 =	simm.s32 @!p0 $0x7  }
0xee: {  	_ =	swait.ge @!p0 [sflag:s0], s1  }
0xef: {  	s1 =	ssub.s32 @!p0 $0x0, s1;
	[sflag:s0] =	ssyncset.done @!p0 $0x0  }
0xf0: {  	[sflag:s0] =	ssyncadd.s32 @!p0 s1  }
0xf1: {  	[bflag:$0x3] =	sbarrier.arrive $0xFFFF  }
0xf2: {  	_ =	shalt  }

</sc_bundles>
